<compile_context>
chip_gen: v7x
topology: tpu7x:2x2x1
jax: 0.10.2.dev20260603
libtpu: 0.0.44.dev20260713+nightly
codegen_flags: <defaults>
</compile_context>

<pallas_src>
import functools

import jax
import jax.numpy as jnp
from jax import lax
from jax.experimental import pallas as pl
from jax.experimental.pallas import tpu as pltpu
from jax.experimental.pallas import tpu_sc as plsc

N = 10000
E = 320000
D_IN, D_H, D_OUT = 128, 64, 16

NC, NS = 2, 16
NW = NC * NS
CHUNK = 128
KCH = 8
EPW = 10240
E_PAD = NW * EPW
GROUPS = EPW // (CHUNK * KCH)
EROWS_PW = EPW // CHUNK
ROWS_PAD = 10240
R_INIT = 624
R_TAIL = N - NS * R_INIT
R_OUT = ROWS_PAD // NS
RB = 1000


def _sc_mesh():
    return plsc.VectorSubcoreMesh(core_axis_name="c", subcore_axis_name="s")


DW = 16

@functools.partial(
    pl.kernel,
    out_type=jax.ShapeDtypeStruct((NC, ROWS_PAD, DW), jnp.float32),
    mesh=_sc_mesh(),
    scratch_types=[
        pltpu.VMEM((EROWS_PW, CHUNK), jnp.int32),
        pltpu.VMEM((CHUNK, DW), jnp.float32),
        pltpu.VMEM_SHARED((ROWS_PAD, DW), jnp.float32),
        pltpu.SemaphoreType.DMA,
    ],
    compiler_params=pltpu.CompilerParams(use_tc_tiling_on_sc=False),
)
def _deg_sc(zero_hbm, ones_hbm, sd_hbm, out_hbm, didx, ones_v, acc, ssem):
    cid = lax.axis_index("c")
    sid = lax.axis_index("s")
    wid = sid * NC + cid
    pltpu.sync_copy(zero_hbm.at[pl.ds(sid * R_OUT, R_OUT)],
                    acc.at[pl.ds(sid * R_OUT, R_OUT)])
    pltpu.sync_copy(ones_hbm, ones_v)
    plsc.subcore_barrier()

    pltpu.sync_copy(sd_hbm.at[1, pl.ds(wid * EROWS_PW, EROWS_PW)], didx)

    def fire(g):
        for k in range(KCH):
            pltpu.async_copy(ones_v, acc.at[didx.at[g * KCH + k]], ssem,
                             add=True)

    def drain(g):
        for k in range(KCH):
            pltpu.make_async_copy(ones_v, acc.at[didx.at[g * KCH + k]],
                                  ssem).wait()

    fire(0)

    def group(g, carry):
        fire(g)
        drain(g - 1)
        return carry

    lax.fori_loop(1, GROUPS, group, 0)
    drain(GROUPS - 1)
    plsc.subcore_barrier()
    pltpu.sync_copy(acc.at[pl.ds(sid * R_OUT, R_OUT)],
                    out_hbm.at[cid, pl.ds(sid * R_OUT, R_OUT)])


def _make_agg(d, kch, dt):
    groups = EROWS_PW // kch

    @functools.partial(
        pl.kernel,
        out_type=jax.ShapeDtypeStruct((NC, ROWS_PAD, d), dt),
        mesh=_sc_mesh(),
        scratch_types=[
            pltpu.VMEM((EROWS_PW, CHUNK), jnp.int32),
            pltpu.VMEM((EROWS_PW, CHUNK), jnp.int32),
            pltpu.VMEM((2, kch, CHUNK, d), dt),
            pltpu.VMEM_SHARED((ROWS_PAD, d), dt),
            pltpu.SemaphoreType.DMA,
            pltpu.SemaphoreType.DMA,
        ],
        compiler_params=pltpu.CompilerParams(use_tc_tiling_on_sc=False),
    )
    def agg(y_hbm, zeros_hbm, sd_hbm, out_hbm,
            sidx, didx, rows, acc, gsem, ssem):
        cid = lax.axis_index("c")
        sid = lax.axis_index("s")
        wid = sid * NC + cid

        @pl.when(cid == 0)
        def _():
            pltpu.sync_copy(y_hbm.at[pl.ds(sid * R_INIT, R_INIT)],
                            acc.at[pl.ds(sid * R_INIT, R_INIT)])

            @pl.when(sid == NS - 1)
            def _():
                pltpu.sync_copy(y_hbm.at[pl.ds(NS * R_INIT, R_TAIL)],
                                acc.at[pl.ds(NS * R_INIT, R_TAIL)])

        @pl.when(cid != 0)
        def _():
            pltpu.sync_copy(zeros_hbm.at[pl.ds(sid * R_INIT, R_INIT)],
                            acc.at[pl.ds(sid * R_INIT, R_INIT)])

            @pl.when(sid == NS - 1)
            def _():
                pltpu.sync_copy(zeros_hbm.at[pl.ds(NS * R_INIT, R_TAIL)],
                                acc.at[pl.ds(NS * R_INIT, R_TAIL)])

        row_base = wid * EROWS_PW
        pltpu.sync_copy(sd_hbm.at[0, pl.ds(row_base, EROWS_PW)], sidx)
        pltpu.sync_copy(sd_hbm.at[1, pl.ds(row_base, EROWS_PW)], didx)
        plsc.subcore_barrier()

        def fire_g(g, buf):
            for k in range(kch):
                pltpu.async_copy(y_hbm.at[sidx.at[g * kch + k]],
                                 rows.at[buf, k], gsem)

        def wait_g(g, buf):
            for k in range(kch):
                pltpu.make_async_copy(y_hbm.at[sidx.at[g * kch + k]],
                                      rows.at[buf, k], gsem).wait()

        def fire_s(g, buf):
            for k in range(kch):
                pltpu.async_copy(rows.at[buf, k], acc.at[didx.at[g * kch + k]],
                                 ssem, add=True)

        def wait_s(g, buf):
            for k in range(kch):
                pltpu.make_async_copy(rows.at[buf, k],
                                      acc.at[didx.at[g * kch + k]],
                                      ssem).wait()

        fire_g(0, 0)
        fire_g(1, 1)
        wait_g(0, 0)
        fire_s(0, 0)

        def group(g, carry):
            bc = g % 2
            bp = (g - 1) % 2
            wait_s(g - 2, bc)
            fire_g(g, bc)
            wait_g(g - 1, bp)
            fire_s(g - 1, bp)
            return carry

        lax.fori_loop(2, groups, group, 0)
        wait_g(groups - 1, (groups - 1) % 2)
        wait_s(groups - 2, (groups - 2) % 2)
        fire_s(groups - 1, (groups - 1) % 2)
        wait_s(groups - 1, (groups - 1) % 2)
        plsc.subcore_barrier()
        pltpu.sync_copy(acc.at[pl.ds(sid * R_OUT, R_OUT)],
                        out_hbm.at[cid, pl.ds(sid * R_OUT, R_OUT)])

    return agg


_agg64 = _make_agg(D_H, 8, jnp.bfloat16)
_agg16 = _make_agg(D_OUT, 8, jnp.bfloat16)



def _prep(ei3):
    BR = 256
    nreal = E // CHUNK

    def body(e_ref, o_ref):
        i = pl.program_id(0)
        blk = e_ref[...]
        gr = lax.broadcasted_iota(jnp.int32, (BR, CHUNK), 0) + i * BR
        m = gr < nreal
        o_ref[0] = jnp.where(m, blk[0], 0)
        o_ref[1] = jnp.where(m, blk[1], N)

    return pl.pallas_call(
        body,
        grid=(E_PAD // CHUNK // BR,),
        in_specs=[pl.BlockSpec((2, BR, CHUNK), lambda i: (0, i, 0))],
        out_specs=pl.BlockSpec((2, BR, CHUNK), lambda i: (0, i, 0)),
        out_shape=jax.ShapeDtypeStruct((2, E_PAD // CHUNK, CHUNK), jnp.int32),
    )(ei3)


def _tc1a(x, W1):
    def body(x_ref, w_ref, xw_ref):
        xw_ref[...] = jnp.dot(x_ref[...], w_ref[...],
                              preferred_element_type=jnp.float32)

    return pl.pallas_call(
        body,
        grid=(N // RB,),
        in_specs=[
            pl.BlockSpec((RB, D_IN), lambda i: (i, 0)),
            pl.BlockSpec((D_IN, D_H), lambda i: (0, 0)),
        ],
        out_specs=pl.BlockSpec((RB, D_H), lambda i: (i, 0)),
        out_shape=jax.ShapeDtypeStruct((N, D_H), jnp.float32),
    )(x, W1)


def _tc1b(xw, degp):
    def body(xw_ref, deg_ref, y_ref, dinv_ref):
        deg = deg_ref[0, :, 0:1] + deg_ref[1, :, 0:1] + 1.0
        dinv = lax.rsqrt(deg)
        y_ref[...] = (xw_ref[...] * dinv).astype(jnp.bfloat16)
        dinv_ref[...] = dinv

    return pl.pallas_call(
        body,
        grid=(N // RB,),
        in_specs=[
            pl.BlockSpec((RB, D_H), lambda i: (i, 0)),
            pl.BlockSpec((NC, RB, DW), lambda i: (0, i, 0)),
        ],
        out_specs=[
            pl.BlockSpec((RB, D_H), lambda i: (i, 0)),
            pl.BlockSpec((RB, 1), lambda i: (i, 0)),
        ],
        out_shape=[
            jax.ShapeDtypeStruct((N, D_H), jnp.bfloat16),
            jax.ShapeDtypeStruct((N, 1), jnp.float32),
        ],
    )(xw, degp)


def _tc2(p, dinv, b1, W2):
    def body(p_ref, dinv_ref, b1_ref, w2_ref, y2_ref):
        s = p_ref[0].astype(jnp.float32) + p_ref[1].astype(jnp.float32)
        h = jnp.maximum(s * dinv_ref[...] + b1_ref[...], 0.0)
        y2 = jnp.dot(h, w2_ref[...], preferred_element_type=jnp.float32)
        y2_ref[...] = (y2 * dinv_ref[...]).astype(jnp.bfloat16)

    return pl.pallas_call(
        body,
        grid=(N // RB,),
        in_specs=[
            pl.BlockSpec((NC, RB, D_H), lambda i: (0, i, 0)),
            pl.BlockSpec((RB, 1), lambda i: (i, 0)),
            pl.BlockSpec((1, D_H), lambda i: (0, 0)),
            pl.BlockSpec((D_H, D_OUT), lambda i: (0, 0)),
        ],
        out_specs=pl.BlockSpec((RB, D_OUT), lambda i: (i, 0)),
        out_shape=jax.ShapeDtypeStruct((N, D_OUT), jnp.bfloat16),
    )(p, dinv, b1, W2)


def _tc3(q, dinv, b2):
    nblk = N // RB

    def body(q_ref, dinv_ref, b2_ref, out_ref, sum_ref):
        i = pl.program_id(0)
        q01 = q_ref[0].astype(jnp.float32) + q_ref[1].astype(jnp.float32)
        o = q01 * dinv_ref[...] + b2_ref[...]
        out_ref[...] = o

        @pl.when(i == 0)
        def _():
            sum_ref[...] = jnp.zeros_like(sum_ref)

        sum_ref[...] += jnp.sum(o, axis=0, keepdims=True)

        @pl.when(i == nblk - 1)
        def _():
            sum_ref[...] = sum_ref[...] * (1.0 / N)

    return pl.pallas_call(
        body,
        grid=(nblk,),
        in_specs=[
            pl.BlockSpec((NC, RB, D_OUT), lambda i: (0, i, 0)),
            pl.BlockSpec((RB, 1), lambda i: (i, 0)),
            pl.BlockSpec((1, D_OUT), lambda i: (0, 0)),
        ],
        out_specs=[
            pl.BlockSpec((RB, D_OUT), lambda i: (i, 0)),
            pl.BlockSpec((1, D_OUT), lambda i: (0, 0)),
        ],
        out_shape=[
            jax.ShapeDtypeStruct((N, D_OUT), jnp.float32),
            jax.ShapeDtypeStruct((1, D_OUT), jnp.float32),
        ],
    )(q, dinv, b2)


def kernel(x, edge_index, batch, W1, b1, W2, b2):
    sd = _prep(edge_index.reshape(2, E // CHUNK, CHUNK))

    zeros_deg = jnp.zeros((ROWS_PAD, DW), jnp.float32)
    ones_col = jnp.ones((CHUNK, DW), jnp.float32)
    zeros_h = jnp.zeros((N, D_H), jnp.bfloat16)
    zeros_o = jnp.zeros((N, D_OUT), jnp.bfloat16)

    degp = _deg_sc(zeros_deg, ones_col, sd)
    xw = _tc1a(x, W1)
    y1, dinv = _tc1b(xw, degp)
    p = _agg64(y1, zeros_h, sd)
    y2 = _tc2(p, dinv, b1.reshape(1, D_H), W2)
    q = _agg16(y2, zeros_o, sd)
    out, gsum = _tc3(q, dinv, b2.reshape(1, D_OUT))
    return (out, gsum)

# --- scband reference (transcript-rebuilt; emitter-appended) ---
"""Pipeline reference for scband-simple-gnn-74981539053649 (READ-ONLY COPY).

The authoritative reference and input builder live on the scoring server;
editing this copy changes nothing except your own understanding.
"""

import jax, jax.numpy as jnp
import numpy as np

N = 10000
E = 320000
D_IN = 128
D_H = 64
D_OUT = 16


def _gcn_conv(x, edge_index, W, b):
    # Faithful GCNConv: add self-loops, symmetric normalization D^-1/2 (A+I) D^-1/2 X W + b
    n = x.shape[0]
    loops = jnp.arange(n, dtype=edge_index.dtype)
    src = jnp.concatenate([edge_index[0], loops])
    dst = jnp.concatenate([edge_index[1], loops])
    deg = jnp.zeros((n,), x.dtype).at[dst].add(1.0)
    dinv = jnp.where(deg > 0, jax.lax.rsqrt(jnp.maximum(deg, 1e-12)), 0.0)
    norm = dinv[src] * dinv[dst]
    xw = x @ W
    msg = jnp.take(xw, src, axis=0) * norm[:, None]
    out = jnp.zeros((n, W.shape[1]), x.dtype).at[dst].add(msg)
    return out + b


def setup_inputs(seed: int = 0) -> dict:
    key = jax.random.key(seed)
    k1, k2, k3, k4 = jax.random.split(key, 4)
    x = jax.random.normal(k1, (N, D_IN), dtype=jnp.float32)
    edge_index = jax.random.randint(k2, (2, E), 0, N, dtype=jnp.int32)
    batch = jnp.zeros((N,), dtype=jnp.int32)
    W1 = jax.random.normal(k3, (D_IN, D_H), dtype=jnp.float32) * 0.05
    b1 = jnp.zeros((D_H,), dtype=jnp.float32)
    W2 = jax.random.normal(k4, (D_H, D_OUT), dtype=jnp.float32) * 0.05
    b2 = jnp.zeros((D_OUT,), dtype=jnp.float32)
    return {"x": x, "edge_index": edge_index, "batch": batch, "W1": W1, "b1": b1, "W2": W2, "b2": b2}


def reference(x, edge_index, batch, W1, b1, W2, b2):
    h = _gcn_conv(x, edge_index, W1, b1)
    h = jax.nn.relu(h)
    out = _gcn_conv(h, edge_index, W2, b2)
    # global_mean_pool over batch ids (single graph -> batch all zeros)
    sums = jax.ops.segment_sum(out, batch, num_segments=1)
    counts = jax.ops.segment_sum(jnp.ones((out.shape[0], 1), out.dtype), batch, num_segments=1)
    graph_embedding = sums / jnp.maximum(counts, 1.0)
    return (out, graph_embedding)

if __name__ == "__main__":
    import jax
    _d = setup_inputs()
    print(jax.jit(kernel)(*tuple(_d.values())))

</pallas_src>

<mosaic_0001>
#map = affine_map<(d0, d1) -> (0, 0)>
#map1 = affine_map<(d0, d1) -> (0, 0, 0)>
module attributes {stable_mosaic.version = 14 : i64} {
  func.func @_deg_sc(%arg0: i32, %arg1: i32, %arg2: memref<10240x16xf32, #tpu.memory_space<hbm>>, %arg3: memref<128x16xf32, #tpu.memory_space<hbm>>, %arg4: memref<2x2560x128xi32, #tpu.memory_space<hbm>>, %arg5: memref<2x10240x16xf32, #tpu.memory_space<hbm>>, %arg6: memref<80x128xi32, #tpu.memory_space<vmem>>, %arg7: memref<128x16xf32, #tpu.memory_space<vmem>>, %arg8: memref<10240x16xf32, #tpu.memory_space<vmem_shared>>, %arg9: memref<!tpu.dma_semaphore, #tpu.memory_space<semaphore_mem>>) attributes {dimension_semantics = [#tpu.dimension_semantics<core_parallel>, #tpu.dimension_semantics<subcore_parallel>], iteration_bounds = array<i64: 2, 16>, scalar_prefetch = 0 : i64, scratch_operands = 4 : i64, tpu.core_type = #tpu.core_type<sc_vector_subcore>, window_params = [{transform_indices = #map}, {transform_indices = #map}, {transform_indices = #map1}, {transform_indices = #map1}]} {
    %mul3A = arith.constant 2 : i32
    %mul3A_0 = arith.muli %arg1, %mul3A : i32
    %add3A = arith.addi %mul3A_0, %arg0 : i32
    %mul3A_1 = arith.constant 640 : i32
    %mul3A_2 = arith.muli %arg1, %mul3A_1 : i32
    %mul3A_3 = arith.constant 640 : i32
    %mul3A_4 = arith.muli %arg1, %mul3A_3 : i32
    "tpu.region"() ({
      %run_scoped3A_127 = tpu.sem_alloc : memref<!tpu.dma_semaphore, #tpu.memory_space<semaphore_mem>>
      %dma_start3A_128 = arith.constant 0 : i32
      %dma_start3A_129 = tpu.memref_slice %arg8[%mul3A_4, %dma_start3A_128] : memref<10240x16xf32, #tpu.memory_space<vmem_shared>> -> memref<640x16xf32, #tpu.memory_space<vmem_shared>>
      %dma_start3A_130 = arith.constant 0 : i32
      %dma_start3A_131 = tpu.memref_slice %arg2[%mul3A_2, %dma_start3A_130] : memref<10240x16xf32, #tpu.memory_space<hbm>> -> memref<640x16xf32, #tpu.memory_space<hbm>>
      tpu.enqueue_dma source(%dma_start3A_131 : memref<640x16xf32, #tpu.memory_space<hbm>>) target(%dma_start3A_129 : memref<640x16xf32, #tpu.memory_space<vmem_shared>>) target_semaphore(%run_scoped3A_127 : memref<!tpu.dma_semaphore, #tpu.memory_space<semaphore_mem>>)
      %dma_wait3A_132 = arith.constant 0 : i32
      %dma_wait3A_133 = tpu.memref_slice %arg8[%mul3A_4, %dma_wait3A_132] : memref<10240x16xf32, #tpu.memory_space<vmem_shared>> -> memref<640x16xf32, #tpu.memory_space<vmem_shared>>
      %dma_wait3A_134 = arith.constant 0 : i32
      %dma_wait3A_135 = tpu.memref_slice %arg2[%mul3A_2, %dma_wait3A_134] : memref<10240x16xf32, #tpu.memory_space<hbm>> -> memref<640x16xf32, #tpu.memory_space<hbm>>
      tpu.wait_dma2 semaphore(%run_scoped3A_127 : memref<!tpu.dma_semaphore, #tpu.memory_space<semaphore_mem>>) src(%dma_wait3A_135 : memref<640x16xf32, #tpu.memory_space<hbm>>) dst(%dma_wait3A_133 : memref<640x16xf32, #tpu.memory_space<vmem_shared>>)
      tpu.yield
    }) : () -> ()
    "tpu.region"() ({
      %run_scoped3A_127 = tpu.sem_alloc : memref<!tpu.dma_semaphore, #tpu.memory_space<semaphore_mem>>
      tpu.enqueue_dma source(%arg3 : memref<128x16xf32, #tpu.memory_space<hbm>>) target(%arg7 : memref<128x16xf32, #tpu.memory_space<vmem>>) target_semaphore(%run_scoped3A_127 : memref<!tpu.dma_semaphore, #tpu.memory_space<semaphore_mem>>)
      tpu.wait_dma2 semaphore(%run_scoped3A_127 : memref<!tpu.dma_semaphore, #tpu.memory_space<semaphore_mem>>) src(%arg3 : memref<128x16xf32, #tpu.memory_space<hbm>>) dst(%arg7 : memref<128x16xf32, #tpu.memory_space<vmem>>)
      tpu.yield
    }) : () -> ()
    %barrier3A = arith.constant 0 : index
    tpu.barrier barrier_id(%barrier3A)
    %mul3A_5 = arith.constant 80 : i32
    %mul3A_6 = arith.muli %add3A, %mul3A_5 : i32
    %run_scoped3A = arith.constant 1 : i32
    "tpu.region"() ({
      %run_scoped3A_127 = tpu.sem_alloc : memref<!tpu.dma_semaphore, #tpu.memory_space<semaphore_mem>>
      %dma_start3A_128 = arith.constant 0 : i32
      %dma_start3A_129 = tpu.memref_slice %arg4[%run_scoped3A, %mul3A_6, %dma_start3A_128] : memref<2x2560x128xi32, #tpu.memory_space<hbm>> -> memref<1x80x128xi32, #tpu.memory_space<hbm>>
      %dma_start3A_130 = tpu.memref_squeeze %dma_start3A_129 : memref<1x80x128xi32, #tpu.memory_space<hbm>> -> memref<80x128xi32, #tpu.memory_space<hbm>>
      %dma_start3A_131 = arith.constant 0 : i32
      %dma_start3A_132 = tpu.memref_slice %arg4[%run_scoped3A, %mul3A_6, %dma_start3A_131] : memref<2x2560x128xi32, #tpu.memory_space<hbm>> -> memref<1x80x128xi32, #tpu.memory_space<hbm>>
      %dma_start3A_133 = tpu.memref_squeeze %dma_start3A_132 : memref<1x80x128xi32, #tpu.memory_space<hbm>> -> memref<80x128xi32, #tpu.memory_space<hbm>>
      tpu.enqueue_dma source(%dma_start3A_133 : memref<80x128xi32, #tpu.memory_space<hbm>>) target(%arg6 : memref<80x128xi32, #tpu.memory_space<vmem>>) target_semaphore(%run_scoped3A_127 : memref<!tpu.dma_semaphore, #tpu.memory_space<semaphore_mem>>)
      %dma_wait3A_134 = arith.constant 0 : i32
      %dma_wait3A_135 = tpu.memref_slice %arg4[%run_scoped3A, %mul3A_6, %dma_wait3A_134] : memref<2x2560x128xi32, #tpu.memory_space<hbm>> -> memref<1x80x128xi32, #tpu.memory_space<hbm>>
      %dma_wait3A_136 = tpu.memref_squeeze %dma_wait3A_135 : memref<1x80x128xi32, #tpu.memory_space<hbm>> -> memref<80x128xi32, #tpu.memory_space<hbm>>
      %dma_wait3A_137 = arith.constant 0 : i32
      %dma_wait3A_138 = tpu.memref_slice %arg4[%run_scoped3A, %mul3A_6, %dma_wait3A_137] : memref<2x2560x128xi32, #tpu.memory_space<hbm>> -> memref<1x80x128xi32, #tpu.memory_space<hbm>>
      %dma_wait3A_139 = tpu.memref_squeeze %dma_wait3A_138 : memref<1x80x128xi32, #tpu.memory_space<hbm>> -> memref<80x128xi32, #tpu.memory_space<hbm>>
      tpu.wait_dma2 semaphore(%run_scoped3A_127 : memref<!tpu.dma_semaphore, #tpu.memory_space<semaphore_mem>>) src(%dma_wait3A_139 : memref<80x128xi32, #tpu.memory_space<hbm>>) dst(%arg6 : memref<80x128xi32, #tpu.memory_space<vmem>>)
      tpu.yield
    }) : () -> ()
    %dma_start3A = arith.constant 0 : i32
    %dma_start3A_7 = arith.constant 0 : i32
    %dma_start3A_8 = tpu.memref_slice %arg6[%dma_start3A, %dma_start3A_7] : memref<80x128xi32, #tpu.memory_space<vmem>> -> memref<1x128xi32, #tpu.memory_space<vmem>>
    %dma_start3A_9 = tpu.memref_squeeze %dma_start3A_8 : memref<1x128xi32, #tpu.memory_space<vmem>> -> memref<128xi32, #tpu.memory_space<vmem>>
    %dma_start3A_10 = arith.constant 0 : i32
    %dma_start3A_11 = arith.constant 0 : i32
    %dma_start3A_12 = tpu.memref_slice %arg8[%dma_start3A_10, %dma_start3A_11] : memref<10240x16xf32, #tpu.memory_space<vmem_shared>> -> memref<10240x16xf32, #tpu.memory_space<vmem_shared>>
    tpu.enqueue_indirect_dma source(%arg7 : memref<128x16xf32, #tpu.memory_space<vmem>>) target(%dma_start3A_12 : memref<10240x16xf32, #tpu.memory_space<vmem_shared>>) offsets(%dma_start3A_9 : memref<128xi32, #tpu.memory_space<vmem>>) semaphore(%arg9 : memref<!tpu.dma_semaphore, #tpu.memory_space<semaphore_mem>>) {add = true}
    %dma_start3A_13 = arith.constant 1 : i32
    %dma_start3A_14 = arith.constant 0 : i32
    %dma_start3A_15 = tpu.memref_slice %arg6[%dma_start3A_13, %dma_start3A_14] : memref<80x128xi32, #tpu.memory_space<vmem>> -> memref<1x128xi32, #tpu.memory_space<vmem>>
    %dma_start3A_16 = tpu.memref_squeeze %dma_start3A_15 : memref<1x128xi32, #tpu.memory_space<vmem>> -> memref<128xi32, #tpu.memory_space<vmem>>
    %dma_start3A_17 = arith.constant 0 : i32
    %dma_start3A_18 = arith.constant 0 : i32
    %dma_start3A_19 = tpu.memref_slice %arg8[%dma_start3A_17, %dma_start3A_18] : memref<10240x16xf32, #tpu.memory_space<vmem_shared>> -> memref<10240x16xf32, #tpu.memory_space<vmem_shared>>
    tpu.enqueue_indirect_dma source(%arg7 : memref<128x16xf32, #tpu.memory_space<vmem>>) target(%dma_start3A_19 : memref<10240x16xf32, #tpu.memory_space<vmem_shared>>) offsets(%dma_start3A_16 : memref<128xi32, #tpu.memory_space<vmem>>) semaphore(%arg9 : memref<!tpu.dma_semaphore, #tpu.memory_space<semaphore_mem>>) {add = true}
    %dma_start3A_20 = arith.constant 2 : i32
    %dma_start3A_21 = arith.constant 0 : i32
    %dma_start3A_22 = tpu.memref_slice %arg6[%dma_start3A_20, %dma_start3A_21] : memref<80x128xi32, #tpu.memory_space<vmem>> -> memref<1x128xi32, #tpu.memory_space<vmem>>
    %dma_start3A_23 = tpu.memref_squeeze %dma_start3A_22 : memref<1x128xi32, #tpu.memory_space<vmem>> -> memref<128xi32, #tpu.memory_space<vmem>>
    %dma_start3A_24 = arith.constant 0 : i32
    %dma_start3A_25 = arith.constant 0 : i32
    %dma_start3A_26 = tpu.memref_slice %arg8[%dma_start3A_24, %dma_start3A_25] : memref<10240x16xf32, #tpu.memory_space<vmem_shared>> -> memref<10240x16xf32, #tpu.memory_space<vmem_shared>>
    tpu.enqueue_indirect_dma source(%arg7 : memref<128x16xf32, #tpu.memory_space<vmem>>) target(%dma_start3A_26 : memref<10240x16xf32, #tpu.memory_space<vmem_shared>>) offsets(%dma_start3A_23 : memref<128xi32, #tpu.memory_space<vmem>>) semaphore(%arg9 : memref<!tpu.dma_semaphore, #tpu.memory_space<semaphore_mem>>) {add = true}
    %dma_start3A_27 = arith.constant 3 : i32
    %dma_start3A_28 = arith.constant 0 : i32
    %dma_start3A_29 = tpu.memref_slice %arg6[%dma_start3A_27, %dma_start3A_28] : memref<80x128xi32, #tpu.memory_space<vmem>> -> memref<1x128xi32, #tpu.memory_space<vmem>>
    %dma_start3A_30 = tpu.memref_squeeze %dma_start3A_29 : memref<1x128xi32, #tpu.memory_space<vmem>> -> memref<128xi32, #tpu.memory_space<vmem>>
    %dma_start3A_31 = arith.constant 0 : i32
    %dma_start3A_32 = arith.constant 0 : i32
    %dma_start3A_33 = tpu.memref_slice %arg8[%dma_start3A_31, %dma_start3A_32] : memref<10240x16xf32, #tpu.memory_space<vmem_shared>> -> memref<10240x16xf32, #tpu.memory_space<vmem_shared>>
    tpu.enqueue_indirect_dma source(%arg7 : memref<128x16xf32, #tpu.memory_space<vmem>>) target(%dma_start3A_33 : memref<10240x16xf32, #tpu.memory_space<vmem_shared>>) offsets(%dma_start3A_30 : memref<128xi32, #tpu.memory_space<vmem>>) semaphore(%arg9 : memref<!tpu.dma_semaphore, #tpu.memory_space<semaphore_mem>>) {add = true}
    %dma_start3A_34 = arith.constant 4 : i32
    %dma_start3A_35 = arith.constant 0 : i32
    %dma_start3A_36 = tpu.memref_slice %arg6[%dma_start3A_34, %dma_start3A_35] : memref<80x128xi32, #tpu.memory_space<vmem>> -> memref<1x128xi32, #tpu.memory_space<vmem>>
    %dma_start3A_37 = tpu.memref_squeeze %dma_start3A_36 : memref<1x128xi32, #tpu.memory_space<vmem>> -> memref<128xi32, #tpu.memory_space<vmem>>
    %dma_start3A_38 = arith.constant 0 : i32
    %dma_start3A_39 = arith.constant 0 : i32
    %dma_start3A_40 = tpu.memref_slice %arg8[%dma_start3A_38, %dma_start3A_39] : memref<10240x16xf32, #tpu.memory_space<vmem_shared>> -> memref<10240x16xf32, #tpu.memory_space<vmem_shared>>
    tpu.enqueue_indirect_dma source(%arg7 : memref<128x16xf32, #tpu.memory_space<vmem>>) target(%dma_start3A_40 : memref<10240x16xf32, #tpu.memory_space<vmem_shared>>) offsets(%dma_start3A_37 : memref<128xi32, #tpu.memory_space<vmem>>) semaphore(%arg9 : memref<!tpu.dma_semaphore, #tpu.memory_space<semaphore_mem>>) {add = true}
    %dma_start3A_41 = arith.constant 5 : i32
    %dma_start3A_42 = arith.constant 0 : i32
    %dma_start3A_43 = tpu.memref_slice %arg6[%dma_start3A_41, %dma_start3A_42] : memref<80x128xi32, #tpu.memory_space<vmem>> -> memref<1x128xi32, #tpu.memory_space<vmem>>
    %dma_start3A_44 = tpu.memref_squeeze %dma_start3A_43 : memref<1x128xi32, #tpu.memory_space<vmem>> -> memref<128xi32, #tpu.memory_space<vmem>>
    %dma_start3A_45 = arith.constant 0 : i32
    %dma_start3A_46 = arith.constant 0 : i32
    %dma_start3A_47 = tpu.memref_slice %arg8[%dma_start3A_45, %dma_start3A_46] : memref<10240x16xf32, #tpu.memory_space<vmem_shared>> -> memref<10240x16xf32, #tpu.memory_space<vmem_shared>>
    tpu.enqueue_indirect_dma source(%arg7 : memref<128x16xf32, #tpu.memory_space<vmem>>) target(%dma_start3A_47 : memref<10240x16xf32, #tpu.memory_space<vmem_shared>>) offsets(%dma_start3A_44 : memref<128xi32, #tpu.memory_space<vmem>>) semaphore(%arg9 : memref<!tpu.dma_semaphore, #tpu.memory_space<semaphore_mem>>) {add = true}
    %dma_start3A_48 = arith.constant 6 : i32
    %dma_start3A_49 = arith.constant 0 : i32
    %dma_start3A_50 = tpu.memref_slice %arg6[%dma_start3A_48, %dma_start3A_49] : memref<80x128xi32, #tpu.memory_space<vmem>> -> memref<1x128xi32, #tpu.memory_space<vmem>>
    %dma_start3A_51 = tpu.memref_squeeze %dma_start3A_50 : memref<1x128xi32, #tpu.memory_space<vmem>> -> memref<128xi32, #tpu.memory_space<vmem>>
    %dma_start3A_52 = arith.constant 0 : i32
    %dma_start3A_53 = arith.constant 0 : i32
    %dma_start3A_54 = tpu.memref_slice %arg8[%dma_start3A_52, %dma_start3A_53] : memref<10240x16xf32, #tpu.memory_space<vmem_shared>> -> memref<10240x16xf32, #tpu.memory_space<vmem_shared>>
    tpu.enqueue_indirect_dma source(%arg7 : memref<128x16xf32, #tpu.memory_space<vmem>>) target(%dma_start3A_54 : memref<10240x16xf32, #tpu.memory_space<vmem_shared>>) offsets(%dma_start3A_51 : memref<128xi32, #tpu.memory_space<vmem>>) semaphore(%arg9 : memref<!tpu.dma_semaphore, #tpu.memory_space<semaphore_mem>>) {add = true}
    %dma_start3A_55 = arith.constant 7 : i32
    %dma_start3A_56 = arith.constant 0 : i32
    %dma_start3A_57 = tpu.memref_slice %arg6[%dma_start3A_55, %dma_start3A_56] : memref<80x128xi32, #tpu.memory_space<vmem>> -> memref<1x128xi32, #tpu.memory_space<vmem>>
    %dma_start3A_58 = tpu.memref_squeeze %dma_start3A_57 : memref<1x128xi32, #tpu.memory_space<vmem>> -> memref<128xi32, #tpu.memory_space<vmem>>
    %dma_start3A_59 = arith.constant 0 : i32
    %dma_start3A_60 = arith.constant 0 : i32
    %dma_start3A_61 = tpu.memref_slice %arg8[%dma_start3A_59, %dma_start3A_60] : memref<10240x16xf32, #tpu.memory_space<vmem_shared>> -> memref<10240x16xf32, #tpu.memory_space<vmem_shared>>
    tpu.enqueue_indirect_dma source(%arg7 : memref<128x16xf32, #tpu.memory_space<vmem>>) target(%dma_start3A_61 : memref<10240x16xf32, #tpu.memory_space<vmem_shared>>) offsets(%dma_start3A_58 : memref<128xi32, #tpu.memory_space<vmem>>) semaphore(%arg9 : memref<!tpu.dma_semaphore, #tpu.memory_space<semaphore_mem>>) {add = true}
    %scan3A = arith.constant 0 : i32
    %scan3A_62 = arith.constant 1 : i32
    %scan3A_63 = arith.constant 9 : i32
    %scan3A_64 = arith.addi %scan3A_62, %scan3A_63 : i32
    %scan3A_65 = arith.constant 1 : i32
    scf.for %scan3A_127 = %scan3A_62 to %scan3A_64 step %scan3A_65  : i32 {
      %mul3A_128 = arith.constant 8 : i32
      %mul3A_129 = arith.muli %scan3A_127, %mul3A_128 : i32
      %add3A_130 = arith.constant 0 : i32
      %add3A_131 = arith.addi %mul3A_129, %add3A_130 : i32
      %dma_start3A_132 = arith.constant 0 : i32
      %dma_start3A_133 = tpu.memref_slice %arg6[%add3A_131, %dma_start3A_132] : memref<80x128xi32, #tpu.memory_space<vmem>> -> memref<1x128xi32, #tpu.memory_space<vmem>>
      %dma_start3A_134 = tpu.memref_squeeze %dma_start3A_133 : memref<1x128xi32, #tpu.memory_space<vmem>> -> memref<128xi32, #tpu.memory_space<vmem>>
      %dma_start3A_135 = arith.constant 0 : i32
      %dma_start3A_136 = arith.constant 0 : i32
      %dma_start3A_137 = tpu.memref_slice %arg8[%dma_start3A_135, %dma_start3A_136] : memref<10240x16xf32, #tpu.memory_space<vmem_shared>> -> memref<10240x16xf32, #tpu.memory_space<vmem_shared>>
      tpu.enqueue_indirect_dma source(%arg7 : memref<128x16xf32, #tpu.memory_space<vmem>>) target(%dma_start3A_137 : memref<10240x16xf32, #tpu.memory_space<vmem_shared>>) offsets(%dma_start3A_134 : memref<128xi32, #tpu.memory_space<vmem>>) semaphore(%arg9 : memref<!tpu.dma_semaphore, #tpu.memory_space<semaphore_mem>>) {add = true}
      %mul3A_138 = arith.constant 8 : i32
      %mul3A_139 = arith.muli %scan3A_127, %mul3A_138 : i32
      %add3A_140 = arith.constant 1 : i32
      %add3A_141 = arith.addi %mul3A_139, %add3A_140 : i32
      %dma_start3A_142 = arith.constant 0 : i32
      %dma_start3A_143 = tpu.memref_slice %arg6[%add3A_141, %dma_start3A_142] : memref<80x128xi32, #tpu.memory_space<vmem>> -> memref<1x128xi32, #tpu.memory_space<vmem>>
      %dma_start3A_144 = tpu.memref_squeeze %dma_start3A_143 : memref<1x128xi32, #tpu.memory_space<vmem>> -> memref<128xi32, #tpu.memory_space<vmem>>
      %dma_start3A_145 = arith.constant 0 : i32
      %dma_start3A_146 = arith.constant 0 : i32
      %dma_start3A_147 = tpu.memref_slice %arg8[%dma_start3A_145, %dma_start3A_146] : memref<10240x16xf32, #tpu.memory_space<vmem_shared>> -> memref<10240x16xf32, #tpu.memory_space<vmem_shared>>
      tpu.enqueue_indirect_dma source(%arg7 : memref<128x16xf32, #tpu.memory_space<vmem>>) target(%dma_start3A_147 : memref<10240x16xf32, #tpu.memory_space<vmem_shared>>) offsets(%dma_start3A_144 : memref<128xi32, #tpu.memory_space<vmem>>) semaphore(%arg9 : memref<!tpu.dma_semaphore, #tpu.memory_space<semaphore_mem>>) {add = true}
      %mul3A_148 = arith.constant 8 : i32
      %mul3A_149 = arith.muli %scan3A_127, %mul3A_148 : i32
      %add3A_150 = arith.constant 2 : i32
      %add3A_151 = arith.addi %mul3A_149, %add3A_150 : i32
      %dma_start3A_152 = arith.constant 0 : i32
      %dma_start3A_153 = tpu.memref_slice %arg6[%add3A_151, %dma_start3A_152] : memref<80x128xi32, #tpu.memory_space<vmem>> -> memref<1x128xi32, #tpu.memory_space<vmem>>
      %dma_start3A_154 = tpu.memref_squeeze %dma_start3A_153 : memref<1x128xi32, #tpu.memory_space<vmem>> -> memref<128xi32, #tpu.memory_space<vmem>>
      %dma_start3A_155 = arith.constant 0 : i32
      %dma_start3A_156 = arith.constant 0 : i32
      %dma_start3A_157 = tpu.memref_slice %arg8[%dma_start3A_155, %dma_start3A_156] : memref<10240x16xf32, #tpu.memory_space<vmem_shared>> -> memref<10240x16xf32, #tpu.memory_space<vmem_shared>>
      tpu.enqueue_indirect_dma source(%arg7 : memref<128x16xf32, #tpu.memory_space<vmem>>) target(%dma_start3A_157 : memref<10240x16xf32, #tpu.memory_space<vmem_shared>>) offsets(%dma_start3A_154 : memref<128xi32, #tpu.memory_space<vmem>>) semaphore(%arg9 : memref<!tpu.dma_semaphore, #tpu.memory_space<semaphore_mem>>) {add = true}
      %mul3A_158 = arith.constant 8 : i32
      %mul3A_159 = arith.muli %scan3A_127, %mul3A_158 : i32
      %add3A_160 = arith.constant 3 : i32
      %add3A_161 = arith.addi %mul3A_159, %add3A_160 : i32
      %dma_start3A_162 = arith.constant 0 : i32
      %dma_start3A_163 = tpu.memref_slice %arg6[%add3A_161, %dma_start3A_162] : memref<80x128xi32, #tpu.memory_space<vmem>> -> memref<1x128xi32, #tpu.memory_space<vmem>>
      %dma_start3A_164 = tpu.memref_squeeze %dma_start3A_163 : memref<1x128xi32, #tpu.memory_space<vmem>> -> memref<128xi32, #tpu.memory_space<vmem>>
      %dma_start3A_165 = arith.constant 0 : i32
      %dma_start3A_166 = arith.constant 0 : i32
      %dma_start3A_167 = tpu.memref_slice %arg8[%dma_start3A_165, %dma_start3A_166] : memref<10240x16xf32, #tpu.memory_space<vmem_shared>> -> memref<10240x16xf32, #tpu.memory_space<vmem_shared>>
      tpu.enqueue_indirect_dma source(%arg7 : memref<128x16xf32, #tpu.memory_space<vmem>>) target(%dma_start3A_167 : memref<10240x16xf32, #tpu.memory_space<vmem_shared>>) offsets(%dma_start3A_164 : memref<128xi32, #tpu.memory_space<vmem>>) semaphore(%arg9 : memref<!tpu.dma_semaphore, #tpu.memory_space<semaphore_mem>>) {add = true}
      %mul3A_168 = arith.constant 8 : i32
      %mul3A_169 = arith.muli %scan3A_127, %mul3A_168 : i32
      %add3A_170 = arith.constant 4 : i32
      %add3A_171 = arith.addi %mul3A_169, %add3A_170 : i32
      %dma_start3A_172 = arith.constant 0 : i32
      %dma_start3A_173 = tpu.memref_slice %arg6[%add3A_171, %dma_start3A_172] : memref<80x128xi32, #tpu.memory_space<vmem>> -> memref<1x128xi32, #tpu.memory_space<vmem>>
      %dma_start3A_174 = tpu.memref_squeeze %dma_start3A_173 : memref<1x128xi32, #tpu.memory_space<vmem>> -> memref<128xi32, #tpu.memory_space<vmem>>
      %dma_start3A_175 = arith.constant 0 : i32
      %dma_start3A_176 = arith.constant 0 : i32
      %dma_start3A_177 = tpu.memref_slice %arg8[%dma_start3A_175, %dma_start3A_176] : memref<10240x16xf32, #tpu.memory_space<vmem_shared>> -> memref<10240x16xf32, #tpu.memory_space<vmem_shared>>
      tpu.enqueue_indirect_dma source(%arg7 : memref<128x16xf32, #tpu.memory_space<vmem>>) target(%dma_start3A_177 : memref<10240x16xf32, #tpu.memory_space<vmem_shared>>) offsets(%dma_start3A_174 : memref<128xi32, #tpu.memory_space<vmem>>) semaphore(%arg9 : memref<!tpu.dma_semaphore, #tpu.memory_space<semaphore_mem>>) {add = true}
      %mul3A_178 = arith.constant 8 : i32
      %mul3A_179 = arith.muli %scan3A_127, %mul3A_178 : i32
      %add3A_180 = arith.constant 5 : i32
      %add3A_181 = arith.addi %mul3A_179, %add3A_180 : i32
      %dma_start3A_182 = arith.constant 0 : i32
      %dma_start3A_183 = tpu.memref_slice %arg6[%add3A_181, %dma_start3A_182] : memref<80x128xi32, #tpu.memory_space<vmem>> -> memref<1x128xi32, #tpu.memory_space<vmem>>
      %dma_start3A_184 = tpu.memref_squeeze %dma_start3A_183 : memref<1x128xi32, #tpu.memory_space<vmem>> -> memref<128xi32, #tpu.memory_space<vmem>>
      %dma_start3A_185 = arith.constant 0 : i32
      %dma_start3A_186 = arith.constant 0 : i32
      %dma_start3A_187 = tpu.memref_slice %arg8[%dma_start3A_185, %dma_start3A_186] : memref<10240x16xf32, #tpu.memory_space<vmem_shared>> -> memref<10240x16xf32, #tpu.memory_space<vmem_shared>>
      tpu.enqueue_indirect_dma source(%arg7 : memref<128x16xf32, #tpu.memory_space<vmem>>) target(%dma_start3A_187 : memref<10240x16xf32, #tpu.memory_space<vmem_shared>>) offsets(%dma_start3A_184 : memref<128xi32, #tpu.memory_space<vmem>>) semaphore(%arg9 : memref<!tpu.dma_semaphore, #tpu.memory_space<semaphore_mem>>) {add = true}
      %mul3A_188 = arith.constant 8 : i32
      %mul3A_189 = arith.muli %scan3A_127, %mul3A_188 : i32
      %add3A_190 = arith.constant 6 : i32
      %add3A_191 = arith.addi %mul3A_189, %add3A_190 : i32
      %dma_start3A_192 = arith.constant 0 : i32
      %dma_start3A_193 = tpu.memref_slice %arg6[%add3A_191, %dma_start3A_192] : memref<80x128xi32, #tpu.memory_space<vmem>> -> memref<1x128xi32, #tpu.memory_space<vmem>>
      %dma_start3A_194 = tpu.memref_squeeze %dma_start3A_193 : memref<1x128xi32, #tpu.memory_space<vmem>> -> memref<128xi32, #tpu.memory_space<vmem>>
      %dma_start3A_195 = arith.constant 0 : i32
      %dma_start3A_196 = arith.constant 0 : i32
      %dma_start3A_197 = tpu.memref_slice %arg8[%dma_start3A_195, %dma_start3A_196] : memref<10240x16xf32, #tpu.memory_space<vmem_shared>> -> memref<10240x16xf32, #tpu.memory_space<vmem_shared>>
      tpu.enqueue_indirect_dma source(%arg7 : memref<128x16xf32, #tpu.memory_space<vmem>>) target(%dma_start3A_197 : memref<10240x16xf32, #tpu.memory_space<vmem_shared>>) offsets(%dma_start3A_194 : memref<128xi32, #tpu.memory_space<vmem>>) semaphore(%arg9 : memref<!tpu.dma_semaphore, #tpu.memory_space<semaphore_mem>>) {add = true}
      %mul3A_198 = arith.constant 8 : i32
      %mul3A_199 = arith.muli %scan3A_127, %mul3A_198 : i32
      %add3A_200 = arith.constant 7 : i32
      %add3A_201 = arith.addi %mul3A_199, %add3A_200 : i32
      %dma_start3A_202 = arith.constant 0 : i32
      %dma_start3A_203 = tpu.memref_slice %arg6[%add3A_201, %dma_start3A_202] : memref<80x128xi32, #tpu.memory_space<vmem>> -> memref<1x128xi32, #tpu.memory_space<vmem>>
      %dma_start3A_204 = tpu.memref_squeeze %dma_start3A_203 : memref<1x128xi32, #tpu.memory_space<vmem>> -> memref<128xi32, #tpu.memory_space<vmem>>
      %dma_start3A_205 = arith.constant 0 : i32
      %dma_start3A_206 = arith.constant 0 : i32
      %dma_start3A_207 = tpu.memref_slice %arg8[%dma_start3A_205, %dma_start3A_206] : memref<10240x16xf32, #tpu.memory_space<vmem_shared>> -> memref<10240x16xf32, #tpu.memory_space<vmem_shared>>
      tpu.enqueue_indirect_dma source(%arg7 : memref<128x16xf32, #tpu.memory_space<vmem>>) target(%dma_start3A_207 : memref<10240x16xf32, #tpu.memory_space<vmem_shared>>) offsets(%dma_start3A_204 : memref<128xi32, #tpu.memory_space<vmem>>) semaphore(%arg9 : memref<!tpu.dma_semaphore, #tpu.memory_space<semaphore_mem>>) {add = true}
      %sub3A = arith.constant 1 : i32
      %sub3A_208 = arith.subi %scan3A_127, %sub3A : i32
      %mul3A_209 = arith.constant 8 : i32
      %mul3A_210 = arith.muli %sub3A_208, %mul3A_209 : i32
      %add3A_211 = arith.constant 0 : i32
      %add3A_212 = arith.addi %mul3A_210, %add3A_211 : i32
      %dma_wait3A_213 = arith.constant 0 : i32
      %dma_wait3A_214 = tpu.memref_slice %arg6[%add3A_212, %dma_wait3A_213] : memref<80x128xi32, #tpu.memory_space<vmem>> -> memref<1x128xi32, #tpu.memory_space<vmem>>
      %dma_wait3A_215 = tpu.memref_squeeze %dma_wait3A_214 : memref<1x128xi32, #tpu.memory_space<vmem>> -> memref<128xi32, #tpu.memory_space<vmem>>
      %dma_wait3A_216 = arith.constant 0 : i32
      %dma_wait3A_217 = arith.constant 0 : i32
      %dma_wait3A_218 = tpu.memref_slice %arg8[%dma_wait3A_216, %dma_wait3A_217] : memref<10240x16xf32, #tpu.memory_space<vmem_shared>> -> memref<10240x16xf32, #tpu.memory_space<vmem_shared>>
      tpu.wait_indirect_dma semaphore(%arg9 : memref<!tpu.dma_semaphore, #tpu.memory_space<semaphore_mem>>) src(%arg7 : memref<128x16xf32, #tpu.memory_space<vmem>>) dst(%dma_wait3A_218 : memref<10240x16xf32, #tpu.memory_space<vmem_shared>>)
      %mul3A_219 = arith.constant 8 : i32
      %mul3A_220 = arith.muli %sub3A_208, %mul3A_219 : i32
      %add3A_221 = arith.constant 1 : i32
      %add3A_222 = arith.addi %mul3A_220, %add3A_221 : i32
      %dma_wait3A_223 = arith.constant 0 : i32
      %dma_wait3A_224 = tpu.memref_slice %arg6[%add3A_222, %dma_wait3A_223] : memref<80x128xi32, #tpu.memory_space<vmem>> -> memref<1x128xi32, #tpu.memory_space<vmem>>
      %dma_wait3A_225 = tpu.memref_squeeze %dma_wait3A_224 : memref<1x128xi32, #tpu.memory_space<vmem>> -> memref<128xi32, #tpu.memory_space<vmem>>
      %dma_wait3A_226 = arith.constant 0 : i32
      %dma_wait3A_227 = arith.constant 0 : i32
      %dma_wait3A_228 = tpu.memref_slice %arg8[%dma_wait3A_226, %dma_wait3A_227] : memref<10240x16xf32, #tpu.memory_space<vmem_shared>> -> memref<10240x16xf32, #tpu.memory_space<vmem_shared>>
      tpu.wait_indirect_dma semaphore(%arg9 : memref<!tpu.dma_semaphore, #tpu.memory_space<semaphore_mem>>) src(%arg7 : memref<128x16xf32, #tpu.memory_space<vmem>>) dst(%dma_wait3A_228 : memref<10240x16xf32, #tpu.memory_space<vmem_shared>>)
      %mul3A_229 = arith.constant 8 : i32
      %mul3A_230 = arith.muli %sub3A_208, %mul3A_229 : i32
      %add3A_231 = arith.constant 2 : i32
      %add3A_232 = arith.addi %mul3A_230, %add3A_231 : i32
      %dma_wait3A_233 = arith.constant 0 : i32
      %dma_wait3A_234 = tpu.memref_slice %arg6[%add3A_232, %dma_wait3A_233] : memref<80x128xi32, #tpu.memory_space<vmem>> -> memref<1x128xi32, #tpu.memory_space<vmem>>
      %dma_wait3A_235 = tpu.memref_squeeze %dma_wait3A_234 : memref<1x128xi32, #tpu.memory_space<vmem>> -> memref<128xi32, #tpu.memory_space<vmem>>
      %dma_wait3A_236 = arith.constant 0 : i32
      %dma_wait3A_237 = arith.constant 0 : i32
      %dma_wait3A_238 = tpu.memref_slice %arg8[%dma_wait3A_236, %dma_wait3A_237] : memref<10240x16xf32, #tpu.memory_space<vmem_shared>> -> memref<10240x16xf32, #tpu.memory_space<vmem_shared>>
      tpu.wait_indirect_dma semaphore(%arg9 : memref<!tpu.dma_semaphore, #tpu.memory_space<semaphore_mem>>) src(%arg7 : memref<128x16xf32, #tpu.memory_space<vmem>>) dst(%dma_wait3A_238 : memref<10240x16xf32, #tpu.memory_space<vmem_shared>>)
      %mul3A_239 = arith.constant 8 : i32
      %mul3A_240 = arith.muli %sub3A_208, %mul3A_239 : i32
      %add3A_241 = arith.constant 3 : i32
      %add3A_242 = arith.addi %mul3A_240, %add3A_241 : i32
      %dma_wait3A_243 = arith.constant 0 : i32
      %dma_wait3A_244 = tpu.memref_slice %arg6[%add3A_242, %dma_wait3A_243] : memref<80x128xi32, #tpu.memory_space<vmem>> -> memref<1x128xi32, #tpu.memory_space<vmem>>
      %dma_wait3A_245 = tpu.memref_squeeze %dma_wait3A_244 : memref<1x128xi32, #tpu.memory_space<vmem>> -> memref<128xi32, #tpu.memory_space<vmem>>
      %dma_wait3A_246 = arith.constant 0 : i32
      %dma_wait3A_247 = arith.constant 0 : i32
      %dma_wait3A_248 = tpu.memref_slice %arg8[%dma_wait3A_246, %dma_wait3A_247] : memref<10240x16xf32, #tpu.memory_space<vmem_shared>> -> memref<10240x16xf32, #tpu.memory_space<vmem_shared>>
      tpu.wait_indirect_dma semaphore(%arg9 : memref<!tpu.dma_semaphore, #tpu.memory_space<semaphore_mem>>) src(%arg7 : memref<128x16xf32, #tpu.memory_space<vmem>>) dst(%dma_wait3A_248 : memref<10240x16xf32, #tpu.memory_space<vmem_shared>>)
      %mul3A_249 = arith.constant 8 : i32
      %mul3A_250 = arith.muli %sub3A_208, %mul3A_249 : i32
      %add3A_251 = arith.constant 4 : i32
      %add3A_252 = arith.addi %mul3A_250, %add3A_251 : i32
      %dma_wait3A_253 = arith.constant 0 : i32
      %dma_wait3A_254 = tpu.memref_slice %arg6[%add3A_252, %dma_wait3A_253] : memref<80x128xi32, #tpu.memory_space<vmem>> -> memref<1x128xi32, #tpu.memory_space<vmem>>
      %dma_wait3A_255 = tpu.memref_squeeze %dma_wait3A_254 : memref<1x128xi32, #tpu.memory_space<vmem>> -> memref<128xi32, #tpu.memory_space<vmem>>
      %dma_wait3A_256 = arith.constant 0 : i32
      %dma_wait3A_257 = arith.constant 0 : i32
      %dma_wait3A_258 = tpu.memref_slice %arg8[%dma_wait3A_256, %dma_wait3A_257] : memref<10240x16xf32, #tpu.memory_space<vmem_shared>> -> memref<10240x16xf32, #tpu.memory_space<vmem_shared>>
      tpu.wait_indirect_dma semaphore(%arg9 : memref<!tpu.dma_semaphore, #tpu.memory_space<semaphore_mem>>) src(%arg7 : memref<128x16xf32, #tpu.memory_space<vmem>>) dst(%dma_wait3A_258 : memref<10240x16xf32, #tpu.memory_space<vmem_shared>>)
      %mul3A_259 = arith.constant 8 : i32
      %mul3A_260 = arith.muli %sub3A_208, %mul3A_259 : i32
      %add3A_261 = arith.constant 5 : i32
      %add3A_262 = arith.addi %mul3A_260, %add3A_261 : i32
      %dma_wait3A_263 = arith.constant 0 : i32
      %dma_wait3A_264 = tpu.memref_slice %arg6[%add3A_262, %dma_wait3A_263] : memref<80x128xi32, #tpu.memory_space<vmem>> -> memref<1x128xi32, #tpu.memory_space<vmem>>
      %dma_wait3A_265 = tpu.memref_squeeze %dma_wait3A_264 : memref<1x128xi32, #tpu.memory_space<vmem>> -> memref<128xi32, #tpu.memory_space<vmem>>
      %dma_wait3A_266 = arith.constant 0 : i32
      %dma_wait3A_267 = arith.constant 0 : i32
      %dma_wait3A_268 = tpu.memref_slice %arg8[%dma_wait3A_266, %dma_wait3A_267] : memref<10240x16xf32, #tpu.memory_space<vmem_shared>> -> memref<10240x16xf32, #tpu.memory_space<vmem_shared>>
      tpu.wait_indirect_dma semaphore(%arg9 : memref<!tpu.dma_semaphore, #tpu.memory_space<semaphore_mem>>) src(%arg7 : memref<128x16xf32, #tpu.memory_space<vmem>>) dst(%dma_wait3A_268 : memref<10240x16xf32, #tpu.memory_space<vmem_shared>>)
      %mul3A_269 = arith.constant 8 : i32
      %mul3A_270 = arith.muli %sub3A_208, %mul3A_269 : i32
      %add3A_271 = arith.constant 6 : i32
      %add3A_272 = arith.addi %mul3A_270, %add3A_271 : i32
      %dma_wait3A_273 = arith.constant 0 : i32
      %dma_wait3A_274 = tpu.memref_slice %arg6[%add3A_272, %dma_wait3A_273] : memref<80x128xi32, #tpu.memory_space<vmem>> -> memref<1x128xi32, #tpu.memory_space<vmem>>
      %dma_wait3A_275 = tpu.memref_squeeze %dma_wait3A_274 : memref<1x128xi32, #tpu.memory_space<vmem>> -> memref<128xi32, #tpu.memory_space<vmem>>
      %dma_wait3A_276 = arith.constant 0 : i32
      %dma_wait3A_277 = arith.constant 0 : i32
      %dma_wait3A_278 = tpu.memref_slice %arg8[%dma_wait3A_276, %dma_wait3A_277] : memref<10240x16xf32, #tpu.memory_space<vmem_shared>> -> memref<10240x16xf32, #tpu.memory_space<vmem_shared>>
      tpu.wait_indirect_dma semaphore(%arg9 : memref<!tpu.dma_semaphore, #tpu.memory_space<semaphore_mem>>) src(%arg7 : memref<128x16xf32, #tpu.memory_space<vmem>>) dst(%dma_wait3A_278 : memref<10240x16xf32, #tpu.memory_space<vmem_shared>>)
      %mul3A_279 = arith.constant 8 : i32
      %mul3A_280 = arith.muli %sub3A_208, %mul3A_279 : i32
      %add3A_281 = arith.constant 7 : i32
      %add3A_282 = arith.addi %mul3A_280, %add3A_281 : i32
      %dma_wait3A_283 = arith.constant 0 : i32
      %dma_wait3A_284 = tpu.memref_slice %arg6[%add3A_282, %dma_wait3A_283] : memref<80x128xi32, #tpu.memory_space<vmem>> -> memref<1x128xi32, #tpu.memory_space<vmem>>
      %dma_wait3A_285 = tpu.memref_squeeze %dma_wait3A_284 : memref<1x128xi32, #tpu.memory_space<vmem>> -> memref<128xi32, #tpu.memory_space<vmem>>
      %dma_wait3A_286 = arith.constant 0 : i32
      %dma_wait3A_287 = arith.constant 0 : i32
      %dma_wait3A_288 = tpu.memref_slice %arg8[%dma_wait3A_286, %dma_wait3A_287] : memref<10240x16xf32, #tpu.memory_space<vmem_shared>> -> memref<10240x16xf32, #tpu.memory_space<vmem_shared>>
      tpu.wait_indirect_dma semaphore(%arg9 : memref<!tpu.dma_semaphore, #tpu.memory_space<semaphore_mem>>) src(%arg7 : memref<128x16xf32, #tpu.memory_space<vmem>>) dst(%dma_wait3A_288 : memref<10240x16xf32, #tpu.memory_space<vmem_shared>>)
    }
    %scan3A_66 = arith.constant 9 : i32
    %dma_wait3A = arith.constant 72 : i32
    %dma_wait3A_67 = arith.constant 0 : i32
    %dma_wait3A_68 = tpu.memref_slice %arg6[%dma_wait3A, %dma_wait3A_67] : memref<80x128xi32, #tpu.memory_space<vmem>> -> memref<1x128xi32, #tpu.memory_space<vmem>>
    %dma_wait3A_69 = tpu.memref_squeeze %dma_wait3A_68 : memref<1x128xi32, #tpu.memory_space<vmem>> -> memref<128xi32, #tpu.memory_space<vmem>>
    %dma_wait3A_70 = arith.constant 0 : i32
    %dma_wait3A_71 = arith.constant 0 : i32
    %dma_wait3A_72 = tpu.memref_slice %arg8[%dma_wait3A_70, %dma_wait3A_71] : memref<10240x16xf32, #tpu.memory_space<vmem_shared>> -> memref<10240x16xf32, #tpu.memory_space<vmem_shared>>
    tpu.wait_indirect_dma semaphore(%arg9 : memref<!tpu.dma_semaphore, #tpu.memory_space<semaphore_mem>>) src(%arg7 : memref<128x16xf32, #tpu.memory_space<vmem>>) dst(%dma_wait3A_72 : memref<10240x16xf32, #tpu.memory_space<vmem_shared>>)
    %dma_wait3A_73 = arith.constant 73 : i32
    %dma_wait3A_74 = arith.constant 0 : i32
    %dma_wait3A_75 = tpu.memref_slice %arg6[%dma_wait3A_73, %dma_wait3A_74] : memref<80x128xi32, #tpu.memory_space<vmem>> -> memref<1x128xi32, #tpu.memory_space<vmem>>
    %dma_wait3A_76 = tpu.memref_squeeze %dma_wait3A_75 : memref<1x128xi32, #tpu.memory_space<vmem>> -> memref<128xi32, #tpu.memory_space<vmem>>
    %dma_wait3A_77 = arith.constant 0 : i32
    %dma_wait3A_78 = arith.constant 0 : i32
    %dma_wait3A_79 = tpu.memref_slice %arg8[%dma_wait3A_77, %dma_wait3A_78] : memref<10240x16xf32, #tpu.memory_space<vmem_shared>> -> memref<10240x16xf32, #tpu.memory_space<vmem_shared>>
    tpu.wait_indirect_dma semaphore(%arg9 : memref<!tpu.dma_semaphore, #tpu.memory_space<semaphore_mem>>) src(%arg7 : memref<128x16xf32, #tpu.memory_space<vmem>>) dst(%dma_wait3A_79 : memref<10240x16xf32, #tpu.memory_space<vmem_shared>>)
    %dma_wait3A_80 = arith.constant 74 : i32
    %dma_wait3A_81 = arith.constant 0 : i32
    %dma_wait3A_82 = tpu.memref_slice %arg6[%dma_wait3A_80, %dma_wait3A_81] : memref<80x128xi32, #tpu.memory_space<vmem>> -> memref<1x128xi32, #tpu.memory_space<vmem>>
    %dma_wait3A_83 = tpu.memref_squeeze %dma_wait3A_82 : memref<1x128xi32, #tpu.memory_space<vmem>> -> memref<128xi32, #tpu.memory_space<vmem>>
    %dma_wait3A_84 = arith.constant 0 : i32
    %dma_wait3A_85 = arith.constant 0 : i32
    %dma_wait3A_86 = tpu.memref_slice %arg8[%dma_wait3A_84, %dma_wait3A_85] : memref<10240x16xf32, #tpu.memory_space<vmem_shared>> -> memref<10240x16xf32, #tpu.memory_space<vmem_shared>>
    tpu.wait_indirect_dma semaphore(%arg9 : memref<!tpu.dma_semaphore, #tpu.memory_space<semaphore_mem>>) src(%arg7 : memref<128x16xf32, #tpu.memory_space<vmem>>) dst(%dma_wait3A_86 : memref<10240x16xf32, #tpu.memory_space<vmem_shared>>)
    %dma_wait3A_87 = arith.constant 75 : i32
    %dma_wait3A_88 = arith.constant 0 : i32
    %dma_wait3A_89 = tpu.memref_slice %arg6[%dma_wait3A_87, %dma_wait3A_88] : memref<80x128xi32, #tpu.memory_space<vmem>> -> memref<1x128xi32, #tpu.memory_space<vmem>>
    %dma_wait3A_90 = tpu.memref_squeeze %dma_wait3A_89 : memref<1x128xi32, #tpu.memory_space<vmem>> -> memref<128xi32, #tpu.memory_space<vmem>>
    %dma_wait3A_91 = arith.constant 0 : i32
    %dma_wait3A_92 = arith.constant 0 : i32
    %dma_wait3A_93 = tpu.memref_slice %arg8[%dma_wait3A_91, %dma_wait3A_92] : memref<10240x16xf32, #tpu.memory_space<vmem_shared>> -> memref<10240x16xf32, #tpu.memory_space<vmem_shared>>
    tpu.wait_indirect_dma semaphore(%arg9 : memref<!tpu.dma_semaphore, #tpu.memory_space<semaphore_mem>>) src(%arg7 : memref<128x16xf32, #tpu.memory_space<vmem>>) dst(%dma_wait3A_93 : memref<10240x16xf32, #tpu.memory_space<vmem_shared>>)
    %dma_wait3A_94 = arith.constant 76 : i32
    %dma_wait3A_95 = arith.constant 0 : i32
    %dma_wait3A_96 = tpu.memref_slice %arg6[%dma_wait3A_94, %dma_wait3A_95] : memref<80x128xi32, #tpu.memory_space<vmem>> -> memref<1x128xi32, #tpu.memory_space<vmem>>
    %dma_wait3A_97 = tpu.memref_squeeze %dma_wait3A_96 : memref<1x128xi32, #tpu.memory_space<vmem>> -> memref<128xi32, #tpu.memory_space<vmem>>
    %dma_wait3A_98 = arith.constant 0 : i32
    %dma_wait3A_99 = arith.constant 0 : i32
    %dma_wait3A_100 = tpu.memref_slice %arg8[%dma_wait3A_98, %dma_wait3A_99] : memref<10240x16xf32, #tpu.memory_space<vmem_shared>> -> memref<10240x16xf32, #tpu.memory_space<vmem_shared>>
    tpu.wait_indirect_dma semaphore(%arg9 : memref<!tpu.dma_semaphore, #tpu.memory_space<semaphore_mem>>) src(%arg7 : memref<128x16xf32, #tpu.memory_space<vmem>>) dst(%dma_wait3A_100 : memref<10240x16xf32, #tpu.memory_space<vmem_shared>>)
    %dma_wait3A_101 = arith.constant 77 : i32
    %dma_wait3A_102 = arith.constant 0 : i32
    %dma_wait3A_103 = tpu.memref_slice %arg6[%dma_wait3A_101, %dma_wait3A_102] : memref<80x128xi32, #tpu.memory_space<vmem>> -> memref<1x128xi32, #tpu.memory_space<vmem>>
    %dma_wait3A_104 = tpu.memref_squeeze %dma_wait3A_103 : memref<1x128xi32, #tpu.memory_space<vmem>> -> memref<128xi32, #tpu.memory_space<vmem>>
    %dma_wait3A_105 = arith.constant 0 : i32
    %dma_wait3A_106 = arith.constant 0 : i32
    %dma_wait3A_107 = tpu.memref_slice %arg8[%dma_wait3A_105, %dma_wait3A_106] : memref<10240x16xf32, #tpu.memory_space<vmem_shared>> -> memref<10240x16xf32, #tpu.memory_space<vmem_shared>>
    tpu.wait_indirect_dma semaphore(%arg9 : memref<!tpu.dma_semaphore, #tpu.memory_space<semaphore_mem>>) src(%arg7 : memref<128x16xf32, #tpu.memory_space<vmem>>) dst(%dma_wait3A_107 : memref<10240x16xf32, #tpu.memory_space<vmem_shared>>)
    %dma_wait3A_108 = arith.constant 78 : i32
    %dma_wait3A_109 = arith.constant 0 : i32
    %dma_wait3A_110 = tpu.memref_slice %arg6[%dma_wait3A_108, %dma_wait3A_109] : memref<80x128xi32, #tpu.memory_space<vmem>> -> memref<1x128xi32, #tpu.memory_space<vmem>>
    %dma_wait3A_111 = tpu.memref_squeeze %dma_wait3A_110 : memref<1x128xi32, #tpu.memory_space<vmem>> -> memref<128xi32, #tpu.memory_space<vmem>>
    %dma_wait3A_112 = arith.constant 0 : i32
    %dma_wait3A_113 = arith.constant 0 : i32
    %dma_wait3A_114 = tpu.memref_slice %arg8[%dma_wait3A_112, %dma_wait3A_113] : memref<10240x16xf32, #tpu.memory_space<vmem_shared>> -> memref<10240x16xf32, #tpu.memory_space<vmem_shared>>
    tpu.wait_indirect_dma semaphore(%arg9 : memref<!tpu.dma_semaphore, #tpu.memory_space<semaphore_mem>>) src(%arg7 : memref<128x16xf32, #tpu.memory_space<vmem>>) dst(%dma_wait3A_114 : memref<10240x16xf32, #tpu.memory_space<vmem_shared>>)
    %dma_wait3A_115 = arith.constant 79 : i32
    %dma_wait3A_116 = arith.constant 0 : i32
    %dma_wait3A_117 = tpu.memref_slice %arg6[%dma_wait3A_115, %dma_wait3A_116] : memref<80x128xi32, #tpu.memory_space<vmem>> -> memref<1x128xi32, #tpu.memory_space<vmem>>
    %dma_wait3A_118 = tpu.memref_squeeze %dma_wait3A_117 : memref<1x128xi32, #tpu.memory_space<vmem>> -> memref<128xi32, #tpu.memory_space<vmem>>
    %dma_wait3A_119 = arith.constant 0 : i32
    %dma_wait3A_120 = arith.constant 0 : i32
    %dma_wait3A_121 = tpu.memref_slice %arg8[%dma_wait3A_119, %dma_wait3A_120] : memref<10240x16xf32, #tpu.memory_space<vmem_shared>> -> memref<10240x16xf32, #tpu.memory_space<vmem_shared>>
    tpu.wait_indirect_dma semaphore(%arg9 : memref<!tpu.dma_semaphore, #tpu.memory_space<semaphore_mem>>) src(%arg7 : memref<128x16xf32, #tpu.memory_space<vmem>>) dst(%dma_wait3A_121 : memref<10240x16xf32, #tpu.memory_space<vmem_shared>>)
    %barrier3A_122 = arith.constant 0 : index
    tpu.barrier barrier_id(%barrier3A_122)
    %mul3A_123 = arith.constant 640 : i32
    %mul3A_124 = arith.muli %arg1, %mul3A_123 : i32
    %mul3A_125 = arith.constant 640 : i32
    %mul3A_126 = arith.muli %arg1, %mul3A_125 : i32
    "tpu.region"() ({
      %run_scoped3A_127 = tpu.sem_alloc : memref<!tpu.dma_semaphore, #tpu.memory_space<semaphore_mem>>
      %dma_start3A_128 = arith.constant 0 : i32
      %dma_start3A_129 = tpu.memref_slice %arg5[%arg0, %mul3A_126, %dma_start3A_128] : memref<2x10240x16xf32, #tpu.memory_space<hbm>> -> memref<1x640x16xf32, #tpu.memory_space<hbm>>
      %dma_start3A_130 = tpu.memref_squeeze %dma_start3A_129 : memref<1x640x16xf32, #tpu.memory_space<hbm>> -> memref<640x16xf32, #tpu.memory_space<hbm>>
      %dma_start3A_131 = arith.constant 0 : i32
      %dma_start3A_132 = tpu.memref_slice %arg8[%mul3A_124, %dma_start3A_131] : memref<10240x16xf32, #tpu.memory_space<vmem_shared>> -> memref<640x16xf32, #tpu.memory_space<vmem_shared>>
      tpu.enqueue_dma source(%dma_start3A_132 : memref<640x16xf32, #tpu.memory_space<vmem_shared>>) target(%dma_start3A_130 : memref<640x16xf32, #tpu.memory_space<hbm>>) target_semaphore(%run_scoped3A_127 : memref<!tpu.dma_semaphore, #tpu.memory_space<semaphore_mem>>)
      %dma_wait3A_133 = arith.constant 0 : i32
      %dma_wait3A_134 = tpu.memref_slice %arg5[%arg0, %mul3A_126, %dma_wait3A_133] : memref<2x10240x16xf32, #tpu.memory_space<hbm>> -> memref<1x640x16xf32, #tpu.memory_space<hbm>>
      %dma_wait3A_135 = tpu.memref_squeeze %dma_wait3A_134 : memref<1x640x16xf32, #tpu.memory_space<hbm>> -> memref<640x16xf32, #tpu.memory_space<hbm>>
      %dma_wait3A_136 = arith.constant 0 : i32
      %dma_wait3A_137 = tpu.memref_slice %arg8[%mul3A_124, %dma_wait3A_136] : memref<10240x16xf32, #tpu.memory_space<vmem_shared>> -> memref<640x16xf32, #tpu.memory_space<vmem_shared>>
      tpu.wait_dma2 semaphore(%run_scoped3A_127 : memref<!tpu.dma_semaphore, #tpu.memory_space<semaphore_mem>>) src(%dma_wait3A_137 : memref<640x16xf32, #tpu.memory_space<vmem_shared>>) dst(%dma_wait3A_135 : memref<640x16xf32, #tpu.memory_space<hbm>>)
      tpu.yield
    }) : () -> ()
    return
  }
}

#map = affine_map<(d0, d1) -> (0, 0)>
#map1 = affine_map<(d0, d1) -> (0, 0, 0)>
module attributes {stable_mosaic.version = 14 : i64} {
  func.func @agg(%arg0: i32, %arg1: i32, %arg2: memref<10000x16xbf16, #tpu.memory_space<hbm>>, %arg3: memref<10000x16xbf16, #tpu.memory_space<hbm>>, %arg4: memref<2x2560x128xi32, #tpu.memory_space<hbm>>, %arg5: memref<2x10240x16xbf16, #tpu.memory_space<hbm>>, %arg6: memref<80x128xi32, #tpu.memory_space<vmem>>, %arg7: memref<80x128xi32, #tpu.memory_space<vmem>>, %arg8: memref<2x8x128x16xbf16, #tpu.memory_space<vmem>>, %arg9: memref<10240x16xbf16, #tpu.memory_space<vmem_shared>>, %arg10: memref<!tpu.dma_semaphore, #tpu.memory_space<semaphore_mem>>, %arg11: memref<!tpu.dma_semaphore, #tpu.memory_space<semaphore_mem>>) attributes {dimension_semantics = [#tpu.dimension_semantics<core_parallel>, #tpu.dimension_semantics<subcore_parallel>], iteration_bounds = array<i64: 2, 16>, scalar_prefetch = 0 : i64, scratch_operands = 6 : i64, tpu.core_type = #tpu.core_type<sc_vector_subcore>, window_params = [{transform_indices = #map}, {transform_indices = #map}, {transform_indices = #map1}, {transform_indices = #map1}]} {
    %mul3A = arith.constant 2 : i32
    %mul3A_0 = arith.muli %arg1, %mul3A : i32
    %add3A = arith.addi %mul3A_0, %arg0 : i32
    %eq3A = arith.constant 0 : i32
    %eq3A_1 = arith.cmpi eq, %arg0, %eq3A : i32
    %convert_element_type3A = arith.extui %eq3A_1 : i1 to i32
    %cond3A = arith.constant 0 : i32
    %cond3A_2 = arith.cmpi ne, %convert_element_type3A, %cond3A : i32
    scf.if %cond3A_2 {
      %mul3A_850 = arith.constant 624 : i32
      %mul3A_851 = arith.muli %arg1, %mul3A_850 : i32
      %mul3A_852 = arith.constant 624 : i32
      %mul3A_853 = arith.muli %arg1, %mul3A_852 : i32
      "tpu.region"() ({
        %run_scoped3A_859 = tpu.sem_alloc : memref<!tpu.dma_semaphore, #tpu.memory_space<semaphore_mem>>
        %dma_start3A_860 = arith.constant 0 : i32
        %dma_start3A_861 = tpu.memref_slice %arg9[%mul3A_853, %dma_start3A_860] : memref<10240x16xbf16, #tpu.memory_space<vmem_shared>> -> memref<624x16xbf16, #tpu.memory_space<vmem_shared>>
        %dma_start3A_862 = arith.constant 0 : i32
        %dma_start3A_863 = tpu.memref_slice %arg2[%mul3A_851, %dma_start3A_862] : memref<10000x16xbf16, #tpu.memory_space<hbm>> -> memref<624x16xbf16, #tpu.memory_space<hbm>>
        tpu.enqueue_dma source(%dma_start3A_863 : memref<624x16xbf16, #tpu.memory_space<hbm>>) target(%dma_start3A_861 : memref<624x16xbf16, #tpu.memory_space<vmem_shared>>) target_semaphore(%run_scoped3A_859 : memref<!tpu.dma_semaphore, #tpu.memory_space<semaphore_mem>>)
        %dma_wait3A_864 = arith.constant 0 : i32
        %dma_wait3A_865 = tpu.memref_slice %arg9[%mul3A_853, %dma_wait3A_864] : memref<10240x16xbf16, #tpu.memory_space<vmem_shared>> -> memref<624x16xbf16, #tpu.memory_space<vmem_shared>>
        %dma_wait3A_866 = arith.constant 0 : i32
        %dma_wait3A_867 = tpu.memref_slice %arg2[%mul3A_851, %dma_wait3A_866] : memref<10000x16xbf16, #tpu.memory_space<hbm>> -> memref<624x16xbf16, #tpu.memory_space<hbm>>
        tpu.wait_dma2 semaphore(%run_scoped3A_859 : memref<!tpu.dma_semaphore, #tpu.memory_space<semaphore_mem>>) src(%dma_wait3A_867 : memref<624x16xbf16, #tpu.memory_space<hbm>>) dst(%dma_wait3A_865 : memref<624x16xbf16, #tpu.memory_space<vmem_shared>>)
        tpu.yield
      }) : () -> ()
      %eq3A_854 = arith.constant 15 : i32
      %eq3A_855 = arith.cmpi eq, %arg1, %eq3A_854 : i32
      %convert_element_type3A_856 = arith.extui %eq3A_855 : i1 to i32
      %cond3A_857 = arith.constant 0 : i32
      %cond3A_858 = arith.cmpi ne, %convert_element_type3A_856, %cond3A_857 : i32
      scf.if %cond3A_858 {
        "tpu.region"() ({
          %run_scoped3A_859 = tpu.sem_alloc : memref<!tpu.dma_semaphore, #tpu.memory_space<semaphore_mem>>
          %dma_start3A_860 = arith.constant 9984 : i32
          %dma_start3A_861 = arith.constant 0 : i32
          %dma_start3A_862 = tpu.memref_slice %arg9[%dma_start3A_860, %dma_start3A_861] : memref<10240x16xbf16, #tpu.memory_space<vmem_shared>> -> memref<16x16xbf16, #tpu.memory_space<vmem_shared>>
          %dma_start3A_863 = arith.constant 9984 : i32
          %dma_start3A_864 = arith.constant 0 : i32
          %dma_start3A_865 = tpu.memref_slice %arg2[%dma_start3A_863, %dma_start3A_864] : memref<10000x16xbf16, #tpu.memory_space<hbm>> -> memref<16x16xbf16, #tpu.memory_space<hbm>>
          tpu.enqueue_dma source(%dma_start3A_865 : memref<16x16xbf16, #tpu.memory_space<hbm>>) target(%dma_start3A_862 : memref<16x16xbf16, #tpu.memory_space<vmem_shared>>) target_semaphore(%run_scoped3A_859 : memref<!tpu.dma_semaphore, #tpu.memory_space<semaphore_mem>>)
          %dma_wait3A_866 = arith.constant 9984 : i32
          %dma_wait3A_867 = arith.constant 0 : i32
          %dma_wait3A_868 = tpu.memref_slice %arg9[%dma_wait3A_866, %dma_wait3A_867] : memref<10240x16xbf16, #tpu.memory_space<vmem_shared>> -> memref<16x16xbf16, #tpu.memory_space<vmem_shared>>
          %dma_wait3A_869 = arith.constant 9984 : i32
          %dma_wait3A_870 = arith.constant 0 : i32
          %dma_wait3A_871 = tpu.memref_slice %arg2[%dma_wait3A_869, %dma_wait3A_870] : memref<10000x16xbf16, #tpu.memory_space<hbm>> -> memref<16x16xbf16, #tpu.memory_space<hbm>>
          tpu.wait_dma2 semaphore(%run_scoped3A_859 : memref<!tpu.dma_semaphore, #tpu.memory_space<semaphore_mem>>) src(%dma_wait3A_871 : memref<16x16xbf16, #tpu.memory_space<hbm>>) dst(%dma_wait3A_868 : memref<16x16xbf16, #tpu.memory_space<vmem_shared>>)
          tpu.yield
        }) : () -> ()
      } else {
      }
    } else {
    }
    %ne3A = arith.constant 0 : i32
    %ne3A_3 = arith.cmpi ne, %arg0, %ne3A : i32
    %convert_element_type3A_4 = arith.extui %ne3A_3 : i1 to i32
    %cond3A_5 = arith.constant 0 : i32
    %cond3A_6 = arith.cmpi ne, %convert_element_type3A_4, %cond3A_5 : i32
    scf.if %cond3A_6 {
      %mul3A_850 = arith.constant 624 : i32
      %mul3A_851 = arith.muli %arg1, %mul3A_850 : i32
      %mul3A_852 = arith.constant 624 : i32
      %mul3A_853 = arith.muli %arg1, %mul3A_852 : i32
      "tpu.region"() ({
        %run_scoped3A_859 = tpu.sem_alloc : memref<!tpu.dma_semaphore, #tpu.memory_space<semaphore_mem>>
        %dma_start3A_860 = arith.constant 0 : i32
        %dma_start3A_861 = tpu.memref_slice %arg9[%mul3A_853, %dma_start3A_860] : memref<10240x16xbf16, #tpu.memory_space<vmem_shared>> -> memref<624x16xbf16, #tpu.memory_space<vmem_shared>>
        %dma_start3A_862 = arith.constant 0 : i32
        %dma_start3A_863 = tpu.memref_slice %arg3[%mul3A_851, %dma_start3A_862] : memref<10000x16xbf16, #tpu.memory_space<hbm>> -> memref<624x16xbf16, #tpu.memory_space<hbm>>
        tpu.enqueue_dma source(%dma_start3A_863 : memref<624x16xbf16, #tpu.memory_space<hbm>>) target(%dma_start3A_861 : memref<624x16xbf16, #tpu.memory_space<vmem_shared>>) target_semaphore(%run_scoped3A_859 : memref<!tpu.dma_semaphore, #tpu.memory_space<semaphore_mem>>)
        %dma_wait3A_864 = arith.constant 0 : i32
        %dma_wait3A_865 = tpu.memref_slice %arg9[%mul3A_853, %dma_wait3A_864] : memref<10240x16xbf16, #tpu.memory_space<vmem_shared>> -> memref<624x16xbf16, #tpu.memory_space<vmem_shared>>
        %dma_wait3A_866 = arith.constant 0 : i32
        %dma_wait3A_867 = tpu.memref_slice %arg3[%mul3A_851, %dma_wait3A_866] : memref<10000x16xbf16, #tpu.memory_space<hbm>> -> memref<624x16xbf16, #tpu.memory_space<hbm>>
        tpu.wait_dma2 semaphore(%run_scoped3A_859 : memref<!tpu.dma_semaphore, #tpu.memory_space<semaphore_mem>>) src(%dma_wait3A_867 : memref<624x16xbf16, #tpu.memory_space<hbm>>) dst(%dma_wait3A_865 : memref<624x16xbf16, #tpu.memory_space<vmem_shared>>)
        tpu.yield
      }) : () -> ()
      %eq3A_854 = arith.constant 15 : i32
      %eq3A_855 = arith.cmpi eq, %arg1, %eq3A_854 : i32
      %convert_element_type3A_856 = arith.extui %eq3A_855 : i1 to i32
      %cond3A_857 = arith.constant 0 : i32
      %cond3A_858 = arith.cmpi ne, %convert_element_type3A_856, %cond3A_857 : i32
      scf.if %cond3A_858 {
        "tpu.region"() ({
          %run_scoped3A_859 = tpu.sem_alloc : memref<!tpu.dma_semaphore, #tpu.memory_space<semaphore_mem>>
          %dma_start3A_860 = arith.constant 9984 : i32
          %dma_start3A_861 = arith.constant 0 : i32
          %dma_start3A_862 = tpu.memref_slice %arg9[%dma_start3A_860, %dma_start3A_861] : memref<10240x16xbf16, #tpu.memory_space<vmem_shared>> -> memref<16x16xbf16, #tpu.memory_space<vmem_shared>>
          %dma_start3A_863 = arith.constant 9984 : i32
          %dma_start3A_864 = arith.constant 0 : i32
          %dma_start3A_865 = tpu.memref_slice %arg3[%dma_start3A_863, %dma_start3A_864] : memref<10000x16xbf16, #tpu.memory_space<hbm>> -> memref<16x16xbf16, #tpu.memory_space<hbm>>
          tpu.enqueue_dma source(%dma_start3A_865 : memref<16x16xbf16, #tpu.memory_space<hbm>>) target(%dma_start3A_862 : memref<16x16xbf16, #tpu.memory_space<vmem_shared>>) target_semaphore(%run_scoped3A_859 : memref<!tpu.dma_semaphore, #tpu.memory_space<semaphore_mem>>)
          %dma_wait3A_866 = arith.constant 9984 : i32
          %dma_wait3A_867 = arith.constant 0 : i32
          %dma_wait3A_868 = tpu.memref_slice %arg9[%dma_wait3A_866, %dma_wait3A_867] : memref<10240x16xbf16, #tpu.memory_space<vmem_shared>> -> memref<16x16xbf16, #tpu.memory_space<vmem_shared>>
          %dma_wait3A_869 = arith.constant 9984 : i32
          %dma_wait3A_870 = arith.constant 0 : i32
          %dma_wait3A_871 = tpu.memref_slice %arg3[%dma_wait3A_869, %dma_wait3A_870] : memref<10000x16xbf16, #tpu.memory_space<hbm>> -> memref<16x16xbf16, #tpu.memory_space<hbm>>
          tpu.wait_dma2 semaphore(%run_scoped3A_859 : memref<!tpu.dma_semaphore, #tpu.memory_space<semaphore_mem>>) src(%dma_wait3A_871 : memref<16x16xbf16, #tpu.memory_space<hbm>>) dst(%dma_wait3A_868 : memref<16x16xbf16, #tpu.memory_space<vmem_shared>>)
          tpu.yield
        }) : () -> ()
      } else {
      }
    } else {
    }
    %mul3A_7 = arith.constant 80 : i32
    %mul3A_8 = arith.muli %add3A, %mul3A_7 : i32
    %run_scoped3A = arith.constant 0 : i32
    "tpu.region"() ({
      %run_scoped3A_850 = tpu.sem_alloc : memref<!tpu.dma_semaphore, #tpu.memory_space<semaphore_mem>>
      %dma_start3A_851 = arith.constant 0 : i32
      %dma_start3A_852 = tpu.memref_slice %arg4[%run_scoped3A, %mul3A_8, %dma_start3A_851] : memref<2x2560x128xi32, #tpu.memory_space<hbm>> -> memref<1x80x128xi32, #tpu.memory_space<hbm>>
      %dma_start3A_853 = tpu.memref_squeeze %dma_start3A_852 : memref<1x80x128xi32, #tpu.memory_space<hbm>> -> memref<80x128xi32, #tpu.memory_space<hbm>>
      %dma_start3A_854 = arith.constant 0 : i32
      %dma_start3A_855 = tpu.memref_slice %arg4[%run_scoped3A, %mul3A_8, %dma_start3A_854] : memref<2x2560x128xi32, #tpu.memory_space<hbm>> -> memref<1x80x128xi32, #tpu.memory_space<hbm>>
      %dma_start3A_856 = tpu.memref_squeeze %dma_start3A_855 : memref<1x80x128xi32, #tpu.memory_space<hbm>> -> memref<80x128xi32, #tpu.memory_space<hbm>>
      tpu.enqueue_dma source(%dma_start3A_856 : memref<80x128xi32, #tpu.memory_space<hbm>>) target(%arg6 : memref<80x128xi32, #tpu.memory_space<vmem>>) target_semaphore(%run_scoped3A_850 : memref<!tpu.dma_semaphore, #tpu.memory_space<semaphore_mem>>)
      %dma_wait3A_857 = arith.constant 0 : i32
      %dma_wait3A_858 = tpu.memref_slice %arg4[%run_scoped3A, %mul3A_8, %dma_wait3A_857] : memref<2x2560x128xi32, #tpu.memory_space<hbm>> -> memref<1x80x128xi32, #tpu.memory_space<hbm>>
      %dma_wait3A_859 = tpu.memref_squeeze %dma_wait3A_858 : memref<1x80x128xi32, #tpu.memory_space<hbm>> -> memref<80x128xi32, #tpu.memory_space<hbm>>
      %dma_wait3A_860 = arith.constant 0 : i32
      %dma_wait3A_861 = tpu.memref_slice %arg4[%run_scoped3A, %mul3A_8, %dma_wait3A_860] : memref<2x2560x128xi32, #tpu.memory_space<hbm>> -> memref<1x80x128xi32, #tpu.memory_space<hbm>>
      %dma_wait3A_862 = tpu.memref_squeeze %dma_wait3A_861 : memref<1x80x128xi32, #tpu.memory_space<hbm>> -> memref<80x128xi32, #tpu.memory_space<hbm>>
      tpu.wait_dma2 semaphore(%run_scoped3A_850 : memref<!tpu.dma_semaphore, #tpu.memory_space<semaphore_mem>>) src(%dma_wait3A_862 : memref<80x128xi32, #tpu.memory_space<hbm>>) dst(%arg6 : memref<80x128xi32, #tpu.memory_space<vmem>>)
      tpu.yield
    }) : () -> ()
    %run_scoped3A_9 = arith.constant 1 : i32
    "tpu.region"() ({
      %run_scoped3A_850 = tpu.sem_alloc : memref<!tpu.dma_semaphore, #tpu.memory_space<semaphore_mem>>
      %dma_start3A_851 = arith.constant 0 : i32
      %dma_start3A_852 = tpu.memref_slice %arg4[%run_scoped3A_9, %mul3A_8, %dma_start3A_851] : memref<2x2560x128xi32, #tpu.memory_space<hbm>> -> memref<1x80x128xi32, #tpu.memory_space<hbm>>
      %dma_start3A_853 = tpu.memref_squeeze %dma_start3A_852 : memref<1x80x128xi32, #tpu.memory_space<hbm>> -> memref<80x128xi32, #tpu.memory_space<hbm>>
      %dma_start3A_854 = arith.constant 0 : i32
      %dma_start3A_855 = tpu.memref_slice %arg4[%run_scoped3A_9, %mul3A_8, %dma_start3A_854] : memref<2x2560x128xi32, #tpu.memory_space<hbm>> -> memref<1x80x128xi32, #tpu.memory_space<hbm>>
      %dma_start3A_856 = tpu.memref_squeeze %dma_start3A_855 : memref<1x80x128xi32, #tpu.memory_space<hbm>> -> memref<80x128xi32, #tpu.memory_space<hbm>>
      tpu.enqueue_dma source(%dma_start3A_856 : memref<80x128xi32, #tpu.memory_space<hbm>>) target(%arg7 : memref<80x128xi32, #tpu.memory_space<vmem>>) target_semaphore(%run_scoped3A_850 : memref<!tpu.dma_semaphore, #tpu.memory_space<semaphore_mem>>)
      %dma_wait3A_857 = arith.constant 0 : i32
      %dma_wait3A_858 = tpu.memref_slice %arg4[%run_scoped3A_9, %mul3A_8, %dma_wait3A_857] : memref<2x2560x128xi32, #tpu.memory_space<hbm>> -> memref<1x80x128xi32, #tpu.memory_space<hbm>>
      %dma_wait3A_859 = tpu.memref_squeeze %dma_wait3A_858 : memref<1x80x128xi32, #tpu.memory_space<hbm>> -> memref<80x128xi32, #tpu.memory_space<hbm>>
      %dma_wait3A_860 = arith.constant 0 : i32
      %dma_wait3A_861 = tpu.memref_slice %arg4[%run_scoped3A_9, %mul3A_8, %dma_wait3A_860] : memref<2x2560x128xi32, #tpu.memory_space<hbm>> -> memref<1x80x128xi32, #tpu.memory_space<hbm>>
      %dma_wait3A_862 = tpu.memref_squeeze %dma_wait3A_861 : memref<1x80x128xi32, #tpu.memory_space<hbm>> -> memref<80x128xi32, #tpu.memory_space<hbm>>
      tpu.wait_dma2 semaphore(%run_scoped3A_850 : memref<!tpu.dma_semaphore, #tpu.memory_space<semaphore_mem>>) src(%dma_wait3A_862 : memref<80x128xi32, #tpu.memory_space<hbm>>) dst(%arg7 : memref<80x128xi32, #tpu.memory_space<vmem>>)
      tpu.yield
    }) : () -> ()
    %barrier3A = arith.constant 0 : index
    tpu.barrier barrier_id(%barrier3A)
    %dma_start3A = arith.constant 0 : i32
    %dma_start3A_10 = arith.constant 0 : i32
    %dma_start3A_11 = arith.constant 0 : i32
    %dma_start3A_12 = arith.constant 0 : i32
    %dma_start3A_13 = arith.constant 0 : i32
    %dma_start3A_14 = tpu.memref_slice %arg8[%dma_start3A_10, %dma_start3A_11, %dma_start3A_12, %dma_start3A_13] : memref<2x8x128x16xbf16, #tpu.memory_space<vmem>> -> memref<1x1x128x16xbf16, #tpu.memory_space<vmem>>
    %dma_start3A_15 = tpu.memref_squeeze %dma_start3A_14 : memref<1x1x128x16xbf16, #tpu.memory_space<vmem>> -> memref<128x16xbf16, #tpu.memory_space<vmem>>
    %dma_start3A_16 = arith.constant 0 : i32
    %dma_start3A_17 = tpu.memref_slice %arg6[%dma_start3A, %dma_start3A_16] : memref<80x128xi32, #tpu.memory_space<vmem>> -> memref<1x128xi32, #tpu.memory_space<vmem>>
    %dma_start3A_18 = tpu.memref_squeeze %dma_start3A_17 : memref<1x128xi32, #tpu.memory_space<vmem>> -> memref<128xi32, #tpu.memory_space<vmem>>
    %dma_start3A_19 = arith.constant 0 : i32
    %dma_start3A_20 = arith.constant 0 : i32
    %dma_start3A_21 = tpu.memref_slice %arg2[%dma_start3A_19, %dma_start3A_20] : memref<10000x16xbf16, #tpu.memory_space<hbm>> -> memref<10000x16xbf16, #tpu.memory_space<hbm>>
    tpu.enqueue_indirect_dma source(%dma_start3A_21 : memref<10000x16xbf16, #tpu.memory_space<hbm>>) target(%dma_start3A_15 : memref<128x16xbf16, #tpu.memory_space<vmem>>) offsets(%dma_start3A_18 : memref<128xi32, #tpu.memory_space<vmem>>) semaphore(%arg10 : memref<!tpu.dma_semaphore, #tpu.memory_space<semaphore_mem>>)
    %dma_start3A_22 = arith.constant 1 : i32
    %dma_start3A_23 = arith.constant 0 : i32
    %dma_start3A_24 = arith.constant 1 : i32
    %dma_start3A_25 = arith.constant 0 : i32
    %dma_start3A_26 = arith.constant 0 : i32
    %dma_start3A_27 = tpu.memref_slice %arg8[%dma_start3A_23, %dma_start3A_24, %dma_start3A_25, %dma_start3A_26] : memref<2x8x128x16xbf16, #tpu.memory_space<vmem>> -> memref<1x1x128x16xbf16, #tpu.memory_space<vmem>>
    %dma_start3A_28 = tpu.memref_squeeze %dma_start3A_27 : memref<1x1x128x16xbf16, #tpu.memory_space<vmem>> -> memref<128x16xbf16, #tpu.memory_space<vmem>>
    %dma_start3A_29 = arith.constant 0 : i32
    %dma_start3A_30 = tpu.memref_slice %arg6[%dma_start3A_22, %dma_start3A_29] : memref<80x128xi32, #tpu.memory_space<vmem>> -> memref<1x128xi32, #tpu.memory_space<vmem>>
    %dma_start3A_31 = tpu.memref_squeeze %dma_start3A_30 : memref<1x128xi32, #tpu.memory_space<vmem>> -> memref<128xi32, #tpu.memory_space<vmem>>
    %dma_start3A_32 = arith.constant 0 : i32
    %dma_start3A_33 = arith.constant 0 : i32
    %dma_start3A_34 = tpu.memref_slice %arg2[%dma_start3A_32, %dma_start3A_33] : memref<10000x16xbf16, #tpu.memory_space<hbm>> -> memref<10000x16xbf16, #tpu.memory_space<hbm>>
    tpu.enqueue_indirect_dma source(%dma_start3A_34 : memref<10000x16xbf16, #tpu.memory_space<hbm>>) target(%dma_start3A_28 : memref<128x16xbf16, #tpu.memory_space<vmem>>) offsets(%dma_start3A_31 : memref<128xi32, #tpu.memory_space<vmem>>) semaphore(%arg10 : memref<!tpu.dma_semaphore, #tpu.memory_space<semaphore_mem>>)
    %dma_start3A_35 = arith.constant 2 : i32
    %dma_start3A_36 = arith.constant 0 : i32
    %dma_start3A_37 = arith.constant 2 : i32
    %dma_start3A_38 = arith.constant 0 : i32
    %dma_start3A_39 = arith.constant 0 : i32
    %dma_start3A_40 = tpu.memref_slice %arg8[%dma_start3A_36, %dma_start3A_37, %dma_start3A_38, %dma_start3A_39] : memref<2x8x128x16xbf16, #tpu.memory_space<vmem>> -> memref<1x1x128x16xbf16, #tpu.memory_space<vmem>>
    %dma_start3A_41 = tpu.memref_squeeze %dma_start3A_40 : memref<1x1x128x16xbf16, #tpu.memory_space<vmem>> -> memref<128x16xbf16, #tpu.memory_space<vmem>>
    %dma_start3A_42 = arith.constant 0 : i32
    %dma_start3A_43 = tpu.memref_slice %arg6[%dma_start3A_35, %dma_start3A_42] : memref<80x128xi32, #tpu.memory_space<vmem>> -> memref<1x128xi32, #tpu.memory_space<vmem>>
    %dma_start3A_44 = tpu.memref_squeeze %dma_start3A_43 : memref<1x128xi32, #tpu.memory_space<vmem>> -> memref<128xi32, #tpu.memory_space<vmem>>
    %dma_start3A_45 = arith.constant 0 : i32
    %dma_start3A_46 = arith.constant 0 : i32
    %dma_start3A_47 = tpu.memref_slice %arg2[%dma_start3A_45, %dma_start3A_46] : memref<10000x16xbf16, #tpu.memory_space<hbm>> -> memref<10000x16xbf16, #tpu.memory_space<hbm>>
    tpu.enqueue_indirect_dma source(%dma_start3A_47 : memref<10000x16xbf16, #tpu.memory_space<hbm>>) target(%dma_start3A_41 : memref<128x16xbf16, #tpu.memory_space<vmem>>) offsets(%dma_start3A_44 : memref<128xi32, #tpu.memory_space<vmem>>) semaphore(%arg10 : memref<!tpu.dma_semaphore, #tpu.memory_space<semaphore_mem>>)
    %dma_start3A_48 = arith.constant 3 : i32
    %dma_start3A_49 = arith.constant 0 : i32
    %dma_start3A_50 = arith.constant 3 : i32
    %dma_start3A_51 = arith.constant 0 : i32
    %dma_start3A_52 = arith.constant 0 : i32
    %dma_start3A_53 = tpu.memref_slice %arg8[%dma_start3A_49, %dma_start3A_50, %dma_start3A_51, %dma_start3A_52] : memref<2x8x128x16xbf16, #tpu.memory_space<vmem>> -> memref<1x1x128x16xbf16, #tpu.memory_space<vmem>>
    %dma_start3A_54 = tpu.memref_squeeze %dma_start3A_53 : memref<1x1x128x16xbf16, #tpu.memory_space<vmem>> -> memref<128x16xbf16, #tpu.memory_space<vmem>>
    %dma_start3A_55 = arith.constant 0 : i32
    %dma_start3A_56 = tpu.memref_slice %arg6[%dma_start3A_48, %dma_start3A_55] : memref<80x128xi32, #tpu.memory_space<vmem>> -> memref<1x128xi32, #tpu.memory_space<vmem>>
    %dma_start3A_57 = tpu.memref_squeeze %dma_start3A_56 : memref<1x128xi32, #tpu.memory_space<vmem>> -> memref<128xi32, #tpu.memory_space<vmem>>
    %dma_start3A_58 = arith.constant 0 : i32
    %dma_start3A_59 = arith.constant 0 : i32
    %dma_start3A_60 = tpu.memref_slice %arg2[%dma_start3A_58, %dma_start3A_59] : memref<10000x16xbf16, #tpu.memory_space<hbm>> -> memref<10000x16xbf16, #tpu.memory_space<hbm>>
    tpu.enqueue_indirect_dma source(%dma_start3A_60 : memref<10000x16xbf16, #tpu.memory_space<hbm>>) target(%dma_start3A_54 : memref<128x16xbf16, #tpu.memory_space<vmem>>) offsets(%dma_start3A_57 : memref<128xi32, #tpu.memory_space<vmem>>) semaphore(%arg10 : memref<!tpu.dma_semaphore, #tpu.memory_space<semaphore_mem>>)
    %dma_start3A_61 = arith.constant 4 : i32
    %dma_start3A_62 = arith.constant 0 : i32
    %dma_start3A_63 = arith.constant 4 : i32
    %dma_start3A_64 = arith.constant 0 : i32
    %dma_start3A_65 = arith.constant 0 : i32
    %dma_start3A_66 = tpu.memref_slice %arg8[%dma_start3A_62, %dma_start3A_63, %dma_start3A_64, %dma_start3A_65] : memref<2x8x128x16xbf16, #tpu.memory_space<vmem>> -> memref<1x1x128x16xbf16, #tpu.memory_space<vmem>>
    %dma_start3A_67 = tpu.memref_squeeze %dma_start3A_66 : memref<1x1x128x16xbf16, #tpu.memory_space<vmem>> -> memref<128x16xbf16, #tpu.memory_space<vmem>>
    %dma_start3A_68 = arith.constant 0 : i32
    %dma_start3A_69 = tpu.memref_slice %arg6[%dma_start3A_61, %dma_start3A_68] : memref<80x128xi32, #tpu.memory_space<vmem>> -> memref<1x128xi32, #tpu.memory_space<vmem>>
    %dma_start3A_70 = tpu.memref_squeeze %dma_start3A_69 : memref<1x128xi32, #tpu.memory_space<vmem>> -> memref<128xi32, #tpu.memory_space<vmem>>
    %dma_start3A_71 = arith.constant 0 : i32
    %dma_start3A_72 = arith.constant 0 : i32
    %dma_start3A_73 = tpu.memref_slice %arg2[%dma_start3A_71, %dma_start3A_72] : memref<10000x16xbf16, #tpu.memory_space<hbm>> -> memref<10000x16xbf16, #tpu.memory_space<hbm>>
    tpu.enqueue_indirect_dma source(%dma_start3A_73 : memref<10000x16xbf16, #tpu.memory_space<hbm>>) target(%dma_start3A_67 : memref<128x16xbf16, #tpu.memory_space<vmem>>) offsets(%dma_start3A_70 : memref<128xi32, #tpu.memory_space<vmem>>) semaphore(%arg10 : memref<!tpu.dma_semaphore, #tpu.memory_space<semaphore_mem>>)
    %dma_start3A_74 = arith.constant 5 : i32
    %dma_start3A_75 = arith.constant 0 : i32
    %dma_start3A_76 = arith.constant 5 : i32
    %dma_start3A_77 = arith.constant 0 : i32
    %dma_start3A_78 = arith.constant 0 : i32
    %dma_start3A_79 = tpu.memref_slice %arg8[%dma_start3A_75, %dma_start3A_76, %dma_start3A_77, %dma_start3A_78] : memref<2x8x128x16xbf16, #tpu.memory_space<vmem>> -> memref<1x1x128x16xbf16, #tpu.memory_space<vmem>>
    %dma_start3A_80 = tpu.memref_squeeze %dma_start3A_79 : memref<1x1x128x16xbf16, #tpu.memory_space<vmem>> -> memref<128x16xbf16, #tpu.memory_space<vmem>>
    %dma_start3A_81 = arith.constant 0 : i32
    %dma_start3A_82 = tpu.memref_slice %arg6[%dma_start3A_74, %dma_start3A_81] : memref<80x128xi32, #tpu.memory_space<vmem>> -> memref<1x128xi32, #tpu.memory_space<vmem>>
    %dma_start3A_83 = tpu.memref_squeeze %dma_start3A_82 : memref<1x128xi32, #tpu.memory_space<vmem>> -> memref<128xi32, #tpu.memory_space<vmem>>
    %dma_start3A_84 = arith.constant 0 : i32
    %dma_start3A_85 = arith.constant 0 : i32
    %dma_start3A_86 = tpu.memref_slice %arg2[%dma_start3A_84, %dma_start3A_85] : memref<10000x16xbf16, #tpu.memory_space<hbm>> -> memref<10000x16xbf16, #tpu.memory_space<hbm>>
    tpu.enqueue_indirect_dma source(%dma_start3A_86 : memref<10000x16xbf16, #tpu.memory_space<hbm>>) target(%dma_start3A_80 : memref<128x16xbf16, #tpu.memory_space<vmem>>) offsets(%dma_start3A_83 : memref<128xi32, #tpu.memory_space<vmem>>) semaphore(%arg10 : memref<!tpu.dma_semaphore, #tpu.memory_space<semaphore_mem>>)
    %dma_start3A_87 = arith.constant 6 : i32
    %dma_start3A_88 = arith.constant 0 : i32
    %dma_start3A_89 = arith.constant 6 : i32
    %dma_start3A_90 = arith.constant 0 : i32
    %dma_start3A_91 = arith.constant 0 : i32
    %dma_start3A_92 = tpu.memref_slice %arg8[%dma_start3A_88, %dma_start3A_89, %dma_start3A_90, %dma_start3A_91] : memref<2x8x128x16xbf16, #tpu.memory_space<vmem>> -> memref<1x1x128x16xbf16, #tpu.memory_space<vmem>>
    %dma_start3A_93 = tpu.memref_squeeze %dma_start3A_92 : memref<1x1x128x16xbf16, #tpu.memory_space<vmem>> -> memref<128x16xbf16, #tpu.memory_space<vmem>>
    %dma_start3A_94 = arith.constant 0 : i32
    %dma_start3A_95 = tpu.memref_slice %arg6[%dma_start3A_87, %dma_start3A_94] : memref<80x128xi32, #tpu.memory_space<vmem>> -> memref<1x128xi32, #tpu.memory_space<vmem>>
    %dma_start3A_96 = tpu.memref_squeeze %dma_start3A_95 : memref<1x128xi32, #tpu.memory_space<vmem>> -> memref<128xi32, #tpu.memory_space<vmem>>
    %dma_start3A_97 = arith.constant 0 : i32
    %dma_start3A_98 = arith.constant 0 : i32
    %dma_start3A_99 = tpu.memref_slice %arg2[%dma_start3A_97, %dma_start3A_98] : memref<10000x16xbf16, #tpu.memory_space<hbm>> -> memref<10000x16xbf16, #tpu.memory_space<hbm>>
    tpu.enqueue_indirect_dma source(%dma_start3A_99 : memref<10000x16xbf16, #tpu.memory_space<hbm>>) target(%dma_start3A_93 : memref<128x16xbf16, #tpu.memory_space<vmem>>) offsets(%dma_start3A_96 : memref<128xi32, #tpu.memory_space<vmem>>) semaphore(%arg10 : memref<!tpu.dma_semaphore, #tpu.memory_space<semaphore_mem>>)
    %dma_start3A_100 = arith.constant 7 : i32
    %dma_start3A_101 = arith.constant 0 : i32
    %dma_start3A_102 = arith.constant 7 : i32
    %dma_start3A_103 = arith.constant 0 : i32
    %dma_start3A_104 = arith.constant 0 : i32
    %dma_start3A_105 = tpu.memref_slice %arg8[%dma_start3A_101, %dma_start3A_102, %dma_start3A_103, %dma_start3A_104] : memref<2x8x128x16xbf16, #tpu.memory_space<vmem>> -> memref<1x1x128x16xbf16, #tpu.memory_space<vmem>>
    %dma_start3A_106 = tpu.memref_squeeze %dma_start3A_105 : memref<1x1x128x16xbf16, #tpu.memory_space<vmem>> -> memref<128x16xbf16, #tpu.memory_space<vmem>>
    %dma_start3A_107 = arith.constant 0 : i32
    %dma_start3A_108 = tpu.memref_slice %arg6[%dma_start3A_100, %dma_start3A_107] : memref<80x128xi32, #tpu.memory_space<vmem>> -> memref<1x128xi32, #tpu.memory_space<vmem>>
    %dma_start3A_109 = tpu.memref_squeeze %dma_start3A_108 : memref<1x128xi32, #tpu.memory_space<vmem>> -> memref<128xi32, #tpu.memory_space<vmem>>
    %dma_start3A_110 = arith.constant 0 : i32
    %dma_start3A_111 = arith.constant 0 : i32
    %dma_start3A_112 = tpu.memref_slice %arg2[%dma_start3A_110, %dma_start3A_111] : memref<10000x16xbf16, #tpu.memory_space<hbm>> -> memref<10000x16xbf16, #tpu.memory_space<hbm>>
    tpu.enqueue_indirect_dma source(%dma_start3A_112 : memref<10000x16xbf16, #tpu.memory_space<hbm>>) target(%dma_start3A_106 : memref<128x16xbf16, #tpu.memory_space<vmem>>) offsets(%dma_start3A_109 : memref<128xi32, #tpu.memory_space<vmem>>) semaphore(%arg10 : memref<!tpu.dma_semaphore, #tpu.memory_space<semaphore_mem>>)
    %dma_start3A_113 = arith.constant 8 : i32
    %dma_start3A_114 = arith.constant 1 : i32
    %dma_start3A_115 = arith.constant 0 : i32
    %dma_start3A_116 = arith.constant 0 : i32
    %dma_start3A_117 = arith.constant 0 : i32
    %dma_start3A_118 = tpu.memref_slice %arg8[%dma_start3A_114, %dma_start3A_115, %dma_start3A_116, %dma_start3A_117] : memref<2x8x128x16xbf16, #tpu.memory_space<vmem>> -> memref<1x1x128x16xbf16, #tpu.memory_space<vmem>>
    %dma_start3A_119 = tpu.memref_squeeze %dma_start3A_118 : memref<1x1x128x16xbf16, #tpu.memory_space<vmem>> -> memref<128x16xbf16, #tpu.memory_space<vmem>>
    %dma_start3A_120 = arith.constant 0 : i32
    %dma_start3A_121 = tpu.memref_slice %arg6[%dma_start3A_113, %dma_start3A_120] : memref<80x128xi32, #tpu.memory_space<vmem>> -> memref<1x128xi32, #tpu.memory_space<vmem>>
    %dma_start3A_122 = tpu.memref_squeeze %dma_start3A_121 : memref<1x128xi32, #tpu.memory_space<vmem>> -> memref<128xi32, #tpu.memory_space<vmem>>
    %dma_start3A_123 = arith.constant 0 : i32
    %dma_start3A_124 = arith.constant 0 : i32
    %dma_start3A_125 = tpu.memref_slice %arg2[%dma_start3A_123, %dma_start3A_124] : memref<10000x16xbf16, #tpu.memory_space<hbm>> -> memref<10000x16xbf16, #tpu.memory_space<hbm>>
    tpu.enqueue_indirect_dma source(%dma_start3A_125 : memref<10000x16xbf16, #tpu.memory_space<hbm>>) target(%dma_start3A_119 : memref<128x16xbf16, #tpu.memory_space<vmem>>) offsets(%dma_start3A_122 : memref<128xi32, #tpu.memory_space<vmem>>) semaphore(%arg10 : memref<!tpu.dma_semaphore, #tpu.memory_space<semaphore_mem>>)
    %dma_start3A_126 = arith.constant 9 : i32
    %dma_start3A_127 = arith.constant 1 : i32
    %dma_start3A_128 = arith.constant 1 : i32
    %dma_start3A_129 = arith.constant 0 : i32
    %dma_start3A_130 = arith.constant 0 : i32
    %dma_start3A_131 = tpu.memref_slice %arg8[%dma_start3A_127, %dma_start3A_128, %dma_start3A_129, %dma_start3A_130] : memref<2x8x128x16xbf16, #tpu.memory_space<vmem>> -> memref<1x1x128x16xbf16, #tpu.memory_space<vmem>>
    %dma_start3A_132 = tpu.memref_squeeze %dma_start3A_131 : memref<1x1x128x16xbf16, #tpu.memory_space<vmem>> -> memref<128x16xbf16, #tpu.memory_space<vmem>>
    %dma_start3A_133 = arith.constant 0 : i32
    %dma_start3A_134 = tpu.memref_slice %arg6[%dma_start3A_126, %dma_start3A_133] : memref<80x128xi32, #tpu.memory_space<vmem>> -> memref<1x128xi32, #tpu.memory_space<vmem>>
    %dma_start3A_135 = tpu.memref_squeeze %dma_start3A_134 : memref<1x128xi32, #tpu.memory_space<vmem>> -> memref<128xi32, #tpu.memory_space<vmem>>
    %dma_start3A_136 = arith.constant 0 : i32
    %dma_start3A_137 = arith.constant 0 : i32
    %dma_start3A_138 = tpu.memref_slice %arg2[%dma_start3A_136, %dma_start3A_137] : memref<10000x16xbf16, #tpu.memory_space<hbm>> -> memref<10000x16xbf16, #tpu.memory_space<hbm>>
    tpu.enqueue_indirect_dma source(%dma_start3A_138 : memref<10000x16xbf16, #tpu.memory_space<hbm>>) target(%dma_start3A_132 : memref<128x16xbf16, #tpu.memory_space<vmem>>) offsets(%dma_start3A_135 : memref<128xi32, #tpu.memory_space<vmem>>) semaphore(%arg10 : memref<!tpu.dma_semaphore, #tpu.memory_space<semaphore_mem>>)
    %dma_start3A_139 = arith.constant 10 : i32
    %dma_start3A_140 = arith.constant 1 : i32
    %dma_start3A_141 = arith.constant 2 : i32
    %dma_start3A_142 = arith.constant 0 : i32
    %dma_start3A_143 = arith.constant 0 : i32
    %dma_start3A_144 = tpu.memref_slice %arg8[%dma_start3A_140, %dma_start3A_141, %dma_start3A_142, %dma_start3A_143] : memref<2x8x128x16xbf16, #tpu.memory_space<vmem>> -> memref<1x1x128x16xbf16, #tpu.memory_space<vmem>>
    %dma_start3A_145 = tpu.memref_squeeze %dma_start3A_144 : memref<1x1x128x16xbf16, #tpu.memory_space<vmem>> -> memref<128x16xbf16, #tpu.memory_space<vmem>>
    %dma_start3A_146 = arith.constant 0 : i32
    %dma_start3A_147 = tpu.memref_slice %arg6[%dma_start3A_139, %dma_start3A_146] : memref<80x128xi32, #tpu.memory_space<vmem>> -> memref<1x128xi32, #tpu.memory_space<vmem>>
    %dma_start3A_148 = tpu.memref_squeeze %dma_start3A_147 : memref<1x128xi32, #tpu.memory_space<vmem>> -> memref<128xi32, #tpu.memory_space<vmem>>
    %dma_start3A_149 = arith.constant 0 : i32
    %dma_start3A_150 = arith.constant 0 : i32
    %dma_start3A_151 = tpu.memref_slice %arg2[%dma_start3A_149, %dma_start3A_150] : memref<10000x16xbf16, #tpu.memory_space<hbm>> -> memref<10000x16xbf16, #tpu.memory_space<hbm>>
    tpu.enqueue_indirect_dma source(%dma_start3A_151 : memref<10000x16xbf16, #tpu.memory_space<hbm>>) target(%dma_start3A_145 : memref<128x16xbf16, #tpu.memory_space<vmem>>) offsets(%dma_start3A_148 : memref<128xi32, #tpu.memory_space<vmem>>) semaphore(%arg10 : memref<!tpu.dma_semaphore, #tpu.memory_space<semaphore_mem>>)
    %dma_start3A_152 = arith.constant 11 : i32
    %dma_start3A_153 = arith.constant 1 : i32
    %dma_start3A_154 = arith.constant 3 : i32
    %dma_start3A_155 = arith.constant 0 : i32
    %dma_start3A_156 = arith.constant 0 : i32
    %dma_start3A_157 = tpu.memref_slice %arg8[%dma_start3A_153, %dma_start3A_154, %dma_start3A_155, %dma_start3A_156] : memref<2x8x128x16xbf16, #tpu.memory_space<vmem>> -> memref<1x1x128x16xbf16, #tpu.memory_space<vmem>>
    %dma_start3A_158 = tpu.memref_squeeze %dma_start3A_157 : memref<1x1x128x16xbf16, #tpu.memory_space<vmem>> -> memref<128x16xbf16, #tpu.memory_space<vmem>>
    %dma_start3A_159 = arith.constant 0 : i32
    %dma_start3A_160 = tpu.memref_slice %arg6[%dma_start3A_152, %dma_start3A_159] : memref<80x128xi32, #tpu.memory_space<vmem>> -> memref<1x128xi32, #tpu.memory_space<vmem>>
    %dma_start3A_161 = tpu.memref_squeeze %dma_start3A_160 : memref<1x128xi32, #tpu.memory_space<vmem>> -> memref<128xi32, #tpu.memory_space<vmem>>
    %dma_start3A_162 = arith.constant 0 : i32
    %dma_start3A_163 = arith.constant 0 : i32
    %dma_start3A_164 = tpu.memref_slice %arg2[%dma_start3A_162, %dma_start3A_163] : memref<10000x16xbf16, #tpu.memory_space<hbm>> -> memref<10000x16xbf16, #tpu.memory_space<hbm>>
    tpu.enqueue_indirect_dma source(%dma_start3A_164 : memref<10000x16xbf16, #tpu.memory_space<hbm>>) target(%dma_start3A_158 : memref<128x16xbf16, #tpu.memory_space<vmem>>) offsets(%dma_start3A_161 : memref<128xi32, #tpu.memory_space<vmem>>) semaphore(%arg10 : memref<!tpu.dma_semaphore, #tpu.memory_space<semaphore_mem>>)
    %dma_start3A_165 = arith.constant 12 : i32
    %dma_start3A_166 = arith.constant 1 : i32
    %dma_start3A_167 = arith.constant 4 : i32
    %dma_start3A_168 = arith.constant 0 : i32
    %dma_start3A_169 = arith.constant 0 : i32
    %dma_start3A_170 = tpu.memref_slice %arg8[%dma_start3A_166, %dma_start3A_167, %dma_start3A_168, %dma_start3A_169] : memref<2x8x128x16xbf16, #tpu.memory_space<vmem>> -> memref<1x1x128x16xbf16, #tpu.memory_space<vmem>>
    %dma_start3A_171 = tpu.memref_squeeze %dma_start3A_170 : memref<1x1x128x16xbf16, #tpu.memory_space<vmem>> -> memref<128x16xbf16, #tpu.memory_space<vmem>>
    %dma_start3A_172 = arith.constant 0 : i32
    %dma_start3A_173 = tpu.memref_slice %arg6[%dma_start3A_165, %dma_start3A_172] : memref<80x128xi32, #tpu.memory_space<vmem>> -> memref<1x128xi32, #tpu.memory_space<vmem>>
    %dma_start3A_174 = tpu.memref_squeeze %dma_start3A_173 : memref<1x128xi32, #tpu.memory_space<vmem>> -> memref<128xi32, #tpu.memory_space<vmem>>
    %dma_start3A_175 = arith.constant 0 : i32
    %dma_start3A_176 = arith.constant 0 : i32
    %dma_start3A_177 = tpu.memref_slice %arg2[%dma_start3A_175, %dma_start3A_176] : memref<10000x16xbf16, #tpu.memory_space<hbm>> -> memref<10000x16xbf16, #tpu.memory_space<hbm>>
    tpu.enqueue_indirect_dma source(%dma_start3A_177 : memref<10000x16xbf16, #tpu.memory_space<hbm>>) target(%dma_start3A_171 : memref<128x16xbf16, #tpu.memory_space<vmem>>) offsets(%dma_start3A_174 : memref<128xi32, #tpu.memory_space<vmem>>) semaphore(%arg10 : memref<!tpu.dma_semaphore, #tpu.memory_space<semaphore_mem>>)
    %dma_start3A_178 = arith.constant 13 : i32
    %dma_start3A_179 = arith.constant 1 : i32
    %dma_start3A_180 = arith.constant 5 : i32
    %dma_start3A_181 = arith.constant 0 : i32
    %dma_start3A_182 = arith.constant 0 : i32
    %dma_start3A_183 = tpu.memref_slice %arg8[%dma_start3A_179, %dma_start3A_180, %dma_start3A_181, %dma_start3A_182] : memref<2x8x128x16xbf16, #tpu.memory_space<vmem>> -> memref<1x1x128x16xbf16, #tpu.memory_space<vmem>>
    %dma_start3A_184 = tpu.memref_squeeze %dma_start3A_183 : memref<1x1x128x16xbf16, #tpu.memory_space<vmem>> -> memref<128x16xbf16, #tpu.memory_space<vmem>>
    %dma_start3A_185 = arith.constant 0 : i32
    %dma_start3A_186 = tpu.memref_slice %arg6[%dma_start3A_178, %dma_start3A_185] : memref<80x128xi32, #tpu.memory_space<vmem>> -> memref<1x128xi32, #tpu.memory_space<vmem>>
    %dma_start3A_187 = tpu.memref_squeeze %dma_start3A_186 : memref<1x128xi32, #tpu.memory_space<vmem>> -> memref<128xi32, #tpu.memory_space<vmem>>
    %dma_start3A_188 = arith.constant 0 : i32
    %dma_start3A_189 = arith.constant 0 : i32
    %dma_start3A_190 = tpu.memref_slice %arg2[%dma_start3A_188, %dma_start3A_189] : memref<10000x16xbf16, #tpu.memory_space<hbm>> -> memref<10000x16xbf16, #tpu.memory_space<hbm>>
    tpu.enqueue_indirect_dma source(%dma_start3A_190 : memref<10000x16xbf16, #tpu.memory_space<hbm>>) target(%dma_start3A_184 : memref<128x16xbf16, #tpu.memory_space<vmem>>) offsets(%dma_start3A_187 : memref<128xi32, #tpu.memory_space<vmem>>) semaphore(%arg10 : memref<!tpu.dma_semaphore, #tpu.memory_space<semaphore_mem>>)
    %dma_start3A_191 = arith.constant 14 : i32
    %dma_start3A_192 = arith.constant 1 : i32
    %dma_start3A_193 = arith.constant 6 : i32
    %dma_start3A_194 = arith.constant 0 : i32
    %dma_start3A_195 = arith.constant 0 : i32
    %dma_start3A_196 = tpu.memref_slice %arg8[%dma_start3A_192, %dma_start3A_193, %dma_start3A_194, %dma_start3A_195] : memref<2x8x128x16xbf16, #tpu.memory_space<vmem>> -> memref<1x1x128x16xbf16, #tpu.memory_space<vmem>>
    %dma_start3A_197 = tpu.memref_squeeze %dma_start3A_196 : memref<1x1x128x16xbf16, #tpu.memory_space<vmem>> -> memref<128x16xbf16, #tpu.memory_space<vmem>>
    %dma_start3A_198 = arith.constant 0 : i32
    %dma_start3A_199 = tpu.memref_slice %arg6[%dma_start3A_191, %dma_start3A_198] : memref<80x128xi32, #tpu.memory_space<vmem>> -> memref<1x128xi32, #tpu.memory_space<vmem>>
    %dma_start3A_200 = tpu.memref_squeeze %dma_start3A_199 : memref<1x128xi32, #tpu.memory_space<vmem>> -> memref<128xi32, #tpu.memory_space<vmem>>
    %dma_start3A_201 = arith.constant 0 : i32
    %dma_start3A_202 = arith.constant 0 : i32
    %dma_start3A_203 = tpu.memref_slice %arg2[%dma_start3A_201, %dma_start3A_202] : memref<10000x16xbf16, #tpu.memory_space<hbm>> -> memref<10000x16xbf16, #tpu.memory_space<hbm>>
    tpu.enqueue_indirect_dma source(%dma_start3A_203 : memref<10000x16xbf16, #tpu.memory_space<hbm>>) target(%dma_start3A_197 : memref<128x16xbf16, #tpu.memory_space<vmem>>) offsets(%dma_start3A_200 : memref<128xi32, #tpu.memory_space<vmem>>) semaphore(%arg10 : memref<!tpu.dma_semaphore, #tpu.memory_space<semaphore_mem>>)
    %dma_start3A_204 = arith.constant 15 : i32
    %dma_start3A_205 = arith.constant 1 : i32
    %dma_start3A_206 = arith.constant 7 : i32
    %dma_start3A_207 = arith.constant 0 : i32
    %dma_start3A_208 = arith.constant 0 : i32
    %dma_start3A_209 = tpu.memref_slice %arg8[%dma_start3A_205, %dma_start3A_206, %dma_start3A_207, %dma_start3A_208] : memref<2x8x128x16xbf16, #tpu.memory_space<vmem>> -> memref<1x1x128x16xbf16, #tpu.memory_space<vmem>>
    %dma_start3A_210 = tpu.memref_squeeze %dma_start3A_209 : memref<1x1x128x16xbf16, #tpu.memory_space<vmem>> -> memref<128x16xbf16, #tpu.memory_space<vmem>>
    %dma_start3A_211 = arith.constant 0 : i32
    %dma_start3A_212 = tpu.memref_slice %arg6[%dma_start3A_204, %dma_start3A_211] : memref<80x128xi32, #tpu.memory_space<vmem>> -> memref<1x128xi32, #tpu.memory_space<vmem>>
    %dma_start3A_213 = tpu.memref_squeeze %dma_start3A_212 : memref<1x128xi32, #tpu.memory_space<vmem>> -> memref<128xi32, #tpu.memory_space<vmem>>
    %dma_start3A_214 = arith.constant 0 : i32
    %dma_start3A_215 = arith.constant 0 : i32
    %dma_start3A_216 = tpu.memref_slice %arg2[%dma_start3A_214, %dma_start3A_215] : memref<10000x16xbf16, #tpu.memory_space<hbm>> -> memref<10000x16xbf16, #tpu.memory_space<hbm>>
    tpu.enqueue_indirect_dma source(%dma_start3A_216 : memref<10000x16xbf16, #tpu.memory_space<hbm>>) target(%dma_start3A_210 : memref<128x16xbf16, #tpu.memory_space<vmem>>) offsets(%dma_start3A_213 : memref<128xi32, #tpu.memory_space<vmem>>) semaphore(%arg10 : memref<!tpu.dma_semaphore, #tpu.memory_space<semaphore_mem>>)
    %dma_wait3A = arith.constant 0 : i32
    %dma_wait3A_217 = arith.constant 0 : i32
    %dma_wait3A_218 = arith.constant 0 : i32
    %dma_wait3A_219 = arith.constant 0 : i32
    %dma_wait3A_220 = arith.constant 0 : i32
    %dma_wait3A_221 = tpu.memref_slice %arg8[%dma_wait3A_217, %dma_wait3A_218, %dma_wait3A_219, %dma_wait3A_220] : memref<2x8x128x16xbf16, #tpu.memory_space<vmem>> -> memref<1x1x128x16xbf16, #tpu.memory_space<vmem>>
    %dma_wait3A_222 = tpu.memref_squeeze %dma_wait3A_221 : memref<1x1x128x16xbf16, #tpu.memory_space<vmem>> -> memref<128x16xbf16, #tpu.memory_space<vmem>>
    %dma_wait3A_223 = arith.constant 0 : i32
    %dma_wait3A_224 = tpu.memref_slice %arg6[%dma_wait3A, %dma_wait3A_223] : memref<80x128xi32, #tpu.memory_space<vmem>> -> memref<1x128xi32, #tpu.memory_space<vmem>>
    %dma_wait3A_225 = tpu.memref_squeeze %dma_wait3A_224 : memref<1x128xi32, #tpu.memory_space<vmem>> -> memref<128xi32, #tpu.memory_space<vmem>>
    %dma_wait3A_226 = arith.constant 0 : i32
    %dma_wait3A_227 = arith.constant 0 : i32
    %dma_wait3A_228 = tpu.memref_slice %arg2[%dma_wait3A_226, %dma_wait3A_227] : memref<10000x16xbf16, #tpu.memory_space<hbm>> -> memref<10000x16xbf16, #tpu.memory_space<hbm>>
    tpu.wait_indirect_dma semaphore(%arg10 : memref<!tpu.dma_semaphore, #tpu.memory_space<semaphore_mem>>) src(%dma_wait3A_228 : memref<10000x16xbf16, #tpu.memory_space<hbm>>) dst(%dma_wait3A_222 : memref<128x16xbf16, #tpu.memory_space<vmem>>)
    %dma_wait3A_229 = arith.constant 1 : i32
    %dma_wait3A_230 = arith.constant 0 : i32
    %dma_wait3A_231 = arith.constant 1 : i32
    %dma_wait3A_232 = arith.constant 0 : i32
    %dma_wait3A_233 = arith.constant 0 : i32
    %dma_wait3A_234 = tpu.memref_slice %arg8[%dma_wait3A_230, %dma_wait3A_231, %dma_wait3A_232, %dma_wait3A_233] : memref<2x8x128x16xbf16, #tpu.memory_space<vmem>> -> memref<1x1x128x16xbf16, #tpu.memory_space<vmem>>
    %dma_wait3A_235 = tpu.memref_squeeze %dma_wait3A_234 : memref<1x1x128x16xbf16, #tpu.memory_space<vmem>> -> memref<128x16xbf16, #tpu.memory_space<vmem>>
    %dma_wait3A_236 = arith.constant 0 : i32
    %dma_wait3A_237 = tpu.memref_slice %arg6[%dma_wait3A_229, %dma_wait3A_236] : memref<80x128xi32, #tpu.memory_space<vmem>> -> memref<1x128xi32, #tpu.memory_space<vmem>>
    %dma_wait3A_238 = tpu.memref_squeeze %dma_wait3A_237 : memref<1x128xi32, #tpu.memory_space<vmem>> -> memref<128xi32, #tpu.memory_space<vmem>>
    %dma_wait3A_239 = arith.constant 0 : i32
    %dma_wait3A_240 = arith.constant 0 : i32
    %dma_wait3A_241 = tpu.memref_slice %arg2[%dma_wait3A_239, %dma_wait3A_240] : memref<10000x16xbf16, #tpu.memory_space<hbm>> -> memref<10000x16xbf16, #tpu.memory_space<hbm>>
    tpu.wait_indirect_dma semaphore(%arg10 : memref<!tpu.dma_semaphore, #tpu.memory_space<semaphore_mem>>) src(%dma_wait3A_241 : memref<10000x16xbf16, #tpu.memory_space<hbm>>) dst(%dma_wait3A_235 : memref<128x16xbf16, #tpu.memory_space<vmem>>)
    %dma_wait3A_242 = arith.constant 2 : i32
    %dma_wait3A_243 = arith.constant 0 : i32
    %dma_wait3A_244 = arith.constant 2 : i32
    %dma_wait3A_245 = arith.constant 0 : i32
    %dma_wait3A_246 = arith.constant 0 : i32
    %dma_wait3A_247 = tpu.memref_slice %arg8[%dma_wait3A_243, %dma_wait3A_244, %dma_wait3A_245, %dma_wait3A_246] : memref<2x8x128x16xbf16, #tpu.memory_space<vmem>> -> memref<1x1x128x16xbf16, #tpu.memory_space<vmem>>
    %dma_wait3A_248 = tpu.memref_squeeze %dma_wait3A_247 : memref<1x1x128x16xbf16, #tpu.memory_space<vmem>> -> memref<128x16xbf16, #tpu.memory_space<vmem>>
    %dma_wait3A_249 = arith.constant 0 : i32
    %dma_wait3A_250 = tpu.memref_slice %arg6[%dma_wait3A_242, %dma_wait3A_249] : memref<80x128xi32, #tpu.memory_space<vmem>> -> memref<1x128xi32, #tpu.memory_space<vmem>>
    %dma_wait3A_251 = tpu.memref_squeeze %dma_wait3A_250 : memref<1x128xi32, #tpu.memory_space<vmem>> -> memref<128xi32, #tpu.memory_space<vmem>>
    %dma_wait3A_252 = arith.constant 0 : i32
    %dma_wait3A_253 = arith.constant 0 : i32
    %dma_wait3A_254 = tpu.memref_slice %arg2[%dma_wait3A_252, %dma_wait3A_253] : memref<10000x16xbf16, #tpu.memory_space<hbm>> -> memref<10000x16xbf16, #tpu.memory_space<hbm>>
    tpu.wait_indirect_dma semaphore(%arg10 : memref<!tpu.dma_semaphore, #tpu.memory_space<semaphore_mem>>) src(%dma_wait3A_254 : memref<10000x16xbf16, #tpu.memory_space<hbm>>) dst(%dma_wait3A_248 : memref<128x16xbf16, #tpu.memory_space<vmem>>)
    %dma_wait3A_255 = arith.constant 3 : i32
    %dma_wait3A_256 = arith.constant 0 : i32
    %dma_wait3A_257 = arith.constant 3 : i32
    %dma_wait3A_258 = arith.constant 0 : i32
    %dma_wait3A_259 = arith.constant 0 : i32
    %dma_wait3A_260 = tpu.memref_slice %arg8[%dma_wait3A_256, %dma_wait3A_257, %dma_wait3A_258, %dma_wait3A_259] : memref<2x8x128x16xbf16, #tpu.memory_space<vmem>> -> memref<1x1x128x16xbf16, #tpu.memory_space<vmem>>
    %dma_wait3A_261 = tpu.memref_squeeze %dma_wait3A_260 : memref<1x1x128x16xbf16, #tpu.memory_space<vmem>> -> memref<128x16xbf16, #tpu.memory_space<vmem>>
    %dma_wait3A_262 = arith.constant 0 : i32
    %dma_wait3A_263 = tpu.memref_slice %arg6[%dma_wait3A_255, %dma_wait3A_262] : memref<80x128xi32, #tpu.memory_space<vmem>> -> memref<1x128xi32, #tpu.memory_space<vmem>>
    %dma_wait3A_264 = tpu.memref_squeeze %dma_wait3A_263 : memref<1x128xi32, #tpu.memory_space<vmem>> -> memref<128xi32, #tpu.memory_space<vmem>>
    %dma_wait3A_265 = arith.constant 0 : i32
    %dma_wait3A_266 = arith.constant 0 : i32
    %dma_wait3A_267 = tpu.memref_slice %arg2[%dma_wait3A_265, %dma_wait3A_266] : memref<10000x16xbf16, #tpu.memory_space<hbm>> -> memref<10000x16xbf16, #tpu.memory_space<hbm>>
    tpu.wait_indirect_dma semaphore(%arg10 : memref<!tpu.dma_semaphore, #tpu.memory_space<semaphore_mem>>) src(%dma_wait3A_267 : memref<10000x16xbf16, #tpu.memory_space<hbm>>) dst(%dma_wait3A_261 : memref<128x16xbf16, #tpu.memory_space<vmem>>)
    %dma_wait3A_268 = arith.constant 4 : i32
    %dma_wait3A_269 = arith.constant 0 : i32
    %dma_wait3A_270 = arith.constant 4 : i32
    %dma_wait3A_271 = arith.constant 0 : i32
    %dma_wait3A_272 = arith.constant 0 : i32
    %dma_wait3A_273 = tpu.memref_slice %arg8[%dma_wait3A_269, %dma_wait3A_270, %dma_wait3A_271, %dma_wait3A_272] : memref<2x8x128x16xbf16, #tpu.memory_space<vmem>> -> memref<1x1x128x16xbf16, #tpu.memory_space<vmem>>
    %dma_wait3A_274 = tpu.memref_squeeze %dma_wait3A_273 : memref<1x1x128x16xbf16, #tpu.memory_space<vmem>> -> memref<128x16xbf16, #tpu.memory_space<vmem>>
    %dma_wait3A_275 = arith.constant 0 : i32
    %dma_wait3A_276 = tpu.memref_slice %arg6[%dma_wait3A_268, %dma_wait3A_275] : memref<80x128xi32, #tpu.memory_space<vmem>> -> memref<1x128xi32, #tpu.memory_space<vmem>>
    %dma_wait3A_277 = tpu.memref_squeeze %dma_wait3A_276 : memref<1x128xi32, #tpu.memory_space<vmem>> -> memref<128xi32, #tpu.memory_space<vmem>>
    %dma_wait3A_278 = arith.constant 0 : i32
    %dma_wait3A_279 = arith.constant 0 : i32
    %dma_wait3A_280 = tpu.memref_slice %arg2[%dma_wait3A_278, %dma_wait3A_279] : memref<10000x16xbf16, #tpu.memory_space<hbm>> -> memref<10000x16xbf16, #tpu.memory_space<hbm>>
    tpu.wait_indirect_dma semaphore(%arg10 : memref<!tpu.dma_semaphore, #tpu.memory_space<semaphore_mem>>) src(%dma_wait3A_280 : memref<10000x16xbf16, #tpu.memory_space<hbm>>) dst(%dma_wait3A_274 : memref<128x16xbf16, #tpu.memory_space<vmem>>)
    %dma_wait3A_281 = arith.constant 5 : i32
    %dma_wait3A_282 = arith.constant 0 : i32
    %dma_wait3A_283 = arith.constant 5 : i32
    %dma_wait3A_284 = arith.constant 0 : i32
    %dma_wait3A_285 = arith.constant 0 : i32
    %dma_wait3A_286 = tpu.memref_slice %arg8[%dma_wait3A_282, %dma_wait3A_283, %dma_wait3A_284, %dma_wait3A_285] : memref<2x8x128x16xbf16, #tpu.memory_space<vmem>> -> memref<1x1x128x16xbf16, #tpu.memory_space<vmem>>
    %dma_wait3A_287 = tpu.memref_squeeze %dma_wait3A_286 : memref<1x1x128x16xbf16, #tpu.memory_space<vmem>> -> memref<128x16xbf16, #tpu.memory_space<vmem>>
    %dma_wait3A_288 = arith.constant 0 : i32
    %dma_wait3A_289 = tpu.memref_slice %arg6[%dma_wait3A_281, %dma_wait3A_288] : memref<80x128xi32, #tpu.memory_space<vmem>> -> memref<1x128xi32, #tpu.memory_space<vmem>>
    %dma_wait3A_290 = tpu.memref_squeeze %dma_wait3A_289 : memref<1x128xi32, #tpu.memory_space<vmem>> -> memref<128xi32, #tpu.memory_space<vmem>>
    %dma_wait3A_291 = arith.constant 0 : i32
    %dma_wait3A_292 = arith.constant 0 : i32
    %dma_wait3A_293 = tpu.memref_slice %arg2[%dma_wait3A_291, %dma_wait3A_292] : memref<10000x16xbf16, #tpu.memory_space<hbm>> -> memref<10000x16xbf16, #tpu.memory_space<hbm>>
    tpu.wait_indirect_dma semaphore(%arg10 : memref<!tpu.dma_semaphore, #tpu.memory_space<semaphore_mem>>) src(%dma_wait3A_293 : memref<10000x16xbf16, #tpu.memory_space<hbm>>) dst(%dma_wait3A_287 : memref<128x16xbf16, #tpu.memory_space<vmem>>)
    %dma_wait3A_294 = arith.constant 6 : i32
    %dma_wait3A_295 = arith.constant 0 : i32
    %dma_wait3A_296 = arith.constant 6 : i32
    %dma_wait3A_297 = arith.constant 0 : i32
    %dma_wait3A_298 = arith.constant 0 : i32
    %dma_wait3A_299 = tpu.memref_slice %arg8[%dma_wait3A_295, %dma_wait3A_296, %dma_wait3A_297, %dma_wait3A_298] : memref<2x8x128x16xbf16, #tpu.memory_space<vmem>> -> memref<1x1x128x16xbf16, #tpu.memory_space<vmem>>
    %dma_wait3A_300 = tpu.memref_squeeze %dma_wait3A_299 : memref<1x1x128x16xbf16, #tpu.memory_space<vmem>> -> memref<128x16xbf16, #tpu.memory_space<vmem>>
    %dma_wait3A_301 = arith.constant 0 : i32
    %dma_wait3A_302 = tpu.memref_slice %arg6[%dma_wait3A_294, %dma_wait3A_301] : memref<80x128xi32, #tpu.memory_space<vmem>> -> memref<1x128xi32, #tpu.memory_space<vmem>>
    %dma_wait3A_303 = tpu.memref_squeeze %dma_wait3A_302 : memref<1x128xi32, #tpu.memory_space<vmem>> -> memref<128xi32, #tpu.memory_space<vmem>>
    %dma_wait3A_304 = arith.constant 0 : i32
    %dma_wait3A_305 = arith.constant 0 : i32
    %dma_wait3A_306 = tpu.memref_slice %arg2[%dma_wait3A_304, %dma_wait3A_305] : memref<10000x16xbf16, #tpu.memory_space<hbm>> -> memref<10000x16xbf16, #tpu.memory_space<hbm>>
    tpu.wait_indirect_dma semaphore(%arg10 : memref<!tpu.dma_semaphore, #tpu.memory_space<semaphore_mem>>) src(%dma_wait3A_306 : memref<10000x16xbf16, #tpu.memory_space<hbm>>) dst(%dma_wait3A_300 : memref<128x16xbf16, #tpu.memory_space<vmem>>)
    %dma_wait3A_307 = arith.constant 7 : i32
    %dma_wait3A_308 = arith.constant 0 : i32
    %dma_wait3A_309 = arith.constant 7 : i32
    %dma_wait3A_310 = arith.constant 0 : i32
    %dma_wait3A_311 = arith.constant 0 : i32
    %dma_wait3A_312 = tpu.memref_slice %arg8[%dma_wait3A_308, %dma_wait3A_309, %dma_wait3A_310, %dma_wait3A_311] : memref<2x8x128x16xbf16, #tpu.memory_space<vmem>> -> memref<1x1x128x16xbf16, #tpu.memory_space<vmem>>
    %dma_wait3A_313 = tpu.memref_squeeze %dma_wait3A_312 : memref<1x1x128x16xbf16, #tpu.memory_space<vmem>> -> memref<128x16xbf16, #tpu.memory_space<vmem>>
    %dma_wait3A_314 = arith.constant 0 : i32
    %dma_wait3A_315 = tpu.memref_slice %arg6[%dma_wait3A_307, %dma_wait3A_314] : memref<80x128xi32, #tpu.memory_space<vmem>> -> memref<1x128xi32, #tpu.memory_space<vmem>>
    %dma_wait3A_316 = tpu.memref_squeeze %dma_wait3A_315 : memref<1x128xi32, #tpu.memory_space<vmem>> -> memref<128xi32, #tpu.memory_space<vmem>>
    %dma_wait3A_317 = arith.constant 0 : i32
    %dma_wait3A_318 = arith.constant 0 : i32
    %dma_wait3A_319 = tpu.memref_slice %arg2[%dma_wait3A_317, %dma_wait3A_318] : memref<10000x16xbf16, #tpu.memory_space<hbm>> -> memref<10000x16xbf16, #tpu.memory_space<hbm>>
    tpu.wait_indirect_dma semaphore(%arg10 : memref<!tpu.dma_semaphore, #tpu.memory_space<semaphore_mem>>) src(%dma_wait3A_319 : memref<10000x16xbf16, #tpu.memory_space<hbm>>) dst(%dma_wait3A_313 : memref<128x16xbf16, #tpu.memory_space<vmem>>)
    %dma_start3A_320 = arith.constant 0 : i32
    %dma_start3A_321 = arith.constant 0 : i32
    %dma_start3A_322 = arith.constant 0 : i32
    %dma_start3A_323 = arith.constant 0 : i32
    %dma_start3A_324 = arith.constant 0 : i32
    %dma_start3A_325 = tpu.memref_slice %arg8[%dma_start3A_320, %dma_start3A_321, %dma_start3A_323, %dma_start3A_324] : memref<2x8x128x16xbf16, #tpu.memory_space<vmem>> -> memref<1x1x128x16xbf16, #tpu.memory_space<vmem>>
    %dma_start3A_326 = tpu.memref_squeeze %dma_start3A_325 : memref<1x1x128x16xbf16, #tpu.memory_space<vmem>> -> memref<128x16xbf16, #tpu.memory_space<vmem>>
    %dma_start3A_327 = arith.constant 0 : i32
    %dma_start3A_328 = tpu.memref_slice %arg7[%dma_start3A_322, %dma_start3A_327] : memref<80x128xi32, #tpu.memory_space<vmem>> -> memref<1x128xi32, #tpu.memory_space<vmem>>
    %dma_start3A_329 = tpu.memref_squeeze %dma_start3A_328 : memref<1x128xi32, #tpu.memory_space<vmem>> -> memref<128xi32, #tpu.memory_space<vmem>>
    %dma_start3A_330 = arith.constant 0 : i32
    %dma_start3A_331 = arith.constant 0 : i32
    %dma_start3A_332 = tpu.memref_slice %arg9[%dma_start3A_330, %dma_start3A_331] : memref<10240x16xbf16, #tpu.memory_space<vmem_shared>> -> memref<10240x16xbf16, #tpu.memory_space<vmem_shared>>
    tpu.enqueue_indirect_dma source(%dma_start3A_326 : memref<128x16xbf16, #tpu.memory_space<vmem>>) target(%dma_start3A_332 : memref<10240x16xbf16, #tpu.memory_space<vmem_shared>>) offsets(%dma_start3A_329 : memref<128xi32, #tpu.memory_space<vmem>>) semaphore(%arg11 : memref<!tpu.dma_semaphore, #tpu.memory_space<semaphore_mem>>) {add = true}
    %dma_start3A_333 = arith.constant 0 : i32
    %dma_start3A_334 = arith.constant 1 : i32
    %dma_start3A_335 = arith.constant 1 : i32
    %dma_start3A_336 = arith.constant 0 : i32
    %dma_start3A_337 = arith.constant 0 : i32
    %dma_start3A_338 = tpu.memref_slice %arg8[%dma_start3A_333, %dma_start3A_334, %dma_start3A_336, %dma_start3A_337] : memref<2x8x128x16xbf16, #tpu.memory_space<vmem>> -> memref<1x1x128x16xbf16, #tpu.memory_space<vmem>>
    %dma_start3A_339 = tpu.memref_squeeze %dma_start3A_338 : memref<1x1x128x16xbf16, #tpu.memory_space<vmem>> -> memref<128x16xbf16, #tpu.memory_space<vmem>>
    %dma_start3A_340 = arith.constant 0 : i32
    %dma_start3A_341 = tpu.memref_slice %arg7[%dma_start3A_335, %dma_start3A_340] : memref<80x128xi32, #tpu.memory_space<vmem>> -> memref<1x128xi32, #tpu.memory_space<vmem>>
    %dma_start3A_342 = tpu.memref_squeeze %dma_start3A_341 : memref<1x128xi32, #tpu.memory_space<vmem>> -> memref<128xi32, #tpu.memory_space<vmem>>
    %dma_start3A_343 = arith.constant 0 : i32
    %dma_start3A_344 = arith.constant 0 : i32
    %dma_start3A_345 = tpu.memref_slice %arg9[%dma_start3A_343, %dma_start3A_344] : memref<10240x16xbf16, #tpu.memory_space<vmem_shared>> -> memref<10240x16xbf16, #tpu.memory_space<vmem_shared>>
    tpu.enqueue_indirect_dma source(%dma_start3A_339 : memref<128x16xbf16, #tpu.memory_space<vmem>>) target(%dma_start3A_345 : memref<10240x16xbf16, #tpu.memory_space<vmem_shared>>) offsets(%dma_start3A_342 : memref<128xi32, #tpu.memory_space<vmem>>) semaphore(%arg11 : memref<!tpu.dma_semaphore, #tpu.memory_space<semaphore_mem>>) {add = true}
    %dma_start3A_346 = arith.constant 0 : i32
    %dma_start3A_347 = arith.constant 2 : i32
    %dma_start3A_348 = arith.constant 2 : i32
    %dma_start3A_349 = arith.constant 0 : i32
    %dma_start3A_350 = arith.constant 0 : i32
    %dma_start3A_351 = tpu.memref_slice %arg8[%dma_start3A_346, %dma_start3A_347, %dma_start3A_349, %dma_start3A_350] : memref<2x8x128x16xbf16, #tpu.memory_space<vmem>> -> memref<1x1x128x16xbf16, #tpu.memory_space<vmem>>
    %dma_start3A_352 = tpu.memref_squeeze %dma_start3A_351 : memref<1x1x128x16xbf16, #tpu.memory_space<vmem>> -> memref<128x16xbf16, #tpu.memory_space<vmem>>
    %dma_start3A_353 = arith.constant 0 : i32
    %dma_start3A_354 = tpu.memref_slice %arg7[%dma_start3A_348, %dma_start3A_353] : memref<80x128xi32, #tpu.memory_space<vmem>> -> memref<1x128xi32, #tpu.memory_space<vmem>>
    %dma_start3A_355 = tpu.memref_squeeze %dma_start3A_354 : memref<1x128xi32, #tpu.memory_space<vmem>> -> memref<128xi32, #tpu.memory_space<vmem>>
    %dma_start3A_356 = arith.constant 0 : i32
    %dma_start3A_357 = arith.constant 0 : i32
    %dma_start3A_358 = tpu.memref_slice %arg9[%dma_start3A_356, %dma_start3A_357] : memref<10240x16xbf16, #tpu.memory_space<vmem_shared>> -> memref<10240x16xbf16, #tpu.memory_space<vmem_shared>>
    tpu.enqueue_indirect_dma source(%dma_start3A_352 : memref<128x16xbf16, #tpu.memory_space<vmem>>) target(%dma_start3A_358 : memref<10240x16xbf16, #tpu.memory_space<vmem_shared>>) offsets(%dma_start3A_355 : memref<128xi32, #tpu.memory_space<vmem>>) semaphore(%arg11 : memref<!tpu.dma_semaphore, #tpu.memory_space<semaphore_mem>>) {add = true}
    %dma_start3A_359 = arith.constant 0 : i32
    %dma_start3A_360 = arith.constant 3 : i32
    %dma_start3A_361 = arith.constant 3 : i32
    %dma_start3A_362 = arith.constant 0 : i32
    %dma_start3A_363 = arith.constant 0 : i32
    %dma_start3A_364 = tpu.memref_slice %arg8[%dma_start3A_359, %dma_start3A_360, %dma_start3A_362, %dma_start3A_363] : memref<2x8x128x16xbf16, #tpu.memory_space<vmem>> -> memref<1x1x128x16xbf16, #tpu.memory_space<vmem>>
    %dma_start3A_365 = tpu.memref_squeeze %dma_start3A_364 : memref<1x1x128x16xbf16, #tpu.memory_space<vmem>> -> memref<128x16xbf16, #tpu.memory_space<vmem>>
    %dma_start3A_366 = arith.constant 0 : i32
    %dma_start3A_367 = tpu.memref_slice %arg7[%dma_start3A_361, %dma_start3A_366] : memref<80x128xi32, #tpu.memory_space<vmem>> -> memref<1x128xi32, #tpu.memory_space<vmem>>
    %dma_start3A_368 = tpu.memref_squeeze %dma_start3A_367 : memref<1x128xi32, #tpu.memory_space<vmem>> -> memref<128xi32, #tpu.memory_space<vmem>>
    %dma_start3A_369 = arith.constant 0 : i32
    %dma_start3A_370 = arith.constant 0 : i32
    %dma_start3A_371 = tpu.memref_slice %arg9[%dma_start3A_369, %dma_start3A_370] : memref<10240x16xbf16, #tpu.memory_space<vmem_shared>> -> memref<10240x16xbf16, #tpu.memory_space<vmem_shared>>
    tpu.enqueue_indirect_dma source(%dma_start3A_365 : memref<128x16xbf16, #tpu.memory_space<vmem>>) target(%dma_start3A_371 : memref<10240x16xbf16, #tpu.memory_space<vmem_shared>>) offsets(%dma_start3A_368 : memref<128xi32, #tpu.memory_space<vmem>>) semaphore(%arg11 : memref<!tpu.dma_semaphore, #tpu.memory_space<semaphore_mem>>) {add = true}
    %dma_start3A_372 = arith.constant 0 : i32
    %dma_start3A_373 = arith.constant 4 : i32
    %dma_start3A_374 = arith.constant 4 : i32
    %dma_start3A_375 = arith.constant 0 : i32
    %dma_start3A_376 = arith.constant 0 : i32
    %dma_start3A_377 = tpu.memref_slice %arg8[%dma_start3A_372, %dma_start3A_373, %dma_start3A_375, %dma_start3A_376] : memref<2x8x128x16xbf16, #tpu.memory_space<vmem>> -> memref<1x1x128x16xbf16, #tpu.memory_space<vmem>>
    %dma_start3A_378 = tpu.memref_squeeze %dma_start3A_377 : memref<1x1x128x16xbf16, #tpu.memory_space<vmem>> -> memref<128x16xbf16, #tpu.memory_space<vmem>>
    %dma_start3A_379 = arith.constant 0 : i32
    %dma_start3A_380 = tpu.memref_slice %arg7[%dma_start3A_374, %dma_start3A_379] : memref<80x128xi32, #tpu.memory_space<vmem>> -> memref<1x128xi32, #tpu.memory_space<vmem>>
    %dma_start3A_381 = tpu.memref_squeeze %dma_start3A_380 : memref<1x128xi32, #tpu.memory_space<vmem>> -> memref<128xi32, #tpu.memory_space<vmem>>
    %dma_start3A_382 = arith.constant 0 : i32
    %dma_start3A_383 = arith.constant 0 : i32
    %dma_start3A_384 = tpu.memref_slice %arg9[%dma_start3A_382, %dma_start3A_383] : memref<10240x16xbf16, #tpu.memory_space<vmem_shared>> -> memref<10240x16xbf16, #tpu.memory_space<vmem_shared>>
    tpu.enqueue_indirect_dma source(%dma_start3A_378 : memref<128x16xbf16, #tpu.memory_space<vmem>>) target(%dma_start3A_384 : memref<10240x16xbf16, #tpu.memory_space<vmem_shared>>) offsets(%dma_start3A_381 : memref<128xi32, #tpu.memory_space<vmem>>) semaphore(%arg11 : memref<!tpu.dma_semaphore, #tpu.memory_space<semaphore_mem>>) {add = true}
    %dma_start3A_385 = arith.constant 0 : i32
    %dma_start3A_386 = arith.constant 5 : i32
    %dma_start3A_387 = arith.constant 5 : i32
    %dma_start3A_388 = arith.constant 0 : i32
    %dma_start3A_389 = arith.constant 0 : i32
    %dma_start3A_390 = tpu.memref_slice %arg8[%dma_start3A_385, %dma_start3A_386, %dma_start3A_388, %dma_start3A_389] : memref<2x8x128x16xbf16, #tpu.memory_space<vmem>> -> memref<1x1x128x16xbf16, #tpu.memory_space<vmem>>
    %dma_start3A_391 = tpu.memref_squeeze %dma_start3A_390 : memref<1x1x128x16xbf16, #tpu.memory_space<vmem>> -> memref<128x16xbf16, #tpu.memory_space<vmem>>
    %dma_start3A_392 = arith.constant 0 : i32
    %dma_start3A_393 = tpu.memref_slice %arg7[%dma_start3A_387, %dma_start3A_392] : memref<80x128xi32, #tpu.memory_space<vmem>> -> memref<1x128xi32, #tpu.memory_space<vmem>>
    %dma_start3A_394 = tpu.memref_squeeze %dma_start3A_393 : memref<1x128xi32, #tpu.memory_space<vmem>> -> memref<128xi32, #tpu.memory_space<vmem>>
    %dma_start3A_395 = arith.constant 0 : i32
    %dma_start3A_396 = arith.constant 0 : i32
    %dma_start3A_397 = tpu.memref_slice %arg9[%dma_start3A_395, %dma_start3A_396] : memref<10240x16xbf16, #tpu.memory_space<vmem_shared>> -> memref<10240x16xbf16, #tpu.memory_space<vmem_shared>>
    tpu.enqueue_indirect_dma source(%dma_start3A_391 : memref<128x16xbf16, #tpu.memory_space<vmem>>) target(%dma_start3A_397 : memref<10240x16xbf16, #tpu.memory_space<vmem_shared>>) offsets(%dma_start3A_394 : memref<128xi32, #tpu.memory_space<vmem>>) semaphore(%arg11 : memref<!tpu.dma_semaphore, #tpu.memory_space<semaphore_mem>>) {add = true}
    %dma_start3A_398 = arith.constant 0 : i32
    %dma_start3A_399 = arith.constant 6 : i32
    %dma_start3A_400 = arith.constant 6 : i32
    %dma_start3A_401 = arith.constant 0 : i32
    %dma_start3A_402 = arith.constant 0 : i32
    %dma_start3A_403 = tpu.memref_slice %arg8[%dma_start3A_398, %dma_start3A_399, %dma_start3A_401, %dma_start3A_402] : memref<2x8x128x16xbf16, #tpu.memory_space<vmem>> -> memref<1x1x128x16xbf16, #tpu.memory_space<vmem>>
    %dma_start3A_404 = tpu.memref_squeeze %dma_start3A_403 : memref<1x1x128x16xbf16, #tpu.memory_space<vmem>> -> memref<128x16xbf16, #tpu.memory_space<vmem>>
    %dma_start3A_405 = arith.constant 0 : i32
    %dma_start3A_406 = tpu.memref_slice %arg7[%dma_start3A_400, %dma_start3A_405] : memref<80x128xi32, #tpu.memory_space<vmem>> -> memref<1x128xi32, #tpu.memory_space<vmem>>
    %dma_start3A_407 = tpu.memref_squeeze %dma_start3A_406 : memref<1x128xi32, #tpu.memory_space<vmem>> -> memref<128xi32, #tpu.memory_space<vmem>>
    %dma_start3A_408 = arith.constant 0 : i32
    %dma_start3A_409 = arith.constant 0 : i32
    %dma_start3A_410 = tpu.memref_slice %arg9[%dma_start3A_408, %dma_start3A_409] : memref<10240x16xbf16, #tpu.memory_space<vmem_shared>> -> memref<10240x16xbf16, #tpu.memory_space<vmem_shared>>
    tpu.enqueue_indirect_dma source(%dma_start3A_404 : memref<128x16xbf16, #tpu.memory_space<vmem>>) target(%dma_start3A_410 : memref<10240x16xbf16, #tpu.memory_space<vmem_shared>>) offsets(%dma_start3A_407 : memref<128xi32, #tpu.memory_space<vmem>>) semaphore(%arg11 : memref<!tpu.dma_semaphore, #tpu.memory_space<semaphore_mem>>) {add = true}
    %dma_start3A_411 = arith.constant 0 : i32
    %dma_start3A_412 = arith.constant 7 : i32
    %dma_start3A_413 = arith.constant 7 : i32
    %dma_start3A_414 = arith.constant 0 : i32
    %dma_start3A_415 = arith.constant 0 : i32
    %dma_start3A_416 = tpu.memref_slice %arg8[%dma_start3A_411, %dma_start3A_412, %dma_start3A_414, %dma_start3A_415] : memref<2x8x128x16xbf16, #tpu.memory_space<vmem>> -> memref<1x1x128x16xbf16, #tpu.memory_space<vmem>>
    %dma_start3A_417 = tpu.memref_squeeze %dma_start3A_416 : memref<1x1x128x16xbf16, #tpu.memory_space<vmem>> -> memref<128x16xbf16, #tpu.memory_space<vmem>>
    %dma_start3A_418 = arith.constant 0 : i32
    %dma_start3A_419 = tpu.memref_slice %arg7[%dma_start3A_413, %dma_start3A_418] : memref<80x128xi32, #tpu.memory_space<vmem>> -> memref<1x128xi32, #tpu.memory_space<vmem>>
    %dma_start3A_420 = tpu.memref_squeeze %dma_start3A_419 : memref<1x128xi32, #tpu.memory_space<vmem>> -> memref<128xi32, #tpu.memory_space<vmem>>
    %dma_start3A_421 = arith.constant 0 : i32
    %dma_start3A_422 = arith.constant 0 : i32
    %dma_start3A_423 = tpu.memref_slice %arg9[%dma_start3A_421, %dma_start3A_422] : memref<10240x16xbf16, #tpu.memory_space<vmem_shared>> -> memref<10240x16xbf16, #tpu.memory_space<vmem_shared>>
    tpu.enqueue_indirect_dma source(%dma_start3A_417 : memref<128x16xbf16, #tpu.memory_space<vmem>>) target(%dma_start3A_423 : memref<10240x16xbf16, #tpu.memory_space<vmem_shared>>) offsets(%dma_start3A_420 : memref<128xi32, #tpu.memory_space<vmem>>) semaphore(%arg11 : memref<!tpu.dma_semaphore, #tpu.memory_space<semaphore_mem>>) {add = true}
    %scan3A = arith.constant 0 : i32
    %scan3A_424 = arith.constant 2 : i32
    %scan3A_425 = arith.constant 8 : i32
    %scan3A_426 = arith.addi %scan3A_424, %scan3A_425 : i32
    %scan3A_427 = arith.constant 1 : i32
    scf.for %scan3A_850 = %scan3A_424 to %scan3A_426 step %scan3A_427  : i32 {
      %jit3A = arith.constant 2 : i32
      %eq3A_851 = arith.constant 0 : i32
      %eq3A_852 = arith.cmpi eq, %jit3A, %eq3A_851 : i32
      %jit3A_853 = arith.constant 1 : i32
      %select_n3A = arith.select %eq3A_852, %jit3A_853, %jit3A : i32
      %rem3A = arith.remsi %scan3A_850, %select_n3A : i32
      %ne3A_854 = arith.constant 0 : i32
      %ne3A_855 = arith.cmpi ne, %rem3A, %ne3A_854 : i32
      %lt3A = arith.constant 0 : i32
      %lt3A_856 = arith.cmpi slt, %rem3A, %lt3A : i32
      %lt3A_857 = arith.constant 0 : i32
      %lt3A_858 = arith.cmpi slt, %select_n3A, %lt3A_857 : i32
      %ne3A_859 = arith.xori %lt3A_856, %lt3A_858 : i1
      %and3A = arith.andi %ne3A_859, %ne3A_855 : i1
      %add3A_860 = arith.addi %rem3A, %select_n3A : i32
      %select_n3A_861 = arith.select %and3A, %add3A_860, %rem3A : i32
      %sub3A = arith.constant 1 : i32
      %sub3A_862 = arith.subi %scan3A_850, %sub3A : i32
      %jit3A_863 = arith.constant 2 : i32
      %eq3A_864 = arith.constant 0 : i32
      %eq3A_865 = arith.cmpi eq, %jit3A_863, %eq3A_864 : i32
      %jit3A_866 = arith.constant 1 : i32
      %select_n3A_867 = arith.select %eq3A_865, %jit3A_866, %jit3A_863 : i32
      %rem3A_868 = arith.remsi %sub3A_862, %select_n3A_867 : i32
      %ne3A_869 = arith.constant 0 : i32
      %ne3A_870 = arith.cmpi ne, %rem3A_868, %ne3A_869 : i32
      %lt3A_871 = arith.constant 0 : i32
      %lt3A_872 = arith.cmpi slt, %rem3A_868, %lt3A_871 : i32
      %lt3A_873 = arith.constant 0 : i32
      %lt3A_874 = arith.cmpi slt, %select_n3A_867, %lt3A_873 : i32
      %ne3A_875 = arith.xori %lt3A_872, %lt3A_874 : i1
      %and3A_876 = arith.andi %ne3A_875, %ne3A_870 : i1
      %add3A_877 = arith.addi %rem3A_868, %select_n3A_867 : i32
      %select_n3A_878 = arith.select %and3A_876, %add3A_877, %rem3A_868 : i32
      %sub3A_879 = arith.constant 2 : i32
      %sub3A_880 = arith.subi %scan3A_850, %sub3A_879 : i32
      %mul3A_881 = arith.constant 8 : i32
      %mul3A_882 = arith.muli %sub3A_880, %mul3A_881 : i32
      %add3A_883 = arith.constant 0 : i32
      %add3A_884 = arith.addi %mul3A_882, %add3A_883 : i32
      %dma_wait3A_885 = arith.constant 0 : i32
      %dma_wait3A_886 = arith.constant 0 : i32
      %dma_wait3A_887 = arith.constant 0 : i32
      %dma_wait3A_888 = tpu.memref_slice %arg8[%select_n3A_861, %dma_wait3A_885, %dma_wait3A_886, %dma_wait3A_887] : memref<2x8x128x16xbf16, #tpu.memory_space<vmem>> -> memref<1x1x128x16xbf16, #tpu.memory_space<vmem>>
      %dma_wait3A_889 = tpu.memref_squeeze %dma_wait3A_888 : memref<1x1x128x16xbf16, #tpu.memory_space<vmem>> -> memref<128x16xbf16, #tpu.memory_space<vmem>>
      %dma_wait3A_890 = arith.constant 0 : i32
      %dma_wait3A_891 = tpu.memref_slice %arg7[%add3A_884, %dma_wait3A_890] : memref<80x128xi32, #tpu.memory_space<vmem>> -> memref<1x128xi32, #tpu.memory_space<vmem>>
      %dma_wait3A_892 = tpu.memref_squeeze %dma_wait3A_891 : memref<1x128xi32, #tpu.memory_space<vmem>> -> memref<128xi32, #tpu.memory_space<vmem>>
      %dma_wait3A_893 = arith.constant 0 : i32
      %dma_wait3A_894 = arith.constant 0 : i32
      %dma_wait3A_895 = tpu.memref_slice %arg9[%dma_wait3A_893, %dma_wait3A_894] : memref<10240x16xbf16, #tpu.memory_space<vmem_shared>> -> memref<10240x16xbf16, #tpu.memory_space<vmem_shared>>
      tpu.wait_indirect_dma semaphore(%arg11 : memref<!tpu.dma_semaphore, #tpu.memory_space<semaphore_mem>>) src(%dma_wait3A_889 : memref<128x16xbf16, #tpu.memory_space<vmem>>) dst(%dma_wait3A_895 : memref<10240x16xbf16, #tpu.memory_space<vmem_shared>>)
      %mul3A_896 = arith.constant 8 : i32
      %mul3A_897 = arith.muli %sub3A_880, %mul3A_896 : i32
      %add3A_898 = arith.constant 1 : i32
      %add3A_899 = arith.addi %mul3A_897, %add3A_898 : i32
      %dma_wait3A_900 = arith.constant 1 : i32
      %dma_wait3A_901 = arith.constant 0 : i32
      %dma_wait3A_902 = arith.constant 0 : i32
      %dma_wait3A_903 = tpu.memref_slice %arg8[%select_n3A_861, %dma_wait3A_900, %dma_wait3A_901, %dma_wait3A_902] : memref<2x8x128x16xbf16, #tpu.memory_space<vmem>> -> memref<1x1x128x16xbf16, #tpu.memory_space<vmem>>
      %dma_wait3A_904 = tpu.memref_squeeze %dma_wait3A_903 : memref<1x1x128x16xbf16, #tpu.memory_space<vmem>> -> memref<128x16xbf16, #tpu.memory_space<vmem>>
      %dma_wait3A_905 = arith.constant 0 : i32
      %dma_wait3A_906 = tpu.memref_slice %arg7[%add3A_899, %dma_wait3A_905] : memref<80x128xi32, #tpu.memory_space<vmem>> -> memref<1x128xi32, #tpu.memory_space<vmem>>
      %dma_wait3A_907 = tpu.memref_squeeze %dma_wait3A_906 : memref<1x128xi32, #tpu.memory_space<vmem>> -> memref<128xi32, #tpu.memory_space<vmem>>
      %dma_wait3A_908 = arith.constant 0 : i32
      %dma_wait3A_909 = arith.constant 0 : i32
      %dma_wait3A_910 = tpu.memref_slice %arg9[%dma_wait3A_908, %dma_wait3A_909] : memref<10240x16xbf16, #tpu.memory_space<vmem_shared>> -> memref<10240x16xbf16, #tpu.memory_space<vmem_shared>>
      tpu.wait_indirect_dma semaphore(%arg11 : memref<!tpu.dma_semaphore, #tpu.memory_space<semaphore_mem>>) src(%dma_wait3A_904 : memref<128x16xbf16, #tpu.memory_space<vmem>>) dst(%dma_wait3A_910 : memref<10240x16xbf16, #tpu.memory_space<vmem_shared>>)
      %mul3A_911 = arith.constant 8 : i32
      %mul3A_912 = arith.muli %sub3A_880, %mul3A_911 : i32
      %add3A_913 = arith.constant 2 : i32
      %add3A_914 = arith.addi %mul3A_912, %add3A_913 : i32
      %dma_wait3A_915 = arith.constant 2 : i32
      %dma_wait3A_916 = arith.constant 0 : i32
      %dma_wait3A_917 = arith.constant 0 : i32
      %dma_wait3A_918 = tpu.memref_slice %arg8[%select_n3A_861, %dma_wait3A_915, %dma_wait3A_916, %dma_wait3A_917] : memref<2x8x128x16xbf16, #tpu.memory_space<vmem>> -> memref<1x1x128x16xbf16, #tpu.memory_space<vmem>>
      %dma_wait3A_919 = tpu.memref_squeeze %dma_wait3A_918 : memref<1x1x128x16xbf16, #tpu.memory_space<vmem>> -> memref<128x16xbf16, #tpu.memory_space<vmem>>
      %dma_wait3A_920 = arith.constant 0 : i32
      %dma_wait3A_921 = tpu.memref_slice %arg7[%add3A_914, %dma_wait3A_920] : memref<80x128xi32, #tpu.memory_space<vmem>> -> memref<1x128xi32, #tpu.memory_space<vmem>>
      %dma_wait3A_922 = tpu.memref_squeeze %dma_wait3A_921 : memref<1x128xi32, #tpu.memory_space<vmem>> -> memref<128xi32, #tpu.memory_space<vmem>>
      %dma_wait3A_923 = arith.constant 0 : i32
      %dma_wait3A_924 = arith.constant 0 : i32
      %dma_wait3A_925 = tpu.memref_slice %arg9[%dma_wait3A_923, %dma_wait3A_924] : memref<10240x16xbf16, #tpu.memory_space<vmem_shared>> -> memref<10240x16xbf16, #tpu.memory_space<vmem_shared>>
      tpu.wait_indirect_dma semaphore(%arg11 : memref<!tpu.dma_semaphore, #tpu.memory_space<semaphore_mem>>) src(%dma_wait3A_919 : memref<128x16xbf16, #tpu.memory_space<vmem>>) dst(%dma_wait3A_925 : memref<10240x16xbf16, #tpu.memory_space<vmem_shared>>)
      %mul3A_926 = arith.constant 8 : i32
      %mul3A_927 = arith.muli %sub3A_880, %mul3A_926 : i32
      %add3A_928 = arith.constant 3 : i32
      %add3A_929 = arith.addi %mul3A_927, %add3A_928 : i32
      %dma_wait3A_930 = arith.constant 3 : i32
      %dma_wait3A_931 = arith.constant 0 : i32
      %dma_wait3A_932 = arith.constant 0 : i32
      %dma_wait3A_933 = tpu.memref_slice %arg8[%select_n3A_861, %dma_wait3A_930, %dma_wait3A_931, %dma_wait3A_932] : memref<2x8x128x16xbf16, #tpu.memory_space<vmem>> -> memref<1x1x128x16xbf16, #tpu.memory_space<vmem>>
      %dma_wait3A_934 = tpu.memref_squeeze %dma_wait3A_933 : memref<1x1x128x16xbf16, #tpu.memory_space<vmem>> -> memref<128x16xbf16, #tpu.memory_space<vmem>>
      %dma_wait3A_935 = arith.constant 0 : i32
      %dma_wait3A_936 = tpu.memref_slice %arg7[%add3A_929, %dma_wait3A_935] : memref<80x128xi32, #tpu.memory_space<vmem>> -> memref<1x128xi32, #tpu.memory_space<vmem>>
      %dma_wait3A_937 = tpu.memref_squeeze %dma_wait3A_936 : memref<1x128xi32, #tpu.memory_space<vmem>> -> memref<128xi32, #tpu.memory_space<vmem>>
      %dma_wait3A_938 = arith.constant 0 : i32
      %dma_wait3A_939 = arith.constant 0 : i32
      %dma_wait3A_940 = tpu.memref_slice %arg9[%dma_wait3A_938, %dma_wait3A_939] : memref<10240x16xbf16, #tpu.memory_space<vmem_shared>> -> memref<10240x16xbf16, #tpu.memory_space<vmem_shared>>
      tpu.wait_indirect_dma semaphore(%arg11 : memref<!tpu.dma_semaphore, #tpu.memory_space<semaphore_mem>>) src(%dma_wait3A_934 : memref<128x16xbf16, #tpu.memory_space<vmem>>) dst(%dma_wait3A_940 : memref<10240x16xbf16, #tpu.memory_space<vmem_shared>>)
      %mul3A_941 = arith.constant 8 : i32
      %mul3A_942 = arith.muli %sub3A_880, %mul3A_941 : i32
      %add3A_943 = arith.constant 4 : i32
      %add3A_944 = arith.addi %mul3A_942, %add3A_943 : i32
      %dma_wait3A_945 = arith.constant 4 : i32
      %dma_wait3A_946 = arith.constant 0 : i32
      %dma_wait3A_947 = arith.constant 0 : i32
      %dma_wait3A_948 = tpu.memref_slice %arg8[%select_n3A_861, %dma_wait3A_945, %dma_wait3A_946, %dma_wait3A_947] : memref<2x8x128x16xbf16, #tpu.memory_space<vmem>> -> memref<1x1x128x16xbf16, #tpu.memory_space<vmem>>
      %dma_wait3A_949 = tpu.memref_squeeze %dma_wait3A_948 : memref<1x1x128x16xbf16, #tpu.memory_space<vmem>> -> memref<128x16xbf16, #tpu.memory_space<vmem>>
      %dma_wait3A_950 = arith.constant 0 : i32
      %dma_wait3A_951 = tpu.memref_slice %arg7[%add3A_944, %dma_wait3A_950] : memref<80x128xi32, #tpu.memory_space<vmem>> -> memref<1x128xi32, #tpu.memory_space<vmem>>
      %dma_wait3A_952 = tpu.memref_squeeze %dma_wait3A_951 : memref<1x128xi32, #tpu.memory_space<vmem>> -> memref<128xi32, #tpu.memory_space<vmem>>
      %dma_wait3A_953 = arith.constant 0 : i32
      %dma_wait3A_954 = arith.constant 0 : i32
      %dma_wait3A_955 = tpu.memref_slice %arg9[%dma_wait3A_953, %dma_wait3A_954] : memref<10240x16xbf16, #tpu.memory_space<vmem_shared>> -> memref<10240x16xbf16, #tpu.memory_space<vmem_shared>>
      tpu.wait_indirect_dma semaphore(%arg11 : memref<!tpu.dma_semaphore, #tpu.memory_space<semaphore_mem>>) src(%dma_wait3A_949 : memref<128x16xbf16, #tpu.memory_space<vmem>>) dst(%dma_wait3A_955 : memref<10240x16xbf16, #tpu.memory_space<vmem_shared>>)
      %mul3A_956 = arith.constant 8 : i32
      %mul3A_957 = arith.muli %sub3A_880, %mul3A_956 : i32
      %add3A_958 = arith.constant 5 : i32
      %add3A_959 = arith.addi %mul3A_957, %add3A_958 : i32
      %dma_wait3A_960 = arith.constant 5 : i32
      %dma_wait3A_961 = arith.constant 0 : i32
      %dma_wait3A_962 = arith.constant 0 : i32
      %dma_wait3A_963 = tpu.memref_slice %arg8[%select_n3A_861, %dma_wait3A_960, %dma_wait3A_961, %dma_wait3A_962] : memref<2x8x128x16xbf16, #tpu.memory_space<vmem>> -> memref<1x1x128x16xbf16, #tpu.memory_space<vmem>>
      %dma_wait3A_964 = tpu.memref_squeeze %dma_wait3A_963 : memref<1x1x128x16xbf16, #tpu.memory_space<vmem>> -> memref<128x16xbf16, #tpu.memory_space<vmem>>
      %dma_wait3A_965 = arith.constant 0 : i32
      %dma_wait3A_966 = tpu.memref_slice %arg7[%add3A_959, %dma_wait3A_965] : memref<80x128xi32, #tpu.memory_space<vmem>> -> memref<1x128xi32, #tpu.memory_space<vmem>>
      %dma_wait3A_967 = tpu.memref_squeeze %dma_wait3A_966 : memref<1x128xi32, #tpu.memory_space<vmem>> -> memref<128xi32, #tpu.memory_space<vmem>>
      %dma_wait3A_968 = arith.constant 0 : i32
      %dma_wait3A_969 = arith.constant 0 : i32
      %dma_wait3A_970 = tpu.memref_slice %arg9[%dma_wait3A_968, %dma_wait3A_969] : memref<10240x16xbf16, #tpu.memory_space<vmem_shared>> -> memref<10240x16xbf16, #tpu.memory_space<vmem_shared>>
      tpu.wait_indirect_dma semaphore(%arg11 : memref<!tpu.dma_semaphore, #tpu.memory_space<semaphore_mem>>) src(%dma_wait3A_964 : memref<128x16xbf16, #tpu.memory_space<vmem>>) dst(%dma_wait3A_970 : memref<10240x16xbf16, #tpu.memory_space<vmem_shared>>)
      %mul3A_971 = arith.constant 8 : i32
      %mul3A_972 = arith.muli %sub3A_880, %mul3A_971 : i32
      %add3A_973 = arith.constant 6 : i32
      %add3A_974 = arith.addi %mul3A_972, %add3A_973 : i32
      %dma_wait3A_975 = arith.constant 6 : i32
      %dma_wait3A_976 = arith.constant 0 : i32
      %dma_wait3A_977 = arith.constant 0 : i32
      %dma_wait3A_978 = tpu.memref_slice %arg8[%select_n3A_861, %dma_wait3A_975, %dma_wait3A_976, %dma_wait3A_977] : memref<2x8x128x16xbf16, #tpu.memory_space<vmem>> -> memref<1x1x128x16xbf16, #tpu.memory_space<vmem>>
      %dma_wait3A_979 = tpu.memref_squeeze %dma_wait3A_978 : memref<1x1x128x16xbf16, #tpu.memory_space<vmem>> -> memref<128x16xbf16, #tpu.memory_space<vmem>>
      %dma_wait3A_980 = arith.constant 0 : i32
      %dma_wait3A_981 = tpu.memref_slice %arg7[%add3A_974, %dma_wait3A_980] : memref<80x128xi32, #tpu.memory_space<vmem>> -> memref<1x128xi32, #tpu.memory_space<vmem>>
      %dma_wait3A_982 = tpu.memref_squeeze %dma_wait3A_981 : memref<1x128xi32, #tpu.memory_space<vmem>> -> memref<128xi32, #tpu.memory_space<vmem>>
      %dma_wait3A_983 = arith.constant 0 : i32
      %dma_wait3A_984 = arith.constant 0 : i32
      %dma_wait3A_985 = tpu.memref_slice %arg9[%dma_wait3A_983, %dma_wait3A_984] : memref<10240x16xbf16, #tpu.memory_space<vmem_shared>> -> memref<10240x16xbf16, #tpu.memory_space<vmem_shared>>
      tpu.wait_indirect_dma semaphore(%arg11 : memref<!tpu.dma_semaphore, #tpu.memory_space<semaphore_mem>>) src(%dma_wait3A_979 : memref<128x16xbf16, #tpu.memory_space<vmem>>) dst(%dma_wait3A_985 : memref<10240x16xbf16, #tpu.memory_space<vmem_shared>>)
      %mul3A_986 = arith.constant 8 : i32
      %mul3A_987 = arith.muli %sub3A_880, %mul3A_986 : i32
      %add3A_988 = arith.constant 7 : i32
      %add3A_989 = arith.addi %mul3A_987, %add3A_988 : i32
      %dma_wait3A_990 = arith.constant 7 : i32
      %dma_wait3A_991 = arith.constant 0 : i32
      %dma_wait3A_992 = arith.constant 0 : i32
      %dma_wait3A_993 = tpu.memref_slice %arg8[%select_n3A_861, %dma_wait3A_990, %dma_wait3A_991, %dma_wait3A_992] : memref<2x8x128x16xbf16, #tpu.memory_space<vmem>> -> memref<1x1x128x16xbf16, #tpu.memory_space<vmem>>
      %dma_wait3A_994 = tpu.memref_squeeze %dma_wait3A_993 : memref<1x1x128x16xbf16, #tpu.memory_space<vmem>> -> memref<128x16xbf16, #tpu.memory_space<vmem>>
      %dma_wait3A_995 = arith.constant 0 : i32
      %dma_wait3A_996 = tpu.memref_slice %arg7[%add3A_989, %dma_wait3A_995] : memref<80x128xi32, #tpu.memory_space<vmem>> -> memref<1x128xi32, #tpu.memory_space<vmem>>
      %dma_wait3A_997 = tpu.memref_squeeze %dma_wait3A_996 : memref<1x128xi32, #tpu.memory_space<vmem>> -> memref<128xi32, #tpu.memory_space<vmem>>
      %dma_wait3A_998 = arith.constant 0 : i32
      %dma_wait3A_999 = arith.constant 0 : i32
      %dma_wait3A_1000 = tpu.memref_slice %arg9[%dma_wait3A_998, %dma_wait3A_999] : memref<10240x16xbf16, #tpu.memory_space<vmem_shared>> -> memref<10240x16xbf16, #tpu.memory_space<vmem_shared>>
      tpu.wait_indirect_dma semaphore(%arg11 : memref<!tpu.dma_semaphore, #tpu.memory_space<semaphore_mem>>) src(%dma_wait3A_994 : memref<128x16xbf16, #tpu.memory_space<vmem>>) dst(%dma_wait3A_1000 : memref<10240x16xbf16, #tpu.memory_space<vmem_shared>>)
      %mul3A_1001 = arith.constant 8 : i32
      %mul3A_1002 = arith.muli %scan3A_850, %mul3A_1001 : i32
      %add3A_1003 = arith.constant 0 : i32
      %add3A_1004 = arith.addi %mul3A_1002, %add3A_1003 : i32
      %dma_start3A_1005 = arith.constant 0 : i32
      %dma_start3A_1006 = arith.constant 0 : i32
      %dma_start3A_1007 = arith.constant 0 : i32
      %dma_start3A_1008 = tpu.memref_slice %arg8[%select_n3A_861, %dma_start3A_1005, %dma_start3A_1006, %dma_start3A_1007] : memref<2x8x128x16xbf16, #tpu.memory_space<vmem>> -> memref<1x1x128x16xbf16, #tpu.memory_space<vmem>>
      %dma_start3A_1009 = tpu.memref_squeeze %dma_start3A_1008 : memref<1x1x128x16xbf16, #tpu.memory_space<vmem>> -> memref<128x16xbf16, #tpu.memory_space<vmem>>
      %dma_start3A_1010 = arith.constant 0 : i32
      %dma_start3A_1011 = tpu.memref_slice %arg6[%add3A_1004, %dma_start3A_1010] : memref<80x128xi32, #tpu.memory_space<vmem>> -> memref<1x128xi32, #tpu.memory_space<vmem>>
      %dma_start3A_1012 = tpu.memref_squeeze %dma_start3A_1011 : memref<1x128xi32, #tpu.memory_space<vmem>> -> memref<128xi32, #tpu.memory_space<vmem>>
      %dma_start3A_1013 = arith.constant 0 : i32
      %dma_start3A_1014 = arith.constant 0 : i32
      %dma_start3A_1015 = tpu.memref_slice %arg2[%dma_start3A_1013, %dma_start3A_1014] : memref<10000x16xbf16, #tpu.memory_space<hbm>> -> memref<10000x16xbf16, #tpu.memory_space<hbm>>
      tpu.enqueue_indirect_dma source(%dma_start3A_1015 : memref<10000x16xbf16, #tpu.memory_space<hbm>>) target(%dma_start3A_1009 : memref<128x16xbf16, #tpu.memory_space<vmem>>) offsets(%dma_start3A_1012 : memref<128xi32, #tpu.memory_space<vmem>>) semaphore(%arg10 : memref<!tpu.dma_semaphore, #tpu.memory_space<semaphore_mem>>)
      %mul3A_1016 = arith.constant 8 : i32
      %mul3A_1017 = arith.muli %scan3A_850, %mul3A_1016 : i32
      %add3A_1018 = arith.constant 1 : i32
      %add3A_1019 = arith.addi %mul3A_1017, %add3A_1018 : i32
      %dma_start3A_1020 = arith.constant 1 : i32
      %dma_start3A_1021 = arith.constant 0 : i32
      %dma_start3A_1022 = arith.constant 0 : i32
      %dma_start3A_1023 = tpu.memref_slice %arg8[%select_n3A_861, %dma_start3A_1020, %dma_start3A_1021, %dma_start3A_1022] : memref<2x8x128x16xbf16, #tpu.memory_space<vmem>> -> memref<1x1x128x16xbf16, #tpu.memory_space<vmem>>
      %dma_start3A_1024 = tpu.memref_squeeze %dma_start3A_1023 : memref<1x1x128x16xbf16, #tpu.memory_space<vmem>> -> memref<128x16xbf16, #tpu.memory_space<vmem>>
      %dma_start3A_1025 = arith.constant 0 : i32
      %dma_start3A_1026 = tpu.memref_slice %arg6[%add3A_1019, %dma_start3A_1025] : memref<80x128xi32, #tpu.memory_space<vmem>> -> memref<1x128xi32, #tpu.memory_space<vmem>>
      %dma_start3A_1027 = tpu.memref_squeeze %dma_start3A_1026 : memref<1x128xi32, #tpu.memory_space<vmem>> -> memref<128xi32, #tpu.memory_space<vmem>>
      %dma_start3A_1028 = arith.constant 0 : i32
      %dma_start3A_1029 = arith.constant 0 : i32
      %dma_start3A_1030 = tpu.memref_slice %arg2[%dma_start3A_1028, %dma_start3A_1029] : memref<10000x16xbf16, #tpu.memory_space<hbm>> -> memref<10000x16xbf16, #tpu.memory_space<hbm>>
      tpu.enqueue_indirect_dma source(%dma_start3A_1030 : memref<10000x16xbf16, #tpu.memory_space<hbm>>) target(%dma_start3A_1024 : memref<128x16xbf16, #tpu.memory_space<vmem>>) offsets(%dma_start3A_1027 : memref<128xi32, #tpu.memory_space<vmem>>) semaphore(%arg10 : memref<!tpu.dma_semaphore, #tpu.memory_space<semaphore_mem>>)
      %mul3A_1031 = arith.constant 8 : i32
      %mul3A_1032 = arith.muli %scan3A_850, %mul3A_1031 : i32
      %add3A_1033 = arith.constant 2 : i32
      %add3A_1034 = arith.addi %mul3A_1032, %add3A_1033 : i32
      %dma_start3A_1035 = arith.constant 2 : i32
      %dma_start3A_1036 = arith.constant 0 : i32
      %dma_start3A_1037 = arith.constant 0 : i32
      %dma_start3A_1038 = tpu.memref_slice %arg8[%select_n3A_861, %dma_start3A_1035, %dma_start3A_1036, %dma_start3A_1037] : memref<2x8x128x16xbf16, #tpu.memory_space<vmem>> -> memref<1x1x128x16xbf16, #tpu.memory_space<vmem>>
      %dma_start3A_1039 = tpu.memref_squeeze %dma_start3A_1038 : memref<1x1x128x16xbf16, #tpu.memory_space<vmem>> -> memref<128x16xbf16, #tpu.memory_space<vmem>>
      %dma_start3A_1040 = arith.constant 0 : i32
      %dma_start3A_1041 = tpu.memref_slice %arg6[%add3A_1034, %dma_start3A_1040] : memref<80x128xi32, #tpu.memory_space<vmem>> -> memref<1x128xi32, #tpu.memory_space<vmem>>
      %dma_start3A_1042 = tpu.memref_squeeze %dma_start3A_1041 : memref<1x128xi32, #tpu.memory_space<vmem>> -> memref<128xi32, #tpu.memory_space<vmem>>
      %dma_start3A_1043 = arith.constant 0 : i32
      %dma_start3A_1044 = arith.constant 0 : i32
      %dma_start3A_1045 = tpu.memref_slice %arg2[%dma_start3A_1043, %dma_start3A_1044] : memref<10000x16xbf16, #tpu.memory_space<hbm>> -> memref<10000x16xbf16, #tpu.memory_space<hbm>>
      tpu.enqueue_indirect_dma source(%dma_start3A_1045 : memref<10000x16xbf16, #tpu.memory_space<hbm>>) target(%dma_start3A_1039 : memref<128x16xbf16, #tpu.memory_space<vmem>>) offsets(%dma_start3A_1042 : memref<128xi32, #tpu.memory_space<vmem>>) semaphore(%arg10 : memref<!tpu.dma_semaphore, #tpu.memory_space<semaphore_mem>>)
      %mul3A_1046 = arith.constant 8 : i32
      %mul3A_1047 = arith.muli %scan3A_850, %mul3A_1046 : i32
      %add3A_1048 = arith.constant 3 : i32
      %add3A_1049 = arith.addi %mul3A_1047, %add3A_1048 : i32
      %dma_start3A_1050 = arith.constant 3 : i32
      %dma_start3A_1051 = arith.constant 0 : i32
      %dma_start3A_1052 = arith.constant 0 : i32
      %dma_start3A_1053 = tpu.memref_slice %arg8[%select_n3A_861, %dma_start3A_1050, %dma_start3A_1051, %dma_start3A_1052] : memref<2x8x128x16xbf16, #tpu.memory_space<vmem>> -> memref<1x1x128x16xbf16, #tpu.memory_space<vmem>>
      %dma_start3A_1054 = tpu.memref_squeeze %dma_start3A_1053 : memref<1x1x128x16xbf16, #tpu.memory_space<vmem>> -> memref<128x16xbf16, #tpu.memory_space<vmem>>
      %dma_start3A_1055 = arith.constant 0 : i32
      %dma_start3A_1056 = tpu.memref_slice %arg6[%add3A_1049, %dma_start3A_1055] : memref<80x128xi32, #tpu.memory_space<vmem>> -> memref<1x128xi32, #tpu.memory_space<vmem>>
      %dma_start3A_1057 = tpu.memref_squeeze %dma_start3A_1056 : memref<1x128xi32, #tpu.memory_space<vmem>> -> memref<128xi32, #tpu.memory_space<vmem>>
      %dma_start3A_1058 = arith.constant 0 : i32
      %dma_start3A_1059 = arith.constant 0 : i32
      %dma_start3A_1060 = tpu.memref_slice %arg2[%dma_start3A_1058, %dma_start3A_1059] : memref<10000x16xbf16, #tpu.memory_space<hbm>> -> memref<10000x16xbf16, #tpu.memory_space<hbm>>
      tpu.enqueue_indirect_dma source(%dma_start3A_1060 : memref<10000x16xbf16, #tpu.memory_space<hbm>>) target(%dma_start3A_1054 : memref<128x16xbf16, #tpu.memory_space<vmem>>) offsets(%dma_start3A_1057 : memref<128xi32, #tpu.memory_space<vmem>>) semaphore(%arg10 : memref<!tpu.dma_semaphore, #tpu.memory_space<semaphore_mem>>)
      %mul3A_1061 = arith.constant 8 : i32
      %mul3A_1062 = arith.muli %scan3A_850, %mul3A_1061 : i32
      %add3A_1063 = arith.constant 4 : i32
      %add3A_1064 = arith.addi %mul3A_1062, %add3A_1063 : i32
      %dma_start3A_1065 = arith.constant 4 : i32
      %dma_start3A_1066 = arith.constant 0 : i32
      %dma_start3A_1067 = arith.constant 0 : i32
      %dma_start3A_1068 = tpu.memref_slice %arg8[%select_n3A_861, %dma_start3A_1065, %dma_start3A_1066, %dma_start3A_1067] : memref<2x8x128x16xbf16, #tpu.memory_space<vmem>> -> memref<1x1x128x16xbf16, #tpu.memory_space<vmem>>
      %dma_start3A_1069 = tpu.memref_squeeze %dma_start3A_1068 : memref<1x1x128x16xbf16, #tpu.memory_space<vmem>> -> memref<128x16xbf16, #tpu.memory_space<vmem>>
      %dma_start3A_1070 = arith.constant 0 : i32
      %dma_start3A_1071 = tpu.memref_slice %arg6[%add3A_1064, %dma_start3A_1070] : memref<80x128xi32, #tpu.memory_space<vmem>> -> memref<1x128xi32, #tpu.memory_space<vmem>>
      %dma_start3A_1072 = tpu.memref_squeeze %dma_start3A_1071 : memref<1x128xi32, #tpu.memory_space<vmem>> -> memref<128xi32, #tpu.memory_space<vmem>>
      %dma_start3A_1073 = arith.constant 0 : i32
      %dma_start3A_1074 = arith.constant 0 : i32
      %dma_start3A_1075 = tpu.memref_slice %arg2[%dma_start3A_1073, %dma_start3A_1074] : memref<10000x16xbf16, #tpu.memory_space<hbm>> -> memref<10000x16xbf16, #tpu.memory_space<hbm>>
      tpu.enqueue_indirect_dma source(%dma_start3A_1075 : memref<10000x16xbf16, #tpu.memory_space<hbm>>) target(%dma_start3A_1069 : memref<128x16xbf16, #tpu.memory_space<vmem>>) offsets(%dma_start3A_1072 : memref<128xi32, #tpu.memory_space<vmem>>) semaphore(%arg10 : memref<!tpu.dma_semaphore, #tpu.memory_space<semaphore_mem>>)
      %mul3A_1076 = arith.constant 8 : i32
      %mul3A_1077 = arith.muli %scan3A_850, %mul3A_1076 : i32
      %add3A_1078 = arith.constant 5 : i32
      %add3A_1079 = arith.addi %mul3A_1077, %add3A_1078 : i32
      %dma_start3A_1080 = arith.constant 5 : i32
      %dma_start3A_1081 = arith.constant 0 : i32
      %dma_start3A_1082 = arith.constant 0 : i32
      %dma_start3A_1083 = tpu.memref_slice %arg8[%select_n3A_861, %dma_start3A_1080, %dma_start3A_1081, %dma_start3A_1082] : memref<2x8x128x16xbf16, #tpu.memory_space<vmem>> -> memref<1x1x128x16xbf16, #tpu.memory_space<vmem>>
      %dma_start3A_1084 = tpu.memref_squeeze %dma_start3A_1083 : memref<1x1x128x16xbf16, #tpu.memory_space<vmem>> -> memref<128x16xbf16, #tpu.memory_space<vmem>>
      %dma_start3A_1085 = arith.constant 0 : i32
      %dma_start3A_1086 = tpu.memref_slice %arg6[%add3A_1079, %dma_start3A_1085] : memref<80x128xi32, #tpu.memory_space<vmem>> -> memref<1x128xi32, #tpu.memory_space<vmem>>
      %dma_start3A_1087 = tpu.memref_squeeze %dma_start3A_1086 : memref<1x128xi32, #tpu.memory_space<vmem>> -> memref<128xi32, #tpu.memory_space<vmem>>
      %dma_start3A_1088 = arith.constant 0 : i32
      %dma_start3A_1089 = arith.constant 0 : i32
      %dma_start3A_1090 = tpu.memref_slice %arg2[%dma_start3A_1088, %dma_start3A_1089] : memref<10000x16xbf16, #tpu.memory_space<hbm>> -> memref<10000x16xbf16, #tpu.memory_space<hbm>>
      tpu.enqueue_indirect_dma source(%dma_start3A_1090 : memref<10000x16xbf16, #tpu.memory_space<hbm>>) target(%dma_start3A_1084 : memref<128x16xbf16, #tpu.memory_space<vmem>>) offsets(%dma_start3A_1087 : memref<128xi32, #tpu.memory_space<vmem>>) semaphore(%arg10 : memref<!tpu.dma_semaphore, #tpu.memory_space<semaphore_mem>>)
      %mul3A_1091 = arith.constant 8 : i32
      %mul3A_1092 = arith.muli %scan3A_850, %mul3A_1091 : i32
      %add3A_1093 = arith.constant 6 : i32
      %add3A_1094 = arith.addi %mul3A_1092, %add3A_1093 : i32
      %dma_start3A_1095 = arith.constant 6 : i32
      %dma_start3A_1096 = arith.constant 0 : i32
      %dma_start3A_1097 = arith.constant 0 : i32
      %dma_start3A_1098 = tpu.memref_slice %arg8[%select_n3A_861, %dma_start3A_1095, %dma_start3A_1096, %dma_start3A_1097] : memref<2x8x128x16xbf16, #tpu.memory_space<vmem>> -> memref<1x1x128x16xbf16, #tpu.memory_space<vmem>>
      %dma_start3A_1099 = tpu.memref_squeeze %dma_start3A_1098 : memref<1x1x128x16xbf16, #tpu.memory_space<vmem>> -> memref<128x16xbf16, #tpu.memory_space<vmem>>
      %dma_start3A_1100 = arith.constant 0 : i32
      %dma_start3A_1101 = tpu.memref_slice %arg6[%add3A_1094, %dma_start3A_1100] : memref<80x128xi32, #tpu.memory_space<vmem>> -> memref<1x128xi32, #tpu.memory_space<vmem>>
      %dma_start3A_1102 = tpu.memref_squeeze %dma_start3A_1101 : memref<1x128xi32, #tpu.memory_space<vmem>> -> memref<128xi32, #tpu.memory_space<vmem>>
      %dma_start3A_1103 = arith.constant 0 : i32
      %dma_start3A_1104 = arith.constant 0 : i32
      %dma_start3A_1105 = tpu.memref_slice %arg2[%dma_start3A_1103, %dma_start3A_1104] : memref<10000x16xbf16, #tpu.memory_space<hbm>> -> memref<10000x16xbf16, #tpu.memory_space<hbm>>
      tpu.enqueue_indirect_dma source(%dma_start3A_1105 : memref<10000x16xbf16, #tpu.memory_space<hbm>>) target(%dma_start3A_1099 : memref<128x16xbf16, #tpu.memory_space<vmem>>) offsets(%dma_start3A_1102 : memref<128xi32, #tpu.memory_space<vmem>>) semaphore(%arg10 : memref<!tpu.dma_semaphore, #tpu.memory_space<semaphore_mem>>)
      %mul3A_1106 = arith.constant 8 : i32
      %mul3A_1107 = arith.muli %scan3A_850, %mul3A_1106 : i32
      %add3A_1108 = arith.constant 7 : i32
      %add3A_1109 = arith.addi %mul3A_1107, %add3A_1108 : i32
      %dma_start3A_1110 = arith.constant 7 : i32
      %dma_start3A_1111 = arith.constant 0 : i32
      %dma_start3A_1112 = arith.constant 0 : i32
      %dma_start3A_1113 = tpu.memref_slice %arg8[%select_n3A_861, %dma_start3A_1110, %dma_start3A_1111, %dma_start3A_1112] : memref<2x8x128x16xbf16, #tpu.memory_space<vmem>> -> memref<1x1x128x16xbf16, #tpu.memory_space<vmem>>
      %dma_start3A_1114 = tpu.memref_squeeze %dma_start3A_1113 : memref<1x1x128x16xbf16, #tpu.memory_space<vmem>> -> memref<128x16xbf16, #tpu.memory_space<vmem>>
      %dma_start3A_1115 = arith.constant 0 : i32
      %dma_start3A_1116 = tpu.memref_slice %arg6[%add3A_1109, %dma_start3A_1115] : memref<80x128xi32, #tpu.memory_space<vmem>> -> memref<1x128xi32, #tpu.memory_space<vmem>>
      %dma_start3A_1117 = tpu.memref_squeeze %dma_start3A_1116 : memref<1x128xi32, #tpu.memory_space<vmem>> -> memref<128xi32, #tpu.memory_space<vmem>>
      %dma_start3A_1118 = arith.constant 0 : i32
      %dma_start3A_1119 = arith.constant 0 : i32
      %dma_start3A_1120 = tpu.memref_slice %arg2[%dma_start3A_1118, %dma_start3A_1119] : memref<10000x16xbf16, #tpu.memory_space<hbm>> -> memref<10000x16xbf16, #tpu.memory_space<hbm>>
      tpu.enqueue_indirect_dma source(%dma_start3A_1120 : memref<10000x16xbf16, #tpu.memory_space<hbm>>) target(%dma_start3A_1114 : memref<128x16xbf16, #tpu.memory_space<vmem>>) offsets(%dma_start3A_1117 : memref<128xi32, #tpu.memory_space<vmem>>) semaphore(%arg10 : memref<!tpu.dma_semaphore, #tpu.memory_space<semaphore_mem>>)
      %sub3A_1121 = arith.constant 1 : i32
      %sub3A_1122 = arith.subi %scan3A_850, %sub3A_1121 : i32
      %mul3A_1123 = arith.constant 8 : i32
      %mul3A_1124 = arith.muli %sub3A_1122, %mul3A_1123 : i32
      %add3A_1125 = arith.constant 0 : i32
      %add3A_1126 = arith.addi %mul3A_1124, %add3A_1125 : i32
      %dma_wait3A_1127 = arith.constant 0 : i32
      %dma_wait3A_1128 = arith.constant 0 : i32
      %dma_wait3A_1129 = arith.constant 0 : i32
      %dma_wait3A_1130 = tpu.memref_slice %arg8[%select_n3A_878, %dma_wait3A_1127, %dma_wait3A_1128, %dma_wait3A_1129] : memref<2x8x128x16xbf16, #tpu.memory_space<vmem>> -> memref<1x1x128x16xbf16, #tpu.memory_space<vmem>>
      %dma_wait3A_1131 = tpu.memref_squeeze %dma_wait3A_1130 : memref<1x1x128x16xbf16, #tpu.memory_space<vmem>> -> memref<128x16xbf16, #tpu.memory_space<vmem>>
      %dma_wait3A_1132 = arith.constant 0 : i32
      %dma_wait3A_1133 = tpu.memref_slice %arg6[%add3A_1126, %dma_wait3A_1132] : memref<80x128xi32, #tpu.memory_space<vmem>> -> memref<1x128xi32, #tpu.memory_space<vmem>>
      %dma_wait3A_1134 = tpu.memref_squeeze %dma_wait3A_1133 : memref<1x128xi32, #tpu.memory_space<vmem>> -> memref<128xi32, #tpu.memory_space<vmem>>
      %dma_wait3A_1135 = arith.constant 0 : i32
      %dma_wait3A_1136 = arith.constant 0 : i32
      %dma_wait3A_1137 = tpu.memref_slice %arg2[%dma_wait3A_1135, %dma_wait3A_1136] : memref<10000x16xbf16, #tpu.memory_space<hbm>> -> memref<10000x16xbf16, #tpu.memory_space<hbm>>
      tpu.wait_indirect_dma semaphore(%arg10 : memref<!tpu.dma_semaphore, #tpu.memory_space<semaphore_mem>>) src(%dma_wait3A_1137 : memref<10000x16xbf16, #tpu.memory_space<hbm>>) dst(%dma_wait3A_1131 : memref<128x16xbf16, #tpu.memory_space<vmem>>)
      %mul3A_1138 = arith.constant 8 : i32
      %mul3A_1139 = arith.muli %sub3A_1122, %mul3A_1138 : i32
      %add3A_1140 = arith.constant 1 : i32
      %add3A_1141 = arith.addi %mul3A_1139, %add3A_1140 : i32
      %dma_wait3A_1142 = arith.constant 1 : i32
      %dma_wait3A_1143 = arith.constant 0 : i32
      %dma_wait3A_1144 = arith.constant 0 : i32
      %dma_wait3A_1145 = tpu.memref_slice %arg8[%select_n3A_878, %dma_wait3A_1142, %dma_wait3A_1143, %dma_wait3A_1144] : memref<2x8x128x16xbf16, #tpu.memory_space<vmem>> -> memref<1x1x128x16xbf16, #tpu.memory_space<vmem>>
      %dma_wait3A_1146 = tpu.memref_squeeze %dma_wait3A_1145 : memref<1x1x128x16xbf16, #tpu.memory_space<vmem>> -> memref<128x16xbf16, #tpu.memory_space<vmem>>
      %dma_wait3A_1147 = arith.constant 0 : i32
      %dma_wait3A_1148 = tpu.memref_slice %arg6[%add3A_1141, %dma_wait3A_1147] : memref<80x128xi32, #tpu.memory_space<vmem>> -> memref<1x128xi32, #tpu.memory_space<vmem>>
      %dma_wait3A_1149 = tpu.memref_squeeze %dma_wait3A_1148 : memref<1x128xi32, #tpu.memory_space<vmem>> -> memref<128xi32, #tpu.memory_space<vmem>>
      %dma_wait3A_1150 = arith.constant 0 : i32
      %dma_wait3A_1151 = arith.constant 0 : i32
      %dma_wait3A_1152 = tpu.memref_slice %arg2[%dma_wait3A_1150, %dma_wait3A_1151] : memref<10000x16xbf16, #tpu.memory_space<hbm>> -> memref<10000x16xbf16, #tpu.memory_space<hbm>>
      tpu.wait_indirect_dma semaphore(%arg10 : memref<!tpu.dma_semaphore, #tpu.memory_space<semaphore_mem>>) src(%dma_wait3A_1152 : memref<10000x16xbf16, #tpu.memory_space<hbm>>) dst(%dma_wait3A_1146 : memref<128x16xbf16, #tpu.memory_space<vmem>>)
      %mul3A_1153 = arith.constant 8 : i32
      %mul3A_1154 = arith.muli %sub3A_1122, %mul3A_1153 : i32
      %add3A_1155 = arith.constant 2 : i32
      %add3A_1156 = arith.addi %mul3A_1154, %add3A_1155 : i32
      %dma_wait3A_1157 = arith.constant 2 : i32
      %dma_wait3A_1158 = arith.constant 0 : i32
      %dma_wait3A_1159 = arith.constant 0 : i32
      %dma_wait3A_1160 = tpu.memref_slice %arg8[%select_n3A_878, %dma_wait3A_1157, %dma_wait3A_1158, %dma_wait3A_1159] : memref<2x8x128x16xbf16, #tpu.memory_space<vmem>> -> memref<1x1x128x16xbf16, #tpu.memory_space<vmem>>
      %dma_wait3A_1161 = tpu.memref_squeeze %dma_wait3A_1160 : memref<1x1x128x16xbf16, #tpu.memory_space<vmem>> -> memref<128x16xbf16, #tpu.memory_space<vmem>>
      %dma_wait3A_1162 = arith.constant 0 : i32
      %dma_wait3A_1163 = tpu.memref_slice %arg6[%add3A_1156, %dma_wait3A_1162] : memref<80x128xi32, #tpu.memory_space<vmem>> -> memref<1x128xi32, #tpu.memory_space<vmem>>
      %dma_wait3A_1164 = tpu.memref_squeeze %dma_wait3A_1163 : memref<1x128xi32, #tpu.memory_space<vmem>> -> memref<128xi32, #tpu.memory_space<vmem>>
      %dma_wait3A_1165 = arith.constant 0 : i32
      %dma_wait3A_1166 = arith.constant 0 : i32
      %dma_wait3A_1167 = tpu.memref_slice %arg2[%dma_wait3A_1165, %dma_wait3A_1166] : memref<10000x16xbf16, #tpu.memory_space<hbm>> -> memref<10000x16xbf16, #tpu.memory_space<hbm>>
      tpu.wait_indirect_dma semaphore(%arg10 : memref<!tpu.dma_semaphore, #tpu.memory_space<semaphore_mem>>) src(%dma_wait3A_1167 : memref<10000x16xbf16, #tpu.memory_space<hbm>>) dst(%dma_wait3A_1161 : memref<128x16xbf16, #tpu.memory_space<vmem>>)
      %mul3A_1168 = arith.constant 8 : i32
      %mul3A_1169 = arith.muli %sub3A_1122, %mul3A_1168 : i32
      %add3A_1170 = arith.constant 3 : i32
      %add3A_1171 = arith.addi %mul3A_1169, %add3A_1170 : i32
      %dma_wait3A_1172 = arith.constant 3 : i32
      %dma_wait3A_1173 = arith.constant 0 : i32
      %dma_wait3A_1174 = arith.constant 0 : i32
      %dma_wait3A_1175 = tpu.memref_slice %arg8[%select_n3A_878, %dma_wait3A_1172, %dma_wait3A_1173, %dma_wait3A_1174] : memref<2x8x128x16xbf16, #tpu.memory_space<vmem>> -> memref<1x1x128x16xbf16, #tpu.memory_space<vmem>>
      %dma_wait3A_1176 = tpu.memref_squeeze %dma_wait3A_1175 : memref<1x1x128x16xbf16, #tpu.memory_space<vmem>> -> memref<128x16xbf16, #tpu.memory_space<vmem>>
      %dma_wait3A_1177 = arith.constant 0 : i32
      %dma_wait3A_1178 = tpu.memref_slice %arg6[%add3A_1171, %dma_wait3A_1177] : memref<80x128xi32, #tpu.memory_space<vmem>> -> memref<1x128xi32, #tpu.memory_space<vmem>>
      %dma_wait3A_1179 = tpu.memref_squeeze %dma_wait3A_1178 : memref<1x128xi32, #tpu.memory_space<vmem>> -> memref<128xi32, #tpu.memory_space<vmem>>
      %dma_wait3A_1180 = arith.constant 0 : i32
      %dma_wait3A_1181 = arith.constant 0 : i32
      %dma_wait3A_1182 = tpu.memref_slice %arg2[%dma_wait3A_1180, %dma_wait3A_1181] : memref<10000x16xbf16, #tpu.memory_space<hbm>> -> memref<10000x16xbf16, #tpu.memory_space<hbm>>
      tpu.wait_indirect_dma semaphore(%arg10 : memref<!tpu.dma_semaphore, #tpu.memory_space<semaphore_mem>>) src(%dma_wait3A_1182 : memref<10000x16xbf16, #tpu.memory_space<hbm>>) dst(%dma_wait3A_1176 : memref<128x16xbf16, #tpu.memory_space<vmem>>)
      %mul3A_1183 = arith.constant 8 : i32
      %mul3A_1184 = arith.muli %sub3A_1122, %mul3A_1183 : i32
      %add3A_1185 = arith.constant 4 : i32
      %add3A_1186 = arith.addi %mul3A_1184, %add3A_1185 : i32
      %dma_wait3A_1187 = arith.constant 4 : i32
      %dma_wait3A_1188 = arith.constant 0 : i32
      %dma_wait3A_1189 = arith.constant 0 : i32
      %dma_wait3A_1190 = tpu.memref_slice %arg8[%select_n3A_878, %dma_wait3A_1187, %dma_wait3A_1188, %dma_wait3A_1189] : memref<2x8x128x16xbf16, #tpu.memory_space<vmem>> -> memref<1x1x128x16xbf16, #tpu.memory_space<vmem>>
      %dma_wait3A_1191 = tpu.memref_squeeze %dma_wait3A_1190 : memref<1x1x128x16xbf16, #tpu.memory_space<vmem>> -> memref<128x16xbf16, #tpu.memory_space<vmem>>
      %dma_wait3A_1192 = arith.constant 0 : i32
      %dma_wait3A_1193 = tpu.memref_slice %arg6[%add3A_1186, %dma_wait3A_1192] : memref<80x128xi32, #tpu.memory_space<vmem>> -> memref<1x128xi32, #tpu.memory_space<vmem>>
      %dma_wait3A_1194 = tpu.memref_squeeze %dma_wait3A_1193 : memref<1x128xi32, #tpu.memory_space<vmem>> -> memref<128xi32, #tpu.memory_space<vmem>>
      %dma_wait3A_1195 = arith.constant 0 : i32
      %dma_wait3A_1196 = arith.constant 0 : i32
      %dma_wait3A_1197 = tpu.memref_slice %arg2[%dma_wait3A_1195, %dma_wait3A_1196] : memref<10000x16xbf16, #tpu.memory_space<hbm>> -> memref<10000x16xbf16, #tpu.memory_space<hbm>>
      tpu.wait_indirect_dma semaphore(%arg10 : memref<!tpu.dma_semaphore, #tpu.memory_space<semaphore_mem>>) src(%dma_wait3A_1197 : memref<10000x16xbf16, #tpu.memory_space<hbm>>) dst(%dma_wait3A_1191 : memref<128x16xbf16, #tpu.memory_space<vmem>>)
      %mul3A_1198 = arith.constant 8 : i32
      %mul3A_1199 = arith.muli %sub3A_1122, %mul3A_1198 : i32
      %add3A_1200 = arith.constant 5 : i32
      %add3A_1201 = arith.addi %mul3A_1199, %add3A_1200 : i32
      %dma_wait3A_1202 = arith.constant 5 : i32
      %dma_wait3A_1203 = arith.constant 0 : i32
      %dma_wait3A_1204 = arith.constant 0 : i32
      %dma_wait3A_1205 = tpu.memref_slice %arg8[%select_n3A_878, %dma_wait3A_1202, %dma_wait3A_1203, %dma_wait3A_1204] : memref<2x8x128x16xbf16, #tpu.memory_space<vmem>> -> memref<1x1x128x16xbf16, #tpu.memory_space<vmem>>
      %dma_wait3A_1206 = tpu.memref_squeeze %dma_wait3A_1205 : memref<1x1x128x16xbf16, #tpu.memory_space<vmem>> -> memref<128x16xbf16, #tpu.memory_space<vmem>>
      %dma_wait3A_1207 = arith.constant 0 : i32
      %dma_wait3A_1208 = tpu.memref_slice %arg6[%add3A_1201, %dma_wait3A_1207] : memref<80x128xi32, #tpu.memory_space<vmem>> -> memref<1x128xi32, #tpu.memory_space<vmem>>
      %dma_wait3A_1209 = tpu.memref_squeeze %dma_wait3A_1208 : memref<1x128xi32, #tpu.memory_space<vmem>> -> memref<128xi32, #tpu.memory_space<vmem>>
      %dma_wait3A_1210 = arith.constant 0 : i32
      %dma_wait3A_1211 = arith.constant 0 : i32
      %dma_wait3A_1212 = tpu.memref_slice %arg2[%dma_wait3A_1210, %dma_wait3A_1211] : memref<10000x16xbf16, #tpu.memory_space<hbm>> -> memref<10000x16xbf16, #tpu.memory_space<hbm>>
      tpu.wait_indirect_dma semaphore(%arg10 : memref<!tpu.dma_semaphore, #tpu.memory_space<semaphore_mem>>) src(%dma_wait3A_1212 : memref<10000x16xbf16, #tpu.memory_space<hbm>>) dst(%dma_wait3A_1206 : memref<128x16xbf16, #tpu.memory_space<vmem>>)
      %mul3A_1213 = arith.constant 8 : i32
      %mul3A_1214 = arith.muli %sub3A_1122, %mul3A_1213 : i32
      %add3A_1215 = arith.constant 6 : i32
      %add3A_1216 = arith.addi %mul3A_1214, %add3A_1215 : i32
      %dma_wait3A_1217 = arith.constant 6 : i32
      %dma_wait3A_1218 = arith.constant 0 : i32
      %dma_wait3A_1219 = arith.constant 0 : i32
      %dma_wait3A_1220 = tpu.memref_slice %arg8[%select_n3A_878, %dma_wait3A_1217, %dma_wait3A_1218, %dma_wait3A_1219] : memref<2x8x128x16xbf16, #tpu.memory_space<vmem>> -> memref<1x1x128x16xbf16, #tpu.memory_space<vmem>>
      %dma_wait3A_1221 = tpu.memref_squeeze %dma_wait3A_1220 : memref<1x1x128x16xbf16, #tpu.memory_space<vmem>> -> memref<128x16xbf16, #tpu.memory_space<vmem>>
      %dma_wait3A_1222 = arith.constant 0 : i32
      %dma_wait3A_1223 = tpu.memref_slice %arg6[%add3A_1216, %dma_wait3A_1222] : memref<80x128xi32, #tpu.memory_space<vmem>> -> memref<1x128xi32, #tpu.memory_space<vmem>>
      %dma_wait3A_1224 = tpu.memref_squeeze %dma_wait3A_1223 : memref<1x128xi32, #tpu.memory_space<vmem>> -> memref<128xi32, #tpu.memory_space<vmem>>
      %dma_wait3A_1225 = arith.constant 0 : i32
      %dma_wait3A_1226 = arith.constant 0 : i32
      %dma_wait3A_1227 = tpu.memref_slice %arg2[%dma_wait3A_1225, %dma_wait3A_1226] : memref<10000x16xbf16, #tpu.memory_space<hbm>> -> memref<10000x16xbf16, #tpu.memory_space<hbm>>
      tpu.wait_indirect_dma semaphore(%arg10 : memref<!tpu.dma_semaphore, #tpu.memory_space<semaphore_mem>>) src(%dma_wait3A_1227 : memref<10000x16xbf16, #tpu.memory_space<hbm>>) dst(%dma_wait3A_1221 : memref<128x16xbf16, #tpu.memory_space<vmem>>)
      %mul3A_1228 = arith.constant 8 : i32
      %mul3A_1229 = arith.muli %sub3A_1122, %mul3A_1228 : i32
      %add3A_1230 = arith.constant 7 : i32
      %add3A_1231 = arith.addi %mul3A_1229, %add3A_1230 : i32
      %dma_wait3A_1232 = arith.constant 7 : i32
      %dma_wait3A_1233 = arith.constant 0 : i32
      %dma_wait3A_1234 = arith.constant 0 : i32
      %dma_wait3A_1235 = tpu.memref_slice %arg8[%select_n3A_878, %dma_wait3A_1232, %dma_wait3A_1233, %dma_wait3A_1234] : memref<2x8x128x16xbf16, #tpu.memory_space<vmem>> -> memref<1x1x128x16xbf16, #tpu.memory_space<vmem>>
      %dma_wait3A_1236 = tpu.memref_squeeze %dma_wait3A_1235 : memref<1x1x128x16xbf16, #tpu.memory_space<vmem>> -> memref<128x16xbf16, #tpu.memory_space<vmem>>
      %dma_wait3A_1237 = arith.constant 0 : i32
      %dma_wait3A_1238 = tpu.memref_slice %arg6[%add3A_1231, %dma_wait3A_1237] : memref<80x128xi32, #tpu.memory_space<vmem>> -> memref<1x128xi32, #tpu.memory_space<vmem>>
      %dma_wait3A_1239 = tpu.memref_squeeze %dma_wait3A_1238 : memref<1x128xi32, #tpu.memory_space<vmem>> -> memref<128xi32, #tpu.memory_space<vmem>>
      %dma_wait3A_1240 = arith.constant 0 : i32
      %dma_wait3A_1241 = arith.constant 0 : i32
      %dma_wait3A_1242 = tpu.memref_slice %arg2[%dma_wait3A_1240, %dma_wait3A_1241] : memref<10000x16xbf16, #tpu.memory_space<hbm>> -> memref<10000x16xbf16, #tpu.memory_space<hbm>>
      tpu.wait_indirect_dma semaphore(%arg10 : memref<!tpu.dma_semaphore, #tpu.memory_space<semaphore_mem>>) src(%dma_wait3A_1242 : memref<10000x16xbf16, #tpu.memory_space<hbm>>) dst(%dma_wait3A_1236 : memref<128x16xbf16, #tpu.memory_space<vmem>>)
      %sub3A_1243 = arith.constant 1 : i32
      %sub3A_1244 = arith.subi %scan3A_850, %sub3A_1243 : i32
      %mul3A_1245 = arith.constant 8 : i32
      %mul3A_1246 = arith.muli %sub3A_1244, %mul3A_1245 : i32
      %add3A_1247 = arith.constant 0 : i32
      %add3A_1248 = arith.addi %mul3A_1246, %add3A_1247 : i32
      %dma_start3A_1249 = arith.constant 0 : i32
      %dma_start3A_1250 = arith.constant 0 : i32
      %dma_start3A_1251 = arith.constant 0 : i32
      %dma_start3A_1252 = tpu.memref_slice %arg8[%select_n3A_878, %dma_start3A_1249, %dma_start3A_1250, %dma_start3A_1251] : memref<2x8x128x16xbf16, #tpu.memory_space<vmem>> -> memref<1x1x128x16xbf16, #tpu.memory_space<vmem>>
      %dma_start3A_1253 = tpu.memref_squeeze %dma_start3A_1252 : memref<1x1x128x16xbf16, #tpu.memory_space<vmem>> -> memref<128x16xbf16, #tpu.memory_space<vmem>>
      %dma_start3A_1254 = arith.constant 0 : i32
      %dma_start3A_1255 = tpu.memref_slice %arg7[%add3A_1248, %dma_start3A_1254] : memref<80x128xi32, #tpu.memory_space<vmem>> -> memref<1x128xi32, #tpu.memory_space<vmem>>
      %dma_start3A_1256 = tpu.memref_squeeze %dma_start3A_1255 : memref<1x128xi32, #tpu.memory_space<vmem>> -> memref<128xi32, #tpu.memory_space<vmem>>
      %dma_start3A_1257 = arith.constant 0 : i32
      %dma_start3A_1258 = arith.constant 0 : i32
      %dma_start3A_1259 = tpu.memref_slice %arg9[%dma_start3A_1257, %dma_start3A_1258] : memref<10240x16xbf16, #tpu.memory_space<vmem_shared>> -> memref<10240x16xbf16, #tpu.memory_space<vmem_shared>>
      tpu.enqueue_indirect_dma source(%dma_start3A_1253 : memref<128x16xbf16, #tpu.memory_space<vmem>>) target(%dma_start3A_1259 : memref<10240x16xbf16, #tpu.memory_space<vmem_shared>>) offsets(%dma_start3A_1256 : memref<128xi32, #tpu.memory_space<vmem>>) semaphore(%arg11 : memref<!tpu.dma_semaphore, #tpu.memory_space<semaphore_mem>>) {add = true}
      %mul3A_1260 = arith.constant 8 : i32
      %mul3A_1261 = arith.muli %sub3A_1244, %mul3A_1260 : i32
      %add3A_1262 = arith.constant 1 : i32
      %add3A_1263 = arith.addi %mul3A_1261, %add3A_1262 : i32
      %dma_start3A_1264 = arith.constant 1 : i32
      %dma_start3A_1265 = arith.constant 0 : i32
      %dma_start3A_1266 = arith.constant 0 : i32
      %dma_start3A_1267 = tpu.memref_slice %arg8[%select_n3A_878, %dma_start3A_1264, %dma_start3A_1265, %dma_start3A_1266] : memref<2x8x128x16xbf16, #tpu.memory_space<vmem>> -> memref<1x1x128x16xbf16, #tpu.memory_space<vmem>>
      %dma_start3A_1268 = tpu.memref_squeeze %dma_start3A_1267 : memref<1x1x128x16xbf16, #tpu.memory_space<vmem>> -> memref<128x16xbf16, #tpu.memory_space<vmem>>
      %dma_start3A_1269 = arith.constant 0 : i32
      %dma_start3A_1270 = tpu.memref_slice %arg7[%add3A_1263, %dma_start3A_1269] : memref<80x128xi32, #tpu.memory_space<vmem>> -> memref<1x128xi32, #tpu.memory_space<vmem>>
      %dma_start3A_1271 = tpu.memref_squeeze %dma_start3A_1270 : memref<1x128xi32, #tpu.memory_space<vmem>> -> memref<128xi32, #tpu.memory_space<vmem>>
      %dma_start3A_1272 = arith.constant 0 : i32
      %dma_start3A_1273 = arith.constant 0 : i32
      %dma_start3A_1274 = tpu.memref_slice %arg9[%dma_start3A_1272, %dma_start3A_1273] : memref<10240x16xbf16, #tpu.memory_space<vmem_shared>> -> memref<10240x16xbf16, #tpu.memory_space<vmem_shared>>
      tpu.enqueue_indirect_dma source(%dma_start3A_1268 : memref<128x16xbf16, #tpu.memory_space<vmem>>) target(%dma_start3A_1274 : memref<10240x16xbf16, #tpu.memory_space<vmem_shared>>) offsets(%dma_start3A_1271 : memref<128xi32, #tpu.memory_space<vmem>>) semaphore(%arg11 : memref<!tpu.dma_semaphore, #tpu.memory_space<semaphore_mem>>) {add = true}
      %mul3A_1275 = arith.constant 8 : i32
      %mul3A_1276 = arith.muli %sub3A_1244, %mul3A_1275 : i32
      %add3A_1277 = arith.constant 2 : i32
      %add3A_1278 = arith.addi %mul3A_1276, %add3A_1277 : i32
      %dma_start3A_1279 = arith.constant 2 : i32
      %dma_start3A_1280 = arith.constant 0 : i32
      %dma_start3A_1281 = arith.constant 0 : i32
      %dma_start3A_1282 = tpu.memref_slice %arg8[%select_n3A_878, %dma_start3A_1279, %dma_start3A_1280, %dma_start3A_1281] : memref<2x8x128x16xbf16, #tpu.memory_space<vmem>> -> memref<1x1x128x16xbf16, #tpu.memory_space<vmem>>
      %dma_start3A_1283 = tpu.memref_squeeze %dma_start3A_1282 : memref<1x1x128x16xbf16, #tpu.memory_space<vmem>> -> memref<128x16xbf16, #tpu.memory_space<vmem>>
      %dma_start3A_1284 = arith.constant 0 : i32
      %dma_start3A_1285 = tpu.memref_slice %arg7[%add3A_1278, %dma_start3A_1284] : memref<80x128xi32, #tpu.memory_space<vmem>> -> memref<1x128xi32, #tpu.memory_space<vmem>>
      %dma_start3A_1286 = tpu.memref_squeeze %dma_start3A_1285 : memref<1x128xi32, #tpu.memory_space<vmem>> -> memref<128xi32, #tpu.memory_space<vmem>>
      %dma_start3A_1287 = arith.constant 0 : i32
      %dma_start3A_1288 = arith.constant 0 : i32
      %dma_start3A_1289 = tpu.memref_slice %arg9[%dma_start3A_1287, %dma_start3A_1288] : memref<10240x16xbf16, #tpu.memory_space<vmem_shared>> -> memref<10240x16xbf16, #tpu.memory_space<vmem_shared>>
      tpu.enqueue_indirect_dma source(%dma_start3A_1283 : memref<128x16xbf16, #tpu.memory_space<vmem>>) target(%dma_start3A_1289 : memref<10240x16xbf16, #tpu.memory_space<vmem_shared>>) offsets(%dma_start3A_1286 : memref<128xi32, #tpu.memory_space<vmem>>) semaphore(%arg11 : memref<!tpu.dma_semaphore, #tpu.memory_space<semaphore_mem>>) {add = true}
      %mul3A_1290 = arith.constant 8 : i32
      %mul3A_1291 = arith.muli %sub3A_1244, %mul3A_1290 : i32
      %add3A_1292 = arith.constant 3 : i32
      %add3A_1293 = arith.addi %mul3A_1291, %add3A_1292 : i32
      %dma_start3A_1294 = arith.constant 3 : i32
      %dma_start3A_1295 = arith.constant 0 : i32
      %dma_start3A_1296 = arith.constant 0 : i32
      %dma_start3A_1297 = tpu.memref_slice %arg8[%select_n3A_878, %dma_start3A_1294, %dma_start3A_1295, %dma_start3A_1296] : memref<2x8x128x16xbf16, #tpu.memory_space<vmem>> -> memref<1x1x128x16xbf16, #tpu.memory_space<vmem>>
      %dma_start3A_1298 = tpu.memref_squeeze %dma_start3A_1297 : memref<1x1x128x16xbf16, #tpu.memory_space<vmem>> -> memref<128x16xbf16, #tpu.memory_space<vmem>>
      %dma_start3A_1299 = arith.constant 0 : i32
      %dma_start3A_1300 = tpu.memref_slice %arg7[%add3A_1293, %dma_start3A_1299] : memref<80x128xi32, #tpu.memory_space<vmem>> -> memref<1x128xi32, #tpu.memory_space<vmem>>
      %dma_start3A_1301 = tpu.memref_squeeze %dma_start3A_1300 : memref<1x128xi32, #tpu.memory_space<vmem>> -> memref<128xi32, #tpu.memory_space<vmem>>
      %dma_start3A_1302 = arith.constant 0 : i32
      %dma_start3A_1303 = arith.constant 0 : i32
      %dma_start3A_1304 = tpu.memref_slice %arg9[%dma_start3A_1302, %dma_start3A_1303] : memref<10240x16xbf16, #tpu.memory_space<vmem_shared>> -> memref<10240x16xbf16, #tpu.memory_space<vmem_shared>>
      tpu.enqueue_indirect_dma source(%dma_start3A_1298 : memref<128x16xbf16, #tpu.memory_space<vmem>>) target(%dma_start3A_1304 : memref<10240x16xbf16, #tpu.memory_space<vmem_shared>>) offsets(%dma_start3A_1301 : memref<128xi32, #tpu.memory_space<vmem>>) semaphore(%arg11 : memref<!tpu.dma_semaphore, #tpu.memory_space<semaphore_mem>>) {add = true}
      %mul3A_1305 = arith.constant 8 : i32
      %mul3A_1306 = arith.muli %sub3A_1244, %mul3A_1305 : i32
      %add3A_1307 = arith.constant 4 : i32
      %add3A_1308 = arith.addi %mul3A_1306, %add3A_1307 : i32
      %dma_start3A_1309 = arith.constant 4 : i32
      %dma_start3A_1310 = arith.constant 0 : i32
      %dma_start3A_1311 = arith.constant 0 : i32
      %dma_start3A_1312 = tpu.memref_slice %arg8[%select_n3A_878, %dma_start3A_1309, %dma_start3A_1310, %dma_start3A_1311] : memref<2x8x128x16xbf16, #tpu.memory_space<vmem>> -> memref<1x1x128x16xbf16, #tpu.memory_space<vmem>>
      %dma_start3A_1313 = tpu.memref_squeeze %dma_start3A_1312 : memref<1x1x128x16xbf16, #tpu.memory_space<vmem>> -> memref<128x16xbf16, #tpu.memory_space<vmem>>
      %dma_start3A_1314 = arith.constant 0 : i32
      %dma_start3A_1315 = tpu.memref_slice %arg7[%add3A_1308, %dma_start3A_1314] : memref<80x128xi32, #tpu.memory_space<vmem>> -> memref<1x128xi32, #tpu.memory_space<vmem>>
      %dma_start3A_1316 = tpu.memref_squeeze %dma_start3A_1315 : memref<1x128xi32, #tpu.memory_space<vmem>> -> memref<128xi32, #tpu.memory_space<vmem>>
      %dma_start3A_1317 = arith.constant 0 : i32
      %dma_start3A_1318 = arith.constant 0 : i32
      %dma_start3A_1319 = tpu.memref_slice %arg9[%dma_start3A_1317, %dma_start3A_1318] : memref<10240x16xbf16, #tpu.memory_space<vmem_shared>> -> memref<10240x16xbf16, #tpu.memory_space<vmem_shared>>
      tpu.enqueue_indirect_dma source(%dma_start3A_1313 : memref<128x16xbf16, #tpu.memory_space<vmem>>) target(%dma_start3A_1319 : memref<10240x16xbf16, #tpu.memory_space<vmem_shared>>) offsets(%dma_start3A_1316 : memref<128xi32, #tpu.memory_space<vmem>>) semaphore(%arg11 : memref<!tpu.dma_semaphore, #tpu.memory_space<semaphore_mem>>) {add = true}
      %mul3A_1320 = arith.constant 8 : i32
      %mul3A_1321 = arith.muli %sub3A_1244, %mul3A_1320 : i32
      %add3A_1322 = arith.constant 5 : i32
      %add3A_1323 = arith.addi %mul3A_1321, %add3A_1322 : i32
      %dma_start3A_1324 = arith.constant 5 : i32
      %dma_start3A_1325 = arith.constant 0 : i32
      %dma_start3A_1326 = arith.constant 0 : i32
      %dma_start3A_1327 = tpu.memref_slice %arg8[%select_n3A_878, %dma_start3A_1324, %dma_start3A_1325, %dma_start3A_1326] : memref<2x8x128x16xbf16, #tpu.memory_space<vmem>> -> memref<1x1x128x16xbf16, #tpu.memory_space<vmem>>
      %dma_start3A_1328 = tpu.memref_squeeze %dma_start3A_1327 : memref<1x1x128x16xbf16, #tpu.memory_space<vmem>> -> memref<128x16xbf16, #tpu.memory_space<vmem>>
      %dma_start3A_1329 = arith.constant 0 : i32
      %dma_start3A_1330 = tpu.memref_slice %arg7[%add3A_1323, %dma_start3A_1329] : memref<80x128xi32, #tpu.memory_space<vmem>> -> memref<1x128xi32, #tpu.memory_space<vmem>>
      %dma_start3A_1331 = tpu.memref_squeeze %dma_start3A_1330 : memref<1x128xi32, #tpu.memory_space<vmem>> -> memref<128xi32, #tpu.memory_space<vmem>>
      %dma_start3A_1332 = arith.constant 0 : i32
      %dma_start3A_1333 = arith.constant 0 : i32
      %dma_start3A_1334 = tpu.memref_slice %arg9[%dma_start3A_1332, %dma_start3A_1333] : memref<10240x16xbf16, #tpu.memory_space<vmem_shared>> -> memref<10240x16xbf16, #tpu.memory_space<vmem_shared>>
      tpu.enqueue_indirect_dma source(%dma_start3A_1328 : memref<128x16xbf16, #tpu.memory_space<vmem>>) target(%dma_start3A_1334 : memref<10240x16xbf16, #tpu.memory_space<vmem_shared>>) offsets(%dma_start3A_1331 : memref<128xi32, #tpu.memory_space<vmem>>) semaphore(%arg11 : memref<!tpu.dma_semaphore, #tpu.memory_space<semaphore_mem>>) {add = true}
      %mul3A_1335 = arith.constant 8 : i32
      %mul3A_1336 = arith.muli %sub3A_1244, %mul3A_1335 : i32
      %add3A_1337 = arith.constant 6 : i32
      %add3A_1338 = arith.addi %mul3A_1336, %add3A_1337 : i32
      %dma_start3A_1339 = arith.constant 6 : i32
      %dma_start3A_1340 = arith.constant 0 : i32
      %dma_start3A_1341 = arith.constant 0 : i32
      %dma_start3A_1342 = tpu.memref_slice %arg8[%select_n3A_878, %dma_start3A_1339, %dma_start3A_1340, %dma_start3A_1341] : memref<2x8x128x16xbf16, #tpu.memory_space<vmem>> -> memref<1x1x128x16xbf16, #tpu.memory_space<vmem>>
      %dma_start3A_1343 = tpu.memref_squeeze %dma_start3A_1342 : memref<1x1x128x16xbf16, #tpu.memory_space<vmem>> -> memref<128x16xbf16, #tpu.memory_space<vmem>>
      %dma_start3A_1344 = arith.constant 0 : i32
      %dma_start3A_1345 = tpu.memref_slice %arg7[%add3A_1338, %dma_start3A_1344] : memref<80x128xi32, #tpu.memory_space<vmem>> -> memref<1x128xi32, #tpu.memory_space<vmem>>
      %dma_start3A_1346 = tpu.memref_squeeze %dma_start3A_1345 : memref<1x128xi32, #tpu.memory_space<vmem>> -> memref<128xi32, #tpu.memory_space<vmem>>
      %dma_start3A_1347 = arith.constant 0 : i32
      %dma_start3A_1348 = arith.constant 0 : i32
      %dma_start3A_1349 = tpu.memref_slice %arg9[%dma_start3A_1347, %dma_start3A_1348] : memref<10240x16xbf16, #tpu.memory_space<vmem_shared>> -> memref<10240x16xbf16, #tpu.memory_space<vmem_shared>>
      tpu.enqueue_indirect_dma source(%dma_start3A_1343 : memref<128x16xbf16, #tpu.memory_space<vmem>>) target(%dma_start3A_1349 : memref<10240x16xbf16, #tpu.memory_space<vmem_shared>>) offsets(%dma_start3A_1346 : memref<128xi32, #tpu.memory_space<vmem>>) semaphore(%arg11 : memref<!tpu.dma_semaphore, #tpu.memory_space<semaphore_mem>>) {add = true}
      %mul3A_1350 = arith.constant 8 : i32
      %mul3A_1351 = arith.muli %sub3A_1244, %mul3A_1350 : i32
      %add3A_1352 = arith.constant 7 : i32
      %add3A_1353 = arith.addi %mul3A_1351, %add3A_1352 : i32
      %dma_start3A_1354 = arith.constant 7 : i32
      %dma_start3A_1355 = arith.constant 0 : i32
      %dma_start3A_1356 = arith.constant 0 : i32
      %dma_start3A_1357 = tpu.memref_slice %arg8[%select_n3A_878, %dma_start3A_1354, %dma_start3A_1355, %dma_start3A_1356] : memref<2x8x128x16xbf16, #tpu.memory_space<vmem>> -> memref<1x1x128x16xbf16, #tpu.memory_space<vmem>>
      %dma_start3A_1358 = tpu.memref_squeeze %dma_start3A_1357 : memref<1x1x128x16xbf16, #tpu.memory_space<vmem>> -> memref<128x16xbf16, #tpu.memory_space<vmem>>
      %dma_start3A_1359 = arith.constant 0 : i32
      %dma_start3A_1360 = tpu.memref_slice %arg7[%add3A_1353, %dma_start3A_1359] : memref<80x128xi32, #tpu.memory_space<vmem>> -> memref<1x128xi32, #tpu.memory_space<vmem>>
      %dma_start3A_1361 = tpu.memref_squeeze %dma_start3A_1360 : memref<1x128xi32, #tpu.memory_space<vmem>> -> memref<128xi32, #tpu.memory_space<vmem>>
      %dma_start3A_1362 = arith.constant 0 : i32
      %dma_start3A_1363 = arith.constant 0 : i32
      %dma_start3A_1364 = tpu.memref_slice %arg9[%dma_start3A_1362, %dma_start3A_1363] : memref<10240x16xbf16, #tpu.memory_space<vmem_shared>> -> memref<10240x16xbf16, #tpu.memory_space<vmem_shared>>
      tpu.enqueue_indirect_dma source(%dma_start3A_1358 : memref<128x16xbf16, #tpu.memory_space<vmem>>) target(%dma_start3A_1364 : memref<10240x16xbf16, #tpu.memory_space<vmem_shared>>) offsets(%dma_start3A_1361 : memref<128xi32, #tpu.memory_space<vmem>>) semaphore(%arg11 : memref<!tpu.dma_semaphore, #tpu.memory_space<semaphore_mem>>) {add = true}
    }
    %scan3A_428 = arith.constant 8 : i32
    %dma_wait3A_429 = arith.constant 72 : i32
    %dma_wait3A_430 = arith.constant 1 : i32
    %dma_wait3A_431 = arith.constant 0 : i32
    %dma_wait3A_432 = arith.constant 0 : i32
    %dma_wait3A_433 = arith.constant 0 : i32
    %dma_wait3A_434 = tpu.memref_slice %arg8[%dma_wait3A_430, %dma_wait3A_431, %dma_wait3A_432, %dma_wait3A_433] : memref<2x8x128x16xbf16, #tpu.memory_space<vmem>> -> memref<1x1x128x16xbf16, #tpu.memory_space<vmem>>
    %dma_wait3A_435 = tpu.memref_squeeze %dma_wait3A_434 : memref<1x1x128x16xbf16, #tpu.memory_space<vmem>> -> memref<128x16xbf16, #tpu.memory_space<vmem>>
    %dma_wait3A_436 = arith.constant 0 : i32
    %dma_wait3A_437 = tpu.memref_slice %arg6[%dma_wait3A_429, %dma_wait3A_436] : memref<80x128xi32, #tpu.memory_space<vmem>> -> memref<1x128xi32, #tpu.memory_space<vmem>>
    %dma_wait3A_438 = tpu.memref_squeeze %dma_wait3A_437 : memref<1x128xi32, #tpu.memory_space<vmem>> -> memref<128xi32, #tpu.memory_space<vmem>>
    %dma_wait3A_439 = arith.constant 0 : i32
    %dma_wait3A_440 = arith.constant 0 : i32
    %dma_wait3A_441 = tpu.memref_slice %arg2[%dma_wait3A_439, %dma_wait3A_440] : memref<10000x16xbf16, #tpu.memory_space<hbm>> -> memref<10000x16xbf16, #tpu.memory_space<hbm>>
    tpu.wait_indirect_dma semaphore(%arg10 : memref<!tpu.dma_semaphore, #tpu.memory_space<semaphore_mem>>) src(%dma_wait3A_441 : memref<10000x16xbf16, #tpu.memory_space<hbm>>) dst(%dma_wait3A_435 : memref<128x16xbf16, #tpu.memory_space<vmem>>)
    %dma_wait3A_442 = arith.constant 73 : i32
    %dma_wait3A_443 = arith.constant 1 : i32
    %dma_wait3A_444 = arith.constant 1 : i32
    %dma_wait3A_445 = arith.constant 0 : i32
    %dma_wait3A_446 = arith.constant 0 : i32
    %dma_wait3A_447 = tpu.memref_slice %arg8[%dma_wait3A_443, %dma_wait3A_444, %dma_wait3A_445, %dma_wait3A_446] : memref<2x8x128x16xbf16, #tpu.memory_space<vmem>> -> memref<1x1x128x16xbf16, #tpu.memory_space<vmem>>
    %dma_wait3A_448 = tpu.memref_squeeze %dma_wait3A_447 : memref<1x1x128x16xbf16, #tpu.memory_space<vmem>> -> memref<128x16xbf16, #tpu.memory_space<vmem>>
    %dma_wait3A_449 = arith.constant 0 : i32
    %dma_wait3A_450 = tpu.memref_slice %arg6[%dma_wait3A_442, %dma_wait3A_449] : memref<80x128xi32, #tpu.memory_space<vmem>> -> memref<1x128xi32, #tpu.memory_space<vmem>>
    %dma_wait3A_451 = tpu.memref_squeeze %dma_wait3A_450 : memref<1x128xi32, #tpu.memory_space<vmem>> -> memref<128xi32, #tpu.memory_space<vmem>>
    %dma_wait3A_452 = arith.constant 0 : i32
    %dma_wait3A_453 = arith.constant 0 : i32
    %dma_wait3A_454 = tpu.memref_slice %arg2[%dma_wait3A_452, %dma_wait3A_453] : memref<10000x16xbf16, #tpu.memory_space<hbm>> -> memref<10000x16xbf16, #tpu.memory_space<hbm>>
    tpu.wait_indirect_dma semaphore(%arg10 : memref<!tpu.dma_semaphore, #tpu.memory_space<semaphore_mem>>) src(%dma_wait3A_454 : memref<10000x16xbf16, #tpu.memory_space<hbm>>) dst(%dma_wait3A_448 : memref<128x16xbf16, #tpu.memory_space<vmem>>)
    %dma_wait3A_455 = arith.constant 74 : i32
    %dma_wait3A_456 = arith.constant 1 : i32
    %dma_wait3A_457 = arith.constant 2 : i32
    %dma_wait3A_458 = arith.constant 0 : i32
    %dma_wait3A_459 = arith.constant 0 : i32
    %dma_wait3A_460 = tpu.memref_slice %arg8[%dma_wait3A_456, %dma_wait3A_457, %dma_wait3A_458, %dma_wait3A_459] : memref<2x8x128x16xbf16, #tpu.memory_space<vmem>> -> memref<1x1x128x16xbf16, #tpu.memory_space<vmem>>
    %dma_wait3A_461 = tpu.memref_squeeze %dma_wait3A_460 : memref<1x1x128x16xbf16, #tpu.memory_space<vmem>> -> memref<128x16xbf16, #tpu.memory_space<vmem>>
    %dma_wait3A_462 = arith.constant 0 : i32
    %dma_wait3A_463 = tpu.memref_slice %arg6[%dma_wait3A_455, %dma_wait3A_462] : memref<80x128xi32, #tpu.memory_space<vmem>> -> memref<1x128xi32, #tpu.memory_space<vmem>>
    %dma_wait3A_464 = tpu.memref_squeeze %dma_wait3A_463 : memref<1x128xi32, #tpu.memory_space<vmem>> -> memref<128xi32, #tpu.memory_space<vmem>>
    %dma_wait3A_465 = arith.constant 0 : i32
    %dma_wait3A_466 = arith.constant 0 : i32
    %dma_wait3A_467 = tpu.memref_slice %arg2[%dma_wait3A_465, %dma_wait3A_466] : memref<10000x16xbf16, #tpu.memory_space<hbm>> -> memref<10000x16xbf16, #tpu.memory_space<hbm>>
    tpu.wait_indirect_dma semaphore(%arg10 : memref<!tpu.dma_semaphore, #tpu.memory_space<semaphore_mem>>) src(%dma_wait3A_467 : memref<10000x16xbf16, #tpu.memory_space<hbm>>) dst(%dma_wait3A_461 : memref<128x16xbf16, #tpu.memory_space<vmem>>)
    %dma_wait3A_468 = arith.constant 75 : i32
    %dma_wait3A_469 = arith.constant 1 : i32
    %dma_wait3A_470 = arith.constant 3 : i32
    %dma_wait3A_471 = arith.constant 0 : i32
    %dma_wait3A_472 = arith.constant 0 : i32
    %dma_wait3A_473 = tpu.memref_slice %arg8[%dma_wait3A_469, %dma_wait3A_470, %dma_wait3A_471, %dma_wait3A_472] : memref<2x8x128x16xbf16, #tpu.memory_space<vmem>> -> memref<1x1x128x16xbf16, #tpu.memory_space<vmem>>
    %dma_wait3A_474 = tpu.memref_squeeze %dma_wait3A_473 : memref<1x1x128x16xbf16, #tpu.memory_space<vmem>> -> memref<128x16xbf16, #tpu.memory_space<vmem>>
    %dma_wait3A_475 = arith.constant 0 : i32
    %dma_wait3A_476 = tpu.memref_slice %arg6[%dma_wait3A_468, %dma_wait3A_475] : memref<80x128xi32, #tpu.memory_space<vmem>> -> memref<1x128xi32, #tpu.memory_space<vmem>>
    %dma_wait3A_477 = tpu.memref_squeeze %dma_wait3A_476 : memref<1x128xi32, #tpu.memory_space<vmem>> -> memref<128xi32, #tpu.memory_space<vmem>>
    %dma_wait3A_478 = arith.constant 0 : i32
    %dma_wait3A_479 = arith.constant 0 : i32
    %dma_wait3A_480 = tpu.memref_slice %arg2[%dma_wait3A_478, %dma_wait3A_479] : memref<10000x16xbf16, #tpu.memory_space<hbm>> -> memref<10000x16xbf16, #tpu.memory_space<hbm>>
    tpu.wait_indirect_dma semaphore(%arg10 : memref<!tpu.dma_semaphore, #tpu.memory_space<semaphore_mem>>) src(%dma_wait3A_480 : memref<10000x16xbf16, #tpu.memory_space<hbm>>) dst(%dma_wait3A_474 : memref<128x16xbf16, #tpu.memory_space<vmem>>)
    %dma_wait3A_481 = arith.constant 76 : i32
    %dma_wait3A_482 = arith.constant 1 : i32
    %dma_wait3A_483 = arith.constant 4 : i32
    %dma_wait3A_484 = arith.constant 0 : i32
    %dma_wait3A_485 = arith.constant 0 : i32
    %dma_wait3A_486 = tpu.memref_slice %arg8[%dma_wait3A_482, %dma_wait3A_483, %dma_wait3A_484, %dma_wait3A_485] : memref<2x8x128x16xbf16, #tpu.memory_space<vmem>> -> memref<1x1x128x16xbf16, #tpu.memory_space<vmem>>
    %dma_wait3A_487 = tpu.memref_squeeze %dma_wait3A_486 : memref<1x1x128x16xbf16, #tpu.memory_space<vmem>> -> memref<128x16xbf16, #tpu.memory_space<vmem>>
    %dma_wait3A_488 = arith.constant 0 : i32
    %dma_wait3A_489 = tpu.memref_slice %arg6[%dma_wait3A_481, %dma_wait3A_488] : memref<80x128xi32, #tpu.memory_space<vmem>> -> memref<1x128xi32, #tpu.memory_space<vmem>>
    %dma_wait3A_490 = tpu.memref_squeeze %dma_wait3A_489 : memref<1x128xi32, #tpu.memory_space<vmem>> -> memref<128xi32, #tpu.memory_space<vmem>>
    %dma_wait3A_491 = arith.constant 0 : i32
    %dma_wait3A_492 = arith.constant 0 : i32
    %dma_wait3A_493 = tpu.memref_slice %arg2[%dma_wait3A_491, %dma_wait3A_492] : memref<10000x16xbf16, #tpu.memory_space<hbm>> -> memref<10000x16xbf16, #tpu.memory_space<hbm>>
    tpu.wait_indirect_dma semaphore(%arg10 : memref<!tpu.dma_semaphore, #tpu.memory_space<semaphore_mem>>) src(%dma_wait3A_493 : memref<10000x16xbf16, #tpu.memory_space<hbm>>) dst(%dma_wait3A_487 : memref<128x16xbf16, #tpu.memory_space<vmem>>)
    %dma_wait3A_494 = arith.constant 77 : i32
    %dma_wait3A_495 = arith.constant 1 : i32
    %dma_wait3A_496 = arith.constant 5 : i32
    %dma_wait3A_497 = arith.constant 0 : i32
    %dma_wait3A_498 = arith.constant 0 : i32
    %dma_wait3A_499 = tpu.memref_slice %arg8[%dma_wait3A_495, %dma_wait3A_496, %dma_wait3A_497, %dma_wait3A_498] : memref<2x8x128x16xbf16, #tpu.memory_space<vmem>> -> memref<1x1x128x16xbf16, #tpu.memory_space<vmem>>
    %dma_wait3A_500 = tpu.memref_squeeze %dma_wait3A_499 : memref<1x1x128x16xbf16, #tpu.memory_space<vmem>> -> memref<128x16xbf16, #tpu.memory_space<vmem>>
    %dma_wait3A_501 = arith.constant 0 : i32
    %dma_wait3A_502 = tpu.memref_slice %arg6[%dma_wait3A_494, %dma_wait3A_501] : memref<80x128xi32, #tpu.memory_space<vmem>> -> memref<1x128xi32, #tpu.memory_space<vmem>>
    %dma_wait3A_503 = tpu.memref_squeeze %dma_wait3A_502 : memref<1x128xi32, #tpu.memory_space<vmem>> -> memref<128xi32, #tpu.memory_space<vmem>>
    %dma_wait3A_504 = arith.constant 0 : i32
    %dma_wait3A_505 = arith.constant 0 : i32
    %dma_wait3A_506 = tpu.memref_slice %arg2[%dma_wait3A_504, %dma_wait3A_505] : memref<10000x16xbf16, #tpu.memory_space<hbm>> -> memref<10000x16xbf16, #tpu.memory_space<hbm>>
    tpu.wait_indirect_dma semaphore(%arg10 : memref<!tpu.dma_semaphore, #tpu.memory_space<semaphore_mem>>) src(%dma_wait3A_506 : memref<10000x16xbf16, #tpu.memory_space<hbm>>) dst(%dma_wait3A_500 : memref<128x16xbf16, #tpu.memory_space<vmem>>)
    %dma_wait3A_507 = arith.constant 78 : i32
    %dma_wait3A_508 = arith.constant 1 : i32
    %dma_wait3A_509 = arith.constant 6 : i32
    %dma_wait3A_510 = arith.constant 0 : i32
    %dma_wait3A_511 = arith.constant 0 : i32
    %dma_wait3A_512 = tpu.memref_slice %arg8[%dma_wait3A_508, %dma_wait3A_509, %dma_wait3A_510, %dma_wait3A_511] : memref<2x8x128x16xbf16, #tpu.memory_space<vmem>> -> memref<1x1x128x16xbf16, #tpu.memory_space<vmem>>
    %dma_wait3A_513 = tpu.memref_squeeze %dma_wait3A_512 : memref<1x1x128x16xbf16, #tpu.memory_space<vmem>> -> memref<128x16xbf16, #tpu.memory_space<vmem>>
    %dma_wait3A_514 = arith.constant 0 : i32
    %dma_wait3A_515 = tpu.memref_slice %arg6[%dma_wait3A_507, %dma_wait3A_514] : memref<80x128xi32, #tpu.memory_space<vmem>> -> memref<1x128xi32, #tpu.memory_space<vmem>>
    %dma_wait3A_516 = tpu.memref_squeeze %dma_wait3A_515 : memref<1x128xi32, #tpu.memory_space<vmem>> -> memref<128xi32, #tpu.memory_space<vmem>>
    %dma_wait3A_517 = arith.constant 0 : i32
    %dma_wait3A_518 = arith.constant 0 : i32
    %dma_wait3A_519 = tpu.memref_slice %arg2[%dma_wait3A_517, %dma_wait3A_518] : memref<10000x16xbf16, #tpu.memory_space<hbm>> -> memref<10000x16xbf16, #tpu.memory_space<hbm>>
    tpu.wait_indirect_dma semaphore(%arg10 : memref<!tpu.dma_semaphore, #tpu.memory_space<semaphore_mem>>) src(%dma_wait3A_519 : memref<10000x16xbf16, #tpu.memory_space<hbm>>) dst(%dma_wait3A_513 : memref<128x16xbf16, #tpu.memory_space<vmem>>)
    %dma_wait3A_520 = arith.constant 79 : i32
    %dma_wait3A_521 = arith.constant 1 : i32
    %dma_wait3A_522 = arith.constant 7 : i32
    %dma_wait3A_523 = arith.constant 0 : i32
    %dma_wait3A_524 = arith.constant 0 : i32
    %dma_wait3A_525 = tpu.memref_slice %arg8[%dma_wait3A_521, %dma_wait3A_522, %dma_wait3A_523, %dma_wait3A_524] : memref<2x8x128x16xbf16, #tpu.memory_space<vmem>> -> memref<1x1x128x16xbf16, #tpu.memory_space<vmem>>
    %dma_wait3A_526 = tpu.memref_squeeze %dma_wait3A_525 : memref<1x1x128x16xbf16, #tpu.memory_space<vmem>> -> memref<128x16xbf16, #tpu.memory_space<vmem>>
    %dma_wait3A_527 = arith.constant 0 : i32
    %dma_wait3A_528 = tpu.memref_slice %arg6[%dma_wait3A_520, %dma_wait3A_527] : memref<80x128xi32, #tpu.memory_space<vmem>> -> memref<1x128xi32, #tpu.memory_space<vmem>>
    %dma_wait3A_529 = tpu.memref_squeeze %dma_wait3A_528 : memref<1x128xi32, #tpu.memory_space<vmem>> -> memref<128xi32, #tpu.memory_space<vmem>>
    %dma_wait3A_530 = arith.constant 0 : i32
    %dma_wait3A_531 = arith.constant 0 : i32
    %dma_wait3A_532 = tpu.memref_slice %arg2[%dma_wait3A_530, %dma_wait3A_531] : memref<10000x16xbf16, #tpu.memory_space<hbm>> -> memref<10000x16xbf16, #tpu.memory_space<hbm>>
    tpu.wait_indirect_dma semaphore(%arg10 : memref<!tpu.dma_semaphore, #tpu.memory_space<semaphore_mem>>) src(%dma_wait3A_532 : memref<10000x16xbf16, #tpu.memory_space<hbm>>) dst(%dma_wait3A_526 : memref<128x16xbf16, #tpu.memory_space<vmem>>)
    %dma_wait3A_533 = arith.constant 0 : i32
    %dma_wait3A_534 = arith.constant 0 : i32
    %dma_wait3A_535 = arith.constant 64 : i32
    %dma_wait3A_536 = arith.constant 0 : i32
    %dma_wait3A_537 = arith.constant 0 : i32
    %dma_wait3A_538 = tpu.memref_slice %arg8[%dma_wait3A_533, %dma_wait3A_534, %dma_wait3A_536, %dma_wait3A_537] : memref<2x8x128x16xbf16, #tpu.memory_space<vmem>> -> memref<1x1x128x16xbf16, #tpu.memory_space<vmem>>
    %dma_wait3A_539 = tpu.memref_squeeze %dma_wait3A_538 : memref<1x1x128x16xbf16, #tpu.memory_space<vmem>> -> memref<128x16xbf16, #tpu.memory_space<vmem>>
    %dma_wait3A_540 = arith.constant 0 : i32
    %dma_wait3A_541 = tpu.memref_slice %arg7[%dma_wait3A_535, %dma_wait3A_540] : memref<80x128xi32, #tpu.memory_space<vmem>> -> memref<1x128xi32, #tpu.memory_space<vmem>>
    %dma_wait3A_542 = tpu.memref_squeeze %dma_wait3A_541 : memref<1x128xi32, #tpu.memory_space<vmem>> -> memref<128xi32, #tpu.memory_space<vmem>>
    %dma_wait3A_543 = arith.constant 0 : i32
    %dma_wait3A_544 = arith.constant 0 : i32
    %dma_wait3A_545 = tpu.memref_slice %arg9[%dma_wait3A_543, %dma_wait3A_544] : memref<10240x16xbf16, #tpu.memory_space<vmem_shared>> -> memref<10240x16xbf16, #tpu.memory_space<vmem_shared>>
    tpu.wait_indirect_dma semaphore(%arg11 : memref<!tpu.dma_semaphore, #tpu.memory_space<semaphore_mem>>) src(%dma_wait3A_539 : memref<128x16xbf16, #tpu.memory_space<vmem>>) dst(%dma_wait3A_545 : memref<10240x16xbf16, #tpu.memory_space<vmem_shared>>)
    %dma_wait3A_546 = arith.constant 0 : i32
    %dma_wait3A_547 = arith.constant 1 : i32
    %dma_wait3A_548 = arith.constant 65 : i32
    %dma_wait3A_549 = arith.constant 0 : i32
    %dma_wait3A_550 = arith.constant 0 : i32
    %dma_wait3A_551 = tpu.memref_slice %arg8[%dma_wait3A_546, %dma_wait3A_547, %dma_wait3A_549, %dma_wait3A_550] : memref<2x8x128x16xbf16, #tpu.memory_space<vmem>> -> memref<1x1x128x16xbf16, #tpu.memory_space<vmem>>
    %dma_wait3A_552 = tpu.memref_squeeze %dma_wait3A_551 : memref<1x1x128x16xbf16, #tpu.memory_space<vmem>> -> memref<128x16xbf16, #tpu.memory_space<vmem>>
    %dma_wait3A_553 = arith.constant 0 : i32
    %dma_wait3A_554 = tpu.memref_slice %arg7[%dma_wait3A_548, %dma_wait3A_553] : memref<80x128xi32, #tpu.memory_space<vmem>> -> memref<1x128xi32, #tpu.memory_space<vmem>>
    %dma_wait3A_555 = tpu.memref_squeeze %dma_wait3A_554 : memref<1x128xi32, #tpu.memory_space<vmem>> -> memref<128xi32, #tpu.memory_space<vmem>>
    %dma_wait3A_556 = arith.constant 0 : i32
    %dma_wait3A_557 = arith.constant 0 : i32
    %dma_wait3A_558 = tpu.memref_slice %arg9[%dma_wait3A_556, %dma_wait3A_557] : memref<10240x16xbf16, #tpu.memory_space<vmem_shared>> -> memref<10240x16xbf16, #tpu.memory_space<vmem_shared>>
    tpu.wait_indirect_dma semaphore(%arg11 : memref<!tpu.dma_semaphore, #tpu.memory_space<semaphore_mem>>) src(%dma_wait3A_552 : memref<128x16xbf16, #tpu.memory_space<vmem>>) dst(%dma_wait3A_558 : memref<10240x16xbf16, #tpu.memory_space<vmem_shared>>)
    %dma_wait3A_559 = arith.constant 0 : i32
    %dma_wait3A_560 = arith.constant 2 : i32
    %dma_wait3A_561 = arith.constant 66 : i32
    %dma_wait3A_562 = arith.constant 0 : i32
    %dma_wait3A_563 = arith.constant 0 : i32
    %dma_wait3A_564 = tpu.memref_slice %arg8[%dma_wait3A_559, %dma_wait3A_560, %dma_wait3A_562, %dma_wait3A_563] : memref<2x8x128x16xbf16, #tpu.memory_space<vmem>> -> memref<1x1x128x16xbf16, #tpu.memory_space<vmem>>
    %dma_wait3A_565 = tpu.memref_squeeze %dma_wait3A_564 : memref<1x1x128x16xbf16, #tpu.memory_space<vmem>> -> memref<128x16xbf16, #tpu.memory_space<vmem>>
    %dma_wait3A_566 = arith.constant 0 : i32
    %dma_wait3A_567 = tpu.memref_slice %arg7[%dma_wait3A_561, %dma_wait3A_566] : memref<80x128xi32, #tpu.memory_space<vmem>> -> memref<1x128xi32, #tpu.memory_space<vmem>>
    %dma_wait3A_568 = tpu.memref_squeeze %dma_wait3A_567 : memref<1x128xi32, #tpu.memory_space<vmem>> -> memref<128xi32, #tpu.memory_space<vmem>>
    %dma_wait3A_569 = arith.constant 0 : i32
    %dma_wait3A_570 = arith.constant 0 : i32
    %dma_wait3A_571 = tpu.memref_slice %arg9[%dma_wait3A_569, %dma_wait3A_570] : memref<10240x16xbf16, #tpu.memory_space<vmem_shared>> -> memref<10240x16xbf16, #tpu.memory_space<vmem_shared>>
    tpu.wait_indirect_dma semaphore(%arg11 : memref<!tpu.dma_semaphore, #tpu.memory_space<semaphore_mem>>) src(%dma_wait3A_565 : memref<128x16xbf16, #tpu.memory_space<vmem>>) dst(%dma_wait3A_571 : memref<10240x16xbf16, #tpu.memory_space<vmem_shared>>)
    %dma_wait3A_572 = arith.constant 0 : i32
    %dma_wait3A_573 = arith.constant 3 : i32
    %dma_wait3A_574 = arith.constant 67 : i32
    %dma_wait3A_575 = arith.constant 0 : i32
    %dma_wait3A_576 = arith.constant 0 : i32
    %dma_wait3A_577 = tpu.memref_slice %arg8[%dma_wait3A_572, %dma_wait3A_573, %dma_wait3A_575, %dma_wait3A_576] : memref<2x8x128x16xbf16, #tpu.memory_space<vmem>> -> memref<1x1x128x16xbf16, #tpu.memory_space<vmem>>
    %dma_wait3A_578 = tpu.memref_squeeze %dma_wait3A_577 : memref<1x1x128x16xbf16, #tpu.memory_space<vmem>> -> memref<128x16xbf16, #tpu.memory_space<vmem>>
    %dma_wait3A_579 = arith.constant 0 : i32
    %dma_wait3A_580 = tpu.memref_slice %arg7[%dma_wait3A_574, %dma_wait3A_579] : memref<80x128xi32, #tpu.memory_space<vmem>> -> memref<1x128xi32, #tpu.memory_space<vmem>>
    %dma_wait3A_581 = tpu.memref_squeeze %dma_wait3A_580 : memref<1x128xi32, #tpu.memory_space<vmem>> -> memref<128xi32, #tpu.memory_space<vmem>>
    %dma_wait3A_582 = arith.constant 0 : i32
    %dma_wait3A_583 = arith.constant 0 : i32
    %dma_wait3A_584 = tpu.memref_slice %arg9[%dma_wait3A_582, %dma_wait3A_583] : memref<10240x16xbf16, #tpu.memory_space<vmem_shared>> -> memref<10240x16xbf16, #tpu.memory_space<vmem_shared>>
    tpu.wait_indirect_dma semaphore(%arg11 : memref<!tpu.dma_semaphore, #tpu.memory_space<semaphore_mem>>) src(%dma_wait3A_578 : memref<128x16xbf16, #tpu.memory_space<vmem>>) dst(%dma_wait3A_584 : memref<10240x16xbf16, #tpu.memory_space<vmem_shared>>)
    %dma_wait3A_585 = arith.constant 0 : i32
    %dma_wait3A_586 = arith.constant 4 : i32
    %dma_wait3A_587 = arith.constant 68 : i32
    %dma_wait3A_588 = arith.constant 0 : i32
    %dma_wait3A_589 = arith.constant 0 : i32
    %dma_wait3A_590 = tpu.memref_slice %arg8[%dma_wait3A_585, %dma_wait3A_586, %dma_wait3A_588, %dma_wait3A_589] : memref<2x8x128x16xbf16, #tpu.memory_space<vmem>> -> memref<1x1x128x16xbf16, #tpu.memory_space<vmem>>
    %dma_wait3A_591 = tpu.memref_squeeze %dma_wait3A_590 : memref<1x1x128x16xbf16, #tpu.memory_space<vmem>> -> memref<128x16xbf16, #tpu.memory_space<vmem>>
    %dma_wait3A_592 = arith.constant 0 : i32
    %dma_wait3A_593 = tpu.memref_slice %arg7[%dma_wait3A_587, %dma_wait3A_592] : memref<80x128xi32, #tpu.memory_space<vmem>> -> memref<1x128xi32, #tpu.memory_space<vmem>>
    %dma_wait3A_594 = tpu.memref_squeeze %dma_wait3A_593 : memref<1x128xi32, #tpu.memory_space<vmem>> -> memref<128xi32, #tpu.memory_space<vmem>>
    %dma_wait3A_595 = arith.constant 0 : i32
    %dma_wait3A_596 = arith.constant 0 : i32
    %dma_wait3A_597 = tpu.memref_slice %arg9[%dma_wait3A_595, %dma_wait3A_596] : memref<10240x16xbf16, #tpu.memory_space<vmem_shared>> -> memref<10240x16xbf16, #tpu.memory_space<vmem_shared>>
    tpu.wait_indirect_dma semaphore(%arg11 : memref<!tpu.dma_semaphore, #tpu.memory_space<semaphore_mem>>) src(%dma_wait3A_591 : memref<128x16xbf16, #tpu.memory_space<vmem>>) dst(%dma_wait3A_597 : memref<10240x16xbf16, #tpu.memory_space<vmem_shared>>)
    %dma_wait3A_598 = arith.constant 0 : i32
    %dma_wait3A_599 = arith.constant 5 : i32
    %dma_wait3A_600 = arith.constant 69 : i32
    %dma_wait3A_601 = arith.constant 0 : i32
    %dma_wait3A_602 = arith.constant 0 : i32
    %dma_wait3A_603 = tpu.memref_slice %arg8[%dma_wait3A_598, %dma_wait3A_599, %dma_wait3A_601, %dma_wait3A_602] : memref<2x8x128x16xbf16, #tpu.memory_space<vmem>> -> memref<1x1x128x16xbf16, #tpu.memory_space<vmem>>
    %dma_wait3A_604 = tpu.memref_squeeze %dma_wait3A_603 : memref<1x1x128x16xbf16, #tpu.memory_space<vmem>> -> memref<128x16xbf16, #tpu.memory_space<vmem>>
    %dma_wait3A_605 = arith.constant 0 : i32
    %dma_wait3A_606 = tpu.memref_slice %arg7[%dma_wait3A_600, %dma_wait3A_605] : memref<80x128xi32, #tpu.memory_space<vmem>> -> memref<1x128xi32, #tpu.memory_space<vmem>>
    %dma_wait3A_607 = tpu.memref_squeeze %dma_wait3A_606 : memref<1x128xi32, #tpu.memory_space<vmem>> -> memref<128xi32, #tpu.memory_space<vmem>>
    %dma_wait3A_608 = arith.constant 0 : i32
    %dma_wait3A_609 = arith.constant 0 : i32
    %dma_wait3A_610 = tpu.memref_slice %arg9[%dma_wait3A_608, %dma_wait3A_609] : memref<10240x16xbf16, #tpu.memory_space<vmem_shared>> -> memref<10240x16xbf16, #tpu.memory_space<vmem_shared>>
    tpu.wait_indirect_dma semaphore(%arg11 : memref<!tpu.dma_semaphore, #tpu.memory_space<semaphore_mem>>) src(%dma_wait3A_604 : memref<128x16xbf16, #tpu.memory_space<vmem>>) dst(%dma_wait3A_610 : memref<10240x16xbf16, #tpu.memory_space<vmem_shared>>)
    %dma_wait3A_611 = arith.constant 0 : i32
    %dma_wait3A_612 = arith.constant 6 : i32
    %dma_wait3A_613 = arith.constant 70 : i32
    %dma_wait3A_614 = arith.constant 0 : i32
    %dma_wait3A_615 = arith.constant 0 : i32
    %dma_wait3A_616 = tpu.memref_slice %arg8[%dma_wait3A_611, %dma_wait3A_612, %dma_wait3A_614, %dma_wait3A_615] : memref<2x8x128x16xbf16, #tpu.memory_space<vmem>> -> memref<1x1x128x16xbf16, #tpu.memory_space<vmem>>
    %dma_wait3A_617 = tpu.memref_squeeze %dma_wait3A_616 : memref<1x1x128x16xbf16, #tpu.memory_space<vmem>> -> memref<128x16xbf16, #tpu.memory_space<vmem>>
    %dma_wait3A_618 = arith.constant 0 : i32
    %dma_wait3A_619 = tpu.memref_slice %arg7[%dma_wait3A_613, %dma_wait3A_618] : memref<80x128xi32, #tpu.memory_space<vmem>> -> memref<1x128xi32, #tpu.memory_space<vmem>>
    %dma_wait3A_620 = tpu.memref_squeeze %dma_wait3A_619 : memref<1x128xi32, #tpu.memory_space<vmem>> -> memref<128xi32, #tpu.memory_space<vmem>>
    %dma_wait3A_621 = arith.constant 0 : i32
    %dma_wait3A_622 = arith.constant 0 : i32
    %dma_wait3A_623 = tpu.memref_slice %arg9[%dma_wait3A_621, %dma_wait3A_622] : memref<10240x16xbf16, #tpu.memory_space<vmem_shared>> -> memref<10240x16xbf16, #tpu.memory_space<vmem_shared>>
    tpu.wait_indirect_dma semaphore(%arg11 : memref<!tpu.dma_semaphore, #tpu.memory_space<semaphore_mem>>) src(%dma_wait3A_617 : memref<128x16xbf16, #tpu.memory_space<vmem>>) dst(%dma_wait3A_623 : memref<10240x16xbf16, #tpu.memory_space<vmem_shared>>)
    %dma_wait3A_624 = arith.constant 0 : i32
    %dma_wait3A_625 = arith.constant 7 : i32
    %dma_wait3A_626 = arith.constant 71 : i32
    %dma_wait3A_627 = arith.constant 0 : i32
    %dma_wait3A_628 = arith.constant 0 : i32
    %dma_wait3A_629 = tpu.memref_slice %arg8[%dma_wait3A_624, %dma_wait3A_625, %dma_wait3A_627, %dma_wait3A_628] : memref<2x8x128x16xbf16, #tpu.memory_space<vmem>> -> memref<1x1x128x16xbf16, #tpu.memory_space<vmem>>
    %dma_wait3A_630 = tpu.memref_squeeze %dma_wait3A_629 : memref<1x1x128x16xbf16, #tpu.memory_space<vmem>> -> memref<128x16xbf16, #tpu.memory_space<vmem>>
    %dma_wait3A_631 = arith.constant 0 : i32
    %dma_wait3A_632 = tpu.memref_slice %arg7[%dma_wait3A_626, %dma_wait3A_631] : memref<80x128xi32, #tpu.memory_space<vmem>> -> memref<1x128xi32, #tpu.memory_space<vmem>>
    %dma_wait3A_633 = tpu.memref_squeeze %dma_wait3A_632 : memref<1x128xi32, #tpu.memory_space<vmem>> -> memref<128xi32, #tpu.memory_space<vmem>>
    %dma_wait3A_634 = arith.constant 0 : i32
    %dma_wait3A_635 = arith.constant 0 : i32
    %dma_wait3A_636 = tpu.memref_slice %arg9[%dma_wait3A_634, %dma_wait3A_635] : memref<10240x16xbf16, #tpu.memory_space<vmem_shared>> -> memref<10240x16xbf16, #tpu.memory_space<vmem_shared>>
    tpu.wait_indirect_dma semaphore(%arg11 : memref<!tpu.dma_semaphore, #tpu.memory_space<semaphore_mem>>) src(%dma_wait3A_630 : memref<128x16xbf16, #tpu.memory_space<vmem>>) dst(%dma_wait3A_636 : memref<10240x16xbf16, #tpu.memory_space<vmem_shared>>)
    %dma_start3A_637 = arith.constant 1 : i32
    %dma_start3A_638 = arith.constant 0 : i32
    %dma_start3A_639 = arith.constant 72 : i32
    %dma_start3A_640 = arith.constant 0 : i32
    %dma_start3A_641 = arith.constant 0 : i32
    %dma_start3A_642 = tpu.memref_slice %arg8[%dma_start3A_637, %dma_start3A_638, %dma_start3A_640, %dma_start3A_641] : memref<2x8x128x16xbf16, #tpu.memory_space<vmem>> -> memref<1x1x128x16xbf16, #tpu.memory_space<vmem>>
    %dma_start3A_643 = tpu.memref_squeeze %dma_start3A_642 : memref<1x1x128x16xbf16, #tpu.memory_space<vmem>> -> memref<128x16xbf16, #tpu.memory_space<vmem>>
    %dma_start3A_644 = arith.constant 0 : i32
    %dma_start3A_645 = tpu.memref_slice %arg7[%dma_start3A_639, %dma_start3A_644] : memref<80x128xi32, #tpu.memory_space<vmem>> -> memref<1x128xi32, #tpu.memory_space<vmem>>
    %dma_start3A_646 = tpu.memref_squeeze %dma_start3A_645 : memref<1x128xi32, #tpu.memory_space<vmem>> -> memref<128xi32, #tpu.memory_space<vmem>>
    %dma_start3A_647 = arith.constant 0 : i32
    %dma_start3A_648 = arith.constant 0 : i32
    %dma_start3A_649 = tpu.memref_slice %arg9[%dma_start3A_647, %dma_start3A_648] : memref<10240x16xbf16, #tpu.memory_space<vmem_shared>> -> memref<10240x16xbf16, #tpu.memory_space<vmem_shared>>
    tpu.enqueue_indirect_dma source(%dma_start3A_643 : memref<128x16xbf16, #tpu.memory_space<vmem>>) target(%dma_start3A_649 : memref<10240x16xbf16, #tpu.memory_space<vmem_shared>>) offsets(%dma_start3A_646 : memref<128xi32, #tpu.memory_space<vmem>>) semaphore(%arg11 : memref<!tpu.dma_semaphore, #tpu.memory_space<semaphore_mem>>) {add = true}
    %dma_start3A_650 = arith.constant 1 : i32
    %dma_start3A_651 = arith.constant 1 : i32
    %dma_start3A_652 = arith.constant 73 : i32
    %dma_start3A_653 = arith.constant 0 : i32
    %dma_start3A_654 = arith.constant 0 : i32
    %dma_start3A_655 = tpu.memref_slice %arg8[%dma_start3A_650, %dma_start3A_651, %dma_start3A_653, %dma_start3A_654] : memref<2x8x128x16xbf16, #tpu.memory_space<vmem>> -> memref<1x1x128x16xbf16, #tpu.memory_space<vmem>>
    %dma_start3A_656 = tpu.memref_squeeze %dma_start3A_655 : memref<1x1x128x16xbf16, #tpu.memory_space<vmem>> -> memref<128x16xbf16, #tpu.memory_space<vmem>>
    %dma_start3A_657 = arith.constant 0 : i32
    %dma_start3A_658 = tpu.memref_slice %arg7[%dma_start3A_652, %dma_start3A_657] : memref<80x128xi32, #tpu.memory_space<vmem>> -> memref<1x128xi32, #tpu.memory_space<vmem>>
    %dma_start3A_659 = tpu.memref_squeeze %dma_start3A_658 : memref<1x128xi32, #tpu.memory_space<vmem>> -> memref<128xi32, #tpu.memory_space<vmem>>
    %dma_start3A_660 = arith.constant 0 : i32
    %dma_start3A_661 = arith.constant 0 : i32
    %dma_start3A_662 = tpu.memref_slice %arg9[%dma_start3A_660, %dma_start3A_661] : memref<10240x16xbf16, #tpu.memory_space<vmem_shared>> -> memref<10240x16xbf16, #tpu.memory_space<vmem_shared>>
    tpu.enqueue_indirect_dma source(%dma_start3A_656 : memref<128x16xbf16, #tpu.memory_space<vmem>>) target(%dma_start3A_662 : memref<10240x16xbf16, #tpu.memory_space<vmem_shared>>) offsets(%dma_start3A_659 : memref<128xi32, #tpu.memory_space<vmem>>) semaphore(%arg11 : memref<!tpu.dma_semaphore, #tpu.memory_space<semaphore_mem>>) {add = true}
    %dma_start3A_663 = arith.constant 1 : i32
    %dma_start3A_664 = arith.constant 2 : i32
    %dma_start3A_665 = arith.constant 74 : i32
    %dma_start3A_666 = arith.constant 0 : i32
    %dma_start3A_667 = arith.constant 0 : i32
    %dma_start3A_668 = tpu.memref_slice %arg8[%dma_start3A_663, %dma_start3A_664, %dma_start3A_666, %dma_start3A_667] : memref<2x8x128x16xbf16, #tpu.memory_space<vmem>> -> memref<1x1x128x16xbf16, #tpu.memory_space<vmem>>
    %dma_start3A_669 = tpu.memref_squeeze %dma_start3A_668 : memref<1x1x128x16xbf16, #tpu.memory_space<vmem>> -> memref<128x16xbf16, #tpu.memory_space<vmem>>
    %dma_start3A_670 = arith.constant 0 : i32
    %dma_start3A_671 = tpu.memref_slice %arg7[%dma_start3A_665, %dma_start3A_670] : memref<80x128xi32, #tpu.memory_space<vmem>> -> memref<1x128xi32, #tpu.memory_space<vmem>>
    %dma_start3A_672 = tpu.memref_squeeze %dma_start3A_671 : memref<1x128xi32, #tpu.memory_space<vmem>> -> memref<128xi32, #tpu.memory_space<vmem>>
    %dma_start3A_673 = arith.constant 0 : i32
    %dma_start3A_674 = arith.constant 0 : i32
    %dma_start3A_675 = tpu.memref_slice %arg9[%dma_start3A_673, %dma_start3A_674] : memref<10240x16xbf16, #tpu.memory_space<vmem_shared>> -> memref<10240x16xbf16, #tpu.memory_space<vmem_shared>>
    tpu.enqueue_indirect_dma source(%dma_start3A_669 : memref<128x16xbf16, #tpu.memory_space<vmem>>) target(%dma_start3A_675 : memref<10240x16xbf16, #tpu.memory_space<vmem_shared>>) offsets(%dma_start3A_672 : memref<128xi32, #tpu.memory_space<vmem>>) semaphore(%arg11 : memref<!tpu.dma_semaphore, #tpu.memory_space<semaphore_mem>>) {add = true}
    %dma_start3A_676 = arith.constant 1 : i32
    %dma_start3A_677 = arith.constant 3 : i32
    %dma_start3A_678 = arith.constant 75 : i32
    %dma_start3A_679 = arith.constant 0 : i32
    %dma_start3A_680 = arith.constant 0 : i32
    %dma_start3A_681 = tpu.memref_slice %arg8[%dma_start3A_676, %dma_start3A_677, %dma_start3A_679, %dma_start3A_680] : memref<2x8x128x16xbf16, #tpu.memory_space<vmem>> -> memref<1x1x128x16xbf16, #tpu.memory_space<vmem>>
    %dma_start3A_682 = tpu.memref_squeeze %dma_start3A_681 : memref<1x1x128x16xbf16, #tpu.memory_space<vmem>> -> memref<128x16xbf16, #tpu.memory_space<vmem>>
    %dma_start3A_683 = arith.constant 0 : i32
    %dma_start3A_684 = tpu.memref_slice %arg7[%dma_start3A_678, %dma_start3A_683] : memref<80x128xi32, #tpu.memory_space<vmem>> -> memref<1x128xi32, #tpu.memory_space<vmem>>
    %dma_start3A_685 = tpu.memref_squeeze %dma_start3A_684 : memref<1x128xi32, #tpu.memory_space<vmem>> -> memref<128xi32, #tpu.memory_space<vmem>>
    %dma_start3A_686 = arith.constant 0 : i32
    %dma_start3A_687 = arith.constant 0 : i32
    %dma_start3A_688 = tpu.memref_slice %arg9[%dma_start3A_686, %dma_start3A_687] : memref<10240x16xbf16, #tpu.memory_space<vmem_shared>> -> memref<10240x16xbf16, #tpu.memory_space<vmem_shared>>
    tpu.enqueue_indirect_dma source(%dma_start3A_682 : memref<128x16xbf16, #tpu.memory_space<vmem>>) target(%dma_start3A_688 : memref<10240x16xbf16, #tpu.memory_space<vmem_shared>>) offsets(%dma_start3A_685 : memref<128xi32, #tpu.memory_space<vmem>>) semaphore(%arg11 : memref<!tpu.dma_semaphore, #tpu.memory_space<semaphore_mem>>) {add = true}
    %dma_start3A_689 = arith.constant 1 : i32
    %dma_start3A_690 = arith.constant 4 : i32
    %dma_start3A_691 = arith.constant 76 : i32
    %dma_start3A_692 = arith.constant 0 : i32
    %dma_start3A_693 = arith.constant 0 : i32
    %dma_start3A_694 = tpu.memref_slice %arg8[%dma_start3A_689, %dma_start3A_690, %dma_start3A_692, %dma_start3A_693] : memref<2x8x128x16xbf16, #tpu.memory_space<vmem>> -> memref<1x1x128x16xbf16, #tpu.memory_space<vmem>>
    %dma_start3A_695 = tpu.memref_squeeze %dma_start3A_694 : memref<1x1x128x16xbf16, #tpu.memory_space<vmem>> -> memref<128x16xbf16, #tpu.memory_space<vmem>>
    %dma_start3A_696 = arith.constant 0 : i32
    %dma_start3A_697 = tpu.memref_slice %arg7[%dma_start3A_691, %dma_start3A_696] : memref<80x128xi32, #tpu.memory_space<vmem>> -> memref<1x128xi32, #tpu.memory_space<vmem>>
    %dma_start3A_698 = tpu.memref_squeeze %dma_start3A_697 : memref<1x128xi32, #tpu.memory_space<vmem>> -> memref<128xi32, #tpu.memory_space<vmem>>
    %dma_start3A_699 = arith.constant 0 : i32
    %dma_start3A_700 = arith.constant 0 : i32
    %dma_start3A_701 = tpu.memref_slice %arg9[%dma_start3A_699, %dma_start3A_700] : memref<10240x16xbf16, #tpu.memory_space<vmem_shared>> -> memref<10240x16xbf16, #tpu.memory_space<vmem_shared>>
    tpu.enqueue_indirect_dma source(%dma_start3A_695 : memref<128x16xbf16, #tpu.memory_space<vmem>>) target(%dma_start3A_701 : memref<10240x16xbf16, #tpu.memory_space<vmem_shared>>) offsets(%dma_start3A_698 : memref<128xi32, #tpu.memory_space<vmem>>) semaphore(%arg11 : memref<!tpu.dma_semaphore, #tpu.memory_space<semaphore_mem>>) {add = true}
    %dma_start3A_702 = arith.constant 1 : i32
    %dma_start3A_703 = arith.constant 5 : i32
    %dma_start3A_704 = arith.constant 77 : i32
    %dma_start3A_705 = arith.constant 0 : i32
    %dma_start3A_706 = arith.constant 0 : i32
    %dma_start3A_707 = tpu.memref_slice %arg8[%dma_start3A_702, %dma_start3A_703, %dma_start3A_705, %dma_start3A_706] : memref<2x8x128x16xbf16, #tpu.memory_space<vmem>> -> memref<1x1x128x16xbf16, #tpu.memory_space<vmem>>
    %dma_start3A_708 = tpu.memref_squeeze %dma_start3A_707 : memref<1x1x128x16xbf16, #tpu.memory_space<vmem>> -> memref<128x16xbf16, #tpu.memory_space<vmem>>
    %dma_start3A_709 = arith.constant 0 : i32
    %dma_start3A_710 = tpu.memref_slice %arg7[%dma_start3A_704, %dma_start3A_709] : memref<80x128xi32, #tpu.memory_space<vmem>> -> memref<1x128xi32, #tpu.memory_space<vmem>>
    %dma_start3A_711 = tpu.memref_squeeze %dma_start3A_710 : memref<1x128xi32, #tpu.memory_space<vmem>> -> memref<128xi32, #tpu.memory_space<vmem>>
    %dma_start3A_712 = arith.constant 0 : i32
    %dma_start3A_713 = arith.constant 0 : i32
    %dma_start3A_714 = tpu.memref_slice %arg9[%dma_start3A_712, %dma_start3A_713] : memref<10240x16xbf16, #tpu.memory_space<vmem_shared>> -> memref<10240x16xbf16, #tpu.memory_space<vmem_shared>>
    tpu.enqueue_indirect_dma source(%dma_start3A_708 : memref<128x16xbf16, #tpu.memory_space<vmem>>) target(%dma_start3A_714 : memref<10240x16xbf16, #tpu.memory_space<vmem_shared>>) offsets(%dma_start3A_711 : memref<128xi32, #tpu.memory_space<vmem>>) semaphore(%arg11 : memref<!tpu.dma_semaphore, #tpu.memory_space<semaphore_mem>>) {add = true}
    %dma_start3A_715 = arith.constant 1 : i32
    %dma_start3A_716 = arith.constant 6 : i32
    %dma_start3A_717 = arith.constant 78 : i32
    %dma_start3A_718 = arith.constant 0 : i32
    %dma_start3A_719 = arith.constant 0 : i32
    %dma_start3A_720 = tpu.memref_slice %arg8[%dma_start3A_715, %dma_start3A_716, %dma_start3A_718, %dma_start3A_719] : memref<2x8x128x16xbf16, #tpu.memory_space<vmem>> -> memref<1x1x128x16xbf16, #tpu.memory_space<vmem>>
    %dma_start3A_721 = tpu.memref_squeeze %dma_start3A_720 : memref<1x1x128x16xbf16, #tpu.memory_space<vmem>> -> memref<128x16xbf16, #tpu.memory_space<vmem>>
    %dma_start3A_722 = arith.constant 0 : i32
    %dma_start3A_723 = tpu.memref_slice %arg7[%dma_start3A_717, %dma_start3A_722] : memref<80x128xi32, #tpu.memory_space<vmem>> -> memref<1x128xi32, #tpu.memory_space<vmem>>
    %dma_start3A_724 = tpu.memref_squeeze %dma_start3A_723 : memref<1x128xi32, #tpu.memory_space<vmem>> -> memref<128xi32, #tpu.memory_space<vmem>>
    %dma_start3A_725 = arith.constant 0 : i32
    %dma_start3A_726 = arith.constant 0 : i32
    %dma_start3A_727 = tpu.memref_slice %arg9[%dma_start3A_725, %dma_start3A_726] : memref<10240x16xbf16, #tpu.memory_space<vmem_shared>> -> memref<10240x16xbf16, #tpu.memory_space<vmem_shared>>
    tpu.enqueue_indirect_dma source(%dma_start3A_721 : memref<128x16xbf16, #tpu.memory_space<vmem>>) target(%dma_start3A_727 : memref<10240x16xbf16, #tpu.memory_space<vmem_shared>>) offsets(%dma_start3A_724 : memref<128xi32, #tpu.memory_space<vmem>>) semaphore(%arg11 : memref<!tpu.dma_semaphore, #tpu.memory_space<semaphore_mem>>) {add = true}
    %dma_start3A_728 = arith.constant 1 : i32
    %dma_start3A_729 = arith.constant 7 : i32
    %dma_start3A_730 = arith.constant 79 : i32
    %dma_start3A_731 = arith.constant 0 : i32
    %dma_start3A_732 = arith.constant 0 : i32
    %dma_start3A_733 = tpu.memref_slice %arg8[%dma_start3A_728, %dma_start3A_729, %dma_start3A_731, %dma_start3A_732] : memref<2x8x128x16xbf16, #tpu.memory_space<vmem>> -> memref<1x1x128x16xbf16, #tpu.memory_space<vmem>>
    %dma_start3A_734 = tpu.memref_squeeze %dma_start3A_733 : memref<1x1x128x16xbf16, #tpu.memory_space<vmem>> -> memref<128x16xbf16, #tpu.memory_space<vmem>>
    %dma_start3A_735 = arith.constant 0 : i32
    %dma_start3A_736 = tpu.memref_slice %arg7[%dma_start3A_730, %dma_start3A_735] : memref<80x128xi32, #tpu.memory_space<vmem>> -> memref<1x128xi32, #tpu.memory_space<vmem>>
    %dma_start3A_737 = tpu.memref_squeeze %dma_start3A_736 : memref<1x128xi32, #tpu.memory_space<vmem>> -> memref<128xi32, #tpu.memory_space<vmem>>
    %dma_start3A_738 = arith.constant 0 : i32
    %dma_start3A_739 = arith.constant 0 : i32
    %dma_start3A_740 = tpu.memref_slice %arg9[%dma_start3A_738, %dma_start3A_739] : memref<10240x16xbf16, #tpu.memory_space<vmem_shared>> -> memref<10240x16xbf16, #tpu.memory_space<vmem_shared>>
    tpu.enqueue_indirect_dma source(%dma_start3A_734 : memref<128x16xbf16, #tpu.memory_space<vmem>>) target(%dma_start3A_740 : memref<10240x16xbf16, #tpu.memory_space<vmem_shared>>) offsets(%dma_start3A_737 : memref<128xi32, #tpu.memory_space<vmem>>) semaphore(%arg11 : memref<!tpu.dma_semaphore, #tpu.memory_space<semaphore_mem>>) {add = true}
    %dma_wait3A_741 = arith.constant 1 : i32
    %dma_wait3A_742 = arith.constant 0 : i32
    %dma_wait3A_743 = arith.constant 72 : i32
    %dma_wait3A_744 = arith.constant 0 : i32
    %dma_wait3A_745 = arith.constant 0 : i32
    %dma_wait3A_746 = tpu.memref_slice %arg8[%dma_wait3A_741, %dma_wait3A_742, %dma_wait3A_744, %dma_wait3A_745] : memref<2x8x128x16xbf16, #tpu.memory_space<vmem>> -> memref<1x1x128x16xbf16, #tpu.memory_space<vmem>>
    %dma_wait3A_747 = tpu.memref_squeeze %dma_wait3A_746 : memref<1x1x128x16xbf16, #tpu.memory_space<vmem>> -> memref<128x16xbf16, #tpu.memory_space<vmem>>
    %dma_wait3A_748 = arith.constant 0 : i32
    %dma_wait3A_749 = tpu.memref_slice %arg7[%dma_wait3A_743, %dma_wait3A_748] : memref<80x128xi32, #tpu.memory_space<vmem>> -> memref<1x128xi32, #tpu.memory_space<vmem>>
    %dma_wait3A_750 = tpu.memref_squeeze %dma_wait3A_749 : memref<1x128xi32, #tpu.memory_space<vmem>> -> memref<128xi32, #tpu.memory_space<vmem>>
    %dma_wait3A_751 = arith.constant 0 : i32
    %dma_wait3A_752 = arith.constant 0 : i32
    %dma_wait3A_753 = tpu.memref_slice %arg9[%dma_wait3A_751, %dma_wait3A_752] : memref<10240x16xbf16, #tpu.memory_space<vmem_shared>> -> memref<10240x16xbf16, #tpu.memory_space<vmem_shared>>
    tpu.wait_indirect_dma semaphore(%arg11 : memref<!tpu.dma_semaphore, #tpu.memory_space<semaphore_mem>>) src(%dma_wait3A_747 : memref<128x16xbf16, #tpu.memory_space<vmem>>) dst(%dma_wait3A_753 : memref<10240x16xbf16, #tpu.memory_space<vmem_shared>>)
    %dma_wait3A_754 = arith.constant 1 : i32
    %dma_wait3A_755 = arith.constant 1 : i32
    %dma_wait3A_756 = arith.constant 73 : i32
    %dma_wait3A_757 = arith.constant 0 : i32
    %dma_wait3A_758 = arith.constant 0 : i32
    %dma_wait3A_759 = tpu.memref_slice %arg8[%dma_wait3A_754, %dma_wait3A_755, %dma_wait3A_757, %dma_wait3A_758] : memref<2x8x128x16xbf16, #tpu.memory_space<vmem>> -> memref<1x1x128x16xbf16, #tpu.memory_space<vmem>>
    %dma_wait3A_760 = tpu.memref_squeeze %dma_wait3A_759 : memref<1x1x128x16xbf16, #tpu.memory_space<vmem>> -> memref<128x16xbf16, #tpu.memory_space<vmem>>
    %dma_wait3A_761 = arith.constant 0 : i32
    %dma_wait3A_762 = tpu.memref_slice %arg7[%dma_wait3A_756, %dma_wait3A_761] : memref<80x128xi32, #tpu.memory_space<vmem>> -> memref<1x128xi32, #tpu.memory_space<vmem>>
    %dma_wait3A_763 = tpu.memref_squeeze %dma_wait3A_762 : memref<1x128xi32, #tpu.memory_space<vmem>> -> memref<128xi32, #tpu.memory_space<vmem>>
    %dma_wait3A_764 = arith.constant 0 : i32
    %dma_wait3A_765 = arith.constant 0 : i32
    %dma_wait3A_766 = tpu.memref_slice %arg9[%dma_wait3A_764, %dma_wait3A_765] : memref<10240x16xbf16, #tpu.memory_space<vmem_shared>> -> memref<10240x16xbf16, #tpu.memory_space<vmem_shared>>
    tpu.wait_indirect_dma semaphore(%arg11 : memref<!tpu.dma_semaphore, #tpu.memory_space<semaphore_mem>>) src(%dma_wait3A_760 : memref<128x16xbf16, #tpu.memory_space<vmem>>) dst(%dma_wait3A_766 : memref<10240x16xbf16, #tpu.memory_space<vmem_shared>>)
    %dma_wait3A_767 = arith.constant 1 : i32
    %dma_wait3A_768 = arith.constant 2 : i32
    %dma_wait3A_769 = arith.constant 74 : i32
    %dma_wait3A_770 = arith.constant 0 : i32
    %dma_wait3A_771 = arith.constant 0 : i32
    %dma_wait3A_772 = tpu.memref_slice %arg8[%dma_wait3A_767, %dma_wait3A_768, %dma_wait3A_770, %dma_wait3A_771] : memref<2x8x128x16xbf16, #tpu.memory_space<vmem>> -> memref<1x1x128x16xbf16, #tpu.memory_space<vmem>>
    %dma_wait3A_773 = tpu.memref_squeeze %dma_wait3A_772 : memref<1x1x128x16xbf16, #tpu.memory_space<vmem>> -> memref<128x16xbf16, #tpu.memory_space<vmem>>
    %dma_wait3A_774 = arith.constant 0 : i32
    %dma_wait3A_775 = tpu.memref_slice %arg7[%dma_wait3A_769, %dma_wait3A_774] : memref<80x128xi32, #tpu.memory_space<vmem>> -> memref<1x128xi32, #tpu.memory_space<vmem>>
    %dma_wait3A_776 = tpu.memref_squeeze %dma_wait3A_775 : memref<1x128xi32, #tpu.memory_space<vmem>> -> memref<128xi32, #tpu.memory_space<vmem>>
    %dma_wait3A_777 = arith.constant 0 : i32
    %dma_wait3A_778 = arith.constant 0 : i32
    %dma_wait3A_779 = tpu.memref_slice %arg9[%dma_wait3A_777, %dma_wait3A_778] : memref<10240x16xbf16, #tpu.memory_space<vmem_shared>> -> memref<10240x16xbf16, #tpu.memory_space<vmem_shared>>
    tpu.wait_indirect_dma semaphore(%arg11 : memref<!tpu.dma_semaphore, #tpu.memory_space<semaphore_mem>>) src(%dma_wait3A_773 : memref<128x16xbf16, #tpu.memory_space<vmem>>) dst(%dma_wait3A_779 : memref<10240x16xbf16, #tpu.memory_space<vmem_shared>>)
    %dma_wait3A_780 = arith.constant 1 : i32
    %dma_wait3A_781 = arith.constant 3 : i32
    %dma_wait3A_782 = arith.constant 75 : i32
    %dma_wait3A_783 = arith.constant 0 : i32
    %dma_wait3A_784 = arith.constant 0 : i32
    %dma_wait3A_785 = tpu.memref_slice %arg8[%dma_wait3A_780, %dma_wait3A_781, %dma_wait3A_783, %dma_wait3A_784] : memref<2x8x128x16xbf16, #tpu.memory_space<vmem>> -> memref<1x1x128x16xbf16, #tpu.memory_space<vmem>>
    %dma_wait3A_786 = tpu.memref_squeeze %dma_wait3A_785 : memref<1x1x128x16xbf16, #tpu.memory_space<vmem>> -> memref<128x16xbf16, #tpu.memory_space<vmem>>
    %dma_wait3A_787 = arith.constant 0 : i32
    %dma_wait3A_788 = tpu.memref_slice %arg7[%dma_wait3A_782, %dma_wait3A_787] : memref<80x128xi32, #tpu.memory_space<vmem>> -> memref<1x128xi32, #tpu.memory_space<vmem>>
    %dma_wait3A_789 = tpu.memref_squeeze %dma_wait3A_788 : memref<1x128xi32, #tpu.memory_space<vmem>> -> memref<128xi32, #tpu.memory_space<vmem>>
    %dma_wait3A_790 = arith.constant 0 : i32
    %dma_wait3A_791 = arith.constant 0 : i32
    %dma_wait3A_792 = tpu.memref_slice %arg9[%dma_wait3A_790, %dma_wait3A_791] : memref<10240x16xbf16, #tpu.memory_space<vmem_shared>> -> memref<10240x16xbf16, #tpu.memory_space<vmem_shared>>
    tpu.wait_indirect_dma semaphore(%arg11 : memref<!tpu.dma_semaphore, #tpu.memory_space<semaphore_mem>>) src(%dma_wait3A_786 : memref<128x16xbf16, #tpu.memory_space<vmem>>) dst(%dma_wait3A_792 : memref<10240x16xbf16, #tpu.memory_space<vmem_shared>>)
    %dma_wait3A_793 = arith.constant 1 : i32
    %dma_wait3A_794 = arith.constant 4 : i32
    %dma_wait3A_795 = arith.constant 76 : i32
    %dma_wait3A_796 = arith.constant 0 : i32
    %dma_wait3A_797 = arith.constant 0 : i32
    %dma_wait3A_798 = tpu.memref_slice %arg8[%dma_wait3A_793, %dma_wait3A_794, %dma_wait3A_796, %dma_wait3A_797] : memref<2x8x128x16xbf16, #tpu.memory_space<vmem>> -> memref<1x1x128x16xbf16, #tpu.memory_space<vmem>>
    %dma_wait3A_799 = tpu.memref_squeeze %dma_wait3A_798 : memref<1x1x128x16xbf16, #tpu.memory_space<vmem>> -> memref<128x16xbf16, #tpu.memory_space<vmem>>
    %dma_wait3A_800 = arith.constant 0 : i32
    %dma_wait3A_801 = tpu.memref_slice %arg7[%dma_wait3A_795, %dma_wait3A_800] : memref<80x128xi32, #tpu.memory_space<vmem>> -> memref<1x128xi32, #tpu.memory_space<vmem>>
    %dma_wait3A_802 = tpu.memref_squeeze %dma_wait3A_801 : memref<1x128xi32, #tpu.memory_space<vmem>> -> memref<128xi32, #tpu.memory_space<vmem>>
    %dma_wait3A_803 = arith.constant 0 : i32
    %dma_wait3A_804 = arith.constant 0 : i32
    %dma_wait3A_805 = tpu.memref_slice %arg9[%dma_wait3A_803, %dma_wait3A_804] : memref<10240x16xbf16, #tpu.memory_space<vmem_shared>> -> memref<10240x16xbf16, #tpu.memory_space<vmem_shared>>
    tpu.wait_indirect_dma semaphore(%arg11 : memref<!tpu.dma_semaphore, #tpu.memory_space<semaphore_mem>>) src(%dma_wait3A_799 : memref<128x16xbf16, #tpu.memory_space<vmem>>) dst(%dma_wait3A_805 : memref<10240x16xbf16, #tpu.memory_space<vmem_shared>>)
    %dma_wait3A_806 = arith.constant 1 : i32
    %dma_wait3A_807 = arith.constant 5 : i32
    %dma_wait3A_808 = arith.constant 77 : i32
    %dma_wait3A_809 = arith.constant 0 : i32
    %dma_wait3A_810 = arith.constant 0 : i32
    %dma_wait3A_811 = tpu.memref_slice %arg8[%dma_wait3A_806, %dma_wait3A_807, %dma_wait3A_809, %dma_wait3A_810] : memref<2x8x128x16xbf16, #tpu.memory_space<vmem>> -> memref<1x1x128x16xbf16, #tpu.memory_space<vmem>>
    %dma_wait3A_812 = tpu.memref_squeeze %dma_wait3A_811 : memref<1x1x128x16xbf16, #tpu.memory_space<vmem>> -> memref<128x16xbf16, #tpu.memory_space<vmem>>
    %dma_wait3A_813 = arith.constant 0 : i32
    %dma_wait3A_814 = tpu.memref_slice %arg7[%dma_wait3A_808, %dma_wait3A_813] : memref<80x128xi32, #tpu.memory_space<vmem>> -> memref<1x128xi32, #tpu.memory_space<vmem>>
    %dma_wait3A_815 = tpu.memref_squeeze %dma_wait3A_814 : memref<1x128xi32, #tpu.memory_space<vmem>> -> memref<128xi32, #tpu.memory_space<vmem>>
    %dma_wait3A_816 = arith.constant 0 : i32
    %dma_wait3A_817 = arith.constant 0 : i32
    %dma_wait3A_818 = tpu.memref_slice %arg9[%dma_wait3A_816, %dma_wait3A_817] : memref<10240x16xbf16, #tpu.memory_space<vmem_shared>> -> memref<10240x16xbf16, #tpu.memory_space<vmem_shared>>
    tpu.wait_indirect_dma semaphore(%arg11 : memref<!tpu.dma_semaphore, #tpu.memory_space<semaphore_mem>>) src(%dma_wait3A_812 : memref<128x16xbf16, #tpu.memory_space<vmem>>) dst(%dma_wait3A_818 : memref<10240x16xbf16, #tpu.memory_space<vmem_shared>>)
    %dma_wait3A_819 = arith.constant 1 : i32
    %dma_wait3A_820 = arith.constant 6 : i32
    %dma_wait3A_821 = arith.constant 78 : i32
    %dma_wait3A_822 = arith.constant 0 : i32
    %dma_wait3A_823 = arith.constant 0 : i32
    %dma_wait3A_824 = tpu.memref_slice %arg8[%dma_wait3A_819, %dma_wait3A_820, %dma_wait3A_822, %dma_wait3A_823] : memref<2x8x128x16xbf16, #tpu.memory_space<vmem>> -> memref<1x1x128x16xbf16, #tpu.memory_space<vmem>>
    %dma_wait3A_825 = tpu.memref_squeeze %dma_wait3A_824 : memref<1x1x128x16xbf16, #tpu.memory_space<vmem>> -> memref<128x16xbf16, #tpu.memory_space<vmem>>
    %dma_wait3A_826 = arith.constant 0 : i32
    %dma_wait3A_827 = tpu.memref_slice %arg7[%dma_wait3A_821, %dma_wait3A_826] : memref<80x128xi32, #tpu.memory_space<vmem>> -> memref<1x128xi32, #tpu.memory_space<vmem>>
    %dma_wait3A_828 = tpu.memref_squeeze %dma_wait3A_827 : memref<1x128xi32, #tpu.memory_space<vmem>> -> memref<128xi32, #tpu.memory_space<vmem>>
    %dma_wait3A_829 = arith.constant 0 : i32
    %dma_wait3A_830 = arith.constant 0 : i32
    %dma_wait3A_831 = tpu.memref_slice %arg9[%dma_wait3A_829, %dma_wait3A_830] : memref<10240x16xbf16, #tpu.memory_space<vmem_shared>> -> memref<10240x16xbf16, #tpu.memory_space<vmem_shared>>
    tpu.wait_indirect_dma semaphore(%arg11 : memref<!tpu.dma_semaphore, #tpu.memory_space<semaphore_mem>>) src(%dma_wait3A_825 : memref<128x16xbf16, #tpu.memory_space<vmem>>) dst(%dma_wait3A_831 : memref<10240x16xbf16, #tpu.memory_space<vmem_shared>>)
    %dma_wait3A_832 = arith.constant 1 : i32
    %dma_wait3A_833 = arith.constant 7 : i32
    %dma_wait3A_834 = arith.constant 79 : i32
    %dma_wait3A_835 = arith.constant 0 : i32
    %dma_wait3A_836 = arith.constant 0 : i32
    %dma_wait3A_837 = tpu.memref_slice %arg8[%dma_wait3A_832, %dma_wait3A_833, %dma_wait3A_835, %dma_wait3A_836] : memref<2x8x128x16xbf16, #tpu.memory_space<vmem>> -> memref<1x1x128x16xbf16, #tpu.memory_space<vmem>>
    %dma_wait3A_838 = tpu.memref_squeeze %dma_wait3A_837 : memref<1x1x128x16xbf16, #tpu.memory_space<vmem>> -> memref<128x16xbf16, #tpu.memory_space<vmem>>
    %dma_wait3A_839 = arith.constant 0 : i32
    %dma_wait3A_840 = tpu.memref_slice %arg7[%dma_wait3A_834, %dma_wait3A_839] : memref<80x128xi32, #tpu.memory_space<vmem>> -> memref<1x128xi32, #tpu.memory_space<vmem>>
    %dma_wait3A_841 = tpu.memref_squeeze %dma_wait3A_840 : memref<1x128xi32, #tpu.memory_space<vmem>> -> memref<128xi32, #tpu.memory_space<vmem>>
    %dma_wait3A_842 = arith.constant 0 : i32
    %dma_wait3A_843 = arith.constant 0 : i32
    %dma_wait3A_844 = tpu.memref_slice %arg9[%dma_wait3A_842, %dma_wait3A_843] : memref<10240x16xbf16, #tpu.memory_space<vmem_shared>> -> memref<10240x16xbf16, #tpu.memory_space<vmem_shared>>
    tpu.wait_indirect_dma semaphore(%arg11 : memref<!tpu.dma_semaphore, #tpu.memory_space<semaphore_mem>>) src(%dma_wait3A_838 : memref<128x16xbf16, #tpu.memory_space<vmem>>) dst(%dma_wait3A_844 : memref<10240x16xbf16, #tpu.memory_space<vmem_shared>>)
    %barrier3A_845 = arith.constant 0 : index
    tpu.barrier barrier_id(%barrier3A_845)
    %mul3A_846 = arith.constant 640 : i32
    %mul3A_847 = arith.muli %arg1, %mul3A_846 : i32
    %mul3A_848 = arith.constant 640 : i32
    %mul3A_849 = arith.muli %arg1, %mul3A_848 : i32
    "tpu.region"() ({
      %run_scoped3A_850 = tpu.sem_alloc : memref<!tpu.dma_semaphore, #tpu.memory_space<semaphore_mem>>
      %dma_start3A_851 = arith.constant 0 : i32
      %dma_start3A_852 = tpu.memref_slice %arg5[%arg0, %mul3A_849, %dma_start3A_851] : memref<2x10240x16xbf16, #tpu.memory_space<hbm>> -> memref<1x640x16xbf16, #tpu.memory_space<hbm>>
      %dma_start3A_853 = tpu.memref_squeeze %dma_start3A_852 : memref<1x640x16xbf16, #tpu.memory_space<hbm>> -> memref<640x16xbf16, #tpu.memory_space<hbm>>
      %dma_start3A_854 = arith.constant 0 : i32
      %dma_start3A_855 = tpu.memref_slice %arg9[%mul3A_847, %dma_start3A_854] : memref<10240x16xbf16, #tpu.memory_space<vmem_shared>> -> memref<640x16xbf16, #tpu.memory_space<vmem_shared>>
      tpu.enqueue_dma source(%dma_start3A_855 : memref<640x16xbf16, #tpu.memory_space<vmem_shared>>) target(%dma_start3A_853 : memref<640x16xbf16, #tpu.memory_space<hbm>>) target_semaphore(%run_scoped3A_850 : memref<!tpu.dma_semaphore, #tpu.memory_space<semaphore_mem>>)
      %dma_wait3A_856 = arith.constant 0 : i32
      %dma_wait3A_857 = tpu.memref_slice %arg5[%arg0, %mul3A_849, %dma_wait3A_856] : memref<2x10240x16xbf16, #tpu.memory_space<hbm>> -> memref<1x640x16xbf16, #tpu.memory_space<hbm>>
      %dma_wait3A_858 = tpu.memref_squeeze %dma_wait3A_857 : memref<1x640x16xbf16, #tpu.memory_space<hbm>> -> memref<640x16xbf16, #tpu.memory_space<hbm>>
      %dma_wait3A_859 = arith.constant 0 : i32
      %dma_wait3A_860 = tpu.memref_slice %arg9[%mul3A_847, %dma_wait3A_859] : memref<10240x16xbf16, #tpu.memory_space<vmem_shared>> -> memref<640x16xbf16, #tpu.memory_space<vmem_shared>>
      tpu.wait_dma2 semaphore(%run_scoped3A_850 : memref<!tpu.dma_semaphore, #tpu.memory_space<semaphore_mem>>) src(%dma_wait3A_860 : memref<640x16xbf16, #tpu.memory_space<vmem_shared>>) dst(%dma_wait3A_858 : memref<640x16xbf16, #tpu.memory_space<hbm>>)
      tpu.yield
    }) : () -> ()
    return
  }
}

#map = affine_map<(d0, d1) -> (0, 0)>
#map1 = affine_map<(d0, d1) -> (0, 0, 0)>
module attributes {stable_mosaic.version = 14 : i64} {
  func.func @agg(%arg0: i32, %arg1: i32, %arg2: memref<10000x64xbf16, #tpu.memory_space<hbm>>, %arg3: memref<10000x64xbf16, #tpu.memory_space<hbm>>, %arg4: memref<2x2560x128xi32, #tpu.memory_space<hbm>>, %arg5: memref<2x10240x64xbf16, #tpu.memory_space<hbm>>, %arg6: memref<80x128xi32, #tpu.memory_space<vmem>>, %arg7: memref<80x128xi32, #tpu.memory_space<vmem>>, %arg8: memref<2x8x128x64xbf16, #tpu.memory_space<vmem>>, %arg9: memref<10240x64xbf16, #tpu.memory_space<vmem_shared>>, %arg10: memref<!tpu.dma_semaphore, #tpu.memory_space<semaphore_mem>>, %arg11: memref<!tpu.dma_semaphore, #tpu.memory_space<semaphore_mem>>) attributes {dimension_semantics = [#tpu.dimension_semantics<core_parallel>, #tpu.dimension_semantics<subcore_parallel>], iteration_bounds = array<i64: 2, 16>, scalar_prefetch = 0 : i64, scratch_operands = 6 : i64, tpu.core_type = #tpu.core_type<sc_vector_subcore>, window_params = [{transform_indices = #map}, {transform_indices = #map}, {transform_indices = #map1}, {transform_indices = #map1}]} {
    %mul3A = arith.constant 2 : i32
    %mul3A_0 = arith.muli %arg1, %mul3A : i32
    %add3A = arith.addi %mul3A_0, %arg0 : i32
    %eq3A = arith.constant 0 : i32
    %eq3A_1 = arith.cmpi eq, %arg0, %eq3A : i32
    %convert_element_type3A = arith.extui %eq3A_1 : i1 to i32
    %cond3A = arith.constant 0 : i32
    %cond3A_2 = arith.cmpi ne, %convert_element_type3A, %cond3A : i32
    scf.if %cond3A_2 {
      %mul3A_850 = arith.constant 624 : i32
      %mul3A_851 = arith.muli %arg1, %mul3A_850 : i32
      %mul3A_852 = arith.constant 624 : i32
      %mul3A_853 = arith.muli %arg1, %mul3A_852 : i32
      "tpu.region"() ({
        %run_scoped3A_859 = tpu.sem_alloc : memref<!tpu.dma_semaphore, #tpu.memory_space<semaphore_mem>>
        %dma_start3A_860 = arith.constant 0 : i32
        %dma_start3A_861 = tpu.memref_slice %arg9[%mul3A_853, %dma_start3A_860] : memref<10240x64xbf16, #tpu.memory_space<vmem_shared>> -> memref<624x64xbf16, #tpu.memory_space<vmem_shared>>
        %dma_start3A_862 = arith.constant 0 : i32
        %dma_start3A_863 = tpu.memref_slice %arg2[%mul3A_851, %dma_start3A_862] : memref<10000x64xbf16, #tpu.memory_space<hbm>> -> memref<624x64xbf16, #tpu.memory_space<hbm>>
        tpu.enqueue_dma source(%dma_start3A_863 : memref<624x64xbf16, #tpu.memory_space<hbm>>) target(%dma_start3A_861 : memref<624x64xbf16, #tpu.memory_space<vmem_shared>>) target_semaphore(%run_scoped3A_859 : memref<!tpu.dma_semaphore, #tpu.memory_space<semaphore_mem>>)
        %dma_wait3A_864 = arith.constant 0 : i32
        %dma_wait3A_865 = tpu.memref_slice %arg9[%mul3A_853, %dma_wait3A_864] : memref<10240x64xbf16, #tpu.memory_space<vmem_shared>> -> memref<624x64xbf16, #tpu.memory_space<vmem_shared>>
        %dma_wait3A_866 = arith.constant 0 : i32
        %dma_wait3A_867 = tpu.memref_slice %arg2[%mul3A_851, %dma_wait3A_866] : memref<10000x64xbf16, #tpu.memory_space<hbm>> -> memref<624x64xbf16, #tpu.memory_space<hbm>>
        tpu.wait_dma2 semaphore(%run_scoped3A_859 : memref<!tpu.dma_semaphore, #tpu.memory_space<semaphore_mem>>) src(%dma_wait3A_867 : memref<624x64xbf16, #tpu.memory_space<hbm>>) dst(%dma_wait3A_865 : memref<624x64xbf16, #tpu.memory_space<vmem_shared>>)
        tpu.yield
      }) : () -> ()
      %eq3A_854 = arith.constant 15 : i32
      %eq3A_855 = arith.cmpi eq, %arg1, %eq3A_854 : i32
      %convert_element_type3A_856 = arith.extui %eq3A_855 : i1 to i32
      %cond3A_857 = arith.constant 0 : i32
      %cond3A_858 = arith.cmpi ne, %convert_element_type3A_856, %cond3A_857 : i32
      scf.if %cond3A_858 {
        "tpu.region"() ({
          %run_scoped3A_859 = tpu.sem_alloc : memref<!tpu.dma_semaphore, #tpu.memory_space<semaphore_mem>>
          %dma_start3A_860 = arith.constant 9984 : i32
          %dma_start3A_861 = arith.constant 0 : i32
          %dma_start3A_862 = tpu.memref_slice %arg9[%dma_start3A_860, %dma_start3A_861] : memref<10240x64xbf16, #tpu.memory_space<vmem_shared>> -> memref<16x64xbf16, #tpu.memory_space<vmem_shared>>
          %dma_start3A_863 = arith.constant 9984 : i32
          %dma_start3A_864 = arith.constant 0 : i32
          %dma_start3A_865 = tpu.memref_slice %arg2[%dma_start3A_863, %dma_start3A_864] : memref<10000x64xbf16, #tpu.memory_space<hbm>> -> memref<16x64xbf16, #tpu.memory_space<hbm>>
          tpu.enqueue_dma source(%dma_start3A_865 : memref<16x64xbf16, #tpu.memory_space<hbm>>) target(%dma_start3A_862 : memref<16x64xbf16, #tpu.memory_space<vmem_shared>>) target_semaphore(%run_scoped3A_859 : memref<!tpu.dma_semaphore, #tpu.memory_space<semaphore_mem>>)
          %dma_wait3A_866 = arith.constant 9984 : i32
          %dma_wait3A_867 = arith.constant 0 : i32
          %dma_wait3A_868 = tpu.memref_slice %arg9[%dma_wait3A_866, %dma_wait3A_867] : memref<10240x64xbf16, #tpu.memory_space<vmem_shared>> -> memref<16x64xbf16, #tpu.memory_space<vmem_shared>>
          %dma_wait3A_869 = arith.constant 9984 : i32
          %dma_wait3A_870 = arith.constant 0 : i32
          %dma_wait3A_871 = tpu.memref_slice %arg2[%dma_wait3A_869, %dma_wait3A_870] : memref<10000x64xbf16, #tpu.memory_space<hbm>> -> memref<16x64xbf16, #tpu.memory_space<hbm>>
          tpu.wait_dma2 semaphore(%run_scoped3A_859 : memref<!tpu.dma_semaphore, #tpu.memory_space<semaphore_mem>>) src(%dma_wait3A_871 : memref<16x64xbf16, #tpu.memory_space<hbm>>) dst(%dma_wait3A_868 : memref<16x64xbf16, #tpu.memory_space<vmem_shared>>)
          tpu.yield
        }) : () -> ()
      } else {
      }
    } else {
    }
    %ne3A = arith.constant 0 : i32
    %ne3A_3 = arith.cmpi ne, %arg0, %ne3A : i32
    %convert_element_type3A_4 = arith.extui %ne3A_3 : i1 to i32
    %cond3A_5 = arith.constant 0 : i32
    %cond3A_6 = arith.cmpi ne, %convert_element_type3A_4, %cond3A_5 : i32
    scf.if %cond3A_6 {
      %mul3A_850 = arith.constant 624 : i32
      %mul3A_851 = arith.muli %arg1, %mul3A_850 : i32
      %mul3A_852 = arith.constant 624 : i32
      %mul3A_853 = arith.muli %arg1, %mul3A_852 : i32
      "tpu.region"() ({
        %run_scoped3A_859 = tpu.sem_alloc : memref<!tpu.dma_semaphore, #tpu.memory_space<semaphore_mem>>
        %dma_start3A_860 = arith.constant 0 : i32
        %dma_start3A_861 = tpu.memref_slice %arg9[%mul3A_853, %dma_start3A_860] : memref<10240x64xbf16, #tpu.memory_space<vmem_shared>> -> memref<624x64xbf16, #tpu.memory_space<vmem_shared>>
        %dma_start3A_862 = arith.constant 0 : i32
        %dma_start3A_863 = tpu.memref_slice %arg3[%mul3A_851, %dma_start3A_862] : memref<10000x64xbf16, #tpu.memory_space<hbm>> -> memref<624x64xbf16, #tpu.memory_space<hbm>>
        tpu.enqueue_dma source(%dma_start3A_863 : memref<624x64xbf16, #tpu.memory_space<hbm>>) target(%dma_start3A_861 : memref<624x64xbf16, #tpu.memory_space<vmem_shared>>) target_semaphore(%run_scoped3A_859 : memref<!tpu.dma_semaphore, #tpu.memory_space<semaphore_mem>>)
        %dma_wait3A_864 = arith.constant 0 : i32
        %dma_wait3A_865 = tpu.memref_slice %arg9[%mul3A_853, %dma_wait3A_864] : memref<10240x64xbf16, #tpu.memory_space<vmem_shared>> -> memref<624x64xbf16, #tpu.memory_space<vmem_shared>>
        %dma_wait3A_866 = arith.constant 0 : i32
        %dma_wait3A_867 = tpu.memref_slice %arg3[%mul3A_851, %dma_wait3A_866] : memref<10000x64xbf16, #tpu.memory_space<hbm>> -> memref<624x64xbf16, #tpu.memory_space<hbm>>
        tpu.wait_dma2 semaphore(%run_scoped3A_859 : memref<!tpu.dma_semaphore, #tpu.memory_space<semaphore_mem>>) src(%dma_wait3A_867 : memref<624x64xbf16, #tpu.memory_space<hbm>>) dst(%dma_wait3A_865 : memref<624x64xbf16, #tpu.memory_space<vmem_shared>>)
        tpu.yield
      }) : () -> ()
      %eq3A_854 = arith.constant 15 : i32
      %eq3A_855 = arith.cmpi eq, %arg1, %eq3A_854 : i32
      %convert_element_type3A_856 = arith.extui %eq3A_855 : i1 to i32
      %cond3A_857 = arith.constant 0 : i32
      %cond3A_858 = arith.cmpi ne, %convert_element_type3A_856, %cond3A_857 : i32
      scf.if %cond3A_858 {
        "tpu.region"() ({
          %run_scoped3A_859 = tpu.sem_alloc : memref<!tpu.dma_semaphore, #tpu.memory_space<semaphore_mem>>
          %dma_start3A_860 = arith.constant 9984 : i32
          %dma_start3A_861 = arith.constant 0 : i32
          %dma_start3A_862 = tpu.memref_slice %arg9[%dma_start3A_860, %dma_start3A_861] : memref<10240x64xbf16, #tpu.memory_space<vmem_shared>> -> memref<16x64xbf16, #tpu.memory_space<vmem_shared>>
          %dma_start3A_863 = arith.constant 9984 : i32
          %dma_start3A_864 = arith.constant 0 : i32
          %dma_start3A_865 = tpu.memref_slice %arg3[%dma_start3A_863, %dma_start3A_864] : memref<10000x64xbf16, #tpu.memory_space<hbm>> -> memref<16x64xbf16, #tpu.memory_space<hbm>>
          tpu.enqueue_dma source(%dma_start3A_865 : memref<16x64xbf16, #tpu.memory_space<hbm>>) target(%dma_start3A_862 : memref<16x64xbf16, #tpu.memory_space<vmem_shared>>) target_semaphore(%run_scoped3A_859 : memref<!tpu.dma_semaphore, #tpu.memory_space<semaphore_mem>>)
          %dma_wait3A_866 = arith.constant 9984 : i32
          %dma_wait3A_867 = arith.constant 0 : i32
          %dma_wait3A_868 = tpu.memref_slice %arg9[%dma_wait3A_866, %dma_wait3A_867] : memref<10240x64xbf16, #tpu.memory_space<vmem_shared>> -> memref<16x64xbf16, #tpu.memory_space<vmem_shared>>
          %dma_wait3A_869 = arith.constant 9984 : i32
          %dma_wait3A_870 = arith.constant 0 : i32
          %dma_wait3A_871 = tpu.memref_slice %arg3[%dma_wait3A_869, %dma_wait3A_870] : memref<10000x64xbf16, #tpu.memory_space<hbm>> -> memref<16x64xbf16, #tpu.memory_space<hbm>>
          tpu.wait_dma2 semaphore(%run_scoped3A_859 : memref<!tpu.dma_semaphore, #tpu.memory_space<semaphore_mem>>) src(%dma_wait3A_871 : memref<16x64xbf16, #tpu.memory_space<hbm>>) dst(%dma_wait3A_868 : memref<16x64xbf16, #tpu.memory_space<vmem_shared>>)
          tpu.yield
        }) : () -> ()
      } else {
      }
    } else {
    }
    %mul3A_7 = arith.constant 80 : i32
    %mul3A_8 = arith.muli %add3A, %mul3A_7 : i32
    %run_scoped3A = arith.constant 0 : i32
    "tpu.region"() ({
      %run_scoped3A_850 = tpu.sem_alloc : memref<!tpu.dma_semaphore, #tpu.memory_space<semaphore_mem>>
      %dma_start3A_851 = arith.constant 0 : i32
      %dma_start3A_852 = tpu.memref_slice %arg4[%run_scoped3A, %mul3A_8, %dma_start3A_851] : memref<2x2560x128xi32, #tpu.memory_space<hbm>> -> memref<1x80x128xi32, #tpu.memory_space<hbm>>
      %dma_start3A_853 = tpu.memref_squeeze %dma_start3A_852 : memref<1x80x128xi32, #tpu.memory_space<hbm>> -> memref<80x128xi32, #tpu.memory_space<hbm>>
      %dma_start3A_854 = arith.constant 0 : i32
      %dma_start3A_855 = tpu.memref_slice %arg4[%run_scoped3A, %mul3A_8, %dma_start3A_854] : memref<2x2560x128xi32, #tpu.memory_space<hbm>> -> memref<1x80x128xi32, #tpu.memory_space<hbm>>
      %dma_start3A_856 = tpu.memref_squeeze %dma_start3A_855 : memref<1x80x128xi32, #tpu.memory_space<hbm>> -> memref<80x128xi32, #tpu.memory_space<hbm>>
      tpu.enqueue_dma source(%dma_start3A_856 : memref<80x128xi32, #tpu.memory_space<hbm>>) target(%arg6 : memref<80x128xi32, #tpu.memory_space<vmem>>) target_semaphore(%run_scoped3A_850 : memref<!tpu.dma_semaphore, #tpu.memory_space<semaphore_mem>>)
      %dma_wait3A_857 = arith.constant 0 : i32
      %dma_wait3A_858 = tpu.memref_slice %arg4[%run_scoped3A, %mul3A_8, %dma_wait3A_857] : memref<2x2560x128xi32, #tpu.memory_space<hbm>> -> memref<1x80x128xi32, #tpu.memory_space<hbm>>
      %dma_wait3A_859 = tpu.memref_squeeze %dma_wait3A_858 : memref<1x80x128xi32, #tpu.memory_space<hbm>> -> memref<80x128xi32, #tpu.memory_space<hbm>>
      %dma_wait3A_860 = arith.constant 0 : i32
      %dma_wait3A_861 = tpu.memref_slice %arg4[%run_scoped3A, %mul3A_8, %dma_wait3A_860] : memref<2x2560x128xi32, #tpu.memory_space<hbm>> -> memref<1x80x128xi32, #tpu.memory_space<hbm>>
      %dma_wait3A_862 = tpu.memref_squeeze %dma_wait3A_861 : memref<1x80x128xi32, #tpu.memory_space<hbm>> -> memref<80x128xi32, #tpu.memory_space<hbm>>
      tpu.wait_dma2 semaphore(%run_scoped3A_850 : memref<!tpu.dma_semaphore, #tpu.memory_space<semaphore_mem>>) src(%dma_wait3A_862 : memref<80x128xi32, #tpu.memory_space<hbm>>) dst(%arg6 : memref<80x128xi32, #tpu.memory_space<vmem>>)
      tpu.yield
    }) : () -> ()
    %run_scoped3A_9 = arith.constant 1 : i32
    "tpu.region"() ({
      %run_scoped3A_850 = tpu.sem_alloc : memref<!tpu.dma_semaphore, #tpu.memory_space<semaphore_mem>>
      %dma_start3A_851 = arith.constant 0 : i32
      %dma_start3A_852 = tpu.memref_slice %arg4[%run_scoped3A_9, %mul3A_8, %dma_start3A_851] : memref<2x2560x128xi32, #tpu.memory_space<hbm>> -> memref<1x80x128xi32, #tpu.memory_space<hbm>>
      %dma_start3A_853 = tpu.memref_squeeze %dma_start3A_852 : memref<1x80x128xi32, #tpu.memory_space<hbm>> -> memref<80x128xi32, #tpu.memory_space<hbm>>
      %dma_start3A_854 = arith.constant 0 : i32
      %dma_start3A_855 = tpu.memref_slice %arg4[%run_scoped3A_9, %mul3A_8, %dma_start3A_854] : memref<2x2560x128xi32, #tpu.memory_space<hbm>> -> memref<1x80x128xi32, #tpu.memory_space<hbm>>
      %dma_start3A_856 = tpu.memref_squeeze %dma_start3A_855 : memref<1x80x128xi32, #tpu.memory_space<hbm>> -> memref<80x128xi32, #tpu.memory_space<hbm>>
      tpu.enqueue_dma source(%dma_start3A_856 : memref<80x128xi32, #tpu.memory_space<hbm>>) target(%arg7 : memref<80x128xi32, #tpu.memory_space<vmem>>) target_semaphore(%run_scoped3A_850 : memref<!tpu.dma_semaphore, #tpu.memory_space<semaphore_mem>>)
      %dma_wait3A_857 = arith.constant 0 : i32
      %dma_wait3A_858 = tpu.memref_slice %arg4[%run_scoped3A_9, %mul3A_8, %dma_wait3A_857] : memref<2x2560x128xi32, #tpu.memory_space<hbm>> -> memref<1x80x128xi32, #tpu.memory_space<hbm>>
      %dma_wait3A_859 = tpu.memref_squeeze %dma_wait3A_858 : memref<1x80x128xi32, #tpu.memory_space<hbm>> -> memref<80x128xi32, #tpu.memory_space<hbm>>
      %dma_wait3A_860 = arith.constant 0 : i32
      %dma_wait3A_861 = tpu.memref_slice %arg4[%run_scoped3A_9, %mul3A_8, %dma_wait3A_860] : memref<2x2560x128xi32, #tpu.memory_space<hbm>> -> memref<1x80x128xi32, #tpu.memory_space<hbm>>
      %dma_wait3A_862 = tpu.memref_squeeze %dma_wait3A_861 : memref<1x80x128xi32, #tpu.memory_space<hbm>> -> memref<80x128xi32, #tpu.memory_space<hbm>>
      tpu.wait_dma2 semaphore(%run_scoped3A_850 : memref<!tpu.dma_semaphore, #tpu.memory_space<semaphore_mem>>) src(%dma_wait3A_862 : memref<80x128xi32, #tpu.memory_space<hbm>>) dst(%arg7 : memref<80x128xi32, #tpu.memory_space<vmem>>)
      tpu.yield
    }) : () -> ()
    %barrier3A = arith.constant 0 : index
    tpu.barrier barrier_id(%barrier3A)
    %dma_start3A = arith.constant 0 : i32
    %dma_start3A_10 = arith.constant 0 : i32
    %dma_start3A_11 = arith.constant 0 : i32
    %dma_start3A_12 = arith.constant 0 : i32
    %dma_start3A_13 = arith.constant 0 : i32
    %dma_start3A_14 = tpu.memref_slice %arg8[%dma_start3A_10, %dma_start3A_11, %dma_start3A_12, %dma_start3A_13] : memref<2x8x128x64xbf16, #tpu.memory_space<vmem>> -> memref<1x1x128x64xbf16, #tpu.memory_space<vmem>>
    %dma_start3A_15 = tpu.memref_squeeze %dma_start3A_14 : memref<1x1x128x64xbf16, #tpu.memory_space<vmem>> -> memref<128x64xbf16, #tpu.memory_space<vmem>>
    %dma_start3A_16 = arith.constant 0 : i32
    %dma_start3A_17 = tpu.memref_slice %arg6[%dma_start3A, %dma_start3A_16] : memref<80x128xi32, #tpu.memory_space<vmem>> -> memref<1x128xi32, #tpu.memory_space<vmem>>
    %dma_start3A_18 = tpu.memref_squeeze %dma_start3A_17 : memref<1x128xi32, #tpu.memory_space<vmem>> -> memref<128xi32, #tpu.memory_space<vmem>>
    %dma_start3A_19 = arith.constant 0 : i32
    %dma_start3A_20 = arith.constant 0 : i32
    %dma_start3A_21 = tpu.memref_slice %arg2[%dma_start3A_19, %dma_start3A_20] : memref<10000x64xbf16, #tpu.memory_space<hbm>> -> memref<10000x64xbf16, #tpu.memory_space<hbm>>
    tpu.enqueue_indirect_dma source(%dma_start3A_21 : memref<10000x64xbf16, #tpu.memory_space<hbm>>) target(%dma_start3A_15 : memref<128x64xbf16, #tpu.memory_space<vmem>>) offsets(%dma_start3A_18 : memref<128xi32, #tpu.memory_space<vmem>>) semaphore(%arg10 : memref<!tpu.dma_semaphore, #tpu.memory_space<semaphore_mem>>)
    %dma_start3A_22 = arith.constant 1 : i32
    %dma_start3A_23 = arith.constant 0 : i32
    %dma_start3A_24 = arith.constant 1 : i32
    %dma_start3A_25 = arith.constant 0 : i32
    %dma_start3A_26 = arith.constant 0 : i32
    %dma_start3A_27 = tpu.memref_slice %arg8[%dma_start3A_23, %dma_start3A_24, %dma_start3A_25, %dma_start3A_26] : memref<2x8x128x64xbf16, #tpu.memory_space<vmem>> -> memref<1x1x128x64xbf16, #tpu.memory_space<vmem>>
    %dma_start3A_28 = tpu.memref_squeeze %dma_start3A_27 : memref<1x1x128x64xbf16, #tpu.memory_space<vmem>> -> memref<128x64xbf16, #tpu.memory_space<vmem>>
    %dma_start3A_29 = arith.constant 0 : i32
    %dma_start3A_30 = tpu.memref_slice %arg6[%dma_start3A_22, %dma_start3A_29] : memref<80x128xi32, #tpu.memory_space<vmem>> -> memref<1x128xi32, #tpu.memory_space<vmem>>
    %dma_start3A_31 = tpu.memref_squeeze %dma_start3A_30 : memref<1x128xi32, #tpu.memory_space<vmem>> -> memref<128xi32, #tpu.memory_space<vmem>>
    %dma_start3A_32 = arith.constant 0 : i32
    %dma_start3A_33 = arith.constant 0 : i32
    %dma_start3A_34 = tpu.memref_slice %arg2[%dma_start3A_32, %dma_start3A_33] : memref<10000x64xbf16, #tpu.memory_space<hbm>> -> memref<10000x64xbf16, #tpu.memory_space<hbm>>
    tpu.enqueue_indirect_dma source(%dma_start3A_34 : memref<10000x64xbf16, #tpu.memory_space<hbm>>) target(%dma_start3A_28 : memref<128x64xbf16, #tpu.memory_space<vmem>>) offsets(%dma_start3A_31 : memref<128xi32, #tpu.memory_space<vmem>>) semaphore(%arg10 : memref<!tpu.dma_semaphore, #tpu.memory_space<semaphore_mem>>)
    %dma_start3A_35 = arith.constant 2 : i32
    %dma_start3A_36 = arith.constant 0 : i32
    %dma_start3A_37 = arith.constant 2 : i32
    %dma_start3A_38 = arith.constant 0 : i32
    %dma_start3A_39 = arith.constant 0 : i32
    %dma_start3A_40 = tpu.memref_slice %arg8[%dma_start3A_36, %dma_start3A_37, %dma_start3A_38, %dma_start3A_39] : memref<2x8x128x64xbf16, #tpu.memory_space<vmem>> -> memref<1x1x128x64xbf16, #tpu.memory_space<vmem>>
    %dma_start3A_41 = tpu.memref_squeeze %dma_start3A_40 : memref<1x1x128x64xbf16, #tpu.memory_space<vmem>> -> memref<128x64xbf16, #tpu.memory_space<vmem>>
    %dma_start3A_42 = arith.constant 0 : i32
    %dma_start3A_43 = tpu.memref_slice %arg6[%dma_start3A_35, %dma_start3A_42] : memref<80x128xi32, #tpu.memory_space<vmem>> -> memref<1x128xi32, #tpu.memory_space<vmem>>
    %dma_start3A_44 = tpu.memref_squeeze %dma_start3A_43 : memref<1x128xi32, #tpu.memory_space<vmem>> -> memref<128xi32, #tpu.memory_space<vmem>>
    %dma_start3A_45 = arith.constant 0 : i32
    %dma_start3A_46 = arith.constant 0 : i32
    %dma_start3A_47 = tpu.memref_slice %arg2[%dma_start3A_45, %dma_start3A_46] : memref<10000x64xbf16, #tpu.memory_space<hbm>> -> memref<10000x64xbf16, #tpu.memory_space<hbm>>
    tpu.enqueue_indirect_dma source(%dma_start3A_47 : memref<10000x64xbf16, #tpu.memory_space<hbm>>) target(%dma_start3A_41 : memref<128x64xbf16, #tpu.memory_space<vmem>>) offsets(%dma_start3A_44 : memref<128xi32, #tpu.memory_space<vmem>>) semaphore(%arg10 : memref<!tpu.dma_semaphore, #tpu.memory_space<semaphore_mem>>)
    %dma_start3A_48 = arith.constant 3 : i32
    %dma_start3A_49 = arith.constant 0 : i32
    %dma_start3A_50 = arith.constant 3 : i32
    %dma_start3A_51 = arith.constant 0 : i32
    %dma_start3A_52 = arith.constant 0 : i32
    %dma_start3A_53 = tpu.memref_slice %arg8[%dma_start3A_49, %dma_start3A_50, %dma_start3A_51, %dma_start3A_52] : memref<2x8x128x64xbf16, #tpu.memory_space<vmem>> -> memref<1x1x128x64xbf16, #tpu.memory_space<vmem>>
    %dma_start3A_54 = tpu.memref_squeeze %dma_start3A_53 : memref<1x1x128x64xbf16, #tpu.memory_space<vmem>> -> memref<128x64xbf16, #tpu.memory_space<vmem>>
    %dma_start3A_55 = arith.constant 0 : i32
    %dma_start3A_56 = tpu.memref_slice %arg6[%dma_start3A_48, %dma_start3A_55] : memref<80x128xi32, #tpu.memory_space<vmem>> -> memref<1x128xi32, #tpu.memory_space<vmem>>
    %dma_start3A_57 = tpu.memref_squeeze %dma_start3A_56 : memref<1x128xi32, #tpu.memory_space<vmem>> -> memref<128xi32, #tpu.memory_space<vmem>>
    %dma_start3A_58 = arith.constant 0 : i32
    %dma_start3A_59 = arith.constant 0 : i32
    %dma_start3A_60 = tpu.memref_slice %arg2[%dma_start3A_58, %dma_start3A_59] : memref<10000x64xbf16, #tpu.memory_space<hbm>> -> memref<10000x64xbf16, #tpu.memory_space<hbm>>
    tpu.enqueue_indirect_dma source(%dma_start3A_60 : memref<10000x64xbf16, #tpu.memory_space<hbm>>) target(%dma_start3A_54 : memref<128x64xbf16, #tpu.memory_space<vmem>>) offsets(%dma_start3A_57 : memref<128xi32, #tpu.memory_space<vmem>>) semaphore(%arg10 : memref<!tpu.dma_semaphore, #tpu.memory_space<semaphore_mem>>)
    %dma_start3A_61 = arith.constant 4 : i32
    %dma_start3A_62 = arith.constant 0 : i32
    %dma_start3A_63 = arith.constant 4 : i32
    %dma_start3A_64 = arith.constant 0 : i32
    %dma_start3A_65 = arith.constant 0 : i32
    %dma_start3A_66 = tpu.memref_slice %arg8[%dma_start3A_62, %dma_start3A_63, %dma_start3A_64, %dma_start3A_65] : memref<2x8x128x64xbf16, #tpu.memory_space<vmem>> -> memref<1x1x128x64xbf16, #tpu.memory_space<vmem>>
    %dma_start3A_67 = tpu.memref_squeeze %dma_start3A_66 : memref<1x1x128x64xbf16, #tpu.memory_space<vmem>> -> memref<128x64xbf16, #tpu.memory_space<vmem>>
    %dma_start3A_68 = arith.constant 0 : i32
    %dma_start3A_69 = tpu.memref_slice %arg6[%dma_start3A_61, %dma_start3A_68] : memref<80x128xi32, #tpu.memory_space<vmem>> -> memref<1x128xi32, #tpu.memory_space<vmem>>
    %dma_start3A_70 = tpu.memref_squeeze %dma_start3A_69 : memref<1x128xi32, #tpu.memory_space<vmem>> -> memref<128xi32, #tpu.memory_space<vmem>>
    %dma_start3A_71 = arith.constant 0 : i32
    %dma_start3A_72 = arith.constant 0 : i32
    %dma_start3A_73 = tpu.memref_slice %arg2[%dma_start3A_71, %dma_start3A_72] : memref<10000x64xbf16, #tpu.memory_space<hbm>> -> memref<10000x64xbf16, #tpu.memory_space<hbm>>
    tpu.enqueue_indirect_dma source(%dma_start3A_73 : memref<10000x64xbf16, #tpu.memory_space<hbm>>) target(%dma_start3A_67 : memref<128x64xbf16, #tpu.memory_space<vmem>>) offsets(%dma_start3A_70 : memref<128xi32, #tpu.memory_space<vmem>>) semaphore(%arg10 : memref<!tpu.dma_semaphore, #tpu.memory_space<semaphore_mem>>)
    %dma_start3A_74 = arith.constant 5 : i32
    %dma_start3A_75 = arith.constant 0 : i32
    %dma_start3A_76 = arith.constant 5 : i32
    %dma_start3A_77 = arith.constant 0 : i32
    %dma_start3A_78 = arith.constant 0 : i32
    %dma_start3A_79 = tpu.memref_slice %arg8[%dma_start3A_75, %dma_start3A_76, %dma_start3A_77, %dma_start3A_78] : memref<2x8x128x64xbf16, #tpu.memory_space<vmem>> -> memref<1x1x128x64xbf16, #tpu.memory_space<vmem>>
    %dma_start3A_80 = tpu.memref_squeeze %dma_start3A_79 : memref<1x1x128x64xbf16, #tpu.memory_space<vmem>> -> memref<128x64xbf16, #tpu.memory_space<vmem>>
    %dma_start3A_81 = arith.constant 0 : i32
    %dma_start3A_82 = tpu.memref_slice %arg6[%dma_start3A_74, %dma_start3A_81] : memref<80x128xi32, #tpu.memory_space<vmem>> -> memref<1x128xi32, #tpu.memory_space<vmem>>
    %dma_start3A_83 = tpu.memref_squeeze %dma_start3A_82 : memref<1x128xi32, #tpu.memory_space<vmem>> -> memref<128xi32, #tpu.memory_space<vmem>>
    %dma_start3A_84 = arith.constant 0 : i32
    %dma_start3A_85 = arith.constant 0 : i32
    %dma_start3A_86 = tpu.memref_slice %arg2[%dma_start3A_84, %dma_start3A_85] : memref<10000x64xbf16, #tpu.memory_space<hbm>> -> memref<10000x64xbf16, #tpu.memory_space<hbm>>
    tpu.enqueue_indirect_dma source(%dma_start3A_86 : memref<10000x64xbf16, #tpu.memory_space<hbm>>) target(%dma_start3A_80 : memref<128x64xbf16, #tpu.memory_space<vmem>>) offsets(%dma_start3A_83 : memref<128xi32, #tpu.memory_space<vmem>>) semaphore(%arg10 : memref<!tpu.dma_semaphore, #tpu.memory_space<semaphore_mem>>)
    %dma_start3A_87 = arith.constant 6 : i32
    %dma_start3A_88 = arith.constant 0 : i32
    %dma_start3A_89 = arith.constant 6 : i32
    %dma_start3A_90 = arith.constant 0 : i32
    %dma_start3A_91 = arith.constant 0 : i32
    %dma_start3A_92 = tpu.memref_slice %arg8[%dma_start3A_88, %dma_start3A_89, %dma_start3A_90, %dma_start3A_91] : memref<2x8x128x64xbf16, #tpu.memory_space<vmem>> -> memref<1x1x128x64xbf16, #tpu.memory_space<vmem>>
    %dma_start3A_93 = tpu.memref_squeeze %dma_start3A_92 : memref<1x1x128x64xbf16, #tpu.memory_space<vmem>> -> memref<128x64xbf16, #tpu.memory_space<vmem>>
    %dma_start3A_94 = arith.constant 0 : i32
    %dma_start3A_95 = tpu.memref_slice %arg6[%dma_start3A_87, %dma_start3A_94] : memref<80x128xi32, #tpu.memory_space<vmem>> -> memref<1x128xi32, #tpu.memory_space<vmem>>
    %dma_start3A_96 = tpu.memref_squeeze %dma_start3A_95 : memref<1x128xi32, #tpu.memory_space<vmem>> -> memref<128xi32, #tpu.memory_space<vmem>>
    %dma_start3A_97 = arith.constant 0 : i32
    %dma_start3A_98 = arith.constant 0 : i32
    %dma_start3A_99 = tpu.memref_slice %arg2[%dma_start3A_97, %dma_start3A_98] : memref<10000x64xbf16, #tpu.memory_space<hbm>> -> memref<10000x64xbf16, #tpu.memory_space<hbm>>
    tpu.enqueue_indirect_dma source(%dma_start3A_99 : memref<10000x64xbf16, #tpu.memory_space<hbm>>) target(%dma_start3A_93 : memref<128x64xbf16, #tpu.memory_space<vmem>>) offsets(%dma_start3A_96 : memref<128xi32, #tpu.memory_space<vmem>>) semaphore(%arg10 : memref<!tpu.dma_semaphore, #tpu.memory_space<semaphore_mem>>)
    %dma_start3A_100 = arith.constant 7 : i32
    %dma_start3A_101 = arith.constant 0 : i32
    %dma_start3A_102 = arith.constant 7 : i32
    %dma_start3A_103 = arith.constant 0 : i32
    %dma_start3A_104 = arith.constant 0 : i32
    %dma_start3A_105 = tpu.memref_slice %arg8[%dma_start3A_101, %dma_start3A_102, %dma_start3A_103, %dma_start3A_104] : memref<2x8x128x64xbf16, #tpu.memory_space<vmem>> -> memref<1x1x128x64xbf16, #tpu.memory_space<vmem>>
    %dma_start3A_106 = tpu.memref_squeeze %dma_start3A_105 : memref<1x1x128x64xbf16, #tpu.memory_space<vmem>> -> memref<128x64xbf16, #tpu.memory_space<vmem>>
    %dma_start3A_107 = arith.constant 0 : i32
    %dma_start3A_108 = tpu.memref_slice %arg6[%dma_start3A_100, %dma_start3A_107] : memref<80x128xi32, #tpu.memory_space<vmem>> -> memref<1x128xi32, #tpu.memory_space<vmem>>
    %dma_start3A_109 = tpu.memref_squeeze %dma_start3A_108 : memref<1x128xi32, #tpu.memory_space<vmem>> -> memref<128xi32, #tpu.memory_space<vmem>>
    %dma_start3A_110 = arith.constant 0 : i32
    %dma_start3A_111 = arith.constant 0 : i32
    %dma_start3A_112 = tpu.memref_slice %arg2[%dma_start3A_110, %dma_start3A_111] : memref<10000x64xbf16, #tpu.memory_space<hbm>> -> memref<10000x64xbf16, #tpu.memory_space<hbm>>
    tpu.enqueue_indirect_dma source(%dma_start3A_112 : memref<10000x64xbf16, #tpu.memory_space<hbm>>) target(%dma_start3A_106 : memref<128x64xbf16, #tpu.memory_space<vmem>>) offsets(%dma_start3A_109 : memref<128xi32, #tpu.memory_space<vmem>>) semaphore(%arg10 : memref<!tpu.dma_semaphore, #tpu.memory_space<semaphore_mem>>)
    %dma_start3A_113 = arith.constant 8 : i32
    %dma_start3A_114 = arith.constant 1 : i32
    %dma_start3A_115 = arith.constant 0 : i32
    %dma_start3A_116 = arith.constant 0 : i32
    %dma_start3A_117 = arith.constant 0 : i32
    %dma_start3A_118 = tpu.memref_slice %arg8[%dma_start3A_114, %dma_start3A_115, %dma_start3A_116, %dma_start3A_117] : memref<2x8x128x64xbf16, #tpu.memory_space<vmem>> -> memref<1x1x128x64xbf16, #tpu.memory_space<vmem>>
    %dma_start3A_119 = tpu.memref_squeeze %dma_start3A_118 : memref<1x1x128x64xbf16, #tpu.memory_space<vmem>> -> memref<128x64xbf16, #tpu.memory_space<vmem>>
    %dma_start3A_120 = arith.constant 0 : i32
    %dma_start3A_121 = tpu.memref_slice %arg6[%dma_start3A_113, %dma_start3A_120] : memref<80x128xi32, #tpu.memory_space<vmem>> -> memref<1x128xi32, #tpu.memory_space<vmem>>
    %dma_start3A_122 = tpu.memref_squeeze %dma_start3A_121 : memref<1x128xi32, #tpu.memory_space<vmem>> -> memref<128xi32, #tpu.memory_space<vmem>>
    %dma_start3A_123 = arith.constant 0 : i32
    %dma_start3A_124 = arith.constant 0 : i32
    %dma_start3A_125 = tpu.memref_slice %arg2[%dma_start3A_123, %dma_start3A_124] : memref<10000x64xbf16, #tpu.memory_space<hbm>> -> memref<10000x64xbf16, #tpu.memory_space<hbm>>
    tpu.enqueue_indirect_dma source(%dma_start3A_125 : memref<10000x64xbf16, #tpu.memory_space<hbm>>) target(%dma_start3A_119 : memref<128x64xbf16, #tpu.memory_space<vmem>>) offsets(%dma_start3A_122 : memref<128xi32, #tpu.memory_space<vmem>>) semaphore(%arg10 : memref<!tpu.dma_semaphore, #tpu.memory_space<semaphore_mem>>)
    %dma_start3A_126 = arith.constant 9 : i32
    %dma_start3A_127 = arith.constant 1 : i32
    %dma_start3A_128 = arith.constant 1 : i32
    %dma_start3A_129 = arith.constant 0 : i32
    %dma_start3A_130 = arith.constant 0 : i32
    %dma_start3A_131 = tpu.memref_slice %arg8[%dma_start3A_127, %dma_start3A_128, %dma_start3A_129, %dma_start3A_130] : memref<2x8x128x64xbf16, #tpu.memory_space<vmem>> -> memref<1x1x128x64xbf16, #tpu.memory_space<vmem>>
    %dma_start3A_132 = tpu.memref_squeeze %dma_start3A_131 : memref<1x1x128x64xbf16, #tpu.memory_space<vmem>> -> memref<128x64xbf16, #tpu.memory_space<vmem>>
    %dma_start3A_133 = arith.constant 0 : i32
    %dma_start3A_134 = tpu.memref_slice %arg6[%dma_start3A_126, %dma_start3A_133] : memref<80x128xi32, #tpu.memory_space<vmem>> -> memref<1x128xi32, #tpu.memory_space<vmem>>
    %dma_start3A_135 = tpu.memref_squeeze %dma_start3A_134 : memref<1x128xi32, #tpu.memory_space<vmem>> -> memref<128xi32, #tpu.memory_space<vmem>>
    %dma_start3A_136 = arith.constant 0 : i32
    %dma_start3A_137 = arith.constant 0 : i32
    %dma_start3A_138 = tpu.memref_slice %arg2[%dma_start3A_136, %dma_start3A_137] : memref<10000x64xbf16, #tpu.memory_space<hbm>> -> memref<10000x64xbf16, #tpu.memory_space<hbm>>
    tpu.enqueue_indirect_dma source(%dma_start3A_138 : memref<10000x64xbf16, #tpu.memory_space<hbm>>) target(%dma_start3A_132 : memref<128x64xbf16, #tpu.memory_space<vmem>>) offsets(%dma_start3A_135 : memref<128xi32, #tpu.memory_space<vmem>>) semaphore(%arg10 : memref<!tpu.dma_semaphore, #tpu.memory_space<semaphore_mem>>)
    %dma_start3A_139 = arith.constant 10 : i32
    %dma_start3A_140 = arith.constant 1 : i32
    %dma_start3A_141 = arith.constant 2 : i32
    %dma_start3A_142 = arith.constant 0 : i32
    %dma_start3A_143 = arith.constant 0 : i32
    %dma_start3A_144 = tpu.memref_slice %arg8[%dma_start3A_140, %dma_start3A_141, %dma_start3A_142, %dma_start3A_143] : memref<2x8x128x64xbf16, #tpu.memory_space<vmem>> -> memref<1x1x128x64xbf16, #tpu.memory_space<vmem>>
    %dma_start3A_145 = tpu.memref_squeeze %dma_start3A_144 : memref<1x1x128x64xbf16, #tpu.memory_space<vmem>> -> memref<128x64xbf16, #tpu.memory_space<vmem>>
    %dma_start3A_146 = arith.constant 0 : i32
    %dma_start3A_147 = tpu.memref_slice %arg6[%dma_start3A_139, %dma_start3A_146] : memref<80x128xi32, #tpu.memory_space<vmem>> -> memref<1x128xi32, #tpu.memory_space<vmem>>
    %dma_start3A_148 = tpu.memref_squeeze %dma_start3A_147 : memref<1x128xi32, #tpu.memory_space<vmem>> -> memref<128xi32, #tpu.memory_space<vmem>>
    %dma_start3A_149 = arith.constant 0 : i32
    %dma_start3A_150 = arith.constant 0 : i32
    %dma_start3A_151 = tpu.memref_slice %arg2[%dma_start3A_149, %dma_start3A_150] : memref<10000x64xbf16, #tpu.memory_space<hbm>> -> memref<10000x64xbf16, #tpu.memory_space<hbm>>
    tpu.enqueue_indirect_dma source(%dma_start3A_151 : memref<10000x64xbf16, #tpu.memory_space<hbm>>) target(%dma_start3A_145 : memref<128x64xbf16, #tpu.memory_space<vmem>>) offsets(%dma_start3A_148 : memref<128xi32, #tpu.memory_space<vmem>>) semaphore(%arg10 : memref<!tpu.dma_semaphore, #tpu.memory_space<semaphore_mem>>)
    %dma_start3A_152 = arith.constant 11 : i32
    %dma_start3A_153 = arith.constant 1 : i32
    %dma_start3A_154 = arith.constant 3 : i32
    %dma_start3A_155 = arith.constant 0 : i32
    %dma_start3A_156 = arith.constant 0 : i32
    %dma_start3A_157 = tpu.memref_slice %arg8[%dma_start3A_153, %dma_start3A_154, %dma_start3A_155, %dma_start3A_156] : memref<2x8x128x64xbf16, #tpu.memory_space<vmem>> -> memref<1x1x128x64xbf16, #tpu.memory_space<vmem>>
    %dma_start3A_158 = tpu.memref_squeeze %dma_start3A_157 : memref<1x1x128x64xbf16, #tpu.memory_space<vmem>> -> memref<128x64xbf16, #tpu.memory_space<vmem>>
    %dma_start3A_159 = arith.constant 0 : i32
    %dma_start3A_160 = tpu.memref_slice %arg6[%dma_start3A_152, %dma_start3A_159] : memref<80x128xi32, #tpu.memory_space<vmem>> -> memref<1x128xi32, #tpu.memory_space<vmem>>
    %dma_start3A_161 = tpu.memref_squeeze %dma_start3A_160 : memref<1x128xi32, #tpu.memory_space<vmem>> -> memref<128xi32, #tpu.memory_space<vmem>>
    %dma_start3A_162 = arith.constant 0 : i32
    %dma_start3A_163 = arith.constant 0 : i32
    %dma_start3A_164 = tpu.memref_slice %arg2[%dma_start3A_162, %dma_start3A_163] : memref<10000x64xbf16, #tpu.memory_space<hbm>> -> memref<10000x64xbf16, #tpu.memory_space<hbm>>
    tpu.enqueue_indirect_dma source(%dma_start3A_164 : memref<10000x64xbf16, #tpu.memory_space<hbm>>) target(%dma_start3A_158 : memref<128x64xbf16, #tpu.memory_space<vmem>>) offsets(%dma_start3A_161 : memref<128xi32, #tpu.memory_space<vmem>>) semaphore(%arg10 : memref<!tpu.dma_semaphore, #tpu.memory_space<semaphore_mem>>)
    %dma_start3A_165 = arith.constant 12 : i32
    %dma_start3A_166 = arith.constant 1 : i32
    %dma_start3A_167 = arith.constant 4 : i32
    %dma_start3A_168 = arith.constant 0 : i32
    %dma_start3A_169 = arith.constant 0 : i32
    %dma_start3A_170 = tpu.memref_slice %arg8[%dma_start3A_166, %dma_start3A_167, %dma_start3A_168, %dma_start3A_169] : memref<2x8x128x64xbf16, #tpu.memory_space<vmem>> -> memref<1x1x128x64xbf16, #tpu.memory_space<vmem>>
    %dma_start3A_171 = tpu.memref_squeeze %dma_start3A_170 : memref<1x1x128x64xbf16, #tpu.memory_space<vmem>> -> memref<128x64xbf16, #tpu.memory_space<vmem>>
    %dma_start3A_172 = arith.constant 0 : i32
    %dma_start3A_173 = tpu.memref_slice %arg6[%dma_start3A_165, %dma_start3A_172] : memref<80x128xi32, #tpu.memory_space<vmem>> -> memref<1x128xi32, #tpu.memory_space<vmem>>
    %dma_start3A_174 = tpu.memref_squeeze %dma_start3A_173 : memref<1x128xi32, #tpu.memory_space<vmem>> -> memref<128xi32, #tpu.memory_space<vmem>>
    %dma_start3A_175 = arith.constant 0 : i32
    %dma_start3A_176 = arith.constant 0 : i32
    %dma_start3A_177 = tpu.memref_slice %arg2[%dma_start3A_175, %dma_start3A_176] : memref<10000x64xbf16, #tpu.memory_space<hbm>> -> memref<10000x64xbf16, #tpu.memory_space<hbm>>
    tpu.enqueue_indirect_dma source(%dma_start3A_177 : memref<10000x64xbf16, #tpu.memory_space<hbm>>) target(%dma_start3A_171 : memref<128x64xbf16, #tpu.memory_space<vmem>>) offsets(%dma_start3A_174 : memref<128xi32, #tpu.memory_space<vmem>>) semaphore(%arg10 : memref<!tpu.dma_semaphore, #tpu.memory_space<semaphore_mem>>)
    %dma_start3A_178 = arith.constant 13 : i32
    %dma_start3A_179 = arith.constant 1 : i32
    %dma_start3A_180 = arith.constant 5 : i32
    %dma_start3A_181 = arith.constant 0 : i32
    %dma_start3A_182 = arith.constant 0 : i32
    %dma_start3A_183 = tpu.memref_slice %arg8[%dma_start3A_179, %dma_start3A_180, %dma_start3A_181, %dma_start3A_182] : memref<2x8x128x64xbf16, #tpu.memory_space<vmem>> -> memref<1x1x128x64xbf16, #tpu.memory_space<vmem>>
    %dma_start3A_184 = tpu.memref_squeeze %dma_start3A_183 : memref<1x1x128x64xbf16, #tpu.memory_space<vmem>> -> memref<128x64xbf16, #tpu.memory_space<vmem>>
    %dma_start3A_185 = arith.constant 0 : i32
    %dma_start3A_186 = tpu.memref_slice %arg6[%dma_start3A_178, %dma_start3A_185] : memref<80x128xi32, #tpu.memory_space<vmem>> -> memref<1x128xi32, #tpu.memory_space<vmem>>
    %dma_start3A_187 = tpu.memref_squeeze %dma_start3A_186 : memref<1x128xi32, #tpu.memory_space<vmem>> -> memref<128xi32, #tpu.memory_space<vmem>>
    %dma_start3A_188 = arith.constant 0 : i32
    %dma_start3A_189 = arith.constant 0 : i32
    %dma_start3A_190 = tpu.memref_slice %arg2[%dma_start3A_188, %dma_start3A_189] : memref<10000x64xbf16, #tpu.memory_space<hbm>> -> memref<10000x64xbf16, #tpu.memory_space<hbm>>
    tpu.enqueue_indirect_dma source(%dma_start3A_190 : memref<10000x64xbf16, #tpu.memory_space<hbm>>) target(%dma_start3A_184 : memref<128x64xbf16, #tpu.memory_space<vmem>>) offsets(%dma_start3A_187 : memref<128xi32, #tpu.memory_space<vmem>>) semaphore(%arg10 : memref<!tpu.dma_semaphore, #tpu.memory_space<semaphore_mem>>)
    %dma_start3A_191 = arith.constant 14 : i32
    %dma_start3A_192 = arith.constant 1 : i32
    %dma_start3A_193 = arith.constant 6 : i32
    %dma_start3A_194 = arith.constant 0 : i32
    %dma_start3A_195 = arith.constant 0 : i32
    %dma_start3A_196 = tpu.memref_slice %arg8[%dma_start3A_192, %dma_start3A_193, %dma_start3A_194, %dma_start3A_195] : memref<2x8x128x64xbf16, #tpu.memory_space<vmem>> -> memref<1x1x128x64xbf16, #tpu.memory_space<vmem>>
    %dma_start3A_197 = tpu.memref_squeeze %dma_start3A_196 : memref<1x1x128x64xbf16, #tpu.memory_space<vmem>> -> memref<128x64xbf16, #tpu.memory_space<vmem>>
    %dma_start3A_198 = arith.constant 0 : i32
    %dma_start3A_199 = tpu.memref_slice %arg6[%dma_start3A_191, %dma_start3A_198] : memref<80x128xi32, #tpu.memory_space<vmem>> -> memref<1x128xi32, #tpu.memory_space<vmem>>
    %dma_start3A_200 = tpu.memref_squeeze %dma_start3A_199 : memref<1x128xi32, #tpu.memory_space<vmem>> -> memref<128xi32, #tpu.memory_space<vmem>>
    %dma_start3A_201 = arith.constant 0 : i32
    %dma_start3A_202 = arith.constant 0 : i32
    %dma_start3A_203 = tpu.memref_slice %arg2[%dma_start3A_201, %dma_start3A_202] : memref<10000x64xbf16, #tpu.memory_space<hbm>> -> memref<10000x64xbf16, #tpu.memory_space<hbm>>
    tpu.enqueue_indirect_dma source(%dma_start3A_203 : memref<10000x64xbf16, #tpu.memory_space<hbm>>) target(%dma_start3A_197 : memref<128x64xbf16, #tpu.memory_space<vmem>>) offsets(%dma_start3A_200 : memref<128xi32, #tpu.memory_space<vmem>>) semaphore(%arg10 : memref<!tpu.dma_semaphore, #tpu.memory_space<semaphore_mem>>)
    %dma_start3A_204 = arith.constant 15 : i32
    %dma_start3A_205 = arith.constant 1 : i32
    %dma_start3A_206 = arith.constant 7 : i32
    %dma_start3A_207 = arith.constant 0 : i32
    %dma_start3A_208 = arith.constant 0 : i32
    %dma_start3A_209 = tpu.memref_slice %arg8[%dma_start3A_205, %dma_start3A_206, %dma_start3A_207, %dma_start3A_208] : memref<2x8x128x64xbf16, #tpu.memory_space<vmem>> -> memref<1x1x128x64xbf16, #tpu.memory_space<vmem>>
    %dma_start3A_210 = tpu.memref_squeeze %dma_start3A_209 : memref<1x1x128x64xbf16, #tpu.memory_space<vmem>> -> memref<128x64xbf16, #tpu.memory_space<vmem>>
    %dma_start3A_211 = arith.constant 0 : i32
    %dma_start3A_212 = tpu.memref_slice %arg6[%dma_start3A_204, %dma_start3A_211] : memref<80x128xi32, #tpu.memory_space<vmem>> -> memref<1x128xi32, #tpu.memory_space<vmem>>
    %dma_start3A_213 = tpu.memref_squeeze %dma_start3A_212 : memref<1x128xi32, #tpu.memory_space<vmem>> -> memref<128xi32, #tpu.memory_space<vmem>>
    %dma_start3A_214 = arith.constant 0 : i32
    %dma_start3A_215 = arith.constant 0 : i32
    %dma_start3A_216 = tpu.memref_slice %arg2[%dma_start3A_214, %dma_start3A_215] : memref<10000x64xbf16, #tpu.memory_space<hbm>> -> memref<10000x64xbf16, #tpu.memory_space<hbm>>
    tpu.enqueue_indirect_dma source(%dma_start3A_216 : memref<10000x64xbf16, #tpu.memory_space<hbm>>) target(%dma_start3A_210 : memref<128x64xbf16, #tpu.memory_space<vmem>>) offsets(%dma_start3A_213 : memref<128xi32, #tpu.memory_space<vmem>>) semaphore(%arg10 : memref<!tpu.dma_semaphore, #tpu.memory_space<semaphore_mem>>)
    %dma_wait3A = arith.constant 0 : i32
    %dma_wait3A_217 = arith.constant 0 : i32
    %dma_wait3A_218 = arith.constant 0 : i32
    %dma_wait3A_219 = arith.constant 0 : i32
    %dma_wait3A_220 = arith.constant 0 : i32
    %dma_wait3A_221 = tpu.memref_slice %arg8[%dma_wait3A_217, %dma_wait3A_218, %dma_wait3A_219, %dma_wait3A_220] : memref<2x8x128x64xbf16, #tpu.memory_space<vmem>> -> memref<1x1x128x64xbf16, #tpu.memory_space<vmem>>
    %dma_wait3A_222 = tpu.memref_squeeze %dma_wait3A_221 : memref<1x1x128x64xbf16, #tpu.memory_space<vmem>> -> memref<128x64xbf16, #tpu.memory_space<vmem>>
    %dma_wait3A_223 = arith.constant 0 : i32
    %dma_wait3A_224 = tpu.memref_slice %arg6[%dma_wait3A, %dma_wait3A_223] : memref<80x128xi32, #tpu.memory_space<vmem>> -> memref<1x128xi32, #tpu.memory_space<vmem>>
    %dma_wait3A_225 = tpu.memref_squeeze %dma_wait3A_224 : memref<1x128xi32, #tpu.memory_space<vmem>> -> memref<128xi32, #tpu.memory_space<vmem>>
    %dma_wait3A_226 = arith.constant 0 : i32
    %dma_wait3A_227 = arith.constant 0 : i32
    %dma_wait3A_228 = tpu.memref_slice %arg2[%dma_wait3A_226, %dma_wait3A_227] : memref<10000x64xbf16, #tpu.memory_space<hbm>> -> memref<10000x64xbf16, #tpu.memory_space<hbm>>
    tpu.wait_indirect_dma semaphore(%arg10 : memref<!tpu.dma_semaphore, #tpu.memory_space<semaphore_mem>>) src(%dma_wait3A_228 : memref<10000x64xbf16, #tpu.memory_space<hbm>>) dst(%dma_wait3A_222 : memref<128x64xbf16, #tpu.memory_space<vmem>>)
    %dma_wait3A_229 = arith.constant 1 : i32
    %dma_wait3A_230 = arith.constant 0 : i32
    %dma_wait3A_231 = arith.constant 1 : i32
    %dma_wait3A_232 = arith.constant 0 : i32
    %dma_wait3A_233 = arith.constant 0 : i32
    %dma_wait3A_234 = tpu.memref_slice %arg8[%dma_wait3A_230, %dma_wait3A_231, %dma_wait3A_232, %dma_wait3A_233] : memref<2x8x128x64xbf16, #tpu.memory_space<vmem>> -> memref<1x1x128x64xbf16, #tpu.memory_space<vmem>>
    %dma_wait3A_235 = tpu.memref_squeeze %dma_wait3A_234 : memref<1x1x128x64xbf16, #tpu.memory_space<vmem>> -> memref<128x64xbf16, #tpu.memory_space<vmem>>
    %dma_wait3A_236 = arith.constant 0 : i32
    %dma_wait3A_237 = tpu.memref_slice %arg6[%dma_wait3A_229, %dma_wait3A_236] : memref<80x128xi32, #tpu.memory_space<vmem>> -> memref<1x128xi32, #tpu.memory_space<vmem>>
    %dma_wait3A_238 = tpu.memref_squeeze %dma_wait3A_237 : memref<1x128xi32, #tpu.memory_space<vmem>> -> memref<128xi32, #tpu.memory_space<vmem>>
    %dma_wait3A_239 = arith.constant 0 : i32
    %dma_wait3A_240 = arith.constant 0 : i32
    %dma_wait3A_241 = tpu.memref_slice %arg2[%dma_wait3A_239, %dma_wait3A_240] : memref<10000x64xbf16, #tpu.memory_space<hbm>> -> memref<10000x64xbf16, #tpu.memory_space<hbm>>
    tpu.wait_indirect_dma semaphore(%arg10 : memref<!tpu.dma_semaphore, #tpu.memory_space<semaphore_mem>>) src(%dma_wait3A_241 : memref<10000x64xbf16, #tpu.memory_space<hbm>>) dst(%dma_wait3A_235 : memref<128x64xbf16, #tpu.memory_space<vmem>>)
    %dma_wait3A_242 = arith.constant 2 : i32
    %dma_wait3A_243 = arith.constant 0 : i32
    %dma_wait3A_244 = arith.constant 2 : i32
    %dma_wait3A_245 = arith.constant 0 : i32
    %dma_wait3A_246 = arith.constant 0 : i32
    %dma_wait3A_247 = tpu.memref_slice %arg8[%dma_wait3A_243, %dma_wait3A_244, %dma_wait3A_245, %dma_wait3A_246] : memref<2x8x128x64xbf16, #tpu.memory_space<vmem>> -> memref<1x1x128x64xbf16, #tpu.memory_space<vmem>>
    %dma_wait3A_248 = tpu.memref_squeeze %dma_wait3A_247 : memref<1x1x128x64xbf16, #tpu.memory_space<vmem>> -> memref<128x64xbf16, #tpu.memory_space<vmem>>
    %dma_wait3A_249 = arith.constant 0 : i32
    %dma_wait3A_250 = tpu.memref_slice %arg6[%dma_wait3A_242, %dma_wait3A_249] : memref<80x128xi32, #tpu.memory_space<vmem>> -> memref<1x128xi32, #tpu.memory_space<vmem>>
    %dma_wait3A_251 = tpu.memref_squeeze %dma_wait3A_250 : memref<1x128xi32, #tpu.memory_space<vmem>> -> memref<128xi32, #tpu.memory_space<vmem>>
    %dma_wait3A_252 = arith.constant 0 : i32
    %dma_wait3A_253 = arith.constant 0 : i32
    %dma_wait3A_254 = tpu.memref_slice %arg2[%dma_wait3A_252, %dma_wait3A_253] : memref<10000x64xbf16, #tpu.memory_space<hbm>> -> memref<10000x64xbf16, #tpu.memory_space<hbm>>
    tpu.wait_indirect_dma semaphore(%arg10 : memref<!tpu.dma_semaphore, #tpu.memory_space<semaphore_mem>>) src(%dma_wait3A_254 : memref<10000x64xbf16, #tpu.memory_space<hbm>>) dst(%dma_wait3A_248 : memref<128x64xbf16, #tpu.memory_space<vmem>>)
    %dma_wait3A_255 = arith.constant 3 : i32
    %dma_wait3A_256 = arith.constant 0 : i32
    %dma_wait3A_257 = arith.constant 3 : i32
    %dma_wait3A_258 = arith.constant 0 : i32
    %dma_wait3A_259 = arith.constant 0 : i32
    %dma_wait3A_260 = tpu.memref_slice %arg8[%dma_wait3A_256, %dma_wait3A_257, %dma_wait3A_258, %dma_wait3A_259] : memref<2x8x128x64xbf16, #tpu.memory_space<vmem>> -> memref<1x1x128x64xbf16, #tpu.memory_space<vmem>>
    %dma_wait3A_261 = tpu.memref_squeeze %dma_wait3A_260 : memref<1x1x128x64xbf16, #tpu.memory_space<vmem>> -> memref<128x64xbf16, #tpu.memory_space<vmem>>
    %dma_wait3A_262 = arith.constant 0 : i32
    %dma_wait3A_263 = tpu.memref_slice %arg6[%dma_wait3A_255, %dma_wait3A_262] : memref<80x128xi32, #tpu.memory_space<vmem>> -> memref<1x128xi32, #tpu.memory_space<vmem>>
    %dma_wait3A_264 = tpu.memref_squeeze %dma_wait3A_263 : memref<1x128xi32, #tpu.memory_space<vmem>> -> memref<128xi32, #tpu.memory_space<vmem>>
    %dma_wait3A_265 = arith.constant 0 : i32
    %dma_wait3A_266 = arith.constant 0 : i32
    %dma_wait3A_267 = tpu.memref_slice %arg2[%dma_wait3A_265, %dma_wait3A_266] : memref<10000x64xbf16, #tpu.memory_space<hbm>> -> memref<10000x64xbf16, #tpu.memory_space<hbm>>
    tpu.wait_indirect_dma semaphore(%arg10 : memref<!tpu.dma_semaphore, #tpu.memory_space<semaphore_mem>>) src(%dma_wait3A_267 : memref<10000x64xbf16, #tpu.memory_space<hbm>>) dst(%dma_wait3A_261 : memref<128x64xbf16, #tpu.memory_space<vmem>>)
    %dma_wait3A_268 = arith.constant 4 : i32
    %dma_wait3A_269 = arith.constant 0 : i32
    %dma_wait3A_270 = arith.constant 4 : i32
    %dma_wait3A_271 = arith.constant 0 : i32
    %dma_wait3A_272 = arith.constant 0 : i32
    %dma_wait3A_273 = tpu.memref_slice %arg8[%dma_wait3A_269, %dma_wait3A_270, %dma_wait3A_271, %dma_wait3A_272] : memref<2x8x128x64xbf16, #tpu.memory_space<vmem>> -> memref<1x1x128x64xbf16, #tpu.memory_space<vmem>>
    %dma_wait3A_274 = tpu.memref_squeeze %dma_wait3A_273 : memref<1x1x128x64xbf16, #tpu.memory_space<vmem>> -> memref<128x64xbf16, #tpu.memory_space<vmem>>
    %dma_wait3A_275 = arith.constant 0 : i32
    %dma_wait3A_276 = tpu.memref_slice %arg6[%dma_wait3A_268, %dma_wait3A_275] : memref<80x128xi32, #tpu.memory_space<vmem>> -> memref<1x128xi32, #tpu.memory_space<vmem>>
    %dma_wait3A_277 = tpu.memref_squeeze %dma_wait3A_276 : memref<1x128xi32, #tpu.memory_space<vmem>> -> memref<128xi32, #tpu.memory_space<vmem>>
    %dma_wait3A_278 = arith.constant 0 : i32
    %dma_wait3A_279 = arith.constant 0 : i32
    %dma_wait3A_280 = tpu.memref_slice %arg2[%dma_wait3A_278, %dma_wait3A_279] : memref<10000x64xbf16, #tpu.memory_space<hbm>> -> memref<10000x64xbf16, #tpu.memory_space<hbm>>
    tpu.wait_indirect_dma semaphore(%arg10 : memref<!tpu.dma_semaphore, #tpu.memory_space<semaphore_mem>>) src(%dma_wait3A_280 : memref<10000x64xbf16, #tpu.memory_space<hbm>>) dst(%dma_wait3A_274 : memref<128x64xbf16, #tpu.memory_space<vmem>>)
    %dma_wait3A_281 = arith.constant 5 : i32
    %dma_wait3A_282 = arith.constant 0 : i32
    %dma_wait3A_283 = arith.constant 5 : i32
    %dma_wait3A_284 = arith.constant 0 : i32
    %dma_wait3A_285 = arith.constant 0 : i32
    %dma_wait3A_286 = tpu.memref_slice %arg8[%dma_wait3A_282, %dma_wait3A_283, %dma_wait3A_284, %dma_wait3A_285] : memref<2x8x128x64xbf16, #tpu.memory_space<vmem>> -> memref<1x1x128x64xbf16, #tpu.memory_space<vmem>>
    %dma_wait3A_287 = tpu.memref_squeeze %dma_wait3A_286 : memref<1x1x128x64xbf16, #tpu.memory_space<vmem>> -> memref<128x64xbf16, #tpu.memory_space<vmem>>
    %dma_wait3A_288 = arith.constant 0 : i32
    %dma_wait3A_289 = tpu.memref_slice %arg6[%dma_wait3A_281, %dma_wait3A_288] : memref<80x128xi32, #tpu.memory_space<vmem>> -> memref<1x128xi32, #tpu.memory_space<vmem>>
    %dma_wait3A_290 = tpu.memref_squeeze %dma_wait3A_289 : memref<1x128xi32, #tpu.memory_space<vmem>> -> memref<128xi32, #tpu.memory_space<vmem>>
    %dma_wait3A_291 = arith.constant 0 : i32
    %dma_wait3A_292 = arith.constant 0 : i32
    %dma_wait3A_293 = tpu.memref_slice %arg2[%dma_wait3A_291, %dma_wait3A_292] : memref<10000x64xbf16, #tpu.memory_space<hbm>> -> memref<10000x64xbf16, #tpu.memory_space<hbm>>
    tpu.wait_indirect_dma semaphore(%arg10 : memref<!tpu.dma_semaphore, #tpu.memory_space<semaphore_mem>>) src(%dma_wait3A_293 : memref<10000x64xbf16, #tpu.memory_space<hbm>>) dst(%dma_wait3A_287 : memref<128x64xbf16, #tpu.memory_space<vmem>>)
    %dma_wait3A_294 = arith.constant 6 : i32
    %dma_wait3A_295 = arith.constant 0 : i32
    %dma_wait3A_296 = arith.constant 6 : i32
    %dma_wait3A_297 = arith.constant 0 : i32
    %dma_wait3A_298 = arith.constant 0 : i32
    %dma_wait3A_299 = tpu.memref_slice %arg8[%dma_wait3A_295, %dma_wait3A_296, %dma_wait3A_297, %dma_wait3A_298] : memref<2x8x128x64xbf16, #tpu.memory_space<vmem>> -> memref<1x1x128x64xbf16, #tpu.memory_space<vmem>>
    %dma_wait3A_300 = tpu.memref_squeeze %dma_wait3A_299 : memref<1x1x128x64xbf16, #tpu.memory_space<vmem>> -> memref<128x64xbf16, #tpu.memory_space<vmem>>
    %dma_wait3A_301 = arith.constant 0 : i32
    %dma_wait3A_302 = tpu.memref_slice %arg6[%dma_wait3A_294, %dma_wait3A_301] : memref<80x128xi32, #tpu.memory_space<vmem>> -> memref<1x128xi32, #tpu.memory_space<vmem>>
    %dma_wait3A_303 = tpu.memref_squeeze %dma_wait3A_302 : memref<1x128xi32, #tpu.memory_space<vmem>> -> memref<128xi32, #tpu.memory_space<vmem>>
    %dma_wait3A_304 = arith.constant 0 : i32
    %dma_wait3A_305 = arith.constant 0 : i32
    %dma_wait3A_306 = tpu.memref_slice %arg2[%dma_wait3A_304, %dma_wait3A_305] : memref<10000x64xbf16, #tpu.memory_space<hbm>> -> memref<10000x64xbf16, #tpu.memory_space<hbm>>
    tpu.wait_indirect_dma semaphore(%arg10 : memref<!tpu.dma_semaphore, #tpu.memory_space<semaphore_mem>>) src(%dma_wait3A_306 : memref<10000x64xbf16, #tpu.memory_space<hbm>>) dst(%dma_wait3A_300 : memref<128x64xbf16, #tpu.memory_space<vmem>>)
    %dma_wait3A_307 = arith.constant 7 : i32
    %dma_wait3A_308 = arith.constant 0 : i32
    %dma_wait3A_309 = arith.constant 7 : i32
    %dma_wait3A_310 = arith.constant 0 : i32
    %dma_wait3A_311 = arith.constant 0 : i32
    %dma_wait3A_312 = tpu.memref_slice %arg8[%dma_wait3A_308, %dma_wait3A_309, %dma_wait3A_310, %dma_wait3A_311] : memref<2x8x128x64xbf16, #tpu.memory_space<vmem>> -> memref<1x1x128x64xbf16, #tpu.memory_space<vmem>>
    %dma_wait3A_313 = tpu.memref_squeeze %dma_wait3A_312 : memref<1x1x128x64xbf16, #tpu.memory_space<vmem>> -> memref<128x64xbf16, #tpu.memory_space<vmem>>
    %dma_wait3A_314 = arith.constant 0 : i32
    %dma_wait3A_315 = tpu.memref_slice %arg6[%dma_wait3A_307, %dma_wait3A_314] : memref<80x128xi32, #tpu.memory_space<vmem>> -> memref<1x128xi32, #tpu.memory_space<vmem>>
    %dma_wait3A_316 = tpu.memref_squeeze %dma_wait3A_315 : memref<1x128xi32, #tpu.memory_space<vmem>> -> memref<128xi32, #tpu.memory_space<vmem>>
    %dma_wait3A_317 = arith.constant 0 : i32
    %dma_wait3A_318 = arith.constant 0 : i32
    %dma_wait3A_319 = tpu.memref_slice %arg2[%dma_wait3A_317, %dma_wait3A_318] : memref<10000x64xbf16, #tpu.memory_space<hbm>> -> memref<10000x64xbf16, #tpu.memory_space<hbm>>
    tpu.wait_indirect_dma semaphore(%arg10 : memref<!tpu.dma_semaphore, #tpu.memory_space<semaphore_mem>>) src(%dma_wait3A_319 : memref<10000x64xbf16, #tpu.memory_space<hbm>>) dst(%dma_wait3A_313 : memref<128x64xbf16, #tpu.memory_space<vmem>>)
    %dma_start3A_320 = arith.constant 0 : i32
    %dma_start3A_321 = arith.constant 0 : i32
    %dma_start3A_322 = arith.constant 0 : i32
    %dma_start3A_323 = arith.constant 0 : i32
    %dma_start3A_324 = arith.constant 0 : i32
    %dma_start3A_325 = tpu.memref_slice %arg8[%dma_start3A_320, %dma_start3A_321, %dma_start3A_323, %dma_start3A_324] : memref<2x8x128x64xbf16, #tpu.memory_space<vmem>> -> memref<1x1x128x64xbf16, #tpu.memory_space<vmem>>
    %dma_start3A_326 = tpu.memref_squeeze %dma_start3A_325 : memref<1x1x128x64xbf16, #tpu.memory_space<vmem>> -> memref<128x64xbf16, #tpu.memory_space<vmem>>
    %dma_start3A_327 = arith.constant 0 : i32
    %dma_start3A_328 = tpu.memref_slice %arg7[%dma_start3A_322, %dma_start3A_327] : memref<80x128xi32, #tpu.memory_space<vmem>> -> memref<1x128xi32, #tpu.memory_space<vmem>>
    %dma_start3A_329 = tpu.memref_squeeze %dma_start3A_328 : memref<1x128xi32, #tpu.memory_space<vmem>> -> memref<128xi32, #tpu.memory_space<vmem>>
    %dma_start3A_330 = arith.constant 0 : i32
    %dma_start3A_331 = arith.constant 0 : i32
    %dma_start3A_332 = tpu.memref_slice %arg9[%dma_start3A_330, %dma_start3A_331] : memref<10240x64xbf16, #tpu.memory_space<vmem_shared>> -> memref<10240x64xbf16, #tpu.memory_space<vmem_shared>>
    tpu.enqueue_indirect_dma source(%dma_start3A_326 : memref<128x64xbf16, #tpu.memory_space<vmem>>) target(%dma_start3A_332 : memref<10240x64xbf16, #tpu.memory_space<vmem_shared>>) offsets(%dma_start3A_329 : memref<128xi32, #tpu.memory_space<vmem>>) semaphore(%arg11 : memref<!tpu.dma_semaphore, #tpu.memory_space<semaphore_mem>>) {add = true}
    %dma_start3A_333 = arith.constant 0 : i32
    %dma_start3A_334 = arith.constant 1 : i32
    %dma_start3A_335 = arith.constant 1 : i32
    %dma_start3A_336 = arith.constant 0 : i32
    %dma_start3A_337 = arith.constant 0 : i32
    %dma_start3A_338 = tpu.memref_slice %arg8[%dma_start3A_333, %dma_start3A_334, %dma_start3A_336, %dma_start3A_337] : memref<2x8x128x64xbf16, #tpu.memory_space<vmem>> -> memref<1x1x128x64xbf16, #tpu.memory_space<vmem>>
    %dma_start3A_339 = tpu.memref_squeeze %dma_start3A_338 : memref<1x1x128x64xbf16, #tpu.memory_space<vmem>> -> memref<128x64xbf16, #tpu.memory_space<vmem>>
    %dma_start3A_340 = arith.constant 0 : i32
    %dma_start3A_341 = tpu.memref_slice %arg7[%dma_start3A_335, %dma_start3A_340] : memref<80x128xi32, #tpu.memory_space<vmem>> -> memref<1x128xi32, #tpu.memory_space<vmem>>
    %dma_start3A_342 = tpu.memref_squeeze %dma_start3A_341 : memref<1x128xi32, #tpu.memory_space<vmem>> -> memref<128xi32, #tpu.memory_space<vmem>>
    %dma_start3A_343 = arith.constant 0 : i32
    %dma_start3A_344 = arith.constant 0 : i32
    %dma_start3A_345 = tpu.memref_slice %arg9[%dma_start3A_343, %dma_start3A_344] : memref<10240x64xbf16, #tpu.memory_space<vmem_shared>> -> memref<10240x64xbf16, #tpu.memory_space<vmem_shared>>
    tpu.enqueue_indirect_dma source(%dma_start3A_339 : memref<128x64xbf16, #tpu.memory_space<vmem>>) target(%dma_start3A_345 : memref<10240x64xbf16, #tpu.memory_space<vmem_shared>>) offsets(%dma_start3A_342 : memref<128xi32, #tpu.memory_space<vmem>>) semaphore(%arg11 : memref<!tpu.dma_semaphore, #tpu.memory_space<semaphore_mem>>) {add = true}
    %dma_start3A_346 = arith.constant 0 : i32
    %dma_start3A_347 = arith.constant 2 : i32
    %dma_start3A_348 = arith.constant 2 : i32
    %dma_start3A_349 = arith.constant 0 : i32
    %dma_start3A_350 = arith.constant 0 : i32
    %dma_start3A_351 = tpu.memref_slice %arg8[%dma_start3A_346, %dma_start3A_347, %dma_start3A_349, %dma_start3A_350] : memref<2x8x128x64xbf16, #tpu.memory_space<vmem>> -> memref<1x1x128x64xbf16, #tpu.memory_space<vmem>>
    %dma_start3A_352 = tpu.memref_squeeze %dma_start3A_351 : memref<1x1x128x64xbf16, #tpu.memory_space<vmem>> -> memref<128x64xbf16, #tpu.memory_space<vmem>>
    %dma_start3A_353 = arith.constant 0 : i32
    %dma_start3A_354 = tpu.memref_slice %arg7[%dma_start3A_348, %dma_start3A_353] : memref<80x128xi32, #tpu.memory_space<vmem>> -> memref<1x128xi32, #tpu.memory_space<vmem>>
    %dma_start3A_355 = tpu.memref_squeeze %dma_start3A_354 : memref<1x128xi32, #tpu.memory_space<vmem>> -> memref<128xi32, #tpu.memory_space<vmem>>
    %dma_start3A_356 = arith.constant 0 : i32
    %dma_start3A_357 = arith.constant 0 : i32
    %dma_start3A_358 = tpu.memref_slice %arg9[%dma_start3A_356, %dma_start3A_357] : memref<10240x64xbf16, #tpu.memory_space<vmem_shared>> -> memref<10240x64xbf16, #tpu.memory_space<vmem_shared>>
    tpu.enqueue_indirect_dma source(%dma_start3A_352 : memref<128x64xbf16, #tpu.memory_space<vmem>>) target(%dma_start3A_358 : memref<10240x64xbf16, #tpu.memory_space<vmem_shared>>) offsets(%dma_start3A_355 : memref<128xi32, #tpu.memory_space<vmem>>) semaphore(%arg11 : memref<!tpu.dma_semaphore, #tpu.memory_space<semaphore_mem>>) {add = true}
    %dma_start3A_359 = arith.constant 0 : i32
    %dma_start3A_360 = arith.constant 3 : i32
    %dma_start3A_361 = arith.constant 3 : i32
    %dma_start3A_362 = arith.constant 0 : i32
    %dma_start3A_363 = arith.constant 0 : i32
    %dma_start3A_364 = tpu.memref_slice %arg8[%dma_start3A_359, %dma_start3A_360, %dma_start3A_362, %dma_start3A_363] : memref<2x8x128x64xbf16, #tpu.memory_space<vmem>> -> memref<1x1x128x64xbf16, #tpu.memory_space<vmem>>
    %dma_start3A_365 = tpu.memref_squeeze %dma_start3A_364 : memref<1x1x128x64xbf16, #tpu.memory_space<vmem>> -> memref<128x64xbf16, #tpu.memory_space<vmem>>
    %dma_start3A_366 = arith.constant 0 : i32
    %dma_start3A_367 = tpu.memref_slice %arg7[%dma_start3A_361, %dma_start3A_366] : memref<80x128xi32, #tpu.memory_space<vmem>> -> memref<1x128xi32, #tpu.memory_space<vmem>>
    %dma_start3A_368 = tpu.memref_squeeze %dma_start3A_367 : memref<1x128xi32, #tpu.memory_space<vmem>> -> memref<128xi32, #tpu.memory_space<vmem>>
    %dma_start3A_369 = arith.constant 0 : i32
    %dma_start3A_370 = arith.constant 0 : i32
    %dma_start3A_371 = tpu.memref_slice %arg9[%dma_start3A_369, %dma_start3A_370] : memref<10240x64xbf16, #tpu.memory_space<vmem_shared>> -> memref<10240x64xbf16, #tpu.memory_space<vmem_shared>>
    tpu.enqueue_indirect_dma source(%dma_start3A_365 : memref<128x64xbf16, #tpu.memory_space<vmem>>) target(%dma_start3A_371 : memref<10240x64xbf16, #tpu.memory_space<vmem_shared>>) offsets(%dma_start3A_368 : memref<128xi32, #tpu.memory_space<vmem>>) semaphore(%arg11 : memref<!tpu.dma_semaphore, #tpu.memory_space<semaphore_mem>>) {add = true}
    %dma_start3A_372 = arith.constant 0 : i32
    %dma_start3A_373 = arith.constant 4 : i32
    %dma_start3A_374 = arith.constant 4 : i32
    %dma_start3A_375 = arith.constant 0 : i32
    %dma_start3A_376 = arith.constant 0 : i32
    %dma_start3A_377 = tpu.memref_slice %arg8[%dma_start3A_372, %dma_start3A_373, %dma_start3A_375, %dma_start3A_376] : memref<2x8x128x64xbf16, #tpu.memory_space<vmem>> -> memref<1x1x128x64xbf16, #tpu.memory_space<vmem>>
    %dma_start3A_378 = tpu.memref_squeeze %dma_start3A_377 : memref<1x1x128x64xbf16, #tpu.memory_space<vmem>> -> memref<128x64xbf16, #tpu.memory_space<vmem>>
    %dma_start3A_379 = arith.constant 0 : i32
    %dma_start3A_380 = tpu.memref_slice %arg7[%dma_start3A_374, %dma_start3A_379] : memref<80x128xi32, #tpu.memory_space<vmem>> -> memref<1x128xi32, #tpu.memory_space<vmem>>
    %dma_start3A_381 = tpu.memref_squeeze %dma_start3A_380 : memref<1x128xi32, #tpu.memory_space<vmem>> -> memref<128xi32, #tpu.memory_space<vmem>>
    %dma_start3A_382 = arith.constant 0 : i32
    %dma_start3A_383 = arith.constant 0 : i32
    %dma_start3A_384 = tpu.memref_slice %arg9[%dma_start3A_382, %dma_start3A_383] : memref<10240x64xbf16, #tpu.memory_space<vmem_shared>> -> memref<10240x64xbf16, #tpu.memory_space<vmem_shared>>
    tpu.enqueue_indirect_dma source(%dma_start3A_378 : memref<128x64xbf16, #tpu.memory_space<vmem>>) target(%dma_start3A_384 : memref<10240x64xbf16, #tpu.memory_space<vmem_shared>>) offsets(%dma_start3A_381 : memref<128xi32, #tpu.memory_space<vmem>>) semaphore(%arg11 : memref<!tpu.dma_semaphore, #tpu.memory_space<semaphore_mem>>) {add = true}
    %dma_start3A_385 = arith.constant 0 : i32
    %dma_start3A_386 = arith.constant 5 : i32
    %dma_start3A_387 = arith.constant 5 : i32
    %dma_start3A_388 = arith.constant 0 : i32
    %dma_start3A_389 = arith.constant 0 : i32
    %dma_start3A_390 = tpu.memref_slice %arg8[%dma_start3A_385, %dma_start3A_386, %dma_start3A_388, %dma_start3A_389] : memref<2x8x128x64xbf16, #tpu.memory_space<vmem>> -> memref<1x1x128x64xbf16, #tpu.memory_space<vmem>>
    %dma_start3A_391 = tpu.memref_squeeze %dma_start3A_390 : memref<1x1x128x64xbf16, #tpu.memory_space<vmem>> -> memref<128x64xbf16, #tpu.memory_space<vmem>>
    %dma_start3A_392 = arith.constant 0 : i32
    %dma_start3A_393 = tpu.memref_slice %arg7[%dma_start3A_387, %dma_start3A_392] : memref<80x128xi32, #tpu.memory_space<vmem>> -> memref<1x128xi32, #tpu.memory_space<vmem>>
    %dma_start3A_394 = tpu.memref_squeeze %dma_start3A_393 : memref<1x128xi32, #tpu.memory_space<vmem>> -> memref<128xi32, #tpu.memory_space<vmem>>
    %dma_start3A_395 = arith.constant 0 : i32
    %dma_start3A_396 = arith.constant 0 : i32
    %dma_start3A_397 = tpu.memref_slice %arg9[%dma_start3A_395, %dma_start3A_396] : memref<10240x64xbf16, #tpu.memory_space<vmem_shared>> -> memref<10240x64xbf16, #tpu.memory_space<vmem_shared>>
    tpu.enqueue_indirect_dma source(%dma_start3A_391 : memref<128x64xbf16, #tpu.memory_space<vmem>>) target(%dma_start3A_397 : memref<10240x64xbf16, #tpu.memory_space<vmem_shared>>) offsets(%dma_start3A_394 : memref<128xi32, #tpu.memory_space<vmem>>) semaphore(%arg11 : memref<!tpu.dma_semaphore, #tpu.memory_space<semaphore_mem>>) {add = true}
    %dma_start3A_398 = arith.constant 0 : i32
    %dma_start3A_399 = arith.constant 6 : i32
    %dma_start3A_400 = arith.constant 6 : i32
    %dma_start3A_401 = arith.constant 0 : i32
    %dma_start3A_402 = arith.constant 0 : i32
    %dma_start3A_403 = tpu.memref_slice %arg8[%dma_start3A_398, %dma_start3A_399, %dma_start3A_401, %dma_start3A_402] : memref<2x8x128x64xbf16, #tpu.memory_space<vmem>> -> memref<1x1x128x64xbf16, #tpu.memory_space<vmem>>
    %dma_start3A_404 = tpu.memref_squeeze %dma_start3A_403 : memref<1x1x128x64xbf16, #tpu.memory_space<vmem>> -> memref<128x64xbf16, #tpu.memory_space<vmem>>
    %dma_start3A_405 = arith.constant 0 : i32
    %dma_start3A_406 = tpu.memref_slice %arg7[%dma_start3A_400, %dma_start3A_405] : memref<80x128xi32, #tpu.memory_space<vmem>> -> memref<1x128xi32, #tpu.memory_space<vmem>>
    %dma_start3A_407 = tpu.memref_squeeze %dma_start3A_406 : memref<1x128xi32, #tpu.memory_space<vmem>> -> memref<128xi32, #tpu.memory_space<vmem>>
    %dma_start3A_408 = arith.constant 0 : i32
    %dma_start3A_409 = arith.constant 0 : i32
    %dma_start3A_410 = tpu.memref_slice %arg9[%dma_start3A_408, %dma_start3A_409] : memref<10240x64xbf16, #tpu.memory_space<vmem_shared>> -> memref<10240x64xbf16, #tpu.memory_space<vmem_shared>>
    tpu.enqueue_indirect_dma source(%dma_start3A_404 : memref<128x64xbf16, #tpu.memory_space<vmem>>) target(%dma_start3A_410 : memref<10240x64xbf16, #tpu.memory_space<vmem_shared>>) offsets(%dma_start3A_407 : memref<128xi32, #tpu.memory_space<vmem>>) semaphore(%arg11 : memref<!tpu.dma_semaphore, #tpu.memory_space<semaphore_mem>>) {add = true}
    %dma_start3A_411 = arith.constant 0 : i32
    %dma_start3A_412 = arith.constant 7 : i32
    %dma_start3A_413 = arith.constant 7 : i32
    %dma_start3A_414 = arith.constant 0 : i32
    %dma_start3A_415 = arith.constant 0 : i32
    %dma_start3A_416 = tpu.memref_slice %arg8[%dma_start3A_411, %dma_start3A_412, %dma_start3A_414, %dma_start3A_415] : memref<2x8x128x64xbf16, #tpu.memory_space<vmem>> -> memref<1x1x128x64xbf16, #tpu.memory_space<vmem>>
    %dma_start3A_417 = tpu.memref_squeeze %dma_start3A_416 : memref<1x1x128x64xbf16, #tpu.memory_space<vmem>> -> memref<128x64xbf16, #tpu.memory_space<vmem>>
    %dma_start3A_418 = arith.constant 0 : i32
    %dma_start3A_419 = tpu.memref_slice %arg7[%dma_start3A_413, %dma_start3A_418] : memref<80x128xi32, #tpu.memory_space<vmem>> -> memref<1x128xi32, #tpu.memory_space<vmem>>
    %dma_start3A_420 = tpu.memref_squeeze %dma_start3A_419 : memref<1x128xi32, #tpu.memory_space<vmem>> -> memref<128xi32, #tpu.memory_space<vmem>>
    %dma_start3A_421 = arith.constant 0 : i32
    %dma_start3A_422 = arith.constant 0 : i32
    %dma_start3A_423 = tpu.memref_slice %arg9[%dma_start3A_421, %dma_start3A_422] : memref<10240x64xbf16, #tpu.memory_space<vmem_shared>> -> memref<10240x64xbf16, #tpu.memory_space<vmem_shared>>
    tpu.enqueue_indirect_dma source(%dma_start3A_417 : memref<128x64xbf16, #tpu.memory_space<vmem>>) target(%dma_start3A_423 : memref<10240x64xbf16, #tpu.memory_space<vmem_shared>>) offsets(%dma_start3A_420 : memref<128xi32, #tpu.memory_space<vmem>>) semaphore(%arg11 : memref<!tpu.dma_semaphore, #tpu.memory_space<semaphore_mem>>) {add = true}
    %scan3A = arith.constant 0 : i32
    %scan3A_424 = arith.constant 2 : i32
    %scan3A_425 = arith.constant 8 : i32
    %scan3A_426 = arith.addi %scan3A_424, %scan3A_425 : i32
    %scan3A_427 = arith.constant 1 : i32
    scf.for %scan3A_850 = %scan3A_424 to %scan3A_426 step %scan3A_427  : i32 {
      %jit3A = arith.constant 2 : i32
      %eq3A_851 = arith.constant 0 : i32
      %eq3A_852 = arith.cmpi eq, %jit3A, %eq3A_851 : i32
      %jit3A_853 = arith.constant 1 : i32
      %select_n3A = arith.select %eq3A_852, %jit3A_853, %jit3A : i32
      %rem3A = arith.remsi %scan3A_850, %select_n3A : i32
      %ne3A_854 = arith.constant 0 : i32
      %ne3A_855 = arith.cmpi ne, %rem3A, %ne3A_854 : i32
      %lt3A = arith.constant 0 : i32
      %lt3A_856 = arith.cmpi slt, %rem3A, %lt3A : i32
      %lt3A_857 = arith.constant 0 : i32
      %lt3A_858 = arith.cmpi slt, %select_n3A, %lt3A_857 : i32
      %ne3A_859 = arith.xori %lt3A_856, %lt3A_858 : i1
      %and3A = arith.andi %ne3A_859, %ne3A_855 : i1
      %add3A_860 = arith.addi %rem3A, %select_n3A : i32
      %select_n3A_861 = arith.select %and3A, %add3A_860, %rem3A : i32
      %sub3A = arith.constant 1 : i32
      %sub3A_862 = arith.subi %scan3A_850, %sub3A : i32
      %jit3A_863 = arith.constant 2 : i32
      %eq3A_864 = arith.constant 0 : i32
      %eq3A_865 = arith.cmpi eq, %jit3A_863, %eq3A_864 : i32
      %jit3A_866 = arith.constant 1 : i32
      %select_n3A_867 = arith.select %eq3A_865, %jit3A_866, %jit3A_863 : i32
      %rem3A_868 = arith.remsi %sub3A_862, %select_n3A_867 : i32
      %ne3A_869 = arith.constant 0 : i32
      %ne3A_870 = arith.cmpi ne, %rem3A_868, %ne3A_869 : i32
      %lt3A_871 = arith.constant 0 : i32
      %lt3A_872 = arith.cmpi slt, %rem3A_868, %lt3A_871 : i32
      %lt3A_873 = arith.constant 0 : i32
      %lt3A_874 = arith.cmpi slt, %select_n3A_867, %lt3A_873 : i32
      %ne3A_875 = arith.xori %lt3A_872, %lt3A_874 : i1
      %and3A_876 = arith.andi %ne3A_875, %ne3A_870 : i1
      %add3A_877 = arith.addi %rem3A_868, %select_n3A_867 : i32
      %select_n3A_878 = arith.select %and3A_876, %add3A_877, %rem3A_868 : i32
      %sub3A_879 = arith.constant 2 : i32
      %sub3A_880 = arith.subi %scan3A_850, %sub3A_879 : i32
      %mul3A_881 = arith.constant 8 : i32
      %mul3A_882 = arith.muli %sub3A_880, %mul3A_881 : i32
      %add3A_883 = arith.constant 0 : i32
      %add3A_884 = arith.addi %mul3A_882, %add3A_883 : i32
      %dma_wait3A_885 = arith.constant 0 : i32
      %dma_wait3A_886 = arith.constant 0 : i32
      %dma_wait3A_887 = arith.constant 0 : i32
      %dma_wait3A_888 = tpu.memref_slice %arg8[%select_n3A_861, %dma_wait3A_885, %dma_wait3A_886, %dma_wait3A_887] : memref<2x8x128x64xbf16, #tpu.memory_space<vmem>> -> memref<1x1x128x64xbf16, #tpu.memory_space<vmem>>
      %dma_wait3A_889 = tpu.memref_squeeze %dma_wait3A_888 : memref<1x1x128x64xbf16, #tpu.memory_space<vmem>> -> memref<128x64xbf16, #tpu.memory_space<vmem>>
      %dma_wait3A_890 = arith.constant 0 : i32
      %dma_wait3A_891 = tpu.memref_slice %arg7[%add3A_884, %dma_wait3A_890] : memref<80x128xi32, #tpu.memory_space<vmem>> -> memref<1x128xi32, #tpu.memory_space<vmem>>
      %dma_wait3A_892 = tpu.memref_squeeze %dma_wait3A_891 : memref<1x128xi32, #tpu.memory_space<vmem>> -> memref<128xi32, #tpu.memory_space<vmem>>
      %dma_wait3A_893 = arith.constant 0 : i32
      %dma_wait3A_894 = arith.constant 0 : i32
      %dma_wait3A_895 = tpu.memref_slice %arg9[%dma_wait3A_893, %dma_wait3A_894] : memref<10240x64xbf16, #tpu.memory_space<vmem_shared>> -> memref<10240x64xbf16, #tpu.memory_space<vmem_shared>>
      tpu.wait_indirect_dma semaphore(%arg11 : memref<!tpu.dma_semaphore, #tpu.memory_space<semaphore_mem>>) src(%dma_wait3A_889 : memref<128x64xbf16, #tpu.memory_space<vmem>>) dst(%dma_wait3A_895 : memref<10240x64xbf16, #tpu.memory_space<vmem_shared>>)
      %mul3A_896 = arith.constant 8 : i32
      %mul3A_897 = arith.muli %sub3A_880, %mul3A_896 : i32
      %add3A_898 = arith.constant 1 : i32
      %add3A_899 = arith.addi %mul3A_897, %add3A_898 : i32
      %dma_wait3A_900 = arith.constant 1 : i32
      %dma_wait3A_901 = arith.constant 0 : i32
      %dma_wait3A_902 = arith.constant 0 : i32
      %dma_wait3A_903 = tpu.memref_slice %arg8[%select_n3A_861, %dma_wait3A_900, %dma_wait3A_901, %dma_wait3A_902] : memref<2x8x128x64xbf16, #tpu.memory_space<vmem>> -> memref<1x1x128x64xbf16, #tpu.memory_space<vmem>>
      %dma_wait3A_904 = tpu.memref_squeeze %dma_wait3A_903 : memref<1x1x128x64xbf16, #tpu.memory_space<vmem>> -> memref<128x64xbf16, #tpu.memory_space<vmem>>
      %dma_wait3A_905 = arith.constant 0 : i32
      %dma_wait3A_906 = tpu.memref_slice %arg7[%add3A_899, %dma_wait3A_905] : memref<80x128xi32, #tpu.memory_space<vmem>> -> memref<1x128xi32, #tpu.memory_space<vmem>>
      %dma_wait3A_907 = tpu.memref_squeeze %dma_wait3A_906 : memref<1x128xi32, #tpu.memory_space<vmem>> -> memref<128xi32, #tpu.memory_space<vmem>>
      %dma_wait3A_908 = arith.constant 0 : i32
      %dma_wait3A_909 = arith.constant 0 : i32
      %dma_wait3A_910 = tpu.memref_slice %arg9[%dma_wait3A_908, %dma_wait3A_909] : memref<10240x64xbf16, #tpu.memory_space<vmem_shared>> -> memref<10240x64xbf16, #tpu.memory_space<vmem_shared>>
      tpu.wait_indirect_dma semaphore(%arg11 : memref<!tpu.dma_semaphore, #tpu.memory_space<semaphore_mem>>) src(%dma_wait3A_904 : memref<128x64xbf16, #tpu.memory_space<vmem>>) dst(%dma_wait3A_910 : memref<10240x64xbf16, #tpu.memory_space<vmem_shared>>)
      %mul3A_911 = arith.constant 8 : i32
      %mul3A_912 = arith.muli %sub3A_880, %mul3A_911 : i32
      %add3A_913 = arith.constant 2 : i32
      %add3A_914 = arith.addi %mul3A_912, %add3A_913 : i32
      %dma_wait3A_915 = arith.constant 2 : i32
      %dma_wait3A_916 = arith.constant 0 : i32
      %dma_wait3A_917 = arith.constant 0 : i32
      %dma_wait3A_918 = tpu.memref_slice %arg8[%select_n3A_861, %dma_wait3A_915, %dma_wait3A_916, %dma_wait3A_917] : memref<2x8x128x64xbf16, #tpu.memory_space<vmem>> -> memref<1x1x128x64xbf16, #tpu.memory_space<vmem>>
      %dma_wait3A_919 = tpu.memref_squeeze %dma_wait3A_918 : memref<1x1x128x64xbf16, #tpu.memory_space<vmem>> -> memref<128x64xbf16, #tpu.memory_space<vmem>>
      %dma_wait3A_920 = arith.constant 0 : i32
      %dma_wait3A_921 = tpu.memref_slice %arg7[%add3A_914, %dma_wait3A_920] : memref<80x128xi32, #tpu.memory_space<vmem>> -> memref<1x128xi32, #tpu.memory_space<vmem>>
      %dma_wait3A_922 = tpu.memref_squeeze %dma_wait3A_921 : memref<1x128xi32, #tpu.memory_space<vmem>> -> memref<128xi32, #tpu.memory_space<vmem>>
      %dma_wait3A_923 = arith.constant 0 : i32
      %dma_wait3A_924 = arith.constant 0 : i32
      %dma_wait3A_925 = tpu.memref_slice %arg9[%dma_wait3A_923, %dma_wait3A_924] : memref<10240x64xbf16, #tpu.memory_space<vmem_shared>> -> memref<10240x64xbf16, #tpu.memory_space<vmem_shared>>
      tpu.wait_indirect_dma semaphore(%arg11 : memref<!tpu.dma_semaphore, #tpu.memory_space<semaphore_mem>>) src(%dma_wait3A_919 : memref<128x64xbf16, #tpu.memory_space<vmem>>) dst(%dma_wait3A_925 : memref<10240x64xbf16, #tpu.memory_space<vmem_shared>>)
      %mul3A_926 = arith.constant 8 : i32
      %mul3A_927 = arith.muli %sub3A_880, %mul3A_926 : i32
      %add3A_928 = arith.constant 3 : i32
      %add3A_929 = arith.addi %mul3A_927, %add3A_928 : i32
      %dma_wait3A_930 = arith.constant 3 : i32
      %dma_wait3A_931 = arith.constant 0 : i32
      %dma_wait3A_932 = arith.constant 0 : i32
      %dma_wait3A_933 = tpu.memref_slice %arg8[%select_n3A_861, %dma_wait3A_930, %dma_wait3A_931, %dma_wait3A_932] : memref<2x8x128x64xbf16, #tpu.memory_space<vmem>> -> memref<1x1x128x64xbf16, #tpu.memory_space<vmem>>
      %dma_wait3A_934 = tpu.memref_squeeze %dma_wait3A_933 : memref<1x1x128x64xbf16, #tpu.memory_space<vmem>> -> memref<128x64xbf16, #tpu.memory_space<vmem>>
      %dma_wait3A_935 = arith.constant 0 : i32
      %dma_wait3A_936 = tpu.memref_slice %arg7[%add3A_929, %dma_wait3A_935] : memref<80x128xi32, #tpu.memory_space<vmem>> -> memref<1x128xi32, #tpu.memory_space<vmem>>
      %dma_wait3A_937 = tpu.memref_squeeze %dma_wait3A_936 : memref<1x128xi32, #tpu.memory_space<vmem>> -> memref<128xi32, #tpu.memory_space<vmem>>
      %dma_wait3A_938 = arith.constant 0 : i32
      %dma_wait3A_939 = arith.constant 0 : i32
      %dma_wait3A_940 = tpu.memref_slice %arg9[%dma_wait3A_938, %dma_wait3A_939] : memref<10240x64xbf16, #tpu.memory_space<vmem_shared>> -> memref<10240x64xbf16, #tpu.memory_space<vmem_shared>>
      tpu.wait_indirect_dma semaphore(%arg11 : memref<!tpu.dma_semaphore, #tpu.memory_space<semaphore_mem>>) src(%dma_wait3A_934 : memref<128x64xbf16, #tpu.memory_space<vmem>>) dst(%dma_wait3A_940 : memref<10240x64xbf16, #tpu.memory_space<vmem_shared>>)
      %mul3A_941 = arith.constant 8 : i32
      %mul3A_942 = arith.muli %sub3A_880, %mul3A_941 : i32
      %add3A_943 = arith.constant 4 : i32
      %add3A_944 = arith.addi %mul3A_942, %add3A_943 : i32
      %dma_wait3A_945 = arith.constant 4 : i32
      %dma_wait3A_946 = arith.constant 0 : i32
      %dma_wait3A_947 = arith.constant 0 : i32
      %dma_wait3A_948 = tpu.memref_slice %arg8[%select_n3A_861, %dma_wait3A_945, %dma_wait3A_946, %dma_wait3A_947] : memref<2x8x128x64xbf16, #tpu.memory_space<vmem>> -> memref<1x1x128x64xbf16, #tpu.memory_space<vmem>>
      %dma_wait3A_949 = tpu.memref_squeeze %dma_wait3A_948 : memref<1x1x128x64xbf16, #tpu.memory_space<vmem>> -> memref<128x64xbf16, #tpu.memory_space<vmem>>
      %dma_wait3A_950 = arith.constant 0 : i32
      %dma_wait3A_951 = tpu.memref_slice %arg7[%add3A_944, %dma_wait3A_950] : memref<80x128xi32, #tpu.memory_space<vmem>> -> memref<1x128xi32, #tpu.memory_space<vmem>>
      %dma_wait3A_952 = tpu.memref_squeeze %dma_wait3A_951 : memref<1x128xi32, #tpu.memory_space<vmem>> -> memref<128xi32, #tpu.memory_space<vmem>>
      %dma_wait3A_953 = arith.constant 0 : i32
      %dma_wait3A_954 = arith.constant 0 : i32
      %dma_wait3A_955 = tpu.memref_slice %arg9[%dma_wait3A_953, %dma_wait3A_954] : memref<10240x64xbf16, #tpu.memory_space<vmem_shared>> -> memref<10240x64xbf16, #tpu.memory_space<vmem_shared>>
      tpu.wait_indirect_dma semaphore(%arg11 : memref<!tpu.dma_semaphore, #tpu.memory_space<semaphore_mem>>) src(%dma_wait3A_949 : memref<128x64xbf16, #tpu.memory_space<vmem>>) dst(%dma_wait3A_955 : memref<10240x64xbf16, #tpu.memory_space<vmem_shared>>)
      %mul3A_956 = arith.constant 8 : i32
      %mul3A_957 = arith.muli %sub3A_880, %mul3A_956 : i32
      %add3A_958 = arith.constant 5 : i32
      %add3A_959 = arith.addi %mul3A_957, %add3A_958 : i32
      %dma_wait3A_960 = arith.constant 5 : i32
      %dma_wait3A_961 = arith.constant 0 : i32
      %dma_wait3A_962 = arith.constant 0 : i32
      %dma_wait3A_963 = tpu.memref_slice %arg8[%select_n3A_861, %dma_wait3A_960, %dma_wait3A_961, %dma_wait3A_962] : memref<2x8x128x64xbf16, #tpu.memory_space<vmem>> -> memref<1x1x128x64xbf16, #tpu.memory_space<vmem>>
      %dma_wait3A_964 = tpu.memref_squeeze %dma_wait3A_963 : memref<1x1x128x64xbf16, #tpu.memory_space<vmem>> -> memref<128x64xbf16, #tpu.memory_space<vmem>>
      %dma_wait3A_965 = arith.constant 0 : i32
      %dma_wait3A_966 = tpu.memref_slice %arg7[%add3A_959, %dma_wait3A_965] : memref<80x128xi32, #tpu.memory_space<vmem>> -> memref<1x128xi32, #tpu.memory_space<vmem>>
      %dma_wait3A_967 = tpu.memref_squeeze %dma_wait3A_966 : memref<1x128xi32, #tpu.memory_space<vmem>> -> memref<128xi32, #tpu.memory_space<vmem>>
      %dma_wait3A_968 = arith.constant 0 : i32
      %dma_wait3A_969 = arith.constant 0 : i32
      %dma_wait3A_970 = tpu.memref_slice %arg9[%dma_wait3A_968, %dma_wait3A_969] : memref<10240x64xbf16, #tpu.memory_space<vmem_shared>> -> memref<10240x64xbf16, #tpu.memory_space<vmem_shared>>
      tpu.wait_indirect_dma semaphore(%arg11 : memref<!tpu.dma_semaphore, #tpu.memory_space<semaphore_mem>>) src(%dma_wait3A_964 : memref<128x64xbf16, #tpu.memory_space<vmem>>) dst(%dma_wait3A_970 : memref<10240x64xbf16, #tpu.memory_space<vmem_shared>>)
      %mul3A_971 = arith.constant 8 : i32
      %mul3A_972 = arith.muli %sub3A_880, %mul3A_971 : i32
      %add3A_973 = arith.constant 6 : i32
      %add3A_974 = arith.addi %mul3A_972, %add3A_973 : i32
      %dma_wait3A_975 = arith.constant 6 : i32
      %dma_wait3A_976 = arith.constant 0 : i32
      %dma_wait3A_977 = arith.constant 0 : i32
      %dma_wait3A_978 = tpu.memref_slice %arg8[%select_n3A_861, %dma_wait3A_975, %dma_wait3A_976, %dma_wait3A_977] : memref<2x8x128x64xbf16, #tpu.memory_space<vmem>> -> memref<1x1x128x64xbf16, #tpu.memory_space<vmem>>
      %dma_wait3A_979 = tpu.memref_squeeze %dma_wait3A_978 : memref<1x1x128x64xbf16, #tpu.memory_space<vmem>> -> memref<128x64xbf16, #tpu.memory_space<vmem>>
      %dma_wait3A_980 = arith.constant 0 : i32
      %dma_wait3A_981 = tpu.memref_slice %arg7[%add3A_974, %dma_wait3A_980] : memref<80x128xi32, #tpu.memory_space<vmem>> -> memref<1x128xi32, #tpu.memory_space<vmem>>
      %dma_wait3A_982 = tpu.memref_squeeze %dma_wait3A_981 : memref<1x128xi32, #tpu.memory_space<vmem>> -> memref<128xi32, #tpu.memory_space<vmem>>
      %dma_wait3A_983 = arith.constant 0 : i32
      %dma_wait3A_984 = arith.constant 0 : i32
      %dma_wait3A_985 = tpu.memref_slice %arg9[%dma_wait3A_983, %dma_wait3A_984] : memref<10240x64xbf16, #tpu.memory_space<vmem_shared>> -> memref<10240x64xbf16, #tpu.memory_space<vmem_shared>>
      tpu.wait_indirect_dma semaphore(%arg11 : memref<!tpu.dma_semaphore, #tpu.memory_space<semaphore_mem>>) src(%dma_wait3A_979 : memref<128x64xbf16, #tpu.memory_space<vmem>>) dst(%dma_wait3A_985 : memref<10240x64xbf16, #tpu.memory_space<vmem_shared>>)
      %mul3A_986 = arith.constant 8 : i32
      %mul3A_987 = arith.muli %sub3A_880, %mul3A_986 : i32
      %add3A_988 = arith.constant 7 : i32
      %add3A_989 = arith.addi %mul3A_987, %add3A_988 : i32
      %dma_wait3A_990 = arith.constant 7 : i32
      %dma_wait3A_991 = arith.constant 0 : i32
      %dma_wait3A_992 = arith.constant 0 : i32
      %dma_wait3A_993 = tpu.memref_slice %arg8[%select_n3A_861, %dma_wait3A_990, %dma_wait3A_991, %dma_wait3A_992] : memref<2x8x128x64xbf16, #tpu.memory_space<vmem>> -> memref<1x1x128x64xbf16, #tpu.memory_space<vmem>>
      %dma_wait3A_994 = tpu.memref_squeeze %dma_wait3A_993 : memref<1x1x128x64xbf16, #tpu.memory_space<vmem>> -> memref<128x64xbf16, #tpu.memory_space<vmem>>
      %dma_wait3A_995 = arith.constant 0 : i32
      %dma_wait3A_996 = tpu.memref_slice %arg7[%add3A_989, %dma_wait3A_995] : memref<80x128xi32, #tpu.memory_space<vmem>> -> memref<1x128xi32, #tpu.memory_space<vmem>>
      %dma_wait3A_997 = tpu.memref_squeeze %dma_wait3A_996 : memref<1x128xi32, #tpu.memory_space<vmem>> -> memref<128xi32, #tpu.memory_space<vmem>>
      %dma_wait3A_998 = arith.constant 0 : i32
      %dma_wait3A_999 = arith.constant 0 : i32
      %dma_wait3A_1000 = tpu.memref_slice %arg9[%dma_wait3A_998, %dma_wait3A_999] : memref<10240x64xbf16, #tpu.memory_space<vmem_shared>> -> memref<10240x64xbf16, #tpu.memory_space<vmem_shared>>
      tpu.wait_indirect_dma semaphore(%arg11 : memref<!tpu.dma_semaphore, #tpu.memory_space<semaphore_mem>>) src(%dma_wait3A_994 : memref<128x64xbf16, #tpu.memory_space<vmem>>) dst(%dma_wait3A_1000 : memref<10240x64xbf16, #tpu.memory_space<vmem_shared>>)
      %mul3A_1001 = arith.constant 8 : i32
      %mul3A_1002 = arith.muli %scan3A_850, %mul3A_1001 : i32
      %add3A_1003 = arith.constant 0 : i32
      %add3A_1004 = arith.addi %mul3A_1002, %add3A_1003 : i32
      %dma_start3A_1005 = arith.constant 0 : i32
      %dma_start3A_1006 = arith.constant 0 : i32
      %dma_start3A_1007 = arith.constant 0 : i32
      %dma_start3A_1008 = tpu.memref_slice %arg8[%select_n3A_861, %dma_start3A_1005, %dma_start3A_1006, %dma_start3A_1007] : memref<2x8x128x64xbf16, #tpu.memory_space<vmem>> -> memref<1x1x128x64xbf16, #tpu.memory_space<vmem>>
      %dma_start3A_1009 = tpu.memref_squeeze %dma_start3A_1008 : memref<1x1x128x64xbf16, #tpu.memory_space<vmem>> -> memref<128x64xbf16, #tpu.memory_space<vmem>>
      %dma_start3A_1010 = arith.constant 0 : i32
      %dma_start3A_1011 = tpu.memref_slice %arg6[%add3A_1004, %dma_start3A_1010] : memref<80x128xi32, #tpu.memory_space<vmem>> -> memref<1x128xi32, #tpu.memory_space<vmem>>
      %dma_start3A_1012 = tpu.memref_squeeze %dma_start3A_1011 : memref<1x128xi32, #tpu.memory_space<vmem>> -> memref<128xi32, #tpu.memory_space<vmem>>
      %dma_start3A_1013 = arith.constant 0 : i32
      %dma_start3A_1014 = arith.constant 0 : i32
      %dma_start3A_1015 = tpu.memref_slice %arg2[%dma_start3A_1013, %dma_start3A_1014] : memref<10000x64xbf16, #tpu.memory_space<hbm>> -> memref<10000x64xbf16, #tpu.memory_space<hbm>>
      tpu.enqueue_indirect_dma source(%dma_start3A_1015 : memref<10000x64xbf16, #tpu.memory_space<hbm>>) target(%dma_start3A_1009 : memref<128x64xbf16, #tpu.memory_space<vmem>>) offsets(%dma_start3A_1012 : memref<128xi32, #tpu.memory_space<vmem>>) semaphore(%arg10 : memref<!tpu.dma_semaphore, #tpu.memory_space<semaphore_mem>>)
      %mul3A_1016 = arith.constant 8 : i32
      %mul3A_1017 = arith.muli %scan3A_850, %mul3A_1016 : i32
      %add3A_1018 = arith.constant 1 : i32
      %add3A_1019 = arith.addi %mul3A_1017, %add3A_1018 : i32
      %dma_start3A_1020 = arith.constant 1 : i32
      %dma_start3A_1021 = arith.constant 0 : i32
      %dma_start3A_1022 = arith.constant 0 : i32
      %dma_start3A_1023 = tpu.memref_slice %arg8[%select_n3A_861, %dma_start3A_1020, %dma_start3A_1021, %dma_start3A_1022] : memref<2x8x128x64xbf16, #tpu.memory_space<vmem>> -> memref<1x1x128x64xbf16, #tpu.memory_space<vmem>>
      %dma_start3A_1024 = tpu.memref_squeeze %dma_start3A_1023 : memref<1x1x128x64xbf16, #tpu.memory_space<vmem>> -> memref<128x64xbf16, #tpu.memory_space<vmem>>
      %dma_start3A_1025 = arith.constant 0 : i32
      %dma_start3A_1026 = tpu.memref_slice %arg6[%add3A_1019, %dma_start3A_1025] : memref<80x128xi32, #tpu.memory_space<vmem>> -> memref<1x128xi32, #tpu.memory_space<vmem>>
      %dma_start3A_1027 = tpu.memref_squeeze %dma_start3A_1026 : memref<1x128xi32, #tpu.memory_space<vmem>> -> memref<128xi32, #tpu.memory_space<vmem>>
      %dma_start3A_1028 = arith.constant 0 : i32
      %dma_start3A_1029 = arith.constant 0 : i32
      %dma_start3A_1030 = tpu.memref_slice %arg2[%dma_start3A_1028, %dma_start3A_1029] : memref<10000x64xbf16, #tpu.memory_space<hbm>> -> memref<10000x64xbf16, #tpu.memory_space<hbm>>
      tpu.enqueue_indirect_dma source(%dma_start3A_1030 : memref<10000x64xbf16, #tpu.memory_space<hbm>>) target(%dma_start3A_1024 : memref<128x64xbf16, #tpu.memory_space<vmem>>) offsets(%dma_start3A_1027 : memref<128xi32, #tpu.memory_space<vmem>>) semaphore(%arg10 : memref<!tpu.dma_semaphore, #tpu.memory_space<semaphore_mem>>)
      %mul3A_1031 = arith.constant 8 : i32
      %mul3A_1032 = arith.muli %scan3A_850, %mul3A_1031 : i32
      %add3A_1033 = arith.constant 2 : i32
      %add3A_1034 = arith.addi %mul3A_1032, %add3A_1033 : i32
      %dma_start3A_1035 = arith.constant 2 : i32
      %dma_start3A_1036 = arith.constant 0 : i32
      %dma_start3A_1037 = arith.constant 0 : i32
      %dma_start3A_1038 = tpu.memref_slice %arg8[%select_n3A_861, %dma_start3A_1035, %dma_start3A_1036, %dma_start3A_1037] : memref<2x8x128x64xbf16, #tpu.memory_space<vmem>> -> memref<1x1x128x64xbf16, #tpu.memory_space<vmem>>
      %dma_start3A_1039 = tpu.memref_squeeze %dma_start3A_1038 : memref<1x1x128x64xbf16, #tpu.memory_space<vmem>> -> memref<128x64xbf16, #tpu.memory_space<vmem>>
      %dma_start3A_1040 = arith.constant 0 : i32
      %dma_start3A_1041 = tpu.memref_slice %arg6[%add3A_1034, %dma_start3A_1040] : memref<80x128xi32, #tpu.memory_space<vmem>> -> memref<1x128xi32, #tpu.memory_space<vmem>>
      %dma_start3A_1042 = tpu.memref_squeeze %dma_start3A_1041 : memref<1x128xi32, #tpu.memory_space<vmem>> -> memref<128xi32, #tpu.memory_space<vmem>>
      %dma_start3A_1043 = arith.constant 0 : i32
      %dma_start3A_1044 = arith.constant 0 : i32
      %dma_start3A_1045 = tpu.memref_slice %arg2[%dma_start3A_1043, %dma_start3A_1044] : memref<10000x64xbf16, #tpu.memory_space<hbm>> -> memref<10000x64xbf16, #tpu.memory_space<hbm>>
      tpu.enqueue_indirect_dma source(%dma_start3A_1045 : memref<10000x64xbf16, #tpu.memory_space<hbm>>) target(%dma_start3A_1039 : memref<128x64xbf16, #tpu.memory_space<vmem>>) offsets(%dma_start3A_1042 : memref<128xi32, #tpu.memory_space<vmem>>) semaphore(%arg10 : memref<!tpu.dma_semaphore, #tpu.memory_space<semaphore_mem>>)
      %mul3A_1046 = arith.constant 8 : i32
      %mul3A_1047 = arith.muli %scan3A_850, %mul3A_1046 : i32
      %add3A_1048 = arith.constant 3 : i32
      %add3A_1049 = arith.addi %mul3A_1047, %add3A_1048 : i32
      %dma_start3A_1050 = arith.constant 3 : i32
      %dma_start3A_1051 = arith.constant 0 : i32
      %dma_start3A_1052 = arith.constant 0 : i32
      %dma_start3A_1053 = tpu.memref_slice %arg8[%select_n3A_861, %dma_start3A_1050, %dma_start3A_1051, %dma_start3A_1052] : memref<2x8x128x64xbf16, #tpu.memory_space<vmem>> -> memref<1x1x128x64xbf16, #tpu.memory_space<vmem>>
      %dma_start3A_1054 = tpu.memref_squeeze %dma_start3A_1053 : memref<1x1x128x64xbf16, #tpu.memory_space<vmem>> -> memref<128x64xbf16, #tpu.memory_space<vmem>>
      %dma_start3A_1055 = arith.constant 0 : i32
      %dma_start3A_1056 = tpu.memref_slice %arg6[%add3A_1049, %dma_start3A_1055] : memref<80x128xi32, #tpu.memory_space<vmem>> -> memref<1x128xi32, #tpu.memory_space<vmem>>
      %dma_start3A_1057 = tpu.memref_squeeze %dma_start3A_1056 : memref<1x128xi32, #tpu.memory_space<vmem>> -> memref<128xi32, #tpu.memory_space<vmem>>
      %dma_start3A_1058 = arith.constant 0 : i32
      %dma_start3A_1059 = arith.constant 0 : i32
      %dma_start3A_1060 = tpu.memref_slice %arg2[%dma_start3A_1058, %dma_start3A_1059] : memref<10000x64xbf16, #tpu.memory_space<hbm>> -> memref<10000x64xbf16, #tpu.memory_space<hbm>>
      tpu.enqueue_indirect_dma source(%dma_start3A_1060 : memref<10000x64xbf16, #tpu.memory_space<hbm>>) target(%dma_start3A_1054 : memref<128x64xbf16, #tpu.memory_space<vmem>>) offsets(%dma_start3A_1057 : memref<128xi32, #tpu.memory_space<vmem>>) semaphore(%arg10 : memref<!tpu.dma_semaphore, #tpu.memory_space<semaphore_mem>>)
      %mul3A_1061 = arith.constant 8 : i32
      %mul3A_1062 = arith.muli %scan3A_850, %mul3A_1061 : i32
      %add3A_1063 = arith.constant 4 : i32
      %add3A_1064 = arith.addi %mul3A_1062, %add3A_1063 : i32
      %dma_start3A_1065 = arith.constant 4 : i32
      %dma_start3A_1066 = arith.constant 0 : i32
      %dma_start3A_1067 = arith.constant 0 : i32
      %dma_start3A_1068 = tpu.memref_slice %arg8[%select_n3A_861, %dma_start3A_1065, %dma_start3A_1066, %dma_start3A_1067] : memref<2x8x128x64xbf16, #tpu.memory_space<vmem>> -> memref<1x1x128x64xbf16, #tpu.memory_space<vmem>>
      %dma_start3A_1069 = tpu.memref_squeeze %dma_start3A_1068 : memref<1x1x128x64xbf16, #tpu.memory_space<vmem>> -> memref<128x64xbf16, #tpu.memory_space<vmem>>
      %dma_start3A_1070 = arith.constant 0 : i32
      %dma_start3A_1071 = tpu.memref_slice %arg6[%add3A_1064, %dma_start3A_1070] : memref<80x128xi32, #tpu.memory_space<vmem>> -> memref<1x128xi32, #tpu.memory_space<vmem>>
      %dma_start3A_1072 = tpu.memref_squeeze %dma_start3A_1071 : memref<1x128xi32, #tpu.memory_space<vmem>> -> memref<128xi32, #tpu.memory_space<vmem>>
      %dma_start3A_1073 = arith.constant 0 : i32
      %dma_start3A_1074 = arith.constant 0 : i32
      %dma_start3A_1075 = tpu.memref_slice %arg2[%dma_start3A_1073, %dma_start3A_1074] : memref<10000x64xbf16, #tpu.memory_space<hbm>> -> memref<10000x64xbf16, #tpu.memory_space<hbm>>
      tpu.enqueue_indirect_dma source(%dma_start3A_1075 : memref<10000x64xbf16, #tpu.memory_space<hbm>>) target(%dma_start3A_1069 : memref<128x64xbf16, #tpu.memory_space<vmem>>) offsets(%dma_start3A_1072 : memref<128xi32, #tpu.memory_space<vmem>>) semaphore(%arg10 : memref<!tpu.dma_semaphore, #tpu.memory_space<semaphore_mem>>)
      %mul3A_1076 = arith.constant 8 : i32
      %mul3A_1077 = arith.muli %scan3A_850, %mul3A_1076 : i32
      %add3A_1078 = arith.constant 5 : i32
      %add3A_1079 = arith.addi %mul3A_1077, %add3A_1078 : i32
      %dma_start3A_1080 = arith.constant 5 : i32
      %dma_start3A_1081 = arith.constant 0 : i32
      %dma_start3A_1082 = arith.constant 0 : i32
      %dma_start3A_1083 = tpu.memref_slice %arg8[%select_n3A_861, %dma_start3A_1080, %dma_start3A_1081, %dma_start3A_1082] : memref<2x8x128x64xbf16, #tpu.memory_space<vmem>> -> memref<1x1x128x64xbf16, #tpu.memory_space<vmem>>
      %dma_start3A_1084 = tpu.memref_squeeze %dma_start3A_1083 : memref<1x1x128x64xbf16, #tpu.memory_space<vmem>> -> memref<128x64xbf16, #tpu.memory_space<vmem>>
      %dma_start3A_1085 = arith.constant 0 : i32
      %dma_start3A_1086 = tpu.memref_slice %arg6[%add3A_1079, %dma_start3A_1085] : memref<80x128xi32, #tpu.memory_space<vmem>> -> memref<1x128xi32, #tpu.memory_space<vmem>>
      %dma_start3A_1087 = tpu.memref_squeeze %dma_start3A_1086 : memref<1x128xi32, #tpu.memory_space<vmem>> -> memref<128xi32, #tpu.memory_space<vmem>>
      %dma_start3A_1088 = arith.constant 0 : i32
      %dma_start3A_1089 = arith.constant 0 : i32
      %dma_start3A_1090 = tpu.memref_slice %arg2[%dma_start3A_1088, %dma_start3A_1089] : memref<10000x64xbf16, #tpu.memory_space<hbm>> -> memref<10000x64xbf16, #tpu.memory_space<hbm>>
      tpu.enqueue_indirect_dma source(%dma_start3A_1090 : memref<10000x64xbf16, #tpu.memory_space<hbm>>) target(%dma_start3A_1084 : memref<128x64xbf16, #tpu.memory_space<vmem>>) offsets(%dma_start3A_1087 : memref<128xi32, #tpu.memory_space<vmem>>) semaphore(%arg10 : memref<!tpu.dma_semaphore, #tpu.memory_space<semaphore_mem>>)
      %mul3A_1091 = arith.constant 8 : i32
      %mul3A_1092 = arith.muli %scan3A_850, %mul3A_1091 : i32
      %add3A_1093 = arith.constant 6 : i32
      %add3A_1094 = arith.addi %mul3A_1092, %add3A_1093 : i32
      %dma_start3A_1095 = arith.constant 6 : i32
      %dma_start3A_1096 = arith.constant 0 : i32
      %dma_start3A_1097 = arith.constant 0 : i32
      %dma_start3A_1098 = tpu.memref_slice %arg8[%select_n3A_861, %dma_start3A_1095, %dma_start3A_1096, %dma_start3A_1097] : memref<2x8x128x64xbf16, #tpu.memory_space<vmem>> -> memref<1x1x128x64xbf16, #tpu.memory_space<vmem>>
      %dma_start3A_1099 = tpu.memref_squeeze %dma_start3A_1098 : memref<1x1x128x64xbf16, #tpu.memory_space<vmem>> -> memref<128x64xbf16, #tpu.memory_space<vmem>>
      %dma_start3A_1100 = arith.constant 0 : i32
      %dma_start3A_1101 = tpu.memref_slice %arg6[%add3A_1094, %dma_start3A_1100] : memref<80x128xi32, #tpu.memory_space<vmem>> -> memref<1x128xi32, #tpu.memory_space<vmem>>
      %dma_start3A_1102 = tpu.memref_squeeze %dma_start3A_1101 : memref<1x128xi32, #tpu.memory_space<vmem>> -> memref<128xi32, #tpu.memory_space<vmem>>
      %dma_start3A_1103 = arith.constant 0 : i32
      %dma_start3A_1104 = arith.constant 0 : i32
      %dma_start3A_1105 = tpu.memref_slice %arg2[%dma_start3A_1103, %dma_start3A_1104] : memref<10000x64xbf16, #tpu.memory_space<hbm>> -> memref<10000x64xbf16, #tpu.memory_space<hbm>>
      tpu.enqueue_indirect_dma source(%dma_start3A_1105 : memref<10000x64xbf16, #tpu.memory_space<hbm>>) target(%dma_start3A_1099 : memref<128x64xbf16, #tpu.memory_space<vmem>>) offsets(%dma_start3A_1102 : memref<128xi32, #tpu.memory_space<vmem>>) semaphore(%arg10 : memref<!tpu.dma_semaphore, #tpu.memory_space<semaphore_mem>>)
      %mul3A_1106 = arith.constant 8 : i32
      %mul3A_1107 = arith.muli %scan3A_850, %mul3A_1106 : i32
      %add3A_1108 = arith.constant 7 : i32
      %add3A_1109 = arith.addi %mul3A_1107, %add3A_1108 : i32
      %dma_start3A_1110 = arith.constant 7 : i32
      %dma_start3A_1111 = arith.constant 0 : i32
      %dma_start3A_1112 = arith.constant 0 : i32
      %dma_start3A_1113 = tpu.memref_slice %arg8[%select_n3A_861, %dma_start3A_1110, %dma_start3A_1111, %dma_start3A_1112] : memref<2x8x128x64xbf16, #tpu.memory_space<vmem>> -> memref<1x1x128x64xbf16, #tpu.memory_space<vmem>>
      %dma_start3A_1114 = tpu.memref_squeeze %dma_start3A_1113 : memref<1x1x128x64xbf16, #tpu.memory_space<vmem>> -> memref<128x64xbf16, #tpu.memory_space<vmem>>
      %dma_start3A_1115 = arith.constant 0 : i32
      %dma_start3A_1116 = tpu.memref_slice %arg6[%add3A_1109, %dma_start3A_1115] : memref<80x128xi32, #tpu.memory_space<vmem>> -> memref<1x128xi32, #tpu.memory_space<vmem>>
      %dma_start3A_1117 = tpu.memref_squeeze %dma_start3A_1116 : memref<1x128xi32, #tpu.memory_space<vmem>> -> memref<128xi32, #tpu.memory_space<vmem>>
      %dma_start3A_1118 = arith.constant 0 : i32
      %dma_start3A_1119 = arith.constant 0 : i32
      %dma_start3A_1120 = tpu.memref_slice %arg2[%dma_start3A_1118, %dma_start3A_1119] : memref<10000x64xbf16, #tpu.memory_space<hbm>> -> memref<10000x64xbf16, #tpu.memory_space<hbm>>
      tpu.enqueue_indirect_dma source(%dma_start3A_1120 : memref<10000x64xbf16, #tpu.memory_space<hbm>>) target(%dma_start3A_1114 : memref<128x64xbf16, #tpu.memory_space<vmem>>) offsets(%dma_start3A_1117 : memref<128xi32, #tpu.memory_space<vmem>>) semaphore(%arg10 : memref<!tpu.dma_semaphore, #tpu.memory_space<semaphore_mem>>)
      %sub3A_1121 = arith.constant 1 : i32
      %sub3A_1122 = arith.subi %scan3A_850, %sub3A_1121 : i32
      %mul3A_1123 = arith.constant 8 : i32
      %mul3A_1124 = arith.muli %sub3A_1122, %mul3A_1123 : i32
      %add3A_1125 = arith.constant 0 : i32
      %add3A_1126 = arith.addi %mul3A_1124, %add3A_1125 : i32
      %dma_wait3A_1127 = arith.constant 0 : i32
      %dma_wait3A_1128 = arith.constant 0 : i32
      %dma_wait3A_1129 = arith.constant 0 : i32
      %dma_wait3A_1130 = tpu.memref_slice %arg8[%select_n3A_878, %dma_wait3A_1127, %dma_wait3A_1128, %dma_wait3A_1129] : memref<2x8x128x64xbf16, #tpu.memory_space<vmem>> -> memref<1x1x128x64xbf16, #tpu.memory_space<vmem>>
      %dma_wait3A_1131 = tpu.memref_squeeze %dma_wait3A_1130 : memref<1x1x128x64xbf16, #tpu.memory_space<vmem>> -> memref<128x64xbf16, #tpu.memory_space<vmem>>
      %dma_wait3A_1132 = arith.constant 0 : i32
      %dma_wait3A_1133 = tpu.memref_slice %arg6[%add3A_1126, %dma_wait3A_1132] : memref<80x128xi32, #tpu.memory_space<vmem>> -> memref<1x128xi32, #tpu.memory_space<vmem>>
      %dma_wait3A_1134 = tpu.memref_squeeze %dma_wait3A_1133 : memref<1x128xi32, #tpu.memory_space<vmem>> -> memref<128xi32, #tpu.memory_space<vmem>>
      %dma_wait3A_1135 = arith.constant 0 : i32
      %dma_wait3A_1136 = arith.constant 0 : i32
      %dma_wait3A_1137 = tpu.memref_slice %arg2[%dma_wait3A_1135, %dma_wait3A_1136] : memref<10000x64xbf16, #tpu.memory_space<hbm>> -> memref<10000x64xbf16, #tpu.memory_space<hbm>>
      tpu.wait_indirect_dma semaphore(%arg10 : memref<!tpu.dma_semaphore, #tpu.memory_space<semaphore_mem>>) src(%dma_wait3A_1137 : memref<10000x64xbf16, #tpu.memory_space<hbm>>) dst(%dma_wait3A_1131 : memref<128x64xbf16, #tpu.memory_space<vmem>>)
      %mul3A_1138 = arith.constant 8 : i32
      %mul3A_1139 = arith.muli %sub3A_1122, %mul3A_1138 : i32
      %add3A_1140 = arith.constant 1 : i32
      %add3A_1141 = arith.addi %mul3A_1139, %add3A_1140 : i32
      %dma_wait3A_1142 = arith.constant 1 : i32
      %dma_wait3A_1143 = arith.constant 0 : i32
      %dma_wait3A_1144 = arith.constant 0 : i32
      %dma_wait3A_1145 = tpu.memref_slice %arg8[%select_n3A_878, %dma_wait3A_1142, %dma_wait3A_1143, %dma_wait3A_1144] : memref<2x8x128x64xbf16, #tpu.memory_space<vmem>> -> memref<1x1x128x64xbf16, #tpu.memory_space<vmem>>
      %dma_wait3A_1146 = tpu.memref_squeeze %dma_wait3A_1145 : memref<1x1x128x64xbf16, #tpu.memory_space<vmem>> -> memref<128x64xbf16, #tpu.memory_space<vmem>>
      %dma_wait3A_1147 = arith.constant 0 : i32
      %dma_wait3A_1148 = tpu.memref_slice %arg6[%add3A_1141, %dma_wait3A_1147] : memref<80x128xi32, #tpu.memory_space<vmem>> -> memref<1x128xi32, #tpu.memory_space<vmem>>
      %dma_wait3A_1149 = tpu.memref_squeeze %dma_wait3A_1148 : memref<1x128xi32, #tpu.memory_space<vmem>> -> memref<128xi32, #tpu.memory_space<vmem>>
      %dma_wait3A_1150 = arith.constant 0 : i32
      %dma_wait3A_1151 = arith.constant 0 : i32
      %dma_wait3A_1152 = tpu.memref_slice %arg2[%dma_wait3A_1150, %dma_wait3A_1151] : memref<10000x64xbf16, #tpu.memory_space<hbm>> -> memref<10000x64xbf16, #tpu.memory_space<hbm>>
      tpu.wait_indirect_dma semaphore(%arg10 : memref<!tpu.dma_semaphore, #tpu.memory_space<semaphore_mem>>) src(%dma_wait3A_1152 : memref<10000x64xbf16, #tpu.memory_space<hbm>>) dst(%dma_wait3A_1146 : memref<128x64xbf16, #tpu.memory_space<vmem>>)
      %mul3A_1153 = arith.constant 8 : i32
      %mul3A_1154 = arith.muli %sub3A_1122, %mul3A_1153 : i32
      %add3A_1155 = arith.constant 2 : i32
      %add3A_1156 = arith.addi %mul3A_1154, %add3A_1155 : i32
      %dma_wait3A_1157 = arith.constant 2 : i32
      %dma_wait3A_1158 = arith.constant 0 : i32
      %dma_wait3A_1159 = arith.constant 0 : i32
      %dma_wait3A_1160 = tpu.memref_slice %arg8[%select_n3A_878, %dma_wait3A_1157, %dma_wait3A_1158, %dma_wait3A_1159] : memref<2x8x128x64xbf16, #tpu.memory_space<vmem>> -> memref<1x1x128x64xbf16, #tpu.memory_space<vmem>>
      %dma_wait3A_1161 = tpu.memref_squeeze %dma_wait3A_1160 : memref<1x1x128x64xbf16, #tpu.memory_space<vmem>> -> memref<128x64xbf16, #tpu.memory_space<vmem>>
      %dma_wait3A_1162 = arith.constant 0 : i32
      %dma_wait3A_1163 = tpu.memref_slice %arg6[%add3A_1156, %dma_wait3A_1162] : memref<80x128xi32, #tpu.memory_space<vmem>> -> memref<1x128xi32, #tpu.memory_space<vmem>>
      %dma_wait3A_1164 = tpu.memref_squeeze %dma_wait3A_1163 : memref<1x128xi32, #tpu.memory_space<vmem>> -> memref<128xi32, #tpu.memory_space<vmem>>
      %dma_wait3A_1165 = arith.constant 0 : i32
      %dma_wait3A_1166 = arith.constant 0 : i32
      %dma_wait3A_1167 = tpu.memref_slice %arg2[%dma_wait3A_1165, %dma_wait3A_1166] : memref<10000x64xbf16, #tpu.memory_space<hbm>> -> memref<10000x64xbf16, #tpu.memory_space<hbm>>
      tpu.wait_indirect_dma semaphore(%arg10 : memref<!tpu.dma_semaphore, #tpu.memory_space<semaphore_mem>>) src(%dma_wait3A_1167 : memref<10000x64xbf16, #tpu.memory_space<hbm>>) dst(%dma_wait3A_1161 : memref<128x64xbf16, #tpu.memory_space<vmem>>)
      %mul3A_1168 = arith.constant 8 : i32
      %mul3A_1169 = arith.muli %sub3A_1122, %mul3A_1168 : i32
      %add3A_1170 = arith.constant 3 : i32
      %add3A_1171 = arith.addi %mul3A_1169, %add3A_1170 : i32
      %dma_wait3A_1172 = arith.constant 3 : i32
      %dma_wait3A_1173 = arith.constant 0 : i32
      %dma_wait3A_1174 = arith.constant 0 : i32
      %dma_wait3A_1175 = tpu.memref_slice %arg8[%select_n3A_878, %dma_wait3A_1172, %dma_wait3A_1173, %dma_wait3A_1174] : memref<2x8x128x64xbf16, #tpu.memory_space<vmem>> -> memref<1x1x128x64xbf16, #tpu.memory_space<vmem>>
      %dma_wait3A_1176 = tpu.memref_squeeze %dma_wait3A_1175 : memref<1x1x128x64xbf16, #tpu.memory_space<vmem>> -> memref<128x64xbf16, #tpu.memory_space<vmem>>
      %dma_wait3A_1177 = arith.constant 0 : i32
      %dma_wait3A_1178 = tpu.memref_slice %arg6[%add3A_1171, %dma_wait3A_1177] : memref<80x128xi32, #tpu.memory_space<vmem>> -> memref<1x128xi32, #tpu.memory_space<vmem>>
      %dma_wait3A_1179 = tpu.memref_squeeze %dma_wait3A_1178 : memref<1x128xi32, #tpu.memory_space<vmem>> -> memref<128xi32, #tpu.memory_space<vmem>>
      %dma_wait3A_1180 = arith.constant 0 : i32
      %dma_wait3A_1181 = arith.constant 0 : i32
      %dma_wait3A_1182 = tpu.memref_slice %arg2[%dma_wait3A_1180, %dma_wait3A_1181] : memref<10000x64xbf16, #tpu.memory_space<hbm>> -> memref<10000x64xbf16, #tpu.memory_space<hbm>>
      tpu.wait_indirect_dma semaphore(%arg10 : memref<!tpu.dma_semaphore, #tpu.memory_space<semaphore_mem>>) src(%dma_wait3A_1182 : memref<10000x64xbf16, #tpu.memory_space<hbm>>) dst(%dma_wait3A_1176 : memref<128x64xbf16, #tpu.memory_space<vmem>>)
      %mul3A_1183 = arith.constant 8 : i32
      %mul3A_1184 = arith.muli %sub3A_1122, %mul3A_1183 : i32
      %add3A_1185 = arith.constant 4 : i32
      %add3A_1186 = arith.addi %mul3A_1184, %add3A_1185 : i32
      %dma_wait3A_1187 = arith.constant 4 : i32
      %dma_wait3A_1188 = arith.constant 0 : i32
      %dma_wait3A_1189 = arith.constant 0 : i32
      %dma_wait3A_1190 = tpu.memref_slice %arg8[%select_n3A_878, %dma_wait3A_1187, %dma_wait3A_1188, %dma_wait3A_1189] : memref<2x8x128x64xbf16, #tpu.memory_space<vmem>> -> memref<1x1x128x64xbf16, #tpu.memory_space<vmem>>
      %dma_wait3A_1191 = tpu.memref_squeeze %dma_wait3A_1190 : memref<1x1x128x64xbf16, #tpu.memory_space<vmem>> -> memref<128x64xbf16, #tpu.memory_space<vmem>>
      %dma_wait3A_1192 = arith.constant 0 : i32
      %dma_wait3A_1193 = tpu.memref_slice %arg6[%add3A_1186, %dma_wait3A_1192] : memref<80x128xi32, #tpu.memory_space<vmem>> -> memref<1x128xi32, #tpu.memory_space<vmem>>
      %dma_wait3A_1194 = tpu.memref_squeeze %dma_wait3A_1193 : memref<1x128xi32, #tpu.memory_space<vmem>> -> memref<128xi32, #tpu.memory_space<vmem>>
      %dma_wait3A_1195 = arith.constant 0 : i32
      %dma_wait3A_1196 = arith.constant 0 : i32
      %dma_wait3A_1197 = tpu.memref_slice %arg2[%dma_wait3A_1195, %dma_wait3A_1196] : memref<10000x64xbf16, #tpu.memory_space<hbm>> -> memref<10000x64xbf16, #tpu.memory_space<hbm>>
      tpu.wait_indirect_dma semaphore(%arg10 : memref<!tpu.dma_semaphore, #tpu.memory_space<semaphore_mem>>) src(%dma_wait3A_1197 : memref<10000x64xbf16, #tpu.memory_space<hbm>>) dst(%dma_wait3A_1191 : memref<128x64xbf16, #tpu.memory_space<vmem>>)
      %mul3A_1198 = arith.constant 8 : i32
      %mul3A_1199 = arith.muli %sub3A_1122, %mul3A_1198 : i32
      %add3A_1200 = arith.constant 5 : i32
      %add3A_1201 = arith.addi %mul3A_1199, %add3A_1200 : i32
      %dma_wait3A_1202 = arith.constant 5 : i32
      %dma_wait3A_1203 = arith.constant 0 : i32
      %dma_wait3A_1204 = arith.constant 0 : i32
      %dma_wait3A_1205 = tpu.memref_slice %arg8[%select_n3A_878, %dma_wait3A_1202, %dma_wait3A_1203, %dma_wait3A_1204] : memref<2x8x128x64xbf16, #tpu.memory_space<vmem>> -> memref<1x1x128x64xbf16, #tpu.memory_space<vmem>>
      %dma_wait3A_1206 = tpu.memref_squeeze %dma_wait3A_1205 : memref<1x1x128x64xbf16, #tpu.memory_space<vmem>> -> memref<128x64xbf16, #tpu.memory_space<vmem>>
      %dma_wait3A_1207 = arith.constant 0 : i32
      %dma_wait3A_1208 = tpu.memref_slice %arg6[%add3A_1201, %dma_wait3A_1207] : memref<80x128xi32, #tpu.memory_space<vmem>> -> memref<1x128xi32, #tpu.memory_space<vmem>>
      %dma_wait3A_1209 = tpu.memref_squeeze %dma_wait3A_1208 : memref<1x128xi32, #tpu.memory_space<vmem>> -> memref<128xi32, #tpu.memory_space<vmem>>
      %dma_wait3A_1210 = arith.constant 0 : i32
      %dma_wait3A_1211 = arith.constant 0 : i32
      %dma_wait3A_1212 = tpu.memref_slice %arg2[%dma_wait3A_1210, %dma_wait3A_1211] : memref<10000x64xbf16, #tpu.memory_space<hbm>> -> memref<10000x64xbf16, #tpu.memory_space<hbm>>
      tpu.wait_indirect_dma semaphore(%arg10 : memref<!tpu.dma_semaphore, #tpu.memory_space<semaphore_mem>>) src(%dma_wait3A_1212 : memref<10000x64xbf16, #tpu.memory_space<hbm>>) dst(%dma_wait3A_1206 : memref<128x64xbf16, #tpu.memory_space<vmem>>)
      %mul3A_1213 = arith.constant 8 : i32
      %mul3A_1214 = arith.muli %sub3A_1122, %mul3A_1213 : i32
      %add3A_1215 = arith.constant 6 : i32
      %add3A_1216 = arith.addi %mul3A_1214, %add3A_1215 : i32
      %dma_wait3A_1217 = arith.constant 6 : i32
      %dma_wait3A_1218 = arith.constant 0 : i32
      %dma_wait3A_1219 = arith.constant 0 : i32
      %dma_wait3A_1220 = tpu.memref_slice %arg8[%select_n3A_878, %dma_wait3A_1217, %dma_wait3A_1218, %dma_wait3A_1219] : memref<2x8x128x64xbf16, #tpu.memory_space<vmem>> -> memref<1x1x128x64xbf16, #tpu.memory_space<vmem>>
      %dma_wait3A_1221 = tpu.memref_squeeze %dma_wait3A_1220 : memref<1x1x128x64xbf16, #tpu.memory_space<vmem>> -> memref<128x64xbf16, #tpu.memory_space<vmem>>
      %dma_wait3A_1222 = arith.constant 0 : i32
      %dma_wait3A_1223 = tpu.memref_slice %arg6[%add3A_1216, %dma_wait3A_1222] : memref<80x128xi32, #tpu.memory_space<vmem>> -> memref<1x128xi32, #tpu.memory_space<vmem>>
      %dma_wait3A_1224 = tpu.memref_squeeze %dma_wait3A_1223 : memref<1x128xi32, #tpu.memory_space<vmem>> -> memref<128xi32, #tpu.memory_space<vmem>>
      %dma_wait3A_1225 = arith.constant 0 : i32
      %dma_wait3A_1226 = arith.constant 0 : i32
      %dma_wait3A_1227 = tpu.memref_slice %arg2[%dma_wait3A_1225, %dma_wait3A_1226] : memref<10000x64xbf16, #tpu.memory_space<hbm>> -> memref<10000x64xbf16, #tpu.memory_space<hbm>>
      tpu.wait_indirect_dma semaphore(%arg10 : memref<!tpu.dma_semaphore, #tpu.memory_space<semaphore_mem>>) src(%dma_wait3A_1227 : memref<10000x64xbf16, #tpu.memory_space<hbm>>) dst(%dma_wait3A_1221 : memref<128x64xbf16, #tpu.memory_space<vmem>>)
      %mul3A_1228 = arith.constant 8 : i32
      %mul3A_1229 = arith.muli %sub3A_1122, %mul3A_1228 : i32
      %add3A_1230 = arith.constant 7 : i32
      %add3A_1231 = arith.addi %mul3A_1229, %add3A_1230 : i32
      %dma_wait3A_1232 = arith.constant 7 : i32
      %dma_wait3A_1233 = arith.constant 0 : i32
      %dma_wait3A_1234 = arith.constant 0 : i32
      %dma_wait3A_1235 = tpu.memref_slice %arg8[%select_n3A_878, %dma_wait3A_1232, %dma_wait3A_1233, %dma_wait3A_1234] : memref<2x8x128x64xbf16, #tpu.memory_space<vmem>> -> memref<1x1x128x64xbf16, #tpu.memory_space<vmem>>
      %dma_wait3A_1236 = tpu.memref_squeeze %dma_wait3A_1235 : memref<1x1x128x64xbf16, #tpu.memory_space<vmem>> -> memref<128x64xbf16, #tpu.memory_space<vmem>>
      %dma_wait3A_1237 = arith.constant 0 : i32
      %dma_wait3A_1238 = tpu.memref_slice %arg6[%add3A_1231, %dma_wait3A_1237] : memref<80x128xi32, #tpu.memory_space<vmem>> -> memref<1x128xi32, #tpu.memory_space<vmem>>
      %dma_wait3A_1239 = tpu.memref_squeeze %dma_wait3A_1238 : memref<1x128xi32, #tpu.memory_space<vmem>> -> memref<128xi32, #tpu.memory_space<vmem>>
      %dma_wait3A_1240 = arith.constant 0 : i32
      %dma_wait3A_1241 = arith.constant 0 : i32
      %dma_wait3A_1242 = tpu.memref_slice %arg2[%dma_wait3A_1240, %dma_wait3A_1241] : memref<10000x64xbf16, #tpu.memory_space<hbm>> -> memref<10000x64xbf16, #tpu.memory_space<hbm>>
      tpu.wait_indirect_dma semaphore(%arg10 : memref<!tpu.dma_semaphore, #tpu.memory_space<semaphore_mem>>) src(%dma_wait3A_1242 : memref<10000x64xbf16, #tpu.memory_space<hbm>>) dst(%dma_wait3A_1236 : memref<128x64xbf16, #tpu.memory_space<vmem>>)
      %sub3A_1243 = arith.constant 1 : i32
      %sub3A_1244 = arith.subi %scan3A_850, %sub3A_1243 : i32
      %mul3A_1245 = arith.constant 8 : i32
      %mul3A_1246 = arith.muli %sub3A_1244, %mul3A_1245 : i32
      %add3A_1247 = arith.constant 0 : i32
      %add3A_1248 = arith.addi %mul3A_1246, %add3A_1247 : i32
      %dma_start3A_1249 = arith.constant 0 : i32
      %dma_start3A_1250 = arith.constant 0 : i32
      %dma_start3A_1251 = arith.constant 0 : i32
      %dma_start3A_1252 = tpu.memref_slice %arg8[%select_n3A_878, %dma_start3A_1249, %dma_start3A_1250, %dma_start3A_1251] : memref<2x8x128x64xbf16, #tpu.memory_space<vmem>> -> memref<1x1x128x64xbf16, #tpu.memory_space<vmem>>
      %dma_start3A_1253 = tpu.memref_squeeze %dma_start3A_1252 : memref<1x1x128x64xbf16, #tpu.memory_space<vmem>> -> memref<128x64xbf16, #tpu.memory_space<vmem>>
      %dma_start3A_1254 = arith.constant 0 : i32
      %dma_start3A_1255 = tpu.memref_slice %arg7[%add3A_1248, %dma_start3A_1254] : memref<80x128xi32, #tpu.memory_space<vmem>> -> memref<1x128xi32, #tpu.memory_space<vmem>>
      %dma_start3A_1256 = tpu.memref_squeeze %dma_start3A_1255 : memref<1x128xi32, #tpu.memory_space<vmem>> -> memref<128xi32, #tpu.memory_space<vmem>>
      %dma_start3A_1257 = arith.constant 0 : i32
      %dma_start3A_1258 = arith.constant 0 : i32
      %dma_start3A_1259 = tpu.memref_slice %arg9[%dma_start3A_1257, %dma_start3A_1258] : memref<10240x64xbf16, #tpu.memory_space<vmem_shared>> -> memref<10240x64xbf16, #tpu.memory_space<vmem_shared>>
      tpu.enqueue_indirect_dma source(%dma_start3A_1253 : memref<128x64xbf16, #tpu.memory_space<vmem>>) target(%dma_start3A_1259 : memref<10240x64xbf16, #tpu.memory_space<vmem_shared>>) offsets(%dma_start3A_1256 : memref<128xi32, #tpu.memory_space<vmem>>) semaphore(%arg11 : memref<!tpu.dma_semaphore, #tpu.memory_space<semaphore_mem>>) {add = true}
      %mul3A_1260 = arith.constant 8 : i32
      %mul3A_1261 = arith.muli %sub3A_1244, %mul3A_1260 : i32
      %add3A_1262 = arith.constant 1 : i32
      %add3A_1263 = arith.addi %mul3A_1261, %add3A_1262 : i32
      %dma_start3A_1264 = arith.constant 1 : i32
      %dma_start3A_1265 = arith.constant 0 : i32
      %dma_start3A_1266 = arith.constant 0 : i32
      %dma_start3A_1267 = tpu.memref_slice %arg8[%select_n3A_878, %dma_start3A_1264, %dma_start3A_1265, %dma_start3A_1266] : memref<2x8x128x64xbf16, #tpu.memory_space<vmem>> -> memref<1x1x128x64xbf16, #tpu.memory_space<vmem>>
      %dma_start3A_1268 = tpu.memref_squeeze %dma_start3A_1267 : memref<1x1x128x64xbf16, #tpu.memory_space<vmem>> -> memref<128x64xbf16, #tpu.memory_space<vmem>>
      %dma_start3A_1269 = arith.constant 0 : i32
      %dma_start3A_1270 = tpu.memref_slice %arg7[%add3A_1263, %dma_start3A_1269] : memref<80x128xi32, #tpu.memory_space<vmem>> -> memref<1x128xi32, #tpu.memory_space<vmem>>
      %dma_start3A_1271 = tpu.memref_squeeze %dma_start3A_1270 : memref<1x128xi32, #tpu.memory_space<vmem>> -> memref<128xi32, #tpu.memory_space<vmem>>
      %dma_start3A_1272 = arith.constant 0 : i32
      %dma_start3A_1273 = arith.constant 0 : i32
      %dma_start3A_1274 = tpu.memref_slice %arg9[%dma_start3A_1272, %dma_start3A_1273] : memref<10240x64xbf16, #tpu.memory_space<vmem_shared>> -> memref<10240x64xbf16, #tpu.memory_space<vmem_shared>>
      tpu.enqueue_indirect_dma source(%dma_start3A_1268 : memref<128x64xbf16, #tpu.memory_space<vmem>>) target(%dma_start3A_1274 : memref<10240x64xbf16, #tpu.memory_space<vmem_shared>>) offsets(%dma_start3A_1271 : memref<128xi32, #tpu.memory_space<vmem>>) semaphore(%arg11 : memref<!tpu.dma_semaphore, #tpu.memory_space<semaphore_mem>>) {add = true}
      %mul3A_1275 = arith.constant 8 : i32
      %mul3A_1276 = arith.muli %sub3A_1244, %mul3A_1275 : i32
      %add3A_1277 = arith.constant 2 : i32
      %add3A_1278 = arith.addi %mul3A_1276, %add3A_1277 : i32
      %dma_start3A_1279 = arith.constant 2 : i32
      %dma_start3A_1280 = arith.constant 0 : i32
      %dma_start3A_1281 = arith.constant 0 : i32
      %dma_start3A_1282 = tpu.memref_slice %arg8[%select_n3A_878, %dma_start3A_1279, %dma_start3A_1280, %dma_start3A_1281] : memref<2x8x128x64xbf16, #tpu.memory_space<vmem>> -> memref<1x1x128x64xbf16, #tpu.memory_space<vmem>>
      %dma_start3A_1283 = tpu.memref_squeeze %dma_start3A_1282 : memref<1x1x128x64xbf16, #tpu.memory_space<vmem>> -> memref<128x64xbf16, #tpu.memory_space<vmem>>
      %dma_start3A_1284 = arith.constant 0 : i32
      %dma_start3A_1285 = tpu.memref_slice %arg7[%add3A_1278, %dma_start3A_1284] : memref<80x128xi32, #tpu.memory_space<vmem>> -> memref<1x128xi32, #tpu.memory_space<vmem>>
      %dma_start3A_1286 = tpu.memref_squeeze %dma_start3A_1285 : memref<1x128xi32, #tpu.memory_space<vmem>> -> memref<128xi32, #tpu.memory_space<vmem>>
      %dma_start3A_1287 = arith.constant 0 : i32
      %dma_start3A_1288 = arith.constant 0 : i32
      %dma_start3A_1289 = tpu.memref_slice %arg9[%dma_start3A_1287, %dma_start3A_1288] : memref<10240x64xbf16, #tpu.memory_space<vmem_shared>> -> memref<10240x64xbf16, #tpu.memory_space<vmem_shared>>
      tpu.enqueue_indirect_dma source(%dma_start3A_1283 : memref<128x64xbf16, #tpu.memory_space<vmem>>) target(%dma_start3A_1289 : memref<10240x64xbf16, #tpu.memory_space<vmem_shared>>) offsets(%dma_start3A_1286 : memref<128xi32, #tpu.memory_space<vmem>>) semaphore(%arg11 : memref<!tpu.dma_semaphore, #tpu.memory_space<semaphore_mem>>) {add = true}
      %mul3A_1290 = arith.constant 8 : i32
      %mul3A_1291 = arith.muli %sub3A_1244, %mul3A_1290 : i32
      %add3A_1292 = arith.constant 3 : i32
      %add3A_1293 = arith.addi %mul3A_1291, %add3A_1292 : i32
      %dma_start3A_1294 = arith.constant 3 : i32
      %dma_start3A_1295 = arith.constant 0 : i32
      %dma_start3A_1296 = arith.constant 0 : i32
      %dma_start3A_1297 = tpu.memref_slice %arg8[%select_n3A_878, %dma_start3A_1294, %dma_start3A_1295, %dma_start3A_1296] : memref<2x8x128x64xbf16, #tpu.memory_space<vmem>> -> memref<1x1x128x64xbf16, #tpu.memory_space<vmem>>
      %dma_start3A_1298 = tpu.memref_squeeze %dma_start3A_1297 : memref<1x1x128x64xbf16, #tpu.memory_space<vmem>> -> memref<128x64xbf16, #tpu.memory_space<vmem>>
      %dma_start3A_1299 = arith.constant 0 : i32
      %dma_start3A_1300 = tpu.memref_slice %arg7[%add3A_1293, %dma_start3A_1299] : memref<80x128xi32, #tpu.memory_space<vmem>> -> memref<1x128xi32, #tpu.memory_space<vmem>>
      %dma_start3A_1301 = tpu.memref_squeeze %dma_start3A_1300 : memref<1x128xi32, #tpu.memory_space<vmem>> -> memref<128xi32, #tpu.memory_space<vmem>>
      %dma_start3A_1302 = arith.constant 0 : i32
      %dma_start3A_1303 = arith.constant 0 : i32
      %dma_start3A_1304 = tpu.memref_slice %arg9[%dma_start3A_1302, %dma_start3A_1303] : memref<10240x64xbf16, #tpu.memory_space<vmem_shared>> -> memref<10240x64xbf16, #tpu.memory_space<vmem_shared>>
      tpu.enqueue_indirect_dma source(%dma_start3A_1298 : memref<128x64xbf16, #tpu.memory_space<vmem>>) target(%dma_start3A_1304 : memref<10240x64xbf16, #tpu.memory_space<vmem_shared>>) offsets(%dma_start3A_1301 : memref<128xi32, #tpu.memory_space<vmem>>) semaphore(%arg11 : memref<!tpu.dma_semaphore, #tpu.memory_space<semaphore_mem>>) {add = true}
      %mul3A_1305 = arith.constant 8 : i32
      %mul3A_1306 = arith.muli %sub3A_1244, %mul3A_1305 : i32
      %add3A_1307 = arith.constant 4 : i32
      %add3A_1308 = arith.addi %mul3A_1306, %add3A_1307 : i32
      %dma_start3A_1309 = arith.constant 4 : i32
      %dma_start3A_1310 = arith.constant 0 : i32
      %dma_start3A_1311 = arith.constant 0 : i32
      %dma_start3A_1312 = tpu.memref_slice %arg8[%select_n3A_878, %dma_start3A_1309, %dma_start3A_1310, %dma_start3A_1311] : memref<2x8x128x64xbf16, #tpu.memory_space<vmem>> -> memref<1x1x128x64xbf16, #tpu.memory_space<vmem>>
      %dma_start3A_1313 = tpu.memref_squeeze %dma_start3A_1312 : memref<1x1x128x64xbf16, #tpu.memory_space<vmem>> -> memref<128x64xbf16, #tpu.memory_space<vmem>>
      %dma_start3A_1314 = arith.constant 0 : i32
      %dma_start3A_1315 = tpu.memref_slice %arg7[%add3A_1308, %dma_start3A_1314] : memref<80x128xi32, #tpu.memory_space<vmem>> -> memref<1x128xi32, #tpu.memory_space<vmem>>
      %dma_start3A_1316 = tpu.memref_squeeze %dma_start3A_1315 : memref<1x128xi32, #tpu.memory_space<vmem>> -> memref<128xi32, #tpu.memory_space<vmem>>
      %dma_start3A_1317 = arith.constant 0 : i32
      %dma_start3A_1318 = arith.constant 0 : i32
      %dma_start3A_1319 = tpu.memref_slice %arg9[%dma_start3A_1317, %dma_start3A_1318] : memref<10240x64xbf16, #tpu.memory_space<vmem_shared>> -> memref<10240x64xbf16, #tpu.memory_space<vmem_shared>>
      tpu.enqueue_indirect_dma source(%dma_start3A_1313 : memref<128x64xbf16, #tpu.memory_space<vmem>>) target(%dma_start3A_1319 : memref<10240x64xbf16, #tpu.memory_space<vmem_shared>>) offsets(%dma_start3A_1316 : memref<128xi32, #tpu.memory_space<vmem>>) semaphore(%arg11 : memref<!tpu.dma_semaphore, #tpu.memory_space<semaphore_mem>>) {add = true}
      %mul3A_1320 = arith.constant 8 : i32
      %mul3A_1321 = arith.muli %sub3A_1244, %mul3A_1320 : i32
      %add3A_1322 = arith.constant 5 : i32
      %add3A_1323 = arith.addi %mul3A_1321, %add3A_1322 : i32
      %dma_start3A_1324 = arith.constant 5 : i32
      %dma_start3A_1325 = arith.constant 0 : i32
      %dma_start3A_1326 = arith.constant 0 : i32
      %dma_start3A_1327 = tpu.memref_slice %arg8[%select_n3A_878, %dma_start3A_1324, %dma_start3A_1325, %dma_start3A_1326] : memref<2x8x128x64xbf16, #tpu.memory_space<vmem>> -> memref<1x1x128x64xbf16, #tpu.memory_space<vmem>>
      %dma_start3A_1328 = tpu.memref_squeeze %dma_start3A_1327 : memref<1x1x128x64xbf16, #tpu.memory_space<vmem>> -> memref<128x64xbf16, #tpu.memory_space<vmem>>
      %dma_start3A_1329 = arith.constant 0 : i32
      %dma_start3A_1330 = tpu.memref_slice %arg7[%add3A_1323, %dma_start3A_1329] : memref<80x128xi32, #tpu.memory_space<vmem>> -> memref<1x128xi32, #tpu.memory_space<vmem>>
      %dma_start3A_1331 = tpu.memref_squeeze %dma_start3A_1330 : memref<1x128xi32, #tpu.memory_space<vmem>> -> memref<128xi32, #tpu.memory_space<vmem>>
      %dma_start3A_1332 = arith.constant 0 : i32
      %dma_start3A_1333 = arith.constant 0 : i32
      %dma_start3A_1334 = tpu.memref_slice %arg9[%dma_start3A_1332, %dma_start3A_1333] : memref<10240x64xbf16, #tpu.memory_space<vmem_shared>> -> memref<10240x64xbf16, #tpu.memory_space<vmem_shared>>
      tpu.enqueue_indirect_dma source(%dma_start3A_1328 : memref<128x64xbf16, #tpu.memory_space<vmem>>) target(%dma_start3A_1334 : memref<10240x64xbf16, #tpu.memory_space<vmem_shared>>) offsets(%dma_start3A_1331 : memref<128xi32, #tpu.memory_space<vmem>>) semaphore(%arg11 : memref<!tpu.dma_semaphore, #tpu.memory_space<semaphore_mem>>) {add = true}
      %mul3A_1335 = arith.constant 8 : i32
      %mul3A_1336 = arith.muli %sub3A_1244, %mul3A_1335 : i32
      %add3A_1337 = arith.constant 6 : i32
      %add3A_1338 = arith.addi %mul3A_1336, %add3A_1337 : i32
      %dma_start3A_1339 = arith.constant 6 : i32
      %dma_start3A_1340 = arith.constant 0 : i32
      %dma_start3A_1341 = arith.constant 0 : i32
      %dma_start3A_1342 = tpu.memref_slice %arg8[%select_n3A_878, %dma_start3A_1339, %dma_start3A_1340, %dma_start3A_1341] : memref<2x8x128x64xbf16, #tpu.memory_space<vmem>> -> memref<1x1x128x64xbf16, #tpu.memory_space<vmem>>
      %dma_start3A_1343 = tpu.memref_squeeze %dma_start3A_1342 : memref<1x1x128x64xbf16, #tpu.memory_space<vmem>> -> memref<128x64xbf16, #tpu.memory_space<vmem>>
      %dma_start3A_1344 = arith.constant 0 : i32
      %dma_start3A_1345 = tpu.memref_slice %arg7[%add3A_1338, %dma_start3A_1344] : memref<80x128xi32, #tpu.memory_space<vmem>> -> memref<1x128xi32, #tpu.memory_space<vmem>>
      %dma_start3A_1346 = tpu.memref_squeeze %dma_start3A_1345 : memref<1x128xi32, #tpu.memory_space<vmem>> -> memref<128xi32, #tpu.memory_space<vmem>>
      %dma_start3A_1347 = arith.constant 0 : i32
      %dma_start3A_1348 = arith.constant 0 : i32
      %dma_start3A_1349 = tpu.memref_slice %arg9[%dma_start3A_1347, %dma_start3A_1348] : memref<10240x64xbf16, #tpu.memory_space<vmem_shared>> -> memref<10240x64xbf16, #tpu.memory_space<vmem_shared>>
      tpu.enqueue_indirect_dma source(%dma_start3A_1343 : memref<128x64xbf16, #tpu.memory_space<vmem>>) target(%dma_start3A_1349 : memref<10240x64xbf16, #tpu.memory_space<vmem_shared>>) offsets(%dma_start3A_1346 : memref<128xi32, #tpu.memory_space<vmem>>) semaphore(%arg11 : memref<!tpu.dma_semaphore, #tpu.memory_space<semaphore_mem>>) {add = true}
      %mul3A_1350 = arith.constant 8 : i32
      %mul3A_1351 = arith.muli %sub3A_1244, %mul3A_1350 : i32
      %add3A_1352 = arith.constant 7 : i32
      %add3A_1353 = arith.addi %mul3A_1351, %add3A_1352 : i32
      %dma_start3A_1354 = arith.constant 7 : i32
      %dma_start3A_1355 = arith.constant 0 : i32
      %dma_start3A_1356 = arith.constant 0 : i32
      %dma_start3A_1357 = tpu.memref_slice %arg8[%select_n3A_878, %dma_start3A_1354, %dma_start3A_1355, %dma_start3A_1356] : memref<2x8x128x64xbf16, #tpu.memory_space<vmem>> -> memref<1x1x128x64xbf16, #tpu.memory_space<vmem>>
      %dma_start3A_1358 = tpu.memref_squeeze %dma_start3A_1357 : memref<1x1x128x64xbf16, #tpu.memory_space<vmem>> -> memref<128x64xbf16, #tpu.memory_space<vmem>>
      %dma_start3A_1359 = arith.constant 0 : i32
      %dma_start3A_1360 = tpu.memref_slice %arg7[%add3A_1353, %dma_start3A_1359] : memref<80x128xi32, #tpu.memory_space<vmem>> -> memref<1x128xi32, #tpu.memory_space<vmem>>
      %dma_start3A_1361 = tpu.memref_squeeze %dma_start3A_1360 : memref<1x128xi32, #tpu.memory_space<vmem>> -> memref<128xi32, #tpu.memory_space<vmem>>
      %dma_start3A_1362 = arith.constant 0 : i32
      %dma_start3A_1363 = arith.constant 0 : i32
      %dma_start3A_1364 = tpu.memref_slice %arg9[%dma_start3A_1362, %dma_start3A_1363] : memref<10240x64xbf16, #tpu.memory_space<vmem_shared>> -> memref<10240x64xbf16, #tpu.memory_space<vmem_shared>>
      tpu.enqueue_indirect_dma source(%dma_start3A_1358 : memref<128x64xbf16, #tpu.memory_space<vmem>>) target(%dma_start3A_1364 : memref<10240x64xbf16, #tpu.memory_space<vmem_shared>>) offsets(%dma_start3A_1361 : memref<128xi32, #tpu.memory_space<vmem>>) semaphore(%arg11 : memref<!tpu.dma_semaphore, #tpu.memory_space<semaphore_mem>>) {add = true}
    }
    %scan3A_428 = arith.constant 8 : i32
    %dma_wait3A_429 = arith.constant 72 : i32
    %dma_wait3A_430 = arith.constant 1 : i32
    %dma_wait3A_431 = arith.constant 0 : i32
    %dma_wait3A_432 = arith.constant 0 : i32
    %dma_wait3A_433 = arith.constant 0 : i32
    %dma_wait3A_434 = tpu.memref_slice %arg8[%dma_wait3A_430, %dma_wait3A_431, %dma_wait3A_432, %dma_wait3A_433] : memref<2x8x128x64xbf16, #tpu.memory_space<vmem>> -> memref<1x1x128x64xbf16, #tpu.memory_space<vmem>>
    %dma_wait3A_435 = tpu.memref_squeeze %dma_wait3A_434 : memref<1x1x128x64xbf16, #tpu.memory_space<vmem>> -> memref<128x64xbf16, #tpu.memory_space<vmem>>
    %dma_wait3A_436 = arith.constant 0 : i32
    %dma_wait3A_437 = tpu.memref_slice %arg6[%dma_wait3A_429, %dma_wait3A_436] : memref<80x128xi32, #tpu.memory_space<vmem>> -> memref<1x128xi32, #tpu.memory_space<vmem>>
    %dma_wait3A_438 = tpu.memref_squeeze %dma_wait3A_437 : memref<1x128xi32, #tpu.memory_space<vmem>> -> memref<128xi32, #tpu.memory_space<vmem>>
    %dma_wait3A_439 = arith.constant 0 : i32
    %dma_wait3A_440 = arith.constant 0 : i32
    %dma_wait3A_441 = tpu.memref_slice %arg2[%dma_wait3A_439, %dma_wait3A_440] : memref<10000x64xbf16, #tpu.memory_space<hbm>> -> memref<10000x64xbf16, #tpu.memory_space<hbm>>
    tpu.wait_indirect_dma semaphore(%arg10 : memref<!tpu.dma_semaphore, #tpu.memory_space<semaphore_mem>>) src(%dma_wait3A_441 : memref<10000x64xbf16, #tpu.memory_space<hbm>>) dst(%dma_wait3A_435 : memref<128x64xbf16, #tpu.memory_space<vmem>>)
    %dma_wait3A_442 = arith.constant 73 : i32
    %dma_wait3A_443 = arith.constant 1 : i32
    %dma_wait3A_444 = arith.constant 1 : i32
    %dma_wait3A_445 = arith.constant 0 : i32
    %dma_wait3A_446 = arith.constant 0 : i32
    %dma_wait3A_447 = tpu.memref_slice %arg8[%dma_wait3A_443, %dma_wait3A_444, %dma_wait3A_445, %dma_wait3A_446] : memref<2x8x128x64xbf16, #tpu.memory_space<vmem>> -> memref<1x1x128x64xbf16, #tpu.memory_space<vmem>>
    %dma_wait3A_448 = tpu.memref_squeeze %dma_wait3A_447 : memref<1x1x128x64xbf16, #tpu.memory_space<vmem>> -> memref<128x64xbf16, #tpu.memory_space<vmem>>
    %dma_wait3A_449 = arith.constant 0 : i32
    %dma_wait3A_450 = tpu.memref_slice %arg6[%dma_wait3A_442, %dma_wait3A_449] : memref<80x128xi32, #tpu.memory_space<vmem>> -> memref<1x128xi32, #tpu.memory_space<vmem>>
    %dma_wait3A_451 = tpu.memref_squeeze %dma_wait3A_450 : memref<1x128xi32, #tpu.memory_space<vmem>> -> memref<128xi32, #tpu.memory_space<vmem>>
    %dma_wait3A_452 = arith.constant 0 : i32
    %dma_wait3A_453 = arith.constant 0 : i32
    %dma_wait3A_454 = tpu.memref_slice %arg2[%dma_wait3A_452, %dma_wait3A_453] : memref<10000x64xbf16, #tpu.memory_space<hbm>> -> memref<10000x64xbf16, #tpu.memory_space<hbm>>
    tpu.wait_indirect_dma semaphore(%arg10 : memref<!tpu.dma_semaphore, #tpu.memory_space<semaphore_mem>>) src(%dma_wait3A_454 : memref<10000x64xbf16, #tpu.memory_space<hbm>>) dst(%dma_wait3A_448 : memref<128x64xbf16, #tpu.memory_space<vmem>>)
    %dma_wait3A_455 = arith.constant 74 : i32
    %dma_wait3A_456 = arith.constant 1 : i32
    %dma_wait3A_457 = arith.constant 2 : i32
    %dma_wait3A_458 = arith.constant 0 : i32
    %dma_wait3A_459 = arith.constant 0 : i32
    %dma_wait3A_460 = tpu.memref_slice %arg8[%dma_wait3A_456, %dma_wait3A_457, %dma_wait3A_458, %dma_wait3A_459] : memref<2x8x128x64xbf16, #tpu.memory_space<vmem>> -> memref<1x1x128x64xbf16, #tpu.memory_space<vmem>>
    %dma_wait3A_461 = tpu.memref_squeeze %dma_wait3A_460 : memref<1x1x128x64xbf16, #tpu.memory_space<vmem>> -> memref<128x64xbf16, #tpu.memory_space<vmem>>
    %dma_wait3A_462 = arith.constant 0 : i32
    %dma_wait3A_463 = tpu.memref_slice %arg6[%dma_wait3A_455, %dma_wait3A_462] : memref<80x128xi32, #tpu.memory_space<vmem>> -> memref<1x128xi32, #tpu.memory_space<vmem>>
    %dma_wait3A_464 = tpu.memref_squeeze %dma_wait3A_463 : memref<1x128xi32, #tpu.memory_space<vmem>> -> memref<128xi32, #tpu.memory_space<vmem>>
    %dma_wait3A_465 = arith.constant 0 : i32
    %dma_wait3A_466 = arith.constant 0 : i32
    %dma_wait3A_467 = tpu.memref_slice %arg2[%dma_wait3A_465, %dma_wait3A_466] : memref<10000x64xbf16, #tpu.memory_space<hbm>> -> memref<10000x64xbf16, #tpu.memory_space<hbm>>
    tpu.wait_indirect_dma semaphore(%arg10 : memref<!tpu.dma_semaphore, #tpu.memory_space<semaphore_mem>>) src(%dma_wait3A_467 : memref<10000x64xbf16, #tpu.memory_space<hbm>>) dst(%dma_wait3A_461 : memref<128x64xbf16, #tpu.memory_space<vmem>>)
    %dma_wait3A_468 = arith.constant 75 : i32
    %dma_wait3A_469 = arith.constant 1 : i32
    %dma_wait3A_470 = arith.constant 3 : i32
    %dma_wait3A_471 = arith.constant 0 : i32
    %dma_wait3A_472 = arith.constant 0 : i32
    %dma_wait3A_473 = tpu.memref_slice %arg8[%dma_wait3A_469, %dma_wait3A_470, %dma_wait3A_471, %dma_wait3A_472] : memref<2x8x128x64xbf16, #tpu.memory_space<vmem>> -> memref<1x1x128x64xbf16, #tpu.memory_space<vmem>>
    %dma_wait3A_474 = tpu.memref_squeeze %dma_wait3A_473 : memref<1x1x128x64xbf16, #tpu.memory_space<vmem>> -> memref<128x64xbf16, #tpu.memory_space<vmem>>
    %dma_wait3A_475 = arith.constant 0 : i32
    %dma_wait3A_476 = tpu.memref_slice %arg6[%dma_wait3A_468, %dma_wait3A_475] : memref<80x128xi32, #tpu.memory_space<vmem>> -> memref<1x128xi32, #tpu.memory_space<vmem>>
    %dma_wait3A_477 = tpu.memref_squeeze %dma_wait3A_476 : memref<1x128xi32, #tpu.memory_space<vmem>> -> memref<128xi32, #tpu.memory_space<vmem>>
    %dma_wait3A_478 = arith.constant 0 : i32
    %dma_wait3A_479 = arith.constant 0 : i32
    %dma_wait3A_480 = tpu.memref_slice %arg2[%dma_wait3A_478, %dma_wait3A_479] : memref<10000x64xbf16, #tpu.memory_space<hbm>> -> memref<10000x64xbf16, #tpu.memory_space<hbm>>
    tpu.wait_indirect_dma semaphore(%arg10 : memref<!tpu.dma_semaphore, #tpu.memory_space<semaphore_mem>>) src(%dma_wait3A_480 : memref<10000x64xbf16, #tpu.memory_space<hbm>>) dst(%dma_wait3A_474 : memref<128x64xbf16, #tpu.memory_space<vmem>>)
    %dma_wait3A_481 = arith.constant 76 : i32
    %dma_wait3A_482 = arith.constant 1 : i32
    %dma_wait3A_483 = arith.constant 4 : i32
    %dma_wait3A_484 = arith.constant 0 : i32
    %dma_wait3A_485 = arith.constant 0 : i32
    %dma_wait3A_486 = tpu.memref_slice %arg8[%dma_wait3A_482, %dma_wait3A_483, %dma_wait3A_484, %dma_wait3A_485] : memref<2x8x128x64xbf16, #tpu.memory_space<vmem>> -> memref<1x1x128x64xbf16, #tpu.memory_space<vmem>>
    %dma_wait3A_487 = tpu.memref_squeeze %dma_wait3A_486 : memref<1x1x128x64xbf16, #tpu.memory_space<vmem>> -> memref<128x64xbf16, #tpu.memory_space<vmem>>
    %dma_wait3A_488 = arith.constant 0 : i32
    %dma_wait3A_489 = tpu.memref_slice %arg6[%dma_wait3A_481, %dma_wait3A_488] : memref<80x128xi32, #tpu.memory_space<vmem>> -> memref<1x128xi32, #tpu.memory_space<vmem>>
    %dma_wait3A_490 = tpu.memref_squeeze %dma_wait3A_489 : memref<1x128xi32, #tpu.memory_space<vmem>> -> memref<128xi32, #tpu.memory_space<vmem>>
    %dma_wait3A_491 = arith.constant 0 : i32
    %dma_wait3A_492 = arith.constant 0 : i32
    %dma_wait3A_493 = tpu.memref_slice %arg2[%dma_wait3A_491, %dma_wait3A_492] : memref<10000x64xbf16, #tpu.memory_space<hbm>> -> memref<10000x64xbf16, #tpu.memory_space<hbm>>
    tpu.wait_indirect_dma semaphore(%arg10 : memref<!tpu.dma_semaphore, #tpu.memory_space<semaphore_mem>>) src(%dma_wait3A_493 : memref<10000x64xbf16, #tpu.memory_space<hbm>>) dst(%dma_wait3A_487 : memref<128x64xbf16, #tpu.memory_space<vmem>>)
    %dma_wait3A_494 = arith.constant 77 : i32
    %dma_wait3A_495 = arith.constant 1 : i32
    %dma_wait3A_496 = arith.constant 5 : i32
    %dma_wait3A_497 = arith.constant 0 : i32
    %dma_wait3A_498 = arith.constant 0 : i32
    %dma_wait3A_499 = tpu.memref_slice %arg8[%dma_wait3A_495, %dma_wait3A_496, %dma_wait3A_497, %dma_wait3A_498] : memref<2x8x128x64xbf16, #tpu.memory_space<vmem>> -> memref<1x1x128x64xbf16, #tpu.memory_space<vmem>>
    %dma_wait3A_500 = tpu.memref_squeeze %dma_wait3A_499 : memref<1x1x128x64xbf16, #tpu.memory_space<vmem>> -> memref<128x64xbf16, #tpu.memory_space<vmem>>
    %dma_wait3A_501 = arith.constant 0 : i32
    %dma_wait3A_502 = tpu.memref_slice %arg6[%dma_wait3A_494, %dma_wait3A_501] : memref<80x128xi32, #tpu.memory_space<vmem>> -> memref<1x128xi32, #tpu.memory_space<vmem>>
    %dma_wait3A_503 = tpu.memref_squeeze %dma_wait3A_502 : memref<1x128xi32, #tpu.memory_space<vmem>> -> memref<128xi32, #tpu.memory_space<vmem>>
    %dma_wait3A_504 = arith.constant 0 : i32
    %dma_wait3A_505 = arith.constant 0 : i32
    %dma_wait3A_506 = tpu.memref_slice %arg2[%dma_wait3A_504, %dma_wait3A_505] : memref<10000x64xbf16, #tpu.memory_space<hbm>> -> memref<10000x64xbf16, #tpu.memory_space<hbm>>
    tpu.wait_indirect_dma semaphore(%arg10 : memref<!tpu.dma_semaphore, #tpu.memory_space<semaphore_mem>>) src(%dma_wait3A_506 : memref<10000x64xbf16, #tpu.memory_space<hbm>>) dst(%dma_wait3A_500 : memref<128x64xbf16, #tpu.memory_space<vmem>>)
    %dma_wait3A_507 = arith.constant 78 : i32
    %dma_wait3A_508 = arith.constant 1 : i32
    %dma_wait3A_509 = arith.constant 6 : i32
    %dma_wait3A_510 = arith.constant 0 : i32
    %dma_wait3A_511 = arith.constant 0 : i32
    %dma_wait3A_512 = tpu.memref_slice %arg8[%dma_wait3A_508, %dma_wait3A_509, %dma_wait3A_510, %dma_wait3A_511] : memref<2x8x128x64xbf16, #tpu.memory_space<vmem>> -> memref<1x1x128x64xbf16, #tpu.memory_space<vmem>>
    %dma_wait3A_513 = tpu.memref_squeeze %dma_wait3A_512 : memref<1x1x128x64xbf16, #tpu.memory_space<vmem>> -> memref<128x64xbf16, #tpu.memory_space<vmem>>
    %dma_wait3A_514 = arith.constant 0 : i32
    %dma_wait3A_515 = tpu.memref_slice %arg6[%dma_wait3A_507, %dma_wait3A_514] : memref<80x128xi32, #tpu.memory_space<vmem>> -> memref<1x128xi32, #tpu.memory_space<vmem>>
    %dma_wait3A_516 = tpu.memref_squeeze %dma_wait3A_515 : memref<1x128xi32, #tpu.memory_space<vmem>> -> memref<128xi32, #tpu.memory_space<vmem>>
    %dma_wait3A_517 = arith.constant 0 : i32
    %dma_wait3A_518 = arith.constant 0 : i32
    %dma_wait3A_519 = tpu.memref_slice %arg2[%dma_wait3A_517, %dma_wait3A_518] : memref<10000x64xbf16, #tpu.memory_space<hbm>> -> memref<10000x64xbf16, #tpu.memory_space<hbm>>
    tpu.wait_indirect_dma semaphore(%arg10 : memref<!tpu.dma_semaphore, #tpu.memory_space<semaphore_mem>>) src(%dma_wait3A_519 : memref<10000x64xbf16, #tpu.memory_space<hbm>>) dst(%dma_wait3A_513 : memref<128x64xbf16, #tpu.memory_space<vmem>>)
    %dma_wait3A_520 = arith.constant 79 : i32
    %dma_wait3A_521 = arith.constant 1 : i32
    %dma_wait3A_522 = arith.constant 7 : i32
    %dma_wait3A_523 = arith.constant 0 : i32
    %dma_wait3A_524 = arith.constant 0 : i32
    %dma_wait3A_525 = tpu.memref_slice %arg8[%dma_wait3A_521, %dma_wait3A_522, %dma_wait3A_523, %dma_wait3A_524] : memref<2x8x128x64xbf16, #tpu.memory_space<vmem>> -> memref<1x1x128x64xbf16, #tpu.memory_space<vmem>>
    %dma_wait3A_526 = tpu.memref_squeeze %dma_wait3A_525 : memref<1x1x128x64xbf16, #tpu.memory_space<vmem>> -> memref<128x64xbf16, #tpu.memory_space<vmem>>
    %dma_wait3A_527 = arith.constant 0 : i32
    %dma_wait3A_528 = tpu.memref_slice %arg6[%dma_wait3A_520, %dma_wait3A_527] : memref<80x128xi32, #tpu.memory_space<vmem>> -> memref<1x128xi32, #tpu.memory_space<vmem>>
    %dma_wait3A_529 = tpu.memref_squeeze %dma_wait3A_528 : memref<1x128xi32, #tpu.memory_space<vmem>> -> memref<128xi32, #tpu.memory_space<vmem>>
    %dma_wait3A_530 = arith.constant 0 : i32
    %dma_wait3A_531 = arith.constant 0 : i32
    %dma_wait3A_532 = tpu.memref_slice %arg2[%dma_wait3A_530, %dma_wait3A_531] : memref<10000x64xbf16, #tpu.memory_space<hbm>> -> memref<10000x64xbf16, #tpu.memory_space<hbm>>
    tpu.wait_indirect_dma semaphore(%arg10 : memref<!tpu.dma_semaphore, #tpu.memory_space<semaphore_mem>>) src(%dma_wait3A_532 : memref<10000x64xbf16, #tpu.memory_space<hbm>>) dst(%dma_wait3A_526 : memref<128x64xbf16, #tpu.memory_space<vmem>>)
    %dma_wait3A_533 = arith.constant 0 : i32
    %dma_wait3A_534 = arith.constant 0 : i32
    %dma_wait3A_535 = arith.constant 64 : i32
    %dma_wait3A_536 = arith.constant 0 : i32
    %dma_wait3A_537 = arith.constant 0 : i32
    %dma_wait3A_538 = tpu.memref_slice %arg8[%dma_wait3A_533, %dma_wait3A_534, %dma_wait3A_536, %dma_wait3A_537] : memref<2x8x128x64xbf16, #tpu.memory_space<vmem>> -> memref<1x1x128x64xbf16, #tpu.memory_space<vmem>>
    %dma_wait3A_539 = tpu.memref_squeeze %dma_wait3A_538 : memref<1x1x128x64xbf16, #tpu.memory_space<vmem>> -> memref<128x64xbf16, #tpu.memory_space<vmem>>
    %dma_wait3A_540 = arith.constant 0 : i32
    %dma_wait3A_541 = tpu.memref_slice %arg7[%dma_wait3A_535, %dma_wait3A_540] : memref<80x128xi32, #tpu.memory_space<vmem>> -> memref<1x128xi32, #tpu.memory_space<vmem>>
    %dma_wait3A_542 = tpu.memref_squeeze %dma_wait3A_541 : memref<1x128xi32, #tpu.memory_space<vmem>> -> memref<128xi32, #tpu.memory_space<vmem>>
    %dma_wait3A_543 = arith.constant 0 : i32
    %dma_wait3A_544 = arith.constant 0 : i32
    %dma_wait3A_545 = tpu.memref_slice %arg9[%dma_wait3A_543, %dma_wait3A_544] : memref<10240x64xbf16, #tpu.memory_space<vmem_shared>> -> memref<10240x64xbf16, #tpu.memory_space<vmem_shared>>
    tpu.wait_indirect_dma semaphore(%arg11 : memref<!tpu.dma_semaphore, #tpu.memory_space<semaphore_mem>>) src(%dma_wait3A_539 : memref<128x64xbf16, #tpu.memory_space<vmem>>) dst(%dma_wait3A_545 : memref<10240x64xbf16, #tpu.memory_space<vmem_shared>>)
    %dma_wait3A_546 = arith.constant 0 : i32
    %dma_wait3A_547 = arith.constant 1 : i32
    %dma_wait3A_548 = arith.constant 65 : i32
    %dma_wait3A_549 = arith.constant 0 : i32
    %dma_wait3A_550 = arith.constant 0 : i32
    %dma_wait3A_551 = tpu.memref_slice %arg8[%dma_wait3A_546, %dma_wait3A_547, %dma_wait3A_549, %dma_wait3A_550] : memref<2x8x128x64xbf16, #tpu.memory_space<vmem>> -> memref<1x1x128x64xbf16, #tpu.memory_space<vmem>>
    %dma_wait3A_552 = tpu.memref_squeeze %dma_wait3A_551 : memref<1x1x128x64xbf16, #tpu.memory_space<vmem>> -> memref<128x64xbf16, #tpu.memory_space<vmem>>
    %dma_wait3A_553 = arith.constant 0 : i32
    %dma_wait3A_554 = tpu.memref_slice %arg7[%dma_wait3A_548, %dma_wait3A_553] : memref<80x128xi32, #tpu.memory_space<vmem>> -> memref<1x128xi32, #tpu.memory_space<vmem>>
    %dma_wait3A_555 = tpu.memref_squeeze %dma_wait3A_554 : memref<1x128xi32, #tpu.memory_space<vmem>> -> memref<128xi32, #tpu.memory_space<vmem>>
    %dma_wait3A_556 = arith.constant 0 : i32
    %dma_wait3A_557 = arith.constant 0 : i32
    %dma_wait3A_558 = tpu.memref_slice %arg9[%dma_wait3A_556, %dma_wait3A_557] : memref<10240x64xbf16, #tpu.memory_space<vmem_shared>> -> memref<10240x64xbf16, #tpu.memory_space<vmem_shared>>
    tpu.wait_indirect_dma semaphore(%arg11 : memref<!tpu.dma_semaphore, #tpu.memory_space<semaphore_mem>>) src(%dma_wait3A_552 : memref<128x64xbf16, #tpu.memory_space<vmem>>) dst(%dma_wait3A_558 : memref<10240x64xbf16, #tpu.memory_space<vmem_shared>>)
    %dma_wait3A_559 = arith.constant 0 : i32
    %dma_wait3A_560 = arith.constant 2 : i32
    %dma_wait3A_561 = arith.constant 66 : i32
    %dma_wait3A_562 = arith.constant 0 : i32
    %dma_wait3A_563 = arith.constant 0 : i32
    %dma_wait3A_564 = tpu.memref_slice %arg8[%dma_wait3A_559, %dma_wait3A_560, %dma_wait3A_562, %dma_wait3A_563] : memref<2x8x128x64xbf16, #tpu.memory_space<vmem>> -> memref<1x1x128x64xbf16, #tpu.memory_space<vmem>>
    %dma_wait3A_565 = tpu.memref_squeeze %dma_wait3A_564 : memref<1x1x128x64xbf16, #tpu.memory_space<vmem>> -> memref<128x64xbf16, #tpu.memory_space<vmem>>
    %dma_wait3A_566 = arith.constant 0 : i32
    %dma_wait3A_567 = tpu.memref_slice %arg7[%dma_wait3A_561, %dma_wait3A_566] : memref<80x128xi32, #tpu.memory_space<vmem>> -> memref<1x128xi32, #tpu.memory_space<vmem>>
    %dma_wait3A_568 = tpu.memref_squeeze %dma_wait3A_567 : memref<1x128xi32, #tpu.memory_space<vmem>> -> memref<128xi32, #tpu.memory_space<vmem>>
    %dma_wait3A_569 = arith.constant 0 : i32
    %dma_wait3A_570 = arith.constant 0 : i32
    %dma_wait3A_571 = tpu.memref_slice %arg9[%dma_wait3A_569, %dma_wait3A_570] : memref<10240x64xbf16, #tpu.memory_space<vmem_shared>> -> memref<10240x64xbf16, #tpu.memory_space<vmem_shared>>
    tpu.wait_indirect_dma semaphore(%arg11 : memref<!tpu.dma_semaphore, #tpu.memory_space<semaphore_mem>>) src(%dma_wait3A_565 : memref<128x64xbf16, #tpu.memory_space<vmem>>) dst(%dma_wait3A_571 : memref<10240x64xbf16, #tpu.memory_space<vmem_shared>>)
    %dma_wait3A_572 = arith.constant 0 : i32
    %dma_wait3A_573 = arith.constant 3 : i32
    %dma_wait3A_574 = arith.constant 67 : i32
    %dma_wait3A_575 = arith.constant 0 : i32
    %dma_wait3A_576 = arith.constant 0 : i32
    %dma_wait3A_577 = tpu.memref_slice %arg8[%dma_wait3A_572, %dma_wait3A_573, %dma_wait3A_575, %dma_wait3A_576] : memref<2x8x128x64xbf16, #tpu.memory_space<vmem>> -> memref<1x1x128x64xbf16, #tpu.memory_space<vmem>>
    %dma_wait3A_578 = tpu.memref_squeeze %dma_wait3A_577 : memref<1x1x128x64xbf16, #tpu.memory_space<vmem>> -> memref<128x64xbf16, #tpu.memory_space<vmem>>
    %dma_wait3A_579 = arith.constant 0 : i32
    %dma_wait3A_580 = tpu.memref_slice %arg7[%dma_wait3A_574, %dma_wait3A_579] : memref<80x128xi32, #tpu.memory_space<vmem>> -> memref<1x128xi32, #tpu.memory_space<vmem>>
    %dma_wait3A_581 = tpu.memref_squeeze %dma_wait3A_580 : memref<1x128xi32, #tpu.memory_space<vmem>> -> memref<128xi32, #tpu.memory_space<vmem>>
    %dma_wait3A_582 = arith.constant 0 : i32
    %dma_wait3A_583 = arith.constant 0 : i32
    %dma_wait3A_584 = tpu.memref_slice %arg9[%dma_wait3A_582, %dma_wait3A_583] : memref<10240x64xbf16, #tpu.memory_space<vmem_shared>> -> memref<10240x64xbf16, #tpu.memory_space<vmem_shared>>
    tpu.wait_indirect_dma semaphore(%arg11 : memref<!tpu.dma_semaphore, #tpu.memory_space<semaphore_mem>>) src(%dma_wait3A_578 : memref<128x64xbf16, #tpu.memory_space<vmem>>) dst(%dma_wait3A_584 : memref<10240x64xbf16, #tpu.memory_space<vmem_shared>>)
    %dma_wait3A_585 = arith.constant 0 : i32
    %dma_wait3A_586 = arith.constant 4 : i32
    %dma_wait3A_587 = arith.constant 68 : i32
    %dma_wait3A_588 = arith.constant 0 : i32
    %dma_wait3A_589 = arith.constant 0 : i32
    %dma_wait3A_590 = tpu.memref_slice %arg8[%dma_wait3A_585, %dma_wait3A_586, %dma_wait3A_588, %dma_wait3A_589] : memref<2x8x128x64xbf16, #tpu.memory_space<vmem>> -> memref<1x1x128x64xbf16, #tpu.memory_space<vmem>>
    %dma_wait3A_591 = tpu.memref_squeeze %dma_wait3A_590 : memref<1x1x128x64xbf16, #tpu.memory_space<vmem>> -> memref<128x64xbf16, #tpu.memory_space<vmem>>
    %dma_wait3A_592 = arith.constant 0 : i32
    %dma_wait3A_593 = tpu.memref_slice %arg7[%dma_wait3A_587, %dma_wait3A_592] : memref<80x128xi32, #tpu.memory_space<vmem>> -> memref<1x128xi32, #tpu.memory_space<vmem>>
    %dma_wait3A_594 = tpu.memref_squeeze %dma_wait3A_593 : memref<1x128xi32, #tpu.memory_space<vmem>> -> memref<128xi32, #tpu.memory_space<vmem>>
    %dma_wait3A_595 = arith.constant 0 : i32
    %dma_wait3A_596 = arith.constant 0 : i32
    %dma_wait3A_597 = tpu.memref_slice %arg9[%dma_wait3A_595, %dma_wait3A_596] : memref<10240x64xbf16, #tpu.memory_space<vmem_shared>> -> memref<10240x64xbf16, #tpu.memory_space<vmem_shared>>
    tpu.wait_indirect_dma semaphore(%arg11 : memref<!tpu.dma_semaphore, #tpu.memory_space<semaphore_mem>>) src(%dma_wait3A_591 : memref<128x64xbf16, #tpu.memory_space<vmem>>) dst(%dma_wait3A_597 : memref<10240x64xbf16, #tpu.memory_space<vmem_shared>>)
    %dma_wait3A_598 = arith.constant 0 : i32
    %dma_wait3A_599 = arith.constant 5 : i32
    %dma_wait3A_600 = arith.constant 69 : i32
    %dma_wait3A_601 = arith.constant 0 : i32
    %dma_wait3A_602 = arith.constant 0 : i32
    %dma_wait3A_603 = tpu.memref_slice %arg8[%dma_wait3A_598, %dma_wait3A_599, %dma_wait3A_601, %dma_wait3A_602] : memref<2x8x128x64xbf16, #tpu.memory_space<vmem>> -> memref<1x1x128x64xbf16, #tpu.memory_space<vmem>>
    %dma_wait3A_604 = tpu.memref_squeeze %dma_wait3A_603 : memref<1x1x128x64xbf16, #tpu.memory_space<vmem>> -> memref<128x64xbf16, #tpu.memory_space<vmem>>
    %dma_wait3A_605 = arith.constant 0 : i32
    %dma_wait3A_606 = tpu.memref_slice %arg7[%dma_wait3A_600, %dma_wait3A_605] : memref<80x128xi32, #tpu.memory_space<vmem>> -> memref<1x128xi32, #tpu.memory_space<vmem>>
    %dma_wait3A_607 = tpu.memref_squeeze %dma_wait3A_606 : memref<1x128xi32, #tpu.memory_space<vmem>> -> memref<128xi32, #tpu.memory_space<vmem>>
    %dma_wait3A_608 = arith.constant 0 : i32
    %dma_wait3A_609 = arith.constant 0 : i32
    %dma_wait3A_610 = tpu.memref_slice %arg9[%dma_wait3A_608, %dma_wait3A_609] : memref<10240x64xbf16, #tpu.memory_space<vmem_shared>> -> memref<10240x64xbf16, #tpu.memory_space<vmem_shared>>
    tpu.wait_indirect_dma semaphore(%arg11 : memref<!tpu.dma_semaphore, #tpu.memory_space<semaphore_mem>>) src(%dma_wait3A_604 : memref<128x64xbf16, #tpu.memory_space<vmem>>) dst(%dma_wait3A_610 : memref<10240x64xbf16, #tpu.memory_space<vmem_shared>>)
    %dma_wait3A_611 = arith.constant 0 : i32
    %dma_wait3A_612 = arith.constant 6 : i32
    %dma_wait3A_613 = arith.constant 70 : i32
    %dma_wait3A_614 = arith.constant 0 : i32
    %dma_wait3A_615 = arith.constant 0 : i32
    %dma_wait3A_616 = tpu.memref_slice %arg8[%dma_wait3A_611, %dma_wait3A_612, %dma_wait3A_614, %dma_wait3A_615] : memref<2x8x128x64xbf16, #tpu.memory_space<vmem>> -> memref<1x1x128x64xbf16, #tpu.memory_space<vmem>>
    %dma_wait3A_617 = tpu.memref_squeeze %dma_wait3A_616 : memref<1x1x128x64xbf16, #tpu.memory_space<vmem>> -> memref<128x64xbf16, #tpu.memory_space<vmem>>
    %dma_wait3A_618 = arith.constant 0 : i32
    %dma_wait3A_619 = tpu.memref_slice %arg7[%dma_wait3A_613, %dma_wait3A_618] : memref<80x128xi32, #tpu.memory_space<vmem>> -> memref<1x128xi32, #tpu.memory_space<vmem>>
    %dma_wait3A_620 = tpu.memref_squeeze %dma_wait3A_619 : memref<1x128xi32, #tpu.memory_space<vmem>> -> memref<128xi32, #tpu.memory_space<vmem>>
    %dma_wait3A_621 = arith.constant 0 : i32
    %dma_wait3A_622 = arith.constant 0 : i32
    %dma_wait3A_623 = tpu.memref_slice %arg9[%dma_wait3A_621, %dma_wait3A_622] : memref<10240x64xbf16, #tpu.memory_space<vmem_shared>> -> memref<10240x64xbf16, #tpu.memory_space<vmem_shared>>
    tpu.wait_indirect_dma semaphore(%arg11 : memref<!tpu.dma_semaphore, #tpu.memory_space<semaphore_mem>>) src(%dma_wait3A_617 : memref<128x64xbf16, #tpu.memory_space<vmem>>) dst(%dma_wait3A_623 : memref<10240x64xbf16, #tpu.memory_space<vmem_shared>>)
    %dma_wait3A_624 = arith.constant 0 : i32
    %dma_wait3A_625 = arith.constant 7 : i32
    %dma_wait3A_626 = arith.constant 71 : i32
    %dma_wait3A_627 = arith.constant 0 : i32
    %dma_wait3A_628 = arith.constant 0 : i32
    %dma_wait3A_629 = tpu.memref_slice %arg8[%dma_wait3A_624, %dma_wait3A_625, %dma_wait3A_627, %dma_wait3A_628] : memref<2x8x128x64xbf16, #tpu.memory_space<vmem>> -> memref<1x1x128x64xbf16, #tpu.memory_space<vmem>>
    %dma_wait3A_630 = tpu.memref_squeeze %dma_wait3A_629 : memref<1x1x128x64xbf16, #tpu.memory_space<vmem>> -> memref<128x64xbf16, #tpu.memory_space<vmem>>
    %dma_wait3A_631 = arith.constant 0 : i32
    %dma_wait3A_632 = tpu.memref_slice %arg7[%dma_wait3A_626, %dma_wait3A_631] : memref<80x128xi32, #tpu.memory_space<vmem>> -> memref<1x128xi32, #tpu.memory_space<vmem>>
    %dma_wait3A_633 = tpu.memref_squeeze %dma_wait3A_632 : memref<1x128xi32, #tpu.memory_space<vmem>> -> memref<128xi32, #tpu.memory_space<vmem>>
    %dma_wait3A_634 = arith.constant 0 : i32
    %dma_wait3A_635 = arith.constant 0 : i32
    %dma_wait3A_636 = tpu.memref_slice %arg9[%dma_wait3A_634, %dma_wait3A_635] : memref<10240x64xbf16, #tpu.memory_space<vmem_shared>> -> memref<10240x64xbf16, #tpu.memory_space<vmem_shared>>
    tpu.wait_indirect_dma semaphore(%arg11 : memref<!tpu.dma_semaphore, #tpu.memory_space<semaphore_mem>>) src(%dma_wait3A_630 : memref<128x64xbf16, #tpu.memory_space<vmem>>) dst(%dma_wait3A_636 : memref<10240x64xbf16, #tpu.memory_space<vmem_shared>>)
    %dma_start3A_637 = arith.constant 1 : i32
    %dma_start3A_638 = arith.constant 0 : i32
    %dma_start3A_639 = arith.constant 72 : i32
    %dma_start3A_640 = arith.constant 0 : i32
    %dma_start3A_641 = arith.constant 0 : i32
    %dma_start3A_642 = tpu.memref_slice %arg8[%dma_start3A_637, %dma_start3A_638, %dma_start3A_640, %dma_start3A_641] : memref<2x8x128x64xbf16, #tpu.memory_space<vmem>> -> memref<1x1x128x64xbf16, #tpu.memory_space<vmem>>
    %dma_start3A_643 = tpu.memref_squeeze %dma_start3A_642 : memref<1x1x128x64xbf16, #tpu.memory_space<vmem>> -> memref<128x64xbf16, #tpu.memory_space<vmem>>
    %dma_start3A_644 = arith.constant 0 : i32
    %dma_start3A_645 = tpu.memref_slice %arg7[%dma_start3A_639, %dma_start3A_644] : memref<80x128xi32, #tpu.memory_space<vmem>> -> memref<1x128xi32, #tpu.memory_space<vmem>>
    %dma_start3A_646 = tpu.memref_squeeze %dma_start3A_645 : memref<1x128xi32, #tpu.memory_space<vmem>> -> memref<128xi32, #tpu.memory_space<vmem>>
    %dma_start3A_647 = arith.constant 0 : i32
    %dma_start3A_648 = arith.constant 0 : i32
    %dma_start3A_649 = tpu.memref_slice %arg9[%dma_start3A_647, %dma_start3A_648] : memref<10240x64xbf16, #tpu.memory_space<vmem_shared>> -> memref<10240x64xbf16, #tpu.memory_space<vmem_shared>>
    tpu.enqueue_indirect_dma source(%dma_start3A_643 : memref<128x64xbf16, #tpu.memory_space<vmem>>) target(%dma_start3A_649 : memref<10240x64xbf16, #tpu.memory_space<vmem_shared>>) offsets(%dma_start3A_646 : memref<128xi32, #tpu.memory_space<vmem>>) semaphore(%arg11 : memref<!tpu.dma_semaphore, #tpu.memory_space<semaphore_mem>>) {add = true}
    %dma_start3A_650 = arith.constant 1 : i32
    %dma_start3A_651 = arith.constant 1 : i32
    %dma_start3A_652 = arith.constant 73 : i32
    %dma_start3A_653 = arith.constant 0 : i32
    %dma_start3A_654 = arith.constant 0 : i32
    %dma_start3A_655 = tpu.memref_slice %arg8[%dma_start3A_650, %dma_start3A_651, %dma_start3A_653, %dma_start3A_654] : memref<2x8x128x64xbf16, #tpu.memory_space<vmem>> -> memref<1x1x128x64xbf16, #tpu.memory_space<vmem>>
    %dma_start3A_656 = tpu.memref_squeeze %dma_start3A_655 : memref<1x1x128x64xbf16, #tpu.memory_space<vmem>> -> memref<128x64xbf16, #tpu.memory_space<vmem>>
    %dma_start3A_657 = arith.constant 0 : i32
    %dma_start3A_658 = tpu.memref_slice %arg7[%dma_start3A_652, %dma_start3A_657] : memref<80x128xi32, #tpu.memory_space<vmem>> -> memref<1x128xi32, #tpu.memory_space<vmem>>
    %dma_start3A_659 = tpu.memref_squeeze %dma_start3A_658 : memref<1x128xi32, #tpu.memory_space<vmem>> -> memref<128xi32, #tpu.memory_space<vmem>>
    %dma_start3A_660 = arith.constant 0 : i32
    %dma_start3A_661 = arith.constant 0 : i32
    %dma_start3A_662 = tpu.memref_slice %arg9[%dma_start3A_660, %dma_start3A_661] : memref<10240x64xbf16, #tpu.memory_space<vmem_shared>> -> memref<10240x64xbf16, #tpu.memory_space<vmem_shared>>
    tpu.enqueue_indirect_dma source(%dma_start3A_656 : memref<128x64xbf16, #tpu.memory_space<vmem>>) target(%dma_start3A_662 : memref<10240x64xbf16, #tpu.memory_space<vmem_shared>>) offsets(%dma_start3A_659 : memref<128xi32, #tpu.memory_space<vmem>>) semaphore(%arg11 : memref<!tpu.dma_semaphore, #tpu.memory_space<semaphore_mem>>) {add = true}
    %dma_start3A_663 = arith.constant 1 : i32
    %dma_start3A_664 = arith.constant 2 : i32
    %dma_start3A_665 = arith.constant 74 : i32
    %dma_start3A_666 = arith.constant 0 : i32
    %dma_start3A_667 = arith.constant 0 : i32
    %dma_start3A_668 = tpu.memref_slice %arg8[%dma_start3A_663, %dma_start3A_664, %dma_start3A_666, %dma_start3A_667] : memref<2x8x128x64xbf16, #tpu.memory_space<vmem>> -> memref<1x1x128x64xbf16, #tpu.memory_space<vmem>>
    %dma_start3A_669 = tpu.memref_squeeze %dma_start3A_668 : memref<1x1x128x64xbf16, #tpu.memory_space<vmem>> -> memref<128x64xbf16, #tpu.memory_space<vmem>>
    %dma_start3A_670 = arith.constant 0 : i32
    %dma_start3A_671 = tpu.memref_slice %arg7[%dma_start3A_665, %dma_start3A_670] : memref<80x128xi32, #tpu.memory_space<vmem>> -> memref<1x128xi32, #tpu.memory_space<vmem>>
    %dma_start3A_672 = tpu.memref_squeeze %dma_start3A_671 : memref<1x128xi32, #tpu.memory_space<vmem>> -> memref<128xi32, #tpu.memory_space<vmem>>
    %dma_start3A_673 = arith.constant 0 : i32
    %dma_start3A_674 = arith.constant 0 : i32
    %dma_start3A_675 = tpu.memref_slice %arg9[%dma_start3A_673, %dma_start3A_674] : memref<10240x64xbf16, #tpu.memory_space<vmem_shared>> -> memref<10240x64xbf16, #tpu.memory_space<vmem_shared>>
    tpu.enqueue_indirect_dma source(%dma_start3A_669 : memref<128x64xbf16, #tpu.memory_space<vmem>>) target(%dma_start3A_675 : memref<10240x64xbf16, #tpu.memory_space<vmem_shared>>) offsets(%dma_start3A_672 : memref<128xi32, #tpu.memory_space<vmem>>) semaphore(%arg11 : memref<!tpu.dma_semaphore, #tpu.memory_space<semaphore_mem>>) {add = true}
    %dma_start3A_676 = arith.constant 1 : i32
    %dma_start3A_677 = arith.constant 3 : i32
    %dma_start3A_678 = arith.constant 75 : i32
    %dma_start3A_679 = arith.constant 0 : i32
    %dma_start3A_680 = arith.constant 0 : i32
    %dma_start3A_681 = tpu.memref_slice %arg8[%dma_start3A_676, %dma_start3A_677, %dma_start3A_679, %dma_start3A_680] : memref<2x8x128x64xbf16, #tpu.memory_space<vmem>> -> memref<1x1x128x64xbf16, #tpu.memory_space<vmem>>
    %dma_start3A_682 = tpu.memref_squeeze %dma_start3A_681 : memref<1x1x128x64xbf16, #tpu.memory_space<vmem>> -> memref<128x64xbf16, #tpu.memory_space<vmem>>
    %dma_start3A_683 = arith.constant 0 : i32
    %dma_start3A_684 = tpu.memref_slice %arg7[%dma_start3A_678, %dma_start3A_683] : memref<80x128xi32, #tpu.memory_space<vmem>> -> memref<1x128xi32, #tpu.memory_space<vmem>>
    %dma_start3A_685 = tpu.memref_squeeze %dma_start3A_684 : memref<1x128xi32, #tpu.memory_space<vmem>> -> memref<128xi32, #tpu.memory_space<vmem>>
    %dma_start3A_686 = arith.constant 0 : i32
    %dma_start3A_687 = arith.constant 0 : i32
    %dma_start3A_688 = tpu.memref_slice %arg9[%dma_start3A_686, %dma_start3A_687] : memref<10240x64xbf16, #tpu.memory_space<vmem_shared>> -> memref<10240x64xbf16, #tpu.memory_space<vmem_shared>>
    tpu.enqueue_indirect_dma source(%dma_start3A_682 : memref<128x64xbf16, #tpu.memory_space<vmem>>) target(%dma_start3A_688 : memref<10240x64xbf16, #tpu.memory_space<vmem_shared>>) offsets(%dma_start3A_685 : memref<128xi32, #tpu.memory_space<vmem>>) semaphore(%arg11 : memref<!tpu.dma_semaphore, #tpu.memory_space<semaphore_mem>>) {add = true}
    %dma_start3A_689 = arith.constant 1 : i32
    %dma_start3A_690 = arith.constant 4 : i32
    %dma_start3A_691 = arith.constant 76 : i32
    %dma_start3A_692 = arith.constant 0 : i32
    %dma_start3A_693 = arith.constant 0 : i32
    %dma_start3A_694 = tpu.memref_slice %arg8[%dma_start3A_689, %dma_start3A_690, %dma_start3A_692, %dma_start3A_693] : memref<2x8x128x64xbf16, #tpu.memory_space<vmem>> -> memref<1x1x128x64xbf16, #tpu.memory_space<vmem>>
    %dma_start3A_695 = tpu.memref_squeeze %dma_start3A_694 : memref<1x1x128x64xbf16, #tpu.memory_space<vmem>> -> memref<128x64xbf16, #tpu.memory_space<vmem>>
    %dma_start3A_696 = arith.constant 0 : i32
    %dma_start3A_697 = tpu.memref_slice %arg7[%dma_start3A_691, %dma_start3A_696] : memref<80x128xi32, #tpu.memory_space<vmem>> -> memref<1x128xi32, #tpu.memory_space<vmem>>
    %dma_start3A_698 = tpu.memref_squeeze %dma_start3A_697 : memref<1x128xi32, #tpu.memory_space<vmem>> -> memref<128xi32, #tpu.memory_space<vmem>>
    %dma_start3A_699 = arith.constant 0 : i32
    %dma_start3A_700 = arith.constant 0 : i32
    %dma_start3A_701 = tpu.memref_slice %arg9[%dma_start3A_699, %dma_start3A_700] : memref<10240x64xbf16, #tpu.memory_space<vmem_shared>> -> memref<10240x64xbf16, #tpu.memory_space<vmem_shared>>
    tpu.enqueue_indirect_dma source(%dma_start3A_695 : memref<128x64xbf16, #tpu.memory_space<vmem>>) target(%dma_start3A_701 : memref<10240x64xbf16, #tpu.memory_space<vmem_shared>>) offsets(%dma_start3A_698 : memref<128xi32, #tpu.memory_space<vmem>>) semaphore(%arg11 : memref<!tpu.dma_semaphore, #tpu.memory_space<semaphore_mem>>) {add = true}
    %dma_start3A_702 = arith.constant 1 : i32
    %dma_start3A_703 = arith.constant 5 : i32
    %dma_start3A_704 = arith.constant 77 : i32
    %dma_start3A_705 = arith.constant 0 : i32
    %dma_start3A_706 = arith.constant 0 : i32
    %dma_start3A_707 = tpu.memref_slice %arg8[%dma_start3A_702, %dma_start3A_703, %dma_start3A_705, %dma_start3A_706] : memref<2x8x128x64xbf16, #tpu.memory_space<vmem>> -> memref<1x1x128x64xbf16, #tpu.memory_space<vmem>>
    %dma_start3A_708 = tpu.memref_squeeze %dma_start3A_707 : memref<1x1x128x64xbf16, #tpu.memory_space<vmem>> -> memref<128x64xbf16, #tpu.memory_space<vmem>>
    %dma_start3A_709 = arith.constant 0 : i32
    %dma_start3A_710 = tpu.memref_slice %arg7[%dma_start3A_704, %dma_start3A_709] : memref<80x128xi32, #tpu.memory_space<vmem>> -> memref<1x128xi32, #tpu.memory_space<vmem>>
    %dma_start3A_711 = tpu.memref_squeeze %dma_start3A_710 : memref<1x128xi32, #tpu.memory_space<vmem>> -> memref<128xi32, #tpu.memory_space<vmem>>
    %dma_start3A_712 = arith.constant 0 : i32
    %dma_start3A_713 = arith.constant 0 : i32
    %dma_start3A_714 = tpu.memref_slice %arg9[%dma_start3A_712, %dma_start3A_713] : memref<10240x64xbf16, #tpu.memory_space<vmem_shared>> -> memref<10240x64xbf16, #tpu.memory_space<vmem_shared>>
    tpu.enqueue_indirect_dma source(%dma_start3A_708 : memref<128x64xbf16, #tpu.memory_space<vmem>>) target(%dma_start3A_714 : memref<10240x64xbf16, #tpu.memory_space<vmem_shared>>) offsets(%dma_start3A_711 : memref<128xi32, #tpu.memory_space<vmem>>) semaphore(%arg11 : memref<!tpu.dma_semaphore, #tpu.memory_space<semaphore_mem>>) {add = true}
    %dma_start3A_715 = arith.constant 1 : i32
    %dma_start3A_716 = arith.constant 6 : i32
    %dma_start3A_717 = arith.constant 78 : i32
    %dma_start3A_718 = arith.constant 0 : i32
    %dma_start3A_719 = arith.constant 0 : i32
    %dma_start3A_720 = tpu.memref_slice %arg8[%dma_start3A_715, %dma_start3A_716, %dma_start3A_718, %dma_start3A_719] : memref<2x8x128x64xbf16, #tpu.memory_space<vmem>> -> memref<1x1x128x64xbf16, #tpu.memory_space<vmem>>
    %dma_start3A_721 = tpu.memref_squeeze %dma_start3A_720 : memref<1x1x128x64xbf16, #tpu.memory_space<vmem>> -> memref<128x64xbf16, #tpu.memory_space<vmem>>
    %dma_start3A_722 = arith.constant 0 : i32
    %dma_start3A_723 = tpu.memref_slice %arg7[%dma_start3A_717, %dma_start3A_722] : memref<80x128xi32, #tpu.memory_space<vmem>> -> memref<1x128xi32, #tpu.memory_space<vmem>>
    %dma_start3A_724 = tpu.memref_squeeze %dma_start3A_723 : memref<1x128xi32, #tpu.memory_space<vmem>> -> memref<128xi32, #tpu.memory_space<vmem>>
    %dma_start3A_725 = arith.constant 0 : i32
    %dma_start3A_726 = arith.constant 0 : i32
    %dma_start3A_727 = tpu.memref_slice %arg9[%dma_start3A_725, %dma_start3A_726] : memref<10240x64xbf16, #tpu.memory_space<vmem_shared>> -> memref<10240x64xbf16, #tpu.memory_space<vmem_shared>>
    tpu.enqueue_indirect_dma source(%dma_start3A_721 : memref<128x64xbf16, #tpu.memory_space<vmem>>) target(%dma_start3A_727 : memref<10240x64xbf16, #tpu.memory_space<vmem_shared>>) offsets(%dma_start3A_724 : memref<128xi32, #tpu.memory_space<vmem>>) semaphore(%arg11 : memref<!tpu.dma_semaphore, #tpu.memory_space<semaphore_mem>>) {add = true}
    %dma_start3A_728 = arith.constant 1 : i32
    %dma_start3A_729 = arith.constant 7 : i32
    %dma_start3A_730 = arith.constant 79 : i32
    %dma_start3A_731 = arith.constant 0 : i32
    %dma_start3A_732 = arith.constant 0 : i32
    %dma_start3A_733 = tpu.memref_slice %arg8[%dma_start3A_728, %dma_start3A_729, %dma_start3A_731, %dma_start3A_732] : memref<2x8x128x64xbf16, #tpu.memory_space<vmem>> -> memref<1x1x128x64xbf16, #tpu.memory_space<vmem>>
    %dma_start3A_734 = tpu.memref_squeeze %dma_start3A_733 : memref<1x1x128x64xbf16, #tpu.memory_space<vmem>> -> memref<128x64xbf16, #tpu.memory_space<vmem>>
    %dma_start3A_735 = arith.constant 0 : i32
    %dma_start3A_736 = tpu.memref_slice %arg7[%dma_start3A_730, %dma_start3A_735] : memref<80x128xi32, #tpu.memory_space<vmem>> -> memref<1x128xi32, #tpu.memory_space<vmem>>
    %dma_start3A_737 = tpu.memref_squeeze %dma_start3A_736 : memref<1x128xi32, #tpu.memory_space<vmem>> -> memref<128xi32, #tpu.memory_space<vmem>>
    %dma_start3A_738 = arith.constant 0 : i32
    %dma_start3A_739 = arith.constant 0 : i32
    %dma_start3A_740 = tpu.memref_slice %arg9[%dma_start3A_738, %dma_start3A_739] : memref<10240x64xbf16, #tpu.memory_space<vmem_shared>> -> memref<10240x64xbf16, #tpu.memory_space<vmem_shared>>
    tpu.enqueue_indirect_dma source(%dma_start3A_734 : memref<128x64xbf16, #tpu.memory_space<vmem>>) target(%dma_start3A_740 : memref<10240x64xbf16, #tpu.memory_space<vmem_shared>>) offsets(%dma_start3A_737 : memref<128xi32, #tpu.memory_space<vmem>>) semaphore(%arg11 : memref<!tpu.dma_semaphore, #tpu.memory_space<semaphore_mem>>) {add = true}
    %dma_wait3A_741 = arith.constant 1 : i32
    %dma_wait3A_742 = arith.constant 0 : i32
    %dma_wait3A_743 = arith.constant 72 : i32
    %dma_wait3A_744 = arith.constant 0 : i32
    %dma_wait3A_745 = arith.constant 0 : i32
    %dma_wait3A_746 = tpu.memref_slice %arg8[%dma_wait3A_741, %dma_wait3A_742, %dma_wait3A_744, %dma_wait3A_745] : memref<2x8x128x64xbf16, #tpu.memory_space<vmem>> -> memref<1x1x128x64xbf16, #tpu.memory_space<vmem>>
    %dma_wait3A_747 = tpu.memref_squeeze %dma_wait3A_746 : memref<1x1x128x64xbf16, #tpu.memory_space<vmem>> -> memref<128x64xbf16, #tpu.memory_space<vmem>>
    %dma_wait3A_748 = arith.constant 0 : i32
    %dma_wait3A_749 = tpu.memref_slice %arg7[%dma_wait3A_743, %dma_wait3A_748] : memref<80x128xi32, #tpu.memory_space<vmem>> -> memref<1x128xi32, #tpu.memory_space<vmem>>
    %dma_wait3A_750 = tpu.memref_squeeze %dma_wait3A_749 : memref<1x128xi32, #tpu.memory_space<vmem>> -> memref<128xi32, #tpu.memory_space<vmem>>
    %dma_wait3A_751 = arith.constant 0 : i32
    %dma_wait3A_752 = arith.constant 0 : i32
    %dma_wait3A_753 = tpu.memref_slice %arg9[%dma_wait3A_751, %dma_wait3A_752] : memref<10240x64xbf16, #tpu.memory_space<vmem_shared>> -> memref<10240x64xbf16, #tpu.memory_space<vmem_shared>>
    tpu.wait_indirect_dma semaphore(%arg11 : memref<!tpu.dma_semaphore, #tpu.memory_space<semaphore_mem>>) src(%dma_wait3A_747 : memref<128x64xbf16, #tpu.memory_space<vmem>>) dst(%dma_wait3A_753 : memref<10240x64xbf16, #tpu.memory_space<vmem_shared>>)
    %dma_wait3A_754 = arith.constant 1 : i32
    %dma_wait3A_755 = arith.constant 1 : i32
    %dma_wait3A_756 = arith.constant 73 : i32
    %dma_wait3A_757 = arith.constant 0 : i32
    %dma_wait3A_758 = arith.constant 0 : i32
    %dma_wait3A_759 = tpu.memref_slice %arg8[%dma_wait3A_754, %dma_wait3A_755, %dma_wait3A_757, %dma_wait3A_758] : memref<2x8x128x64xbf16, #tpu.memory_space<vmem>> -> memref<1x1x128x64xbf16, #tpu.memory_space<vmem>>
    %dma_wait3A_760 = tpu.memref_squeeze %dma_wait3A_759 : memref<1x1x128x64xbf16, #tpu.memory_space<vmem>> -> memref<128x64xbf16, #tpu.memory_space<vmem>>
    %dma_wait3A_761 = arith.constant 0 : i32
    %dma_wait3A_762 = tpu.memref_slice %arg7[%dma_wait3A_756, %dma_wait3A_761] : memref<80x128xi32, #tpu.memory_space<vmem>> -> memref<1x128xi32, #tpu.memory_space<vmem>>
    %dma_wait3A_763 = tpu.memref_squeeze %dma_wait3A_762 : memref<1x128xi32, #tpu.memory_space<vmem>> -> memref<128xi32, #tpu.memory_space<vmem>>
    %dma_wait3A_764 = arith.constant 0 : i32
    %dma_wait3A_765 = arith.constant 0 : i32
    %dma_wait3A_766 = tpu.memref_slice %arg9[%dma_wait3A_764, %dma_wait3A_765] : memref<10240x64xbf16, #tpu.memory_space<vmem_shared>> -> memref<10240x64xbf16, #tpu.memory_space<vmem_shared>>
    tpu.wait_indirect_dma semaphore(%arg11 : memref<!tpu.dma_semaphore, #tpu.memory_space<semaphore_mem>>) src(%dma_wait3A_760 : memref<128x64xbf16, #tpu.memory_space<vmem>>) dst(%dma_wait3A_766 : memref<10240x64xbf16, #tpu.memory_space<vmem_shared>>)
    %dma_wait3A_767 = arith.constant 1 : i32
    %dma_wait3A_768 = arith.constant 2 : i32
    %dma_wait3A_769 = arith.constant 74 : i32
    %dma_wait3A_770 = arith.constant 0 : i32
    %dma_wait3A_771 = arith.constant 0 : i32
    %dma_wait3A_772 = tpu.memref_slice %arg8[%dma_wait3A_767, %dma_wait3A_768, %dma_wait3A_770, %dma_wait3A_771] : memref<2x8x128x64xbf16, #tpu.memory_space<vmem>> -> memref<1x1x128x64xbf16, #tpu.memory_space<vmem>>
    %dma_wait3A_773 = tpu.memref_squeeze %dma_wait3A_772 : memref<1x1x128x64xbf16, #tpu.memory_space<vmem>> -> memref<128x64xbf16, #tpu.memory_space<vmem>>
    %dma_wait3A_774 = arith.constant 0 : i32
    %dma_wait3A_775 = tpu.memref_slice %arg7[%dma_wait3A_769, %dma_wait3A_774] : memref<80x128xi32, #tpu.memory_space<vmem>> -> memref<1x128xi32, #tpu.memory_space<vmem>>
    %dma_wait3A_776 = tpu.memref_squeeze %dma_wait3A_775 : memref<1x128xi32, #tpu.memory_space<vmem>> -> memref<128xi32, #tpu.memory_space<vmem>>
    %dma_wait3A_777 = arith.constant 0 : i32
    %dma_wait3A_778 = arith.constant 0 : i32
    %dma_wait3A_779 = tpu.memref_slice %arg9[%dma_wait3A_777, %dma_wait3A_778] : memref<10240x64xbf16, #tpu.memory_space<vmem_shared>> -> memref<10240x64xbf16, #tpu.memory_space<vmem_shared>>
    tpu.wait_indirect_dma semaphore(%arg11 : memref<!tpu.dma_semaphore, #tpu.memory_space<semaphore_mem>>) src(%dma_wait3A_773 : memref<128x64xbf16, #tpu.memory_space<vmem>>) dst(%dma_wait3A_779 : memref<10240x64xbf16, #tpu.memory_space<vmem_shared>>)
    %dma_wait3A_780 = arith.constant 1 : i32
    %dma_wait3A_781 = arith.constant 3 : i32
    %dma_wait3A_782 = arith.constant 75 : i32
    %dma_wait3A_783 = arith.constant 0 : i32
    %dma_wait3A_784 = arith.constant 0 : i32
    %dma_wait3A_785 = tpu.memref_slice %arg8[%dma_wait3A_780, %dma_wait3A_781, %dma_wait3A_783, %dma_wait3A_784] : memref<2x8x128x64xbf16, #tpu.memory_space<vmem>> -> memref<1x1x128x64xbf16, #tpu.memory_space<vmem>>
    %dma_wait3A_786 = tpu.memref_squeeze %dma_wait3A_785 : memref<1x1x128x64xbf16, #tpu.memory_space<vmem>> -> memref<128x64xbf16, #tpu.memory_space<vmem>>
    %dma_wait3A_787 = arith.constant 0 : i32
    %dma_wait3A_788 = tpu.memref_slice %arg7[%dma_wait3A_782, %dma_wait3A_787] : memref<80x128xi32, #tpu.memory_space<vmem>> -> memref<1x128xi32, #tpu.memory_space<vmem>>
    %dma_wait3A_789 = tpu.memref_squeeze %dma_wait3A_788 : memref<1x128xi32, #tpu.memory_space<vmem>> -> memref<128xi32, #tpu.memory_space<vmem>>
    %dma_wait3A_790 = arith.constant 0 : i32
    %dma_wait3A_791 = arith.constant 0 : i32
    %dma_wait3A_792 = tpu.memref_slice %arg9[%dma_wait3A_790, %dma_wait3A_791] : memref<10240x64xbf16, #tpu.memory_space<vmem_shared>> -> memref<10240x64xbf16, #tpu.memory_space<vmem_shared>>
    tpu.wait_indirect_dma semaphore(%arg11 : memref<!tpu.dma_semaphore, #tpu.memory_space<semaphore_mem>>) src(%dma_wait3A_786 : memref<128x64xbf16, #tpu.memory_space<vmem>>) dst(%dma_wait3A_792 : memref<10240x64xbf16, #tpu.memory_space<vmem_shared>>)
    %dma_wait3A_793 = arith.constant 1 : i32
    %dma_wait3A_794 = arith.constant 4 : i32
    %dma_wait3A_795 = arith.constant 76 : i32
    %dma_wait3A_796 = arith.constant 0 : i32
    %dma_wait3A_797 = arith.constant 0 : i32
    %dma_wait3A_798 = tpu.memref_slice %arg8[%dma_wait3A_793, %dma_wait3A_794, %dma_wait3A_796, %dma_wait3A_797] : memref<2x8x128x64xbf16, #tpu.memory_space<vmem>> -> memref<1x1x128x64xbf16, #tpu.memory_space<vmem>>
    %dma_wait3A_799 = tpu.memref_squeeze %dma_wait3A_798 : memref<1x1x128x64xbf16, #tpu.memory_space<vmem>> -> memref<128x64xbf16, #tpu.memory_space<vmem>>
    %dma_wait3A_800 = arith.constant 0 : i32
    %dma_wait3A_801 = tpu.memref_slice %arg7[%dma_wait3A_795, %dma_wait3A_800] : memref<80x128xi32, #tpu.memory_space<vmem>> -> memref<1x128xi32, #tpu.memory_space<vmem>>
    %dma_wait3A_802 = tpu.memref_squeeze %dma_wait3A_801 : memref<1x128xi32, #tpu.memory_space<vmem>> -> memref<128xi32, #tpu.memory_space<vmem>>
    %dma_wait3A_803 = arith.constant 0 : i32
    %dma_wait3A_804 = arith.constant 0 : i32
    %dma_wait3A_805 = tpu.memref_slice %arg9[%dma_wait3A_803, %dma_wait3A_804] : memref<10240x64xbf16, #tpu.memory_space<vmem_shared>> -> memref<10240x64xbf16, #tpu.memory_space<vmem_shared>>
    tpu.wait_indirect_dma semaphore(%arg11 : memref<!tpu.dma_semaphore, #tpu.memory_space<semaphore_mem>>) src(%dma_wait3A_799 : memref<128x64xbf16, #tpu.memory_space<vmem>>) dst(%dma_wait3A_805 : memref<10240x64xbf16, #tpu.memory_space<vmem_shared>>)
    %dma_wait3A_806 = arith.constant 1 : i32
    %dma_wait3A_807 = arith.constant 5 : i32
    %dma_wait3A_808 = arith.constant 77 : i32
    %dma_wait3A_809 = arith.constant 0 : i32
    %dma_wait3A_810 = arith.constant 0 : i32
    %dma_wait3A_811 = tpu.memref_slice %arg8[%dma_wait3A_806, %dma_wait3A_807, %dma_wait3A_809, %dma_wait3A_810] : memref<2x8x128x64xbf16, #tpu.memory_space<vmem>> -> memref<1x1x128x64xbf16, #tpu.memory_space<vmem>>
    %dma_wait3A_812 = tpu.memref_squeeze %dma_wait3A_811 : memref<1x1x128x64xbf16, #tpu.memory_space<vmem>> -> memref<128x64xbf16, #tpu.memory_space<vmem>>
    %dma_wait3A_813 = arith.constant 0 : i32
    %dma_wait3A_814 = tpu.memref_slice %arg7[%dma_wait3A_808, %dma_wait3A_813] : memref<80x128xi32, #tpu.memory_space<vmem>> -> memref<1x128xi32, #tpu.memory_space<vmem>>
    %dma_wait3A_815 = tpu.memref_squeeze %dma_wait3A_814 : memref<1x128xi32, #tpu.memory_space<vmem>> -> memref<128xi32, #tpu.memory_space<vmem>>
    %dma_wait3A_816 = arith.constant 0 : i32
    %dma_wait3A_817 = arith.constant 0 : i32
    %dma_wait3A_818 = tpu.memref_slice %arg9[%dma_wait3A_816, %dma_wait3A_817] : memref<10240x64xbf16, #tpu.memory_space<vmem_shared>> -> memref<10240x64xbf16, #tpu.memory_space<vmem_shared>>
    tpu.wait_indirect_dma semaphore(%arg11 : memref<!tpu.dma_semaphore, #tpu.memory_space<semaphore_mem>>) src(%dma_wait3A_812 : memref<128x64xbf16, #tpu.memory_space<vmem>>) dst(%dma_wait3A_818 : memref<10240x64xbf16, #tpu.memory_space<vmem_shared>>)
    %dma_wait3A_819 = arith.constant 1 : i32
    %dma_wait3A_820 = arith.constant 6 : i32
    %dma_wait3A_821 = arith.constant 78 : i32
    %dma_wait3A_822 = arith.constant 0 : i32
    %dma_wait3A_823 = arith.constant 0 : i32
    %dma_wait3A_824 = tpu.memref_slice %arg8[%dma_wait3A_819, %dma_wait3A_820, %dma_wait3A_822, %dma_wait3A_823] : memref<2x8x128x64xbf16, #tpu.memory_space<vmem>> -> memref<1x1x128x64xbf16, #tpu.memory_space<vmem>>
    %dma_wait3A_825 = tpu.memref_squeeze %dma_wait3A_824 : memref<1x1x128x64xbf16, #tpu.memory_space<vmem>> -> memref<128x64xbf16, #tpu.memory_space<vmem>>
    %dma_wait3A_826 = arith.constant 0 : i32
    %dma_wait3A_827 = tpu.memref_slice %arg7[%dma_wait3A_821, %dma_wait3A_826] : memref<80x128xi32, #tpu.memory_space<vmem>> -> memref<1x128xi32, #tpu.memory_space<vmem>>
    %dma_wait3A_828 = tpu.memref_squeeze %dma_wait3A_827 : memref<1x128xi32, #tpu.memory_space<vmem>> -> memref<128xi32, #tpu.memory_space<vmem>>
    %dma_wait3A_829 = arith.constant 0 : i32
    %dma_wait3A_830 = arith.constant 0 : i32
    %dma_wait3A_831 = tpu.memref_slice %arg9[%dma_wait3A_829, %dma_wait3A_830] : memref<10240x64xbf16, #tpu.memory_space<vmem_shared>> -> memref<10240x64xbf16, #tpu.memory_space<vmem_shared>>
    tpu.wait_indirect_dma semaphore(%arg11 : memref<!tpu.dma_semaphore, #tpu.memory_space<semaphore_mem>>) src(%dma_wait3A_825 : memref<128x64xbf16, #tpu.memory_space<vmem>>) dst(%dma_wait3A_831 : memref<10240x64xbf16, #tpu.memory_space<vmem_shared>>)
    %dma_wait3A_832 = arith.constant 1 : i32
    %dma_wait3A_833 = arith.constant 7 : i32
    %dma_wait3A_834 = arith.constant 79 : i32
    %dma_wait3A_835 = arith.constant 0 : i32
    %dma_wait3A_836 = arith.constant 0 : i32
    %dma_wait3A_837 = tpu.memref_slice %arg8[%dma_wait3A_832, %dma_wait3A_833, %dma_wait3A_835, %dma_wait3A_836] : memref<2x8x128x64xbf16, #tpu.memory_space<vmem>> -> memref<1x1x128x64xbf16, #tpu.memory_space<vmem>>
    %dma_wait3A_838 = tpu.memref_squeeze %dma_wait3A_837 : memref<1x1x128x64xbf16, #tpu.memory_space<vmem>> -> memref<128x64xbf16, #tpu.memory_space<vmem>>
    %dma_wait3A_839 = arith.constant 0 : i32
    %dma_wait3A_840 = tpu.memref_slice %arg7[%dma_wait3A_834, %dma_wait3A_839] : memref<80x128xi32, #tpu.memory_space<vmem>> -> memref<1x128xi32, #tpu.memory_space<vmem>>
    %dma_wait3A_841 = tpu.memref_squeeze %dma_wait3A_840 : memref<1x128xi32, #tpu.memory_space<vmem>> -> memref<128xi32, #tpu.memory_space<vmem>>
    %dma_wait3A_842 = arith.constant 0 : i32
    %dma_wait3A_843 = arith.constant 0 : i32
    %dma_wait3A_844 = tpu.memref_slice %arg9[%dma_wait3A_842, %dma_wait3A_843] : memref<10240x64xbf16, #tpu.memory_space<vmem_shared>> -> memref<10240x64xbf16, #tpu.memory_space<vmem_shared>>
    tpu.wait_indirect_dma semaphore(%arg11 : memref<!tpu.dma_semaphore, #tpu.memory_space<semaphore_mem>>) src(%dma_wait3A_838 : memref<128x64xbf16, #tpu.memory_space<vmem>>) dst(%dma_wait3A_844 : memref<10240x64xbf16, #tpu.memory_space<vmem_shared>>)
    %barrier3A_845 = arith.constant 0 : index
    tpu.barrier barrier_id(%barrier3A_845)
    %mul3A_846 = arith.constant 640 : i32
    %mul3A_847 = arith.muli %arg1, %mul3A_846 : i32
    %mul3A_848 = arith.constant 640 : i32
    %mul3A_849 = arith.muli %arg1, %mul3A_848 : i32
    "tpu.region"() ({
      %run_scoped3A_850 = tpu.sem_alloc : memref<!tpu.dma_semaphore, #tpu.memory_space<semaphore_mem>>
      %dma_start3A_851 = arith.constant 0 : i32
      %dma_start3A_852 = tpu.memref_slice %arg5[%arg0, %mul3A_849, %dma_start3A_851] : memref<2x10240x64xbf16, #tpu.memory_space<hbm>> -> memref<1x640x64xbf16, #tpu.memory_space<hbm>>
      %dma_start3A_853 = tpu.memref_squeeze %dma_start3A_852 : memref<1x640x64xbf16, #tpu.memory_space<hbm>> -> memref<640x64xbf16, #tpu.memory_space<hbm>>
      %dma_start3A_854 = arith.constant 0 : i32
      %dma_start3A_855 = tpu.memref_slice %arg9[%mul3A_847, %dma_start3A_854] : memref<10240x64xbf16, #tpu.memory_space<vmem_shared>> -> memref<640x64xbf16, #tpu.memory_space<vmem_shared>>
      tpu.enqueue_dma source(%dma_start3A_855 : memref<640x64xbf16, #tpu.memory_space<vmem_shared>>) target(%dma_start3A_853 : memref<640x64xbf16, #tpu.memory_space<hbm>>) target_semaphore(%run_scoped3A_850 : memref<!tpu.dma_semaphore, #tpu.memory_space<semaphore_mem>>)
      %dma_wait3A_856 = arith.constant 0 : i32
      %dma_wait3A_857 = tpu.memref_slice %arg5[%arg0, %mul3A_849, %dma_wait3A_856] : memref<2x10240x64xbf16, #tpu.memory_space<hbm>> -> memref<1x640x64xbf16, #tpu.memory_space<hbm>>
      %dma_wait3A_858 = tpu.memref_squeeze %dma_wait3A_857 : memref<1x640x64xbf16, #tpu.memory_space<hbm>> -> memref<640x64xbf16, #tpu.memory_space<hbm>>
      %dma_wait3A_859 = arith.constant 0 : i32
      %dma_wait3A_860 = tpu.memref_slice %arg9[%mul3A_847, %dma_wait3A_859] : memref<10240x64xbf16, #tpu.memory_space<vmem_shared>> -> memref<640x64xbf16, #tpu.memory_space<vmem_shared>>
      tpu.wait_dma2 semaphore(%run_scoped3A_850 : memref<!tpu.dma_semaphore, #tpu.memory_space<semaphore_mem>>) src(%dma_wait3A_860 : memref<640x64xbf16, #tpu.memory_space<vmem_shared>>) dst(%dma_wait3A_858 : memref<640x64xbf16, #tpu.memory_space<hbm>>)
      tpu.yield
    }) : () -> ()
    return
  }
}

module attributes {stable_mosaic.version = 14 : i64} {
  func.func @body(%arg0: i32, %arg1: memref<2x256x128xi32, #tpu.memory_space<vmem>>, %arg2: memref<2x256x128xi32, #tpu.memory_space<vmem>>) attributes {dimension_semantics = [#tpu.dimension_semantics<arbitrary>], iteration_bounds = array<i64: 10>, scalar_prefetch = 0 : i64, scratch_operands = 0 : i64, tpu.core_type = #tpu.core_type<tc>, window_params = [{transform_indices = @transform_0, window_bounds = array<i64: 2, 256, 128>}, {transform_indices = @transform_1, window_bounds = array<i64: 2, 256, 128>}]} {
    %get3A = arith.constant 0 : index
    %get3A_0 = arith.constant 0 : index
    %get3A_1 = arith.constant 0 : index
    %get3A_2 = vector.load %arg1[%get3A, %get3A_0, %get3A_1] : memref<2x256x128xi32, #tpu.memory_space<vmem>>, vector<2x256x128xi32>
    %iota3A = tpu.iota {dimensions = array<i32: 0>} : vector<256x128xi32>
    %mul3A = arith.constant 256 : i32
    %mul3A_3 = arith.muli %arg0, %mul3A : i32
    %add3A = vector.broadcast %mul3A_3 : i32 to vector<256x128xi32>
    %add3A_4 = arith.addi %iota3A, %add3A : vector<256x128xi32>
    %lt3A = arith.constant 2500 : i32
    %lt3A_5 = vector.broadcast %lt3A : i32 to vector<256x128xi32>
    %lt3A_6 = arith.cmpi slt, %add3A_4, %lt3A_5 : vector<256x128xi32>
    %slice3A = vector.extract_strided_slice %get3A_2 {offsets = [0, 0, 0], sizes = [1, 256, 128], strides = [1, 1, 1]} : vector<2x256x128xi32> to vector<1x256x128xi32>
    %squeeze3A = vector.shape_cast %slice3A : vector<1x256x128xi32> to vector<256x128xi32>
    %jit3A = arith.constant 0 : i32
    %broadcast_in_dim3A = vector.broadcast %jit3A : i32 to vector<256x128xi32>
    %select_n3A = arith.select %lt3A_6, %squeeze3A, %broadcast_in_dim3A : vector<256x128xi1>, vector<256x128xi32>
    %swap3A = arith.constant 0 : index
    %swap3A_7 = arith.constant 0 : index
    %swap3A_8 = arith.constant 0 : index
    %swap3A_9 = vector.load %arg2[%swap3A, %swap3A_7, %swap3A_8] : memref<2x256x128xi32, #tpu.memory_space<vmem>>, vector<1x256x128xi32>
    %swap3A_10 = vector.shape_cast %swap3A_9 : vector<1x256x128xi32> to vector<256x128xi32>
    %swap3A_11 = vector.shape_cast %select_n3A : vector<256x128xi32> to vector<1x256x128xi32>
    tpu.vector_store %arg2[%swap3A, %swap3A_7, %swap3A_8], %swap3A_11 {strides = array<i32>} : memref<2x256x128xi32, #tpu.memory_space<vmem>>, vector<1x256x128xi32>,
    %slice3A_12 = vector.extract_strided_slice %get3A_2 {offsets = [1, 0, 0], sizes = [1, 256, 128], strides = [1, 1, 1]} : vector<2x256x128xi32> to vector<1x256x128xi32>
    %squeeze3A_13 = vector.shape_cast %slice3A_12 : vector<1x256x128xi32> to vector<256x128xi32>
    %jit3A_14 = arith.constant 10000 : i32
    %broadcast_in_dim3A_15 = vector.broadcast %jit3A_14 : i32 to vector<256x128xi32>
    %select_n3A_16 = arith.select %lt3A_6, %squeeze3A_13, %broadcast_in_dim3A_15 : vector<256x128xi1>, vector<256x128xi32>
    %swap3A_17 = arith.constant 1 : index
    %swap3A_18 = arith.constant 0 : index
    %swap3A_19 = arith.constant 0 : index
    %swap3A_20 = vector.load %arg2[%swap3A_17, %swap3A_18, %swap3A_19] : memref<2x256x128xi32, #tpu.memory_space<vmem>>, vector<1x256x128xi32>
    %swap3A_21 = vector.shape_cast %swap3A_20 : vector<1x256x128xi32> to vector<256x128xi32>
    %swap3A_22 = vector.shape_cast %select_n3A_16 : vector<256x128xi32> to vector<1x256x128xi32>
    tpu.vector_store %arg2[%swap3A_17, %swap3A_18, %swap3A_19], %swap3A_22 {strides = array<i32>} : memref<2x256x128xi32, #tpu.memory_space<vmem>>, vector<1x256x128xi32>,
    return
  }
  func.func @transform_0(%arg0: i32) -> (i32, i32, i32) {
    %c0_i32 = arith.constant 0 : i32
    %c0_i32_0 = arith.constant 0 : i32
    %c0_i32_1 = arith.constant 0 : i32
    return %c0_i32, %arg0, %c0_i32_0 : i32, i32, i32
  }
  func.func @transform_1(%arg0: i32) -> (i32, i32, i32) {
    %c0_i32 = arith.constant 0 : i32
    %c0_i32_0 = arith.constant 0 : i32
    %c0_i32_1 = arith.constant 0 : i32
    return %c0_i32, %arg0, %c0_i32_0 : i32, i32, i32
  }
}

module attributes {stable_mosaic.version = 14 : i64} {
  func.func @body(%arg0: i32, %arg1: memref<1000x128xf32, #tpu.memory_space<vmem>>, %arg2: memref<128x64xf32, #tpu.memory_space<vmem>>, %arg3: memref<1000x64xf32, #tpu.memory_space<vmem>>) attributes {dimension_semantics = [#tpu.dimension_semantics<arbitrary>], iteration_bounds = array<i64: 10>, scalar_prefetch = 0 : i64, scratch_operands = 0 : i64, tpu.core_type = #tpu.core_type<tc>, window_params = [{transform_indices = @transform_0, window_bounds = array<i64: 1000, 128>}, {pipeline_mode = #tpu.pipeline_mode<synchronous>, transform_indices = @transform_1, window_bounds = array<i64: 128, 64>}, {transform_indices = @transform_2, window_bounds = array<i64: 1000, 64>}]} {
    %get3A = arith.constant 0 : index
    %get3A_0 = arith.constant 0 : index
    %get3A_1 = vector.load %arg1[%get3A, %get3A_0] : memref<1000x128xf32, #tpu.memory_space<vmem>>, vector<1000x128xf32>
    %get3A_2 = arith.constant 0 : index
    %get3A_3 = arith.constant 0 : index
    %get3A_4 = vector.load %arg2[%get3A_2, %get3A_3] : memref<128x64xf32, #tpu.memory_space<vmem>>, vector<128x64xf32>
    %dot_general3A = arith.constant dense<0.000000e+00> : vector<1000x64xf32>
    %dot_general3A_5 = tpu.matmul %get3A_1, %get3A_4, %dot_general3A {dimension_numbers = #tpu.dot_dimension_numbers<[1], [0], [0], [1], [0, 0, 1, 1], [], []>, transpose_lhs_hint = false} : vector<1000x128xf32>, vector<128x64xf32>, vector<1000x64xf32> -> vector<1000x64xf32>
    %swap3A = arith.constant 0 : index
    %swap3A_6 = arith.constant 0 : index
    %swap3A_7 = vector.load %arg3[%swap3A, %swap3A_6] : memref<1000x64xf32, #tpu.memory_space<vmem>>, vector<1000x64xf32>
    tpu.vector_store %arg3[%swap3A, %swap3A_6], %dot_general3A_5 {strides = array<i32>} : memref<1000x64xf32, #tpu.memory_space<vmem>>, vector<1000x64xf32>,
    return
  }
  func.func @transform_0(%arg0: i32) -> (i32, i32) {
    %c0_i32 = arith.constant 0 : i32
    %c0_i32_0 = arith.constant 0 : i32
    return %arg0, %c0_i32 : i32, i32
  }
  func.func @transform_1(%arg0: i32) -> (i32, i32) {
    %c0_i32 = arith.constant 0 : i32
    %c0_i32_0 = arith.constant 0 : i32
    %c0_i32_1 = arith.constant 0 : i32
    return %c0_i32, %c0_i32_0 : i32, i32
  }
  func.func @transform_2(%arg0: i32) -> (i32, i32) {
    %c0_i32 = arith.constant 0 : i32
    %c0_i32_0 = arith.constant 0 : i32
    return %arg0, %c0_i32 : i32, i32
  }
}

module attributes {stable_mosaic.version = 14 : i64} {
  func.func @body(%arg0: i32, %arg1: memref<1000x64xf32, #tpu.memory_space<vmem>>, %arg2: memref<2x1000x16xf32, #tpu.memory_space<vmem>>, %arg3: memref<1000x64xbf16, #tpu.memory_space<vmem>>, %arg4: memref<1000x1xf32, #tpu.memory_space<vmem>>) attributes {dimension_semantics = [#tpu.dimension_semantics<arbitrary>], iteration_bounds = array<i64: 10>, scalar_prefetch = 0 : i64, scratch_operands = 0 : i64, tpu.core_type = #tpu.core_type<tc>, window_params = [{transform_indices = @transform_0, window_bounds = array<i64: 1000, 64>}, {transform_indices = @transform_1, window_bounds = array<i64: 2, 1000, 16>}, {transform_indices = @transform_2, window_bounds = array<i64: 1000, 64>}, {transform_indices = @transform_3, window_bounds = array<i64: 1000, 1>}]} {
    %get3A = arith.constant 0 : index
    %get3A_0 = arith.constant 0 : index
    %get3A_1 = arith.constant 0 : index
    %get3A_2 = vector.load %arg2[%get3A, %get3A_0, %get3A_1] : memref<2x1000x16xf32, #tpu.memory_space<vmem>>, vector<1x1000x1xf32>
    %get3A_3 = vector.shape_cast %get3A_2 : vector<1x1000x1xf32> to vector<1000x1xf32>
    %get3A_4 = arith.constant 1 : index
    %get3A_5 = arith.constant 0 : index
    %get3A_6 = arith.constant 0 : index
    %get3A_7 = vector.load %arg2[%get3A_4, %get3A_5, %get3A_6] : memref<2x1000x16xf32, #tpu.memory_space<vmem>>, vector<1x1000x1xf32>
    %get3A_8 = vector.shape_cast %get3A_7 : vector<1x1000x1xf32> to vector<1000x1xf32>
    %add3A = arith.addf %get3A_3, %get3A_8 : vector<1000x1xf32>
    %add3A_9 = arith.constant 1.000000e+00 : f32
    %add3A_10 = vector.broadcast %add3A_9 : f32 to vector<1000x1xf32>
    %add3A_11 = arith.addf %add3A, %add3A_10 : vector<1000x1xf32>
    %rsqrt3A = math.rsqrt %add3A_11 : vector<1000x1xf32>
    %get3A_12 = arith.constant 0 : index
    %get3A_13 = arith.constant 0 : index
    %get3A_14 = vector.load %arg1[%get3A_12, %get3A_13] : memref<1000x64xf32, #tpu.memory_space<vmem>>, vector<1000x64xf32>
    %mul3A = vector.broadcast %rsqrt3A : vector<1000x1xf32> to vector<1000x64xf32>
    %mul3A_15 = arith.mulf %get3A_14, %mul3A : vector<1000x64xf32>
    %convert_element_type3A = arith.truncf %mul3A_15 : vector<1000x64xf32> to vector<1000x64xbf16>
    %swap3A = arith.constant 0 : index
    %swap3A_16 = arith.constant 0 : index
    %swap3A_17 = vector.load %arg3[%swap3A, %swap3A_16] : memref<1000x64xbf16, #tpu.memory_space<vmem>>, vector<1000x64xbf16>
    tpu.vector_store %arg3[%swap3A, %swap3A_16], %convert_element_type3A {strides = array<i32>} : memref<1000x64xbf16, #tpu.memory_space<vmem>>, vector<1000x64xbf16>,
    %swap3A_18 = arith.constant 0 : index
    %swap3A_19 = arith.constant 0 : index
    %swap3A_20 = vector.load %arg4[%swap3A_18, %swap3A_19] : memref<1000x1xf32, #tpu.memory_space<vmem>>, vector<1000x1xf32>
    tpu.vector_store %arg4[%swap3A_18, %swap3A_19], %rsqrt3A {strides = array<i32>} : memref<1000x1xf32, #tpu.memory_space<vmem>>, vector<1000x1xf32>,
    return
  }
  func.func @transform_0(%arg0: i32) -> (i32, i32) {
    %c0_i32 = arith.constant 0 : i32
    %c0_i32_0 = arith.constant 0 : i32
    return %arg0, %c0_i32 : i32, i32
  }
  func.func @transform_1(%arg0: i32) -> (i32, i32, i32) {
    %c0_i32 = arith.constant 0 : i32
    %c0_i32_0 = arith.constant 0 : i32
    %c0_i32_1 = arith.constant 0 : i32
    return %c0_i32, %arg0, %c0_i32_0 : i32, i32, i32
  }
  func.func @transform_2(%arg0: i32) -> (i32, i32) {
    %c0_i32 = arith.constant 0 : i32
    %c0_i32_0 = arith.constant 0 : i32
    return %arg0, %c0_i32 : i32, i32
  }
  func.func @transform_3(%arg0: i32) -> (i32, i32) {
    %c0_i32 = arith.constant 0 : i32
    %c0_i32_0 = arith.constant 0 : i32
    return %arg0, %c0_i32 : i32, i32
  }
}

module attributes {stable_mosaic.version = 14 : i64} {
  func.func @body(%arg0: i32, %arg1: memref<2x1000x64xbf16, #tpu.memory_space<vmem>>, %arg2: memref<1000x1xf32, #tpu.memory_space<vmem>>, %arg3: memref<1x64xf32, #tpu.memory_space<vmem>>, %arg4: memref<64x16xf32, #tpu.memory_space<vmem>>, %arg5: memref<1000x16xbf16, #tpu.memory_space<vmem>>) attributes {dimension_semantics = [#tpu.dimension_semantics<arbitrary>], iteration_bounds = array<i64: 10>, scalar_prefetch = 0 : i64, scratch_operands = 0 : i64, tpu.core_type = #tpu.core_type<tc>, window_params = [{transform_indices = @transform_0, window_bounds = array<i64: 2, 1000, 64>}, {transform_indices = @transform_1, window_bounds = array<i64: 1000, 1>}, {pipeline_mode = #tpu.pipeline_mode<synchronous>, transform_indices = @transform_2, window_bounds = array<i64: 1, 64>}, {pipeline_mode = #tpu.pipeline_mode<synchronous>, transform_indices = @transform_3, window_bounds = array<i64: 64, 16>}, {transform_indices = @transform_4, window_bounds = array<i64: 1000, 16>}]} {
    %get3A = arith.constant 0 : index
    %get3A_0 = arith.constant 0 : index
    %get3A_1 = arith.constant 0 : index
    %get3A_2 = vector.load %arg1[%get3A, %get3A_0, %get3A_1] : memref<2x1000x64xbf16, #tpu.memory_space<vmem>>, vector<1x1000x64xbf16>
    %get3A_3 = vector.shape_cast %get3A_2 : vector<1x1000x64xbf16> to vector<1000x64xbf16>
    %convert_element_type3A = arith.extf %get3A_3 : vector<1000x64xbf16> to vector<1000x64xf32>
    %get3A_4 = arith.constant 1 : index
    %get3A_5 = arith.constant 0 : index
    %get3A_6 = arith.constant 0 : index
    %get3A_7 = vector.load %arg1[%get3A_4, %get3A_5, %get3A_6] : memref<2x1000x64xbf16, #tpu.memory_space<vmem>>, vector<1x1000x64xbf16>
    %get3A_8 = vector.shape_cast %get3A_7 : vector<1x1000x64xbf16> to vector<1000x64xbf16>
    %convert_element_type3A_9 = arith.extf %get3A_8 : vector<1000x64xbf16> to vector<1000x64xf32>
    %add3A = arith.addf %convert_element_type3A, %convert_element_type3A_9 : vector<1000x64xf32>
    %get3A_10 = arith.constant 0 : index
    %get3A_11 = arith.constant 0 : index
    %get3A_12 = vector.load %arg2[%get3A_10, %get3A_11] : memref<1000x1xf32, #tpu.memory_space<vmem>>, vector<1000x1xf32>
    %mul3A = vector.broadcast %get3A_12 : vector<1000x1xf32> to vector<1000x64xf32>
    %mul3A_13 = arith.mulf %add3A, %mul3A : vector<1000x64xf32>
    %get3A_14 = arith.constant 0 : index
    %get3A_15 = arith.constant 0 : index
    %get3A_16 = vector.load %arg3[%get3A_14, %get3A_15] : memref<1x64xf32, #tpu.memory_space<vmem>>, vector<1x64xf32>
    %add3A_17 = vector.broadcast %get3A_16 : vector<1x64xf32> to vector<1000x64xf32>
    %add3A_18 = arith.addf %mul3A_13, %add3A_17 : vector<1000x64xf32>
    %max3A = arith.constant 0.000000e+00 : f32
    %max3A_19 = vector.broadcast %max3A : f32 to vector<1000x64xf32>
    %max3A_20 = arith.maximumf %add3A_18, %max3A_19 : vector<1000x64xf32>
    %get3A_21 = arith.constant 0 : index
    %get3A_22 = arith.constant 0 : index
    %get3A_23 = vector.load %arg4[%get3A_21, %get3A_22] : memref<64x16xf32, #tpu.memory_space<vmem>>, vector<64x16xf32>
    %dot_general3A = arith.constant dense<0.000000e+00> : vector<1000x16xf32>
    %dot_general3A_24 = tpu.matmul %max3A_20, %get3A_23, %dot_general3A {dimension_numbers = #tpu.dot_dimension_numbers<[1], [0], [0], [1], [0, 0, 1, 1], [], []>, transpose_lhs_hint = false} : vector<1000x64xf32>, vector<64x16xf32>, vector<1000x16xf32> -> vector<1000x16xf32>
    %get3A_25 = arith.constant 0 : index
    %get3A_26 = arith.constant 0 : index
    %get3A_27 = vector.load %arg2[%get3A_25, %get3A_26] : memref<1000x1xf32, #tpu.memory_space<vmem>>, vector<1000x1xf32>
    %mul3A_28 = vector.broadcast %get3A_27 : vector<1000x1xf32> to vector<1000x16xf32>
    %mul3A_29 = arith.mulf %dot_general3A_24, %mul3A_28 : vector<1000x16xf32>
    %convert_element_type3A_30 = arith.truncf %mul3A_29 : vector<1000x16xf32> to vector<1000x16xbf16>
    %swap3A = arith.constant 0 : index
    %swap3A_31 = arith.constant 0 : index
    %swap3A_32 = vector.load %arg5[%swap3A, %swap3A_31] : memref<1000x16xbf16, #tpu.memory_space<vmem>>, vector<1000x16xbf16>
    tpu.vector_store %arg5[%swap3A, %swap3A_31], %convert_element_type3A_30 {strides = array<i32>} : memref<1000x16xbf16, #tpu.memory_space<vmem>>, vector<1000x16xbf16>,
    return
  }
  func.func @transform_0(%arg0: i32) -> (i32, i32, i32) {
    %c0_i32 = arith.constant 0 : i32
    %c0_i32_0 = arith.constant 0 : i32
    %c0_i32_1 = arith.constant 0 : i32
    return %c0_i32, %arg0, %c0_i32_0 : i32, i32, i32
  }
  func.func @transform_1(%arg0: i32) -> (i32, i32) {
    %c0_i32 = arith.constant 0 : i32
    %c0_i32_0 = arith.constant 0 : i32
    return %arg0, %c0_i32 : i32, i32
  }
  func.func @transform_2(%arg0: i32) -> (i32, i32) {
    %c0_i32 = arith.constant 0 : i32
    %c0_i32_0 = arith.constant 0 : i32
    %c0_i32_1 = arith.constant 0 : i32
    return %c0_i32, %c0_i32_0 : i32, i32
  }
  func.func @transform_3(%arg0: i32) -> (i32, i32) {
    %c0_i32 = arith.constant 0 : i32
    %c0_i32_0 = arith.constant 0 : i32
    %c0_i32_1 = arith.constant 0 : i32
    return %c0_i32, %c0_i32_0 : i32, i32
  }
  func.func @transform_4(%arg0: i32) -> (i32, i32) {
    %c0_i32 = arith.constant 0 : i32
    %c0_i32_0 = arith.constant 0 : i32
    return %arg0, %c0_i32 : i32, i32
  }
}

module attributes {stable_mosaic.version = 14 : i64} {
  func.func @body(%arg0: i32, %arg1: memref<2x1000x16xbf16, #tpu.memory_space<vmem>>, %arg2: memref<1000x1xf32, #tpu.memory_space<vmem>>, %arg3: memref<1x16xf32, #tpu.memory_space<vmem>>, %arg4: memref<1000x16xf32, #tpu.memory_space<vmem>>, %arg5: memref<1x16xf32, #tpu.memory_space<vmem>>) attributes {dimension_semantics = [#tpu.dimension_semantics<arbitrary>], iteration_bounds = array<i64: 10>, scalar_prefetch = 0 : i64, scratch_operands = 0 : i64, tpu.core_type = #tpu.core_type<tc>, window_params = [{transform_indices = @transform_0, window_bounds = array<i64: 2, 1000, 16>}, {transform_indices = @transform_1, window_bounds = array<i64: 1000, 1>}, {pipeline_mode = #tpu.pipeline_mode<synchronous>, transform_indices = @transform_2, window_bounds = array<i64: 1, 16>}, {transform_indices = @transform_3, window_bounds = array<i64: 1000, 16>}, {pipeline_mode = #tpu.pipeline_mode<synchronous>, transform_indices = @transform_4, window_bounds = array<i64: 1, 16>}]} {
    %get3A = arith.constant 0 : index
    %get3A_0 = arith.constant 0 : index
    %get3A_1 = arith.constant 0 : index
    %get3A_2 = vector.load %arg1[%get3A, %get3A_0, %get3A_1] : memref<2x1000x16xbf16, #tpu.memory_space<vmem>>, vector<1x1000x16xbf16>
    %get3A_3 = vector.shape_cast %get3A_2 : vector<1x1000x16xbf16> to vector<1000x16xbf16>
    %convert_element_type3A = arith.extf %get3A_3 : vector<1000x16xbf16> to vector<1000x16xf32>
    %get3A_4 = arith.constant 1 : index
    %get3A_5 = arith.constant 0 : index
    %get3A_6 = arith.constant 0 : index
    %get3A_7 = vector.load %arg1[%get3A_4, %get3A_5, %get3A_6] : memref<2x1000x16xbf16, #tpu.memory_space<vmem>>, vector<1x1000x16xbf16>
    %get3A_8 = vector.shape_cast %get3A_7 : vector<1x1000x16xbf16> to vector<1000x16xbf16>
    %convert_element_type3A_9 = arith.extf %get3A_8 : vector<1000x16xbf16> to vector<1000x16xf32>
    %add3A = arith.addf %convert_element_type3A, %convert_element_type3A_9 : vector<1000x16xf32>
    %get3A_10 = arith.constant 0 : index
    %get3A_11 = arith.constant 0 : index
    %get3A_12 = vector.load %arg2[%get3A_10, %get3A_11] : memref<1000x1xf32, #tpu.memory_space<vmem>>, vector<1000x1xf32>
    %mul3A = vector.broadcast %get3A_12 : vector<1000x1xf32> to vector<1000x16xf32>
    %mul3A_13 = arith.mulf %add3A, %mul3A : vector<1000x16xf32>
    %get3A_14 = arith.constant 0 : index
    %get3A_15 = arith.constant 0 : index
    %get3A_16 = vector.load %arg3[%get3A_14, %get3A_15] : memref<1x16xf32, #tpu.memory_space<vmem>>, vector<1x16xf32>
    %add3A_17 = vector.broadcast %get3A_16 : vector<1x16xf32> to vector<1000x16xf32>
    %add3A_18 = arith.addf %mul3A_13, %add3A_17 : vector<1000x16xf32>
    %swap3A = arith.constant 0 : index
    %swap3A_19 = arith.constant 0 : index
    %swap3A_20 = vector.load %arg4[%swap3A, %swap3A_19] : memref<1000x16xf32, #tpu.memory_space<vmem>>, vector<1000x16xf32>
    tpu.vector_store %arg4[%swap3A, %swap3A_19], %add3A_18 {strides = array<i32>} : memref<1000x16xf32, #tpu.memory_space<vmem>>, vector<1000x16xf32>,
    %eq3A = arith.constant 0 : i32
    %eq3A_21 = arith.cmpi eq, %arg0, %eq3A : i32
    %convert_element_type3A_22 = arith.extui %eq3A_21 : i1 to i32
    %cond3A = arith.constant 0 : i32
    %cond3A_23 = arith.cmpi ne, %convert_element_type3A_22, %cond3A : i32
    scf.if %cond3A_23 {
      %broadcast_in_dim3A_37 = arith.constant 0.000000e+00 : f32
      %broadcast_in_dim3A_38 = vector.broadcast %broadcast_in_dim3A_37 : f32 to vector<1x16xf32>
      %swap3A_39 = arith.constant 0 : index
      %swap3A_40 = arith.constant 0 : index
      %swap3A_41 = vector.load %arg5[%swap3A_39, %swap3A_40] : memref<1x16xf32, #tpu.memory_space<vmem>>, vector<1x16xf32>
      tpu.vector_store %arg5[%swap3A_39, %swap3A_40], %broadcast_in_dim3A_38 {strides = array<i32>} : memref<1x16xf32, #tpu.memory_space<vmem>>, vector<1x16xf32>,
    } else {
    }
    %get3A_24 = arith.constant 0 : index
    %get3A_25 = arith.constant 0 : index
    %get3A_26 = vector.load %arg5[%get3A_24, %get3A_25] : memref<1x16xf32, #tpu.memory_space<vmem>>, vector<1x16xf32>
    %reduce_sum3A = arith.constant dense<0.000000e+00> : vector<16xf32>
    %reduce_sum3A_27 = vector.multi_reduction <add>, %add3A_18, %reduce_sum3A [0] : vector<1000x16xf32> to vector<16xf32>
    %broadcast_in_dim3A = vector.shape_cast %reduce_sum3A_27 : vector<16xf32> to vector<1x16xf32>
    %add3A_28 = arith.addf %get3A_26, %broadcast_in_dim3A : vector<1x16xf32>
    %swap3A_29 = arith.constant 0 : index
    %swap3A_30 = arith.constant 0 : index
    %swap3A_31 = vector.load %arg5[%swap3A_29, %swap3A_30] : memref<1x16xf32, #tpu.memory_space<vmem>>, vector<1x16xf32>
    tpu.vector_store %arg5[%swap3A_29, %swap3A_30], %add3A_28 {strides = array<i32>} : memref<1x16xf32, #tpu.memory_space<vmem>>, vector<1x16xf32>,
    %eq3A_32 = arith.constant 9 : i32
    %eq3A_33 = arith.cmpi eq, %arg0, %eq3A_32 : i32
    %convert_element_type3A_34 = arith.extui %eq3A_33 : i1 to i32
    %cond3A_35 = arith.constant 0 : i32
    %cond3A_36 = arith.cmpi ne, %convert_element_type3A_34, %cond3A_35 : i32
    scf.if %cond3A_36 {
      %get3A_37 = arith.constant 0 : index
      %get3A_38 = arith.constant 0 : index
      %get3A_39 = vector.load %arg5[%get3A_37, %get3A_38] : memref<1x16xf32, #tpu.memory_space<vmem>>, vector<1x16xf32>
      %mul3A_40 = arith.constant 9.99999974E-5 : f32
      %mul3A_41 = vector.broadcast %mul3A_40 : f32 to vector<1x16xf32>
      %mul3A_42 = arith.mulf %get3A_39, %mul3A_41 : vector<1x16xf32>
      %swap3A_43 = arith.constant 0 : index
      %swap3A_44 = arith.constant 0 : index
      %swap3A_45 = vector.load %arg5[%swap3A_43, %swap3A_44] : memref<1x16xf32, #tpu.memory_space<vmem>>, vector<1x16xf32>
      tpu.vector_store %arg5[%swap3A_43, %swap3A_44], %mul3A_42 {strides = array<i32>} : memref<1x16xf32, #tpu.memory_space<vmem>>, vector<1x16xf32>,
    } else {
    }
    return
  }
  func.func @transform_0(%arg0: i32) -> (i32, i32, i32) {
    %c0_i32 = arith.constant 0 : i32
    %c0_i32_0 = arith.constant 0 : i32
    %c0_i32_1 = arith.constant 0 : i32
    return %c0_i32, %arg0, %c0_i32_0 : i32, i32, i32
  }
  func.func @transform_1(%arg0: i32) -> (i32, i32) {
    %c0_i32 = arith.constant 0 : i32
    %c0_i32_0 = arith.constant 0 : i32
    return %arg0, %c0_i32 : i32, i32
  }
  func.func @transform_2(%arg0: i32) -> (i32, i32) {
    %c0_i32 = arith.constant 0 : i32
    %c0_i32_0 = arith.constant 0 : i32
    %c0_i32_1 = arith.constant 0 : i32
    return %c0_i32, %c0_i32_0 : i32, i32
  }
  func.func @transform_3(%arg0: i32) -> (i32, i32) {
    %c0_i32 = arith.constant 0 : i32
    %c0_i32_0 = arith.constant 0 : i32
    return %arg0, %c0_i32 : i32, i32
  }
  func.func @transform_4(%arg0: i32) -> (i32, i32) {
    %c0_i32 = arith.constant 0 : i32
    %c0_i32_0 = arith.constant 0 : i32
    %c0_i32_1 = arith.constant 0 : i32
    return %c0_i32, %c0_i32_0 : i32, i32
  }
}

</mosaic_0001>

<sc_bundles>
// kernel: kernel.10.cloned.1.call-start
scs
__scs_entry_jumppad:
0x0: {  	(pc) =	sbr.rel $0x88, $3  }
0x1: {  	(tag) =	ssettag $0x0;
	lr =	simm.s32 $0x1  }
0x2: {  	[smem:$0x3F9B] =	sst lr;
	_ =	strace $0xD0000000  }
0x3: {  	_ = 	snop  }
0x4: {  	_ = 	snop  }
0x5: {  	_ = 	snop  }
0x6: {  	_ = 	snop  }
0x7: {  	_ = 	snop  }
__scs_overlays_trampoline_lowered:
0x8: {  	[smem:$0x3FAA] =	sst s0  }
0x9: {  	[smem:$0x3FAB] =	sst s1  }
0xa: {  	[smem:$0x3FAC] =	sst s2  }
0xb: {  	[smem:$0x3FAD] =	sst s3  }
0xc: {  	[smem:$0x3FAE] =	sst s4  }
0xd: {  	[smem:$0x3FAF] =	sst s5  }
0xe: {  	[smem:$0x3FB0] =	sst s6  }
0xf: {  	[smem:$0x3FB1] =	sst s7  }
0x10: {  	[smem:$0x3FB2] =	sst s8  }
0x11: {  	[smem:$0x3FB3] =	sst s9;
	s0 =	simm.s32 @!p0 $0x0  }
0x12: {  	s1 =	sld [smem:$0x3F99];
	s0 =	simm.s32 @p0 $0x1  }
0x13: {  	[smem:$0x3FB4] =	sst s0;
	s0 =	simm.s32 @!p1 $0x0  }
0x14: {  	s2 =	sld [smem:$0x3F98];
	s0 =	simm.s32 @p1 $0x1  }
0x15: {  	[smem:$0x3FB5] =	sst s0;
	s0 =	simm.s32 @!p2 $0x0  }
0x16: {  	s3 =	sld [smem:$0x3FDB];
	s0 =	simm.s32 @p2 $0x1  }
0x17: {  	s4 =	simm.s32 $0x1BF5;
	[smem:$0x3FB7] =	sst s0  }
0x18: {  	s0 =	sld [smem:$0x3F9A];
	_ =	swait.ge [sflag:s4], $0x0  }
0x19: {  	s7 =	sld [smem:$0x3F9B]  }
0x1a: {  	s8 =	sadd.s32 $0xFFFFE003, lr  }
0x1b: {  	s9 =	sadd.s32 $0xFFFFFEF7, lr;
	s5 =	simm.s32 $0xFFFFFFFF;
	p2 =	slt.u32 s8, $0xFFFFF086  }
0x1c: {  	p1 =	slt.u32 s9, $0xF7A;
	s5 =	simm.s32 @!p2 $0x0  }
0x1d: {  	s5 =	simm.s32 @p1 $0x1;
	p0 =	seq.s32 s7, s2  }
0x1e: {  	s7 =	smul.u32 @!p0 $0xF7A, s2;
	p2 =	seq.s32 @!p0 s5, $0x0  }
0x1f: {  	s9 =	smul.u32 $0xF7A, s1;
	s8 =	simm.s32 @!p0 $0x1BF5;
	p2 =	por !p2, p0  }
0x20: {  	[sflag:s8] =	ssyncset.s32 @!p0 $0xFFFFF086;
	s6 =	sadd.s32 @!p0 s3, s7;
	s7 =	simm.s32 @!p0 $0x108  }
0x21: {  	s3 =	sadd.s32 s3, s9;
	s6 =	sadd.s32 @!p0 $0x88, s6;
	s7 =	simm.s32 @p2 $0x1082  }
0x22: {  	[simem:s7], [sflag:s8] =	dma.local @!p0 [hbm:s6], $0xF7A  }
0x23: {  	s9 =	sor.u32 $0xD0000000, s2;
	s6 =	simm.s32 $0x108;
	_ =	swait.ge @!p0 [sflag:s8], $0x0  }
0x24: {  	s3 =	sadd.s32 $0x88, s3;
	s6 =	simm.s32 @!p1 $0x1082;
	[sflag:s4] =	ssyncset.s32 $0xFFFFF086  }
0x25: {  	[simem:s6], [sflag:s4] =	dma.local [hbm:s3], $0xF7A  }
0x26: {  	[smem:$0x3F9B] =	sst s1;
	(tag) =	ssettag s2;
	_ =	strace s9  }
0x27: {  	s1 =	sld [smem:$0x3FAB]  }
0x28: {  	s2 =	sld [smem:$0x3FAC]  }
0x29: {  	s4 =	sld [smem:$0x3FAE]  }
0x2a: {  	p0 =	seq.s32 s5, $0x0;
	s5 =	sld [smem:$0x3FAF]  }
0x2b: {  	s6 =	sld [smem:$0x3FB0]  }
0x2c: {  	s7 =	sld [smem:$0x3FB1]  }
0x2d: {  	s3 =	simm.s32 $0x108;
	s8 =	sld [smem:$0x3FB2]  }
0x2e: {  	s3 =	simm.s32 @!p0 $0x1082;
	s9 =	sld [smem:$0x3FB3]  }
0x2f: {  	lr =	sadd.s32 s0, s3;
	s0 =	sld [smem:$0x3FAA]  }
0x30: {  	s3 =	sld [smem:$0x3FAD]  }
0x31: {  	[smem:$0x3FB6] =	sst s10  }
0x32: {  	s10 =	sld [smem:$0x3FB4];
	_ =	sdelay $0x3  }
0x33: {  	p0 =	seq.s32 s10, $0x1;
	s10 =	sld [smem:$0x3FB6];
	_ =	sdelay $0x3  }
0x34: {  	[smem:$0x3FB6] =	sst s10  }
0x35: {  	s10 =	sld [smem:$0x3FB5];
	_ =	sdelay $0x3  }
0x36: {  	p1 =	seq.s32 s10, $0x1;
	s10 =	sld [smem:$0x3FB6];
	_ =	sdelay $0x3  }
0x37: {  	[smem:$0x3FB6] =	sst s10  }
0x38: {  	s10 =	sld [smem:$0x3FB7]  }
0x39: {  	_ = 	snop;
	(pc) =	sbr.ind lr, $3  }
0x3a: {  	_ = 	snop  }
0x3b: {  	_ = 	snop  }
0x3c: {  	p2 =	seq.s32 s10, $0x1;
	s10 =	sld [smem:$0x3FB6]  }
0x3d: {  	_ =	shalt  }
0x3e: {  	_ =	shalt  }
0x3f: {  	_ =	shalt  }
0x40: {  	_ =	shalt  }
0x41: {  	_ =	shalt  }
0x42: {  	_ =	shalt  }
0x43: {  	_ =	shalt  }
0x44: {  	_ =	shalt  }
0x45: {  	_ =	shalt  }
0x46: {  	_ =	shalt  }
0x47: {  	_ =	shalt  }
0x48: {  	_ =	shalt  }
0x49: {  	_ =	shalt  }
0x4a: {  	_ =	shalt  }
0x4b: {  	_ =	shalt  }
0x4c: {  	_ =	shalt  }
0x4d: {  	_ =	shalt  }
0x4e: {  	_ =	shalt  }
0x4f: {  	_ =	shalt  }
0x50: {  	_ =	shalt  }
0x51: {  	_ =	shalt  }
0x52: {  	_ =	shalt  }
0x53: {  	_ =	shalt  }
0x54: {  	_ =	shalt  }
0x55: {  	_ =	shalt  }
0x56: {  	_ =	shalt  }
0x57: {  	_ =	shalt  }
0x58: {  	_ =	shalt  }
0x59: {  	_ =	shalt  }
0x5a: {  	_ =	shalt  }
0x5b: {  	_ =	shalt  }
0x5c: {  	_ =	shalt  }
0x5d: {  	_ =	shalt  }
0x5e: {  	_ =	shalt  }
0x5f: {  	_ =	shalt  }
0x60: {  	_ =	shalt  }
0x61: {  	_ =	shalt  }
0x62: {  	_ =	shalt  }
0x63: {  	_ =	shalt  }
0x64: {  	_ =	shalt  }
0x65: {  	_ =	shalt  }
0x66: {  	_ =	shalt  }
0x67: {  	_ =	shalt  }
0x68: {  	_ =	shalt  }
0x69: {  	_ =	shalt  }
0x6a: {  	_ =	shalt  }
0x6b: {  	_ =	shalt  }
0x6c: {  	_ =	shalt  }
0x6d: {  	_ =	shalt  }
0x6e: {  	_ =	shalt  }
0x6f: {  	_ =	shalt  }
0x70: {  	_ =	shalt  }
0x71: {  	_ =	shalt  }
0x72: {  	_ =	shalt  }
0x73: {  	_ =	shalt  }
0x74: {  	_ =	shalt  }
0x75: {  	_ =	shalt  }
0x76: {  	_ =	shalt  }
0x77: {  	_ =	shalt  }
0x78: {  	_ =	shalt  }
0x79: {  	_ =	shalt  }
0x7a: {  	_ =	shalt  }
0x7b: {  	_ =	shalt  }
0x7c: {  	_ =	shalt  }
0x7d: {  	_ =	shalt  }
0x7e: {  	_ =	shalt  }
0x7f: {  	_ =	shalt  }
0x80: {  	_ =	shalt  }
0x81: {  	_ =	shalt  }
0x82: {  	_ =	shalt  }
0x83: {  	_ =	shalt  }
0x84: {  	_ =	shalt  }
0x85: {  	_ =	shalt  }
0x86: {  	_ =	shalt  }
0x87: {  	_ =	shalt  }
.Lfunc_end0:
.L_simem_size_0:
called_computation_lowered:
.L_overlay_start_0:
0x88: {  	s2 =	sld [smem:$0x3FD9]  }
0x89: {  	s3 =	sld [smem:$0x3FFE];
	_ =	sdelay $0x1  }
0x8a: {  	s1 =	srdreg.scid  }
0x8b: {  	s0 =	sand.u32 $0x1, s1  }
0x8c: {  	s14 =	sshll.u32 s0, $0xA;
	s2 =	sadd.s32 s3, s2  }
0x8d: {  	s2 =	sadd.s32 s2, s14  }
0x8e: {  	[smem:$0x3FC2] =	sst s2  }
0x8f: {  	_ = 	snop  }
0x90: {  	s2 =	sld [smem:$0x3FD0];
	_ =	sdelay $0x2  }
0x91: {  	s15 =	simm.s32 $0xA;
	s4 =	simm.s32 $0x10  }
0x92: {  	[smem:s4], [sflag:s15] =	dma.local [hbm:s2], $0x1  }
0x93: {  	_ =	swait.eq [sflag:s15], $0x1  }
0x94: {  	[sflag:s15] =	ssyncset.done $0x0  }
0x95: {  	[sflag:s15] =	ssyncadd.s32 $0xFFFFFFFF  }
0x96: {  	s16 =	sld [smem:$0x10];
	(tm) =	ssettm $0x1  }
0x97: {  	s17 =	sld [smem:$0x3FFB];
	_ =	sdelay $0x3  }
0x98: {  	_ =	strace s17  }
0x99: {  	s3 =	sld [smem:$0x3FFC];
	_ =	sdelay $0x3  }
0x9a: {  	_ =	strace s3  }
0x9b: {  	s3 =	sld [smem:$0x3FFD];
	_ =	sdelay $0x3  }
0x9c: {  	_ =	strace s3  }
0x9d: {  	_ =	strace $0x8FFFFFFF  }
0x9e: {  	s18 =	sld [smem:$0x3FDB];
	_ =	sdelay $0x1  }
0x9f: {  	s19 =	simm.s32 $_scs_section_size  }
0xa0: {  	s5 =	simm.s32 $_size__tile_overlayer_lowered;
	s6 =	simm.s32 $_tile_overlayer_lowered  }
0xa1: {  	s22 =	simm.s32 $0x1BFF;
	s21 =	sshll.u32 s6, $0x1;
	s3 =	sadd.s32 s19, s18  }
0xa2: {  	s7 =	simm.s32 $0x0;
	s20 =	sshll.u32 s5, $0x1;
	s5 =	sadd.s32 s21, s3  }
0xa3: {  	[timem:s7], [sflag:s22] =	dma.local [hbm:s5], s20  }
0xa4: {  	_ =	swait.ge [sflag:s22], s20  }
0xa5: {  	s4 =	ssub.s32 $0x0, s20;
	[sflag:s22] =	ssyncset.done $0x0  }
0xa6: {  	[sflag:s22] =	ssyncadd.s32 s4;
	_ =	sdelay $0x1  }
0xa7: {  	s23 =	simm.s32 $0x1B8B  }
0xa8: {  	_ =	swait.ge [sflag:s23], $0x1  }
0xa9: {  	[sflag:s23] =	ssyncset.done $0x0  }
0xaa: {  	s25 =	simm.s32 $0x1B8E;
	s24 =	sld [smem:$0x3FFE];
	[sflag:s23] =	ssyncadd.s32 $0xFFFFFFFF  }
0xab: {  	s26 =	simm.s32 $execute0_lowered;
	[smem:$0x3FD2] =	sst s25  }
0xac: {  	s5 =	sshll.u32 s26, $0x1;
	_ =	strace $0x80000046;
	[dreg:$0x1] =	wrdreg $0xFFFFFFFF  }
0xad: {  	s28 =	simm.s32 $_size_execute0_lowered;
	s3 =	sadd.s32 s3, s5;
	[dreg:$0x0] =	wrdreg $0x0  }
0xae: {  	s5 =	sshll.u32 s28, $0x1;
	[dreg:$0x2] =	wrdreg s3  }
0xaf: {  	[dreg:$0x3] =	wrdreg s5  }
0xb0: {  	[dreg:$0x4] =	wrdreg $0xC0  }
0xb1: {  	_ =	task [dreg:s7], $0x5FFFF  }
0xb2: {  	[dreg:$0x1] =	wrdreg $0xFFFFFFFF  }
0xb3: {  	[dreg:$0x0] =	wrdreg $0x60  }
0xb4: {  	[dreg:$0x2] =	wrdreg s24  }
0xb5: {  	[dreg:$0x3] =	wrdreg s16  }
0xb6: {  	[dreg:$0x4] =	wrdreg $0x30000  }
0xb7: {  	[dreg:$0x5] =	wrdreg $0x9  }
0xb8: {  	_ =	task.clear_ibuf [dreg:s7], $0x6FFFF;
	_ =	strace $0x90000046  }
0xb9: {  	s29 =	simm.s32 $0x9;
	_ =	strace $0x80000048  }
0xba: {  	_ =	swait.ge [sflag:s29], $0x1  }
0xbb: {  	[sflag:s29] =	ssyncadd.s32 $0xFFFFFFFF  }
0xbc: {  	_ =	strace $0x90000048  }
0xbd: {  	_ =	sfence  }
0xbe: {  	s30 =	sld [smem:$0x0];
	_ =	sdelay $0x2  }
0xbf: {  	s31 =	sshll.u32 s1, $0xD;
	s1 =	sshrl.u32 s1, $0x2  }
0xc0: {  	s3 =	sand.u32 $0x4000, s31;
	s1 =	sadd.s32 s1, s30  }
0xc1: {  	s0 =	sor.u32 s3, s0;
	s1 =	sshll.u32 s1, $0x11  }
0xc2: {  	s0 =	sor.u32 s1, s0  }
0xc3: {  	s0 =	sadd.s32 $0x8F2B, s0  }
0xc4: {  	[sflag:s0] =	ssyncadd.remote.s32 $0x1  }
0xc5: {  	_ =	sfence.sel $0xFFFF  }
0xc6: {  	[dreg:$0x0] =	wrdreg $0xFFFFFFFF;
	(pc) =	sbr.abs _section_cstart, $3  }
0xc7: {  	[dreg:$0x1] =	wrdreg $0xFFFFFFFF  }
0xc8: {  	_ =	task.clear_ibuf [dreg:s7], $0x2FFFF;
	_ =	strace $0x9FFFFFFF  }
0xc9: {  	(tm) =	ssettm $0x7FFFFFFF  }
tec
execute0_lowered:
.L_overlay_start_1:
0x0: {  	(tag) =	ssettag $0x1  }
0x1: {  	s7 =	rddreg [dreg:$0x0]  }
0x2: {  	s2 =	rddreg [dreg:$0x1]  }
0x3: {  	s3 =	rddreg [dreg:$0x2]  }
0x4: {  	s0 =	rddreg [dreg:$0x3];
	s1 =	stileid.u32  }
0x5: {  	s5 =	srdreg.scid;
	s4 =	simm.s32 $0x0;
	s13 =	simm.s32 $0x80  }
0x6: {  	s14 =	simm.s32 $0x100;
	s15 =	simm.s32 $0x180;
	s16 =	simm.s32 $0x200  }
0x7: {  	s17 =	simm.s32 $0x280;
	s18 =	simm.s32 $0x300;
	s19 =	simm.s32 $0x380  }
0x8: {  	s20 =	simm.s32 $0x1;
	s21 =	simm.s32 $0x0;
	s6 =	smul.u32 $0x2800, s1  }
0x9: {  	s5 =	sand.u32 $0x1, s5;
	[smem:$0x7FF] =	sst s4;
	s10 =	sshll.u32 s1, $0x1  }
0xa: {  	s31 =	sshll.u32 s1, $0x6;
	s8 =	smul.u32 $0x28000, s5;
	_ =	strace $0x80000047  }
0xb: {  	s11 =	ssub.s32 $0x2, s5;
	s5 =	sor.u32 s5, s10;
	s9 =	sshrl.u32 s6, $0x3  }
0xc: {  	s29 =	sshrl.u32 s11, $0x1;
	s5 =	smul.u32 $0x2800, s5;
	s30 =	sadd.s32 s6, s3  }
0xd: {  	s8 =	sadd.s32 s6, s8;
	s9 =	sadd.s32 s9, s7;
	s10 =	ssub.s32 s11, s29  }
0xe: {  	s6 =	sor.u32 $0x1C02, s31;
	s11 =	simm.s32 $0x2;
	s8 =	sshrl.u32 s8, $0x3  }
0xf: {  	s12 =	sshrl.u32 s5, $0x3;
	s5 =	sadd.s32 $0x16200, s9;
	s9 =	smax.u32 s10, $0x1  }
0x10: {  	s10 =	sshrl.u32 s30, $0x3;
	s8 =	sadd.s32 s8, s7;
	s7 =	sadd.s32 s7, s12  }
0x11: {  	s12 =	simm.s32 $0x2800;
	s7 =	sadd.s32 $0xC200, s7;
	s8 =	sadd.s32 $0x1B200, s8  }
.LBB2_1:
0x12: {  	[spmem:s10], [sflag:s6] =	dma.local [hbm:s5], $0x500  }
0x13: {  	_ =	swait.ge [sflag:s11], $0x500  }
0x14: {  	[sflag:s11] =	ssyncset.done $0x0  }
0x15: {  	[sflag:s11] =	ssyncadd.s32 $0xFFFFFB00  }
0x16: {  	[tilespmem:s12], [sflag:$0x2] =	stream.linear.gather [hbm4b:s2+s4], $0x800, $0x38;
	[tilespmem:$0x5800] =	vst v63  }
0x17: {  	_ =	swait.ge [sflag:s11], $0x800  }
0x18: {  	[sflag:s11] =	ssyncset.done $0x0  }
0x19: {  	[sflag:s11] =	ssyncadd.s32 $0xFFFFF800  }
0x1a: {  	[bflag:$0x0] =	sbarrier.arrive $0xFFFF  }
0x1b: {  	[tilespmem:s4], [sflag:$0x2] =	stream.linear.gather [hbm4b:s7+s4], $0x2800, $0x38;
	[tilespmem:$0x5800] =	vst v63  }
0x1c: {  	_ =	swait.ge [sflag:s11], $0x2800  }
0x1d: {  	[sflag:s11] =	ssyncset.done $0x0  }
0x1e: {  	[sflag:s11] =	ssyncadd.s32 $0xFFFFD800  }
0x1f: {  	[spmem:s3] =	stream.indirect.scatter.add.f32 [tilespmem:s12], [sflag:$0x1], $0x10, s4, s13, $0xb8;
	[tilespmem:$0x5800] =	vst v63  }
0x20: {  	_ = 	snop  }
0x21: {  	[spmem:s3] =	stream.indirect.scatter.add.f32 [tilespmem:s12], [sflag:$0x1], $0x10, s13, s13, $0xb8;
	[tilespmem:$0x5800] =	vst v63  }
0x22: {  	_ = 	snop  }
0x23: {  	[spmem:s3] =	stream.indirect.scatter.add.f32 [tilespmem:s12], [sflag:$0x1], $0x10, s14, s13, $0xb8;
	[tilespmem:$0x5800] =	vst v63  }
0x24: {  	_ = 	snop  }
0x25: {  	[spmem:s3] =	stream.indirect.scatter.add.f32 [tilespmem:s12], [sflag:$0x1], $0x10, s15, s13, $0xb8;
	[tilespmem:$0x5800] =	vst v63  }
0x26: {  	_ = 	snop  }
0x27: {  	[spmem:s3] =	stream.indirect.scatter.add.f32 [tilespmem:s12], [sflag:$0x1], $0x10, s16, s13, $0xb8;
	[tilespmem:$0x5800] =	vst v63  }
0x28: {  	_ = 	snop  }
0x29: {  	[spmem:s3] =	stream.indirect.scatter.add.f32 [tilespmem:s12], [sflag:$0x1], $0x10, s17, s13, $0xb8;
	[tilespmem:$0x5800] =	vst v63  }
0x2a: {  	_ = 	snop  }
0x2b: {  	[spmem:s3] =	stream.indirect.scatter.add.f32 [tilespmem:s12], [sflag:$0x1], $0x10, s18, s13, $0xb8;
	[tilespmem:$0x5800] =	vst v63  }
0x2c: {  	_ = 	snop  }
0x2d: {  	[spmem:s3] =	stream.indirect.scatter.add.f32 [tilespmem:s12], [sflag:$0x1], $0x10, s19, s13, $0xb8;
	[tilespmem:$0x5800] =	vst v63  }
0x2e: {  	s22 =	simm.s32 $0x400  }
0x2f: {  	[spmem:s3] =	stream.indirect.scatter.add.f32 [tilespmem:s12], [sflag:$0x1], $0x10, s22, s13, $0xb8;
	[tilespmem:$0x5800] =	vst v63  }
0x30: {  	s24 =	simm.s32 $0x480  }
0x31: {  	[spmem:s3] =	stream.indirect.scatter.add.f32 [tilespmem:s12], [sflag:$0x1], $0x10, s24, s13, $0xb8;
	[tilespmem:$0x5800] =	vst v63  }
0x32: {  	s25 =	simm.s32 $0x500  }
0x33: {  	[spmem:s3] =	stream.indirect.scatter.add.f32 [tilespmem:s12], [sflag:$0x1], $0x10, s25, s13, $0xb8;
	[tilespmem:$0x5800] =	vst v63  }
0x34: {  	s26 =	simm.s32 $0x580  }
0x35: {  	[spmem:s3] =	stream.indirect.scatter.add.f32 [tilespmem:s12], [sflag:$0x1], $0x10, s26, s13, $0xb8;
	[tilespmem:$0x5800] =	vst v63  }
0x36: {  	s28 =	simm.s32 $0x600  }
0x37: {  	[spmem:s3] =	stream.indirect.scatter.add.f32 [tilespmem:s12], [sflag:$0x1], $0x10, s28, s13, $0xb8;
	[tilespmem:$0x5800] =	vst v63  }
0x38: {  	s29 =	simm.s32 $0x680  }
0x39: {  	[spmem:s3] =	stream.indirect.scatter.add.f32 [tilespmem:s12], [sflag:$0x1], $0x10, s29, s13, $0xb8;
	[tilespmem:$0x5800] =	vst v63  }
0x3a: {  	s30 =	simm.s32 $0x700  }
0x3b: {  	[spmem:s3] =	stream.indirect.scatter.add.f32 [tilespmem:s12], [sflag:$0x1], $0x10, s30, s13, $0xb8;
	[tilespmem:$0x5800] =	vst v63  }
0x3c: {  	s31 =	simm.s32 $0x780  }
0x3d: {  	[spmem:s3] =	stream.indirect.scatter.add.f32 [tilespmem:s12], [sflag:$0x1], $0x10, s31, s13, $0xb8;
	[tilespmem:$0x5800] =	vst v63  }
0x3e: {  	_ =	swait.ge [sflag:s20], $0x800  }
0x3f: {  	[sflag:s20] =	ssyncset.done $0x0  }
0x40: {  	[sflag:s20] =	ssyncadd.s32 $0xFFFFF800  }
0x41: {  	_ =	swait.ge [sflag:s20], $0x800  }
0x42: {  	[sflag:s20] =	ssyncset.done $0x0  }
0x43: {  	[sflag:s20] =	ssyncadd.s32 $0xFFFFF800  }
0x44: {  	_ =	swait.ge [sflag:s20], $0x800  }
0x45: {  	[sflag:s20] =	ssyncset.done $0x0  }
0x46: {  	[sflag:s20] =	ssyncadd.s32 $0xFFFFF800  }
0x47: {  	_ =	swait.ge [sflag:s20], $0x800  }
0x48: {  	[sflag:s20] =	ssyncset.done $0x0  }
0x49: {  	[sflag:s20] =	ssyncadd.s32 $0xFFFFF800  }
0x4a: {  	_ =	swait.ge [sflag:s20], $0x800  }
0x4b: {  	[sflag:s20] =	ssyncset.done $0x0  }
0x4c: {  	[sflag:s20] =	ssyncadd.s32 $0xFFFFF800  }
0x4d: {  	_ =	swait.ge [sflag:s20], $0x800  }
0x4e: {  	[sflag:s20] =	ssyncset.done $0x0  }
0x4f: {  	[sflag:s20] =	ssyncadd.s32 $0xFFFFF800  }
0x50: {  	_ =	swait.ge [sflag:s20], $0x800  }
0x51: {  	[sflag:s20] =	ssyncset.done $0x0  }
0x52: {  	[sflag:s20] =	ssyncadd.s32 $0xFFFFF800  }
0x53: {  	_ =	swait.ge [sflag:s20], $0x800  }
0x54: {  	s24 =	simm.s32 $0x400;
	s25 =	simm.s32 $0x2000;
	[sflag:s20] =	ssyncset.done $0x0  }
.LBB2_2:
0x55: {  	s26 =	sadd.s32 $0x400, s24  }
0x56: {  	[sflag:s20] =	ssyncadd.s32 $0xFFFFF800;
	s23 =	smov.u32 s25;
	s22 =	sadd.s32 $0x1000, s25  }
0x57: {  	[spmem:s3] =	stream.indirect.scatter.add.f32 [tilespmem:s12], [sflag:$0x1], $0x10, s26, s13, $0xb8;
	[tilespmem:$0x5800] =	vst v63  }
0x58: {  	p0 =	sne.s32 s25, $0x8000;
	s25 =	sadd.s32 $0x480, s24  }
0x59: {  	[spmem:s3] =	stream.indirect.scatter.add.f32 [tilespmem:s12], [sflag:$0x1], $0x10, s25, s13, $0xb8;
	[tilespmem:$0x5800] =	vst v63  }
0x5a: {  	s25 =	sadd.s32 $0x500, s24  }
0x5b: {  	[spmem:s3] =	stream.indirect.scatter.add.f32 [tilespmem:s12], [sflag:$0x1], $0x10, s25, s13, $0xb8;
	[tilespmem:$0x5800] =	vst v63  }
0x5c: {  	s25 =	sadd.s32 $0x580, s24  }
0x5d: {  	[spmem:s3] =	stream.indirect.scatter.add.f32 [tilespmem:s12], [sflag:$0x1], $0x10, s25, s13, $0xb8;
	[tilespmem:$0x5800] =	vst v63  }
0x5e: {  	s25 =	sadd.s32 $0x600, s24  }
0x5f: {  	[spmem:s3] =	stream.indirect.scatter.add.f32 [tilespmem:s12], [sflag:$0x1], $0x10, s25, s13, $0xb8;
	[tilespmem:$0x5800] =	vst v63  }
0x60: {  	s25 =	sadd.s32 $0x680, s24  }
0x61: {  	[spmem:s3] =	stream.indirect.scatter.add.f32 [tilespmem:s12], [sflag:$0x1], $0x10, s25, s13, $0xb8;
	[tilespmem:$0x5800] =	vst v63  }
0x62: {  	s25 =	sadd.s32 $0x700, s24  }
0x63: {  	[spmem:s3] =	stream.indirect.scatter.add.f32 [tilespmem:s12], [sflag:$0x1], $0x10, s25, s13, $0xb8;
	[tilespmem:$0x5800] =	vst v63  }
0x64: {  	s24 =	sadd.s32 $0x780, s24  }
0x65: {  	[spmem:s3] =	stream.indirect.scatter.add.f32 [tilespmem:s12], [sflag:$0x1], $0x10, s24, s13, $0xb8;
	[tilespmem:$0x5800] =	vst v63  }
0x66: {  	_ =	swait.ge [sflag:s20], $0x800  }
0x67: {  	[sflag:s20] =	ssyncset.done $0x0  }
0x68: {  	[sflag:s20] =	ssyncadd.s32 $0xFFFFF800  }
0x69: {  	_ =	swait.ge [sflag:s20], $0x800  }
0x6a: {  	[sflag:s20] =	ssyncset.done $0x0  }
0x6b: {  	[sflag:s20] =	ssyncadd.s32 $0xFFFFF800  }
0x6c: {  	_ =	swait.ge [sflag:s20], $0x800  }
0x6d: {  	[sflag:s20] =	ssyncset.done $0x0  }
0x6e: {  	[sflag:s20] =	ssyncadd.s32 $0xFFFFF800  }
0x6f: {  	_ =	swait.ge [sflag:s20], $0x800  }
0x70: {  	[sflag:s20] =	ssyncset.done $0x0  }
0x71: {  	[sflag:s20] =	ssyncadd.s32 $0xFFFFF800  }
0x72: {  	_ =	swait.ge [sflag:s20], $0x800  }
0x73: {  	[sflag:s20] =	ssyncset.done $0x0  }
0x74: {  	[sflag:s20] =	ssyncadd.s32 $0xFFFFF800  }
0x75: {  	_ =	swait.ge [sflag:s20], $0x800  }
0x76: {  	[sflag:s20] =	ssyncset.done $0x0  }
0x77: {  	[sflag:s20] =	ssyncadd.s32 $0xFFFFF800  }
.Ltmp0:
0x78: {  	_ =	swait.ge [sflag:s20], $0x800;
	(pc) =	sbr.rel @p0 .LBB2_2-.Ltmp0, $4  }
0x79: {  	[sflag:s20] =	ssyncset.done $0x0  }
0x7a: {  	[sflag:s20] =	ssyncadd.s32 $0xFFFFF800  }
0x7b: {  	_ =	swait.ge [sflag:s20], $0x800  }
0x7c: {  	s25 =	smov.u32 s22;
	s24 =	sshra.s32 s23, $0x2;
	[sflag:s20] =	ssyncset.done $0x0  }
0x7d: {  	s22 =	sadd.s32 $0x400, s24;
	[sflag:s20] =	ssyncadd.s32 $0xFFFFF800  }
0x7e: {  	[spmem:s3] =	stream.indirect.scatter.add.f32 [tilespmem:s12], [sflag:$0x1], $0x10, s22, s13, $0xb8;
	[tilespmem:$0x5800] =	vst v63  }
0x7f: {  	s23 =	sadd.s32 $0x480, s24  }
0x80: {  	[spmem:s3] =	stream.indirect.scatter.add.f32 [tilespmem:s12], [sflag:$0x1], $0x10, s23, s13, $0xb8;
	[tilespmem:$0x5800] =	vst v63  }
0x81: {  	s25 =	sadd.s32 $0x500, s24  }
0x82: {  	[spmem:s3] =	stream.indirect.scatter.add.f32 [tilespmem:s12], [sflag:$0x1], $0x10, s25, s13, $0xb8;
	[tilespmem:$0x5800] =	vst v63  }
0x83: {  	s26 =	sadd.s32 $0x580, s24  }
0x84: {  	[spmem:s3] =	stream.indirect.scatter.add.f32 [tilespmem:s12], [sflag:$0x1], $0x10, s26, s13, $0xb8;
	[tilespmem:$0x5800] =	vst v63  }
0x85: {  	s28 =	sadd.s32 $0x600, s24  }
0x86: {  	[spmem:s3] =	stream.indirect.scatter.add.f32 [tilespmem:s12], [sflag:$0x1], $0x10, s28, s13, $0xb8;
	[tilespmem:$0x5800] =	vst v63  }
0x87: {  	s29 =	sadd.s32 $0x680, s24  }
0x88: {  	[spmem:s3] =	stream.indirect.scatter.add.f32 [tilespmem:s12], [sflag:$0x1], $0x10, s29, s13, $0xb8;
	[tilespmem:$0x5800] =	vst v63  }
0x89: {  	s30 =	sadd.s32 $0x700, s24  }
0x8a: {  	[spmem:s3] =	stream.indirect.scatter.add.f32 [tilespmem:s12], [sflag:$0x1], $0x10, s30, s13, $0xb8;
	[tilespmem:$0x5800] =	vst v63  }
0x8b: {  	s31 =	sadd.s32 $0x780, s24  }
0x8c: {  	[spmem:s3] =	stream.indirect.scatter.add.f32 [tilespmem:s12], [sflag:$0x1], $0x10, s31, s13, $0xb8;
	[tilespmem:$0x5800] =	vst v63  }
0x8d: {  	_ =	swait.ge [sflag:s20], $0x800  }
0x8e: {  	[sflag:s20] =	ssyncset.done $0x0  }
0x8f: {  	[sflag:s20] =	ssyncadd.s32 $0xFFFFF800  }
0x90: {  	_ =	swait.ge [sflag:s20], $0x800  }
0x91: {  	[sflag:s20] =	ssyncset.done $0x0  }
0x92: {  	[sflag:s20] =	ssyncadd.s32 $0xFFFFF800  }
0x93: {  	_ =	swait.ge [sflag:s20], $0x800  }
0x94: {  	[sflag:s20] =	ssyncset.done $0x0  }
0x95: {  	[sflag:s20] =	ssyncadd.s32 $0xFFFFF800  }
0x96: {  	_ =	swait.ge [sflag:s20], $0x800  }
0x97: {  	[sflag:s20] =	ssyncset.done $0x0  }
0x98: {  	[sflag:s20] =	ssyncadd.s32 $0xFFFFF800  }
0x99: {  	_ =	swait.ge [sflag:s20], $0x800  }
0x9a: {  	[sflag:s20] =	ssyncset.done $0x0  }
0x9b: {  	[sflag:s20] =	ssyncadd.s32 $0xFFFFF800  }
0x9c: {  	_ =	swait.ge [sflag:s20], $0x800  }
0x9d: {  	[sflag:s20] =	ssyncset.done $0x0  }
0x9e: {  	[sflag:s20] =	ssyncadd.s32 $0xFFFFF800  }
0x9f: {  	_ =	swait.ge [sflag:s20], $0x800  }
0xa0: {  	[sflag:s20] =	ssyncset.done $0x0  }
0xa1: {  	[sflag:s20] =	ssyncadd.s32 $0xFFFFF800  }
0xa2: {  	_ =	swait.ge [sflag:s20], $0x800  }
0xa3: {  	[sflag:s20] =	ssyncset.done $0x0  }
0xa4: {  	[sflag:s20] =	ssyncadd.s32 $0xFFFFF800  }
0xa5: {  	_ =	swait.ge [sflag:s20], $0x800  }
0xa6: {  	[sflag:s20] =	ssyncset.done $0x0  }
0xa7: {  	[sflag:s20] =	ssyncadd.s32 $0xFFFFF800  }
0xa8: {  	_ =	swait.ge [sflag:s20], $0x800  }
0xa9: {  	[sflag:s20] =	ssyncset.done $0x0  }
0xaa: {  	[sflag:s20] =	ssyncadd.s32 $0xFFFFF800  }
0xab: {  	_ =	swait.ge [sflag:s20], $0x800  }
0xac: {  	[sflag:s20] =	ssyncset.done $0x0  }
0xad: {  	[sflag:s20] =	ssyncadd.s32 $0xFFFFF800  }
0xae: {  	_ =	swait.ge [sflag:s20], $0x800  }
0xaf: {  	[sflag:s20] =	ssyncset.done $0x0  }
0xb0: {  	[sflag:s20] =	ssyncadd.s32 $0xFFFFF800  }
0xb1: {  	_ =	swait.ge [sflag:s20], $0x800  }
0xb2: {  	[sflag:s20] =	ssyncset.done $0x0  }
0xb3: {  	[sflag:s20] =	ssyncadd.s32 $0xFFFFF800  }
0xb4: {  	_ =	swait.ge [sflag:s20], $0x800  }
0xb5: {  	[sflag:s20] =	ssyncset.done $0x0  }
0xb6: {  	[sflag:s20] =	ssyncadd.s32 $0xFFFFF800  }
0xb7: {  	_ =	swait.ge [sflag:s20], $0x800  }
0xb8: {  	[sflag:s20] =	ssyncset.done $0x0  }
0xb9: {  	[sflag:s20] =	ssyncadd.s32 $0xFFFFF800  }
0xba: {  	_ =	swait.ge [sflag:s20], $0x800  }
0xbb: {  	s21 =	sadd.s32 $0x1, s21;
	[sflag:s20] =	ssyncset.done $0x0  }
0xbc: {  	p0 =	sne.s32 s21, s9;
	[sflag:s20] =	ssyncadd.s32 $0xFFFFF800  }
.Ltmp1:
0xbd: {  	[bflag:$0x0] =	sbarrier.arrive $0xFFFF;
	(pc) =	sbr.rel @p0 .LBB2_1-.Ltmp1, $4  }
0xbe: {  	[hbm:s8], [sflag:s6] =	dma.local [spmem:s10], $0x500  }
0xbf: {  	_ =	swait.ge [sflag:s11], $0x500  }
0xc0: {  	[sflag:s11] =	ssyncset.done $0x0  }
0xc1: {  	[sflag:s11] =	ssyncadd.s32 $0xFFFFFB00  }
0xc2: {  	_ =	sfence.sel $0x180000  }
0xc3: {  	[bflag:$0x0] =	sbarrier.arrive $0xFFFF  }
0xc4: {  	p0 =	sne.s32 s1, $0x0;
	_ =	strace $0x90000047  }
0xc5: {  	s0 =	sadd.s32 @!p0 $0x100000, s0;
	[bflag:$0x2] =	sbarrier.arrive $0xFFFF  }
0xc6: {  	[sflag:s0] =	ssyncadd.tile.s32 @!p0 $0x1;
	_ =	shalt  }
.Lfunc_end2:
_tile_overlayer_lowered:
.L_overlay_start_2:
0xc7: {  	(tag) =	ssettag $0x2  }
0xc8: {  	s0 =	rddreg [dreg:$0x0];
	s2 =	stileid.u32  }
0xc9: {  	s1 =	rddreg [dreg:$0x1];
	p0 =	sne.s32 s2, $0x0  }
0xca: {  	s3 =	rddreg [dreg:$0x2];
	[bflag:$0x3] =	sbarrier.arrive $0xFFFF;
	s2 =	simm.s32 @!p0 $0x1C02  }
0xcb: {  	[timem:s3], [sflag:s2] =	dma.local @!p0 [hbm:s0], s1  }
0xcc: {  	s0 =	simm.s32 @!p0 $0x2  }
0xcd: {  	_ =	swait.ge @!p0 [sflag:s0], s1  }
0xce: {  	s1 =	ssub.s32 @!p0 $0x0, s1;
	[sflag:s0] =	ssyncset.done @!p0 $0x0  }
0xcf: {  	[sflag:s0] =	ssyncadd.s32 @!p0 s1  }
0xd0: {  	[bflag:$0x3] =	sbarrier.arrive $0xFFFF  }
0xd1: {  	_ =	shalt  }

// kernel: kernel.13.cloned.1.call-start
scs
__scs_entry_jumppad:
0x0: {  	(pc) =	sbr.rel $0x88, $3  }
0x1: {  	(tag) =	ssettag $0x0;
	lr =	simm.s32 $0x1  }
0x2: {  	[smem:$0x3F9B] =	sst lr;
	_ =	strace $0xD0000000  }
0x3: {  	_ = 	snop  }
0x4: {  	_ = 	snop  }
0x5: {  	_ = 	snop  }
0x6: {  	_ = 	snop  }
0x7: {  	_ = 	snop  }
__scs_overlays_trampoline_lowered:
0x8: {  	[smem:$0x3FAA] =	sst s0  }
0x9: {  	[smem:$0x3FAB] =	sst s1  }
0xa: {  	[smem:$0x3FAC] =	sst s2  }
0xb: {  	[smem:$0x3FAD] =	sst s3  }
0xc: {  	[smem:$0x3FAE] =	sst s4  }
0xd: {  	[smem:$0x3FAF] =	sst s5  }
0xe: {  	[smem:$0x3FB0] =	sst s6  }
0xf: {  	[smem:$0x3FB1] =	sst s7  }
0x10: {  	[smem:$0x3FB2] =	sst s8  }
0x11: {  	[smem:$0x3FB3] =	sst s9;
	s0 =	simm.s32 @!p0 $0x0  }
0x12: {  	s1 =	sld [smem:$0x3F99];
	s0 =	simm.s32 @p0 $0x1  }
0x13: {  	[smem:$0x3FB4] =	sst s0;
	s0 =	simm.s32 @!p1 $0x0  }
0x14: {  	s2 =	sld [smem:$0x3F98];
	s0 =	simm.s32 @p1 $0x1  }
0x15: {  	[smem:$0x3FB5] =	sst s0;
	s0 =	simm.s32 @!p2 $0x0  }
0x16: {  	s3 =	sld [smem:$0x3FDB];
	s0 =	simm.s32 @p2 $0x1  }
0x17: {  	s4 =	simm.s32 $0x1BF5;
	[smem:$0x3FB7] =	sst s0  }
0x18: {  	s0 =	sld [smem:$0x3F9A];
	_ =	swait.ge [sflag:s4], $0x0  }
0x19: {  	s7 =	sld [smem:$0x3F9B]  }
0x1a: {  	s8 =	sadd.s32 $0xFFFFE003, lr  }
0x1b: {  	s9 =	sadd.s32 $0xFFFFFEF7, lr;
	s5 =	simm.s32 $0xFFFFFFFF;
	p2 =	slt.u32 s8, $0xFFFFF086  }
0x1c: {  	p1 =	slt.u32 s9, $0xF7A;
	s5 =	simm.s32 @!p2 $0x0  }
0x1d: {  	s5 =	simm.s32 @p1 $0x1;
	p0 =	seq.s32 s7, s2  }
0x1e: {  	s7 =	smul.u32 @!p0 $0xF7A, s2;
	p2 =	seq.s32 @!p0 s5, $0x0  }
0x1f: {  	s9 =	smul.u32 $0xF7A, s1;
	s8 =	simm.s32 @!p0 $0x1BF5;
	p2 =	por !p2, p0  }
0x20: {  	[sflag:s8] =	ssyncset.s32 @!p0 $0xFFFFF086;
	s6 =	sadd.s32 @!p0 s3, s7;
	s7 =	simm.s32 @!p0 $0x108  }
0x21: {  	s3 =	sadd.s32 s3, s9;
	s6 =	sadd.s32 @!p0 $0x88, s6;
	s7 =	simm.s32 @p2 $0x1082  }
0x22: {  	[simem:s7], [sflag:s8] =	dma.local @!p0 [hbm:s6], $0xF7A  }
0x23: {  	s9 =	sor.u32 $0xD0000000, s2;
	s6 =	simm.s32 $0x108;
	_ =	swait.ge @!p0 [sflag:s8], $0x0  }
0x24: {  	s3 =	sadd.s32 $0x88, s3;
	s6 =	simm.s32 @!p1 $0x1082;
	[sflag:s4] =	ssyncset.s32 $0xFFFFF086  }
0x25: {  	[simem:s6], [sflag:s4] =	dma.local [hbm:s3], $0xF7A  }
0x26: {  	[smem:$0x3F9B] =	sst s1;
	(tag) =	ssettag s2;
	_ =	strace s9  }
0x27: {  	s1 =	sld [smem:$0x3FAB]  }
0x28: {  	s2 =	sld [smem:$0x3FAC]  }
0x29: {  	s4 =	sld [smem:$0x3FAE]  }
0x2a: {  	p0 =	seq.s32 s5, $0x0;
	s5 =	sld [smem:$0x3FAF]  }
0x2b: {  	s6 =	sld [smem:$0x3FB0]  }
0x2c: {  	s7 =	sld [smem:$0x3FB1]  }
0x2d: {  	s3 =	simm.s32 $0x108;
	s8 =	sld [smem:$0x3FB2]  }
0x2e: {  	s3 =	simm.s32 @!p0 $0x1082;
	s9 =	sld [smem:$0x3FB3]  }
0x2f: {  	lr =	sadd.s32 s0, s3;
	s0 =	sld [smem:$0x3FAA]  }
0x30: {  	s3 =	sld [smem:$0x3FAD]  }
0x31: {  	[smem:$0x3FB6] =	sst s10  }
0x32: {  	s10 =	sld [smem:$0x3FB4];
	_ =	sdelay $0x3  }
0x33: {  	p0 =	seq.s32 s10, $0x1;
	s10 =	sld [smem:$0x3FB6];
	_ =	sdelay $0x3  }
0x34: {  	[smem:$0x3FB6] =	sst s10  }
0x35: {  	s10 =	sld [smem:$0x3FB5];
	_ =	sdelay $0x3  }
0x36: {  	p1 =	seq.s32 s10, $0x1;
	s10 =	sld [smem:$0x3FB6];
	_ =	sdelay $0x3  }
0x37: {  	[smem:$0x3FB6] =	sst s10  }
0x38: {  	s10 =	sld [smem:$0x3FB7]  }
0x39: {  	_ = 	snop;
	(pc) =	sbr.ind lr, $3  }
0x3a: {  	_ = 	snop  }
0x3b: {  	_ = 	snop  }
0x3c: {  	p2 =	seq.s32 s10, $0x1;
	s10 =	sld [smem:$0x3FB6]  }
0x3d: {  	_ =	shalt  }
0x3e: {  	_ =	shalt  }
0x3f: {  	_ =	shalt  }
0x40: {  	_ =	shalt  }
0x41: {  	_ =	shalt  }
0x42: {  	_ =	shalt  }
0x43: {  	_ =	shalt  }
0x44: {  	_ =	shalt  }
0x45: {  	_ =	shalt  }
0x46: {  	_ =	shalt  }
0x47: {  	_ =	shalt  }
0x48: {  	_ =	shalt  }
0x49: {  	_ =	shalt  }
0x4a: {  	_ =	shalt  }
0x4b: {  	_ =	shalt  }
0x4c: {  	_ =	shalt  }
0x4d: {  	_ =	shalt  }
0x4e: {  	_ =	shalt  }
0x4f: {  	_ =	shalt  }
0x50: {  	_ =	shalt  }
0x51: {  	_ =	shalt  }
0x52: {  	_ =	shalt  }
0x53: {  	_ =	shalt  }
0x54: {  	_ =	shalt  }
0x55: {  	_ =	shalt  }
0x56: {  	_ =	shalt  }
0x57: {  	_ =	shalt  }
0x58: {  	_ =	shalt  }
0x59: {  	_ =	shalt  }
0x5a: {  	_ =	shalt  }
0x5b: {  	_ =	shalt  }
0x5c: {  	_ =	shalt  }
0x5d: {  	_ =	shalt  }
0x5e: {  	_ =	shalt  }
0x5f: {  	_ =	shalt  }
0x60: {  	_ =	shalt  }
0x61: {  	_ =	shalt  }
0x62: {  	_ =	shalt  }
0x63: {  	_ =	shalt  }
0x64: {  	_ =	shalt  }
0x65: {  	_ =	shalt  }
0x66: {  	_ =	shalt  }
0x67: {  	_ =	shalt  }
0x68: {  	_ =	shalt  }
0x69: {  	_ =	shalt  }
0x6a: {  	_ =	shalt  }
0x6b: {  	_ =	shalt  }
0x6c: {  	_ =	shalt  }
0x6d: {  	_ =	shalt  }
0x6e: {  	_ =	shalt  }
0x6f: {  	_ =	shalt  }
0x70: {  	_ =	shalt  }
0x71: {  	_ =	shalt  }
0x72: {  	_ =	shalt  }
0x73: {  	_ =	shalt  }
0x74: {  	_ =	shalt  }
0x75: {  	_ =	shalt  }
0x76: {  	_ =	shalt  }
0x77: {  	_ =	shalt  }
0x78: {  	_ =	shalt  }
0x79: {  	_ =	shalt  }
0x7a: {  	_ =	shalt  }
0x7b: {  	_ =	shalt  }
0x7c: {  	_ =	shalt  }
0x7d: {  	_ =	shalt  }
0x7e: {  	_ =	shalt  }
0x7f: {  	_ =	shalt  }
0x80: {  	_ =	shalt  }
0x81: {  	_ =	shalt  }
0x82: {  	_ =	shalt  }
0x83: {  	_ =	shalt  }
0x84: {  	_ =	shalt  }
0x85: {  	_ =	shalt  }
0x86: {  	_ =	shalt  }
0x87: {  	_ =	shalt  }
.Lfunc_end0:
.L_simem_size_0:
called_computation.1_lowered:
.L_overlay_start_0:
0x88: {  	s2 =	sld [smem:$0x3FD9]  }
0x89: {  	s3 =	sld [smem:$0x3FFE];
	_ =	sdelay $0x1  }
0x8a: {  	s1 =	srdreg.scid  }
0x8b: {  	s0 =	sand.u32 $0x1, s1  }
0x8c: {  	s16 =	sshll.u32 s0, $0xA;
	s2 =	sadd.s32 s3, s2  }
0x8d: {  	s2 =	sadd.s32 s2, s16  }
0x8e: {  	[smem:$0x3FC2] =	sst s2  }
0x8f: {  	_ = 	snop  }
0x90: {  	(tm) =	ssettm $0x1  }
0x91: {  	s17 =	sld [smem:$0x3FFB];
	_ =	sdelay $0x3  }
0x92: {  	_ =	strace s17  }
0x93: {  	s2 =	sld [smem:$0x3FFC];
	_ =	sdelay $0x3  }
0x94: {  	_ =	strace s2  }
0x95: {  	s2 =	sld [smem:$0x3FFD];
	_ =	sdelay $0x3  }
0x96: {  	_ =	strace s2  }
0x97: {  	_ =	strace $0x8FFFFFFF  }
0x98: {  	s18 =	sld [smem:$0x3FDB];
	_ =	sdelay $0x1  }
0x99: {  	s19 =	simm.s32 $_scs_section_size  }
0x9a: {  	s4 =	simm.s32 $_size__tile_overlayer_lowered;
	s5 =	simm.s32 $_tile_overlayer_lowered  }
0x9b: {  	s22 =	simm.s32 $0x1BFF;
	s21 =	sshll.u32 s5, $0x1;
	s2 =	sadd.s32 s19, s18  }
0x9c: {  	s6 =	simm.s32 $0x0;
	s20 =	sshll.u32 s4, $0x1;
	s4 =	sadd.s32 s21, s2  }
0x9d: {  	[timem:s6], [sflag:s22] =	dma.local [hbm:s4], s20  }
0x9e: {  	_ =	swait.ge [sflag:s22], s20  }
0x9f: {  	s3 =	ssub.s32 $0x0, s20;
	[sflag:s22] =	ssyncset.done $0x0  }
0xa0: {  	[sflag:s22] =	ssyncadd.s32 s3;
	_ =	sdelay $0x1  }
0xa1: {  	s23 =	simm.s32 $0x1B8B  }
0xa2: {  	_ =	swait.ge [sflag:s23], $0x1  }
0xa3: {  	[sflag:s23] =	ssyncset.done $0x0  }
0xa4: {  	s25 =	simm.s32 $0x1B8E;
	s24 =	sld [smem:$0x3FFE];
	[sflag:s23] =	ssyncadd.s32 $0xFFFFFFFF  }
0xa5: {  	s26 =	simm.s32 $execute0_lowered;
	[smem:$0x3FD2] =	sst s25  }
0xa6: {  	s4 =	sshll.u32 s26, $0x1;
	_ =	strace $0x80000049;
	[dreg:$0x1] =	wrdreg $0xFFFFFFFF  }
0xa7: {  	s28 =	simm.s32 $_size_execute0_lowered;
	s2 =	sadd.s32 s2, s4;
	[dreg:$0x0] =	wrdreg $0x0  }
0xa8: {  	s4 =	sshll.u32 s28, $0x1;
	[dreg:$0x2] =	wrdreg s2  }
0xa9: {  	[dreg:$0x3] =	wrdreg s4  }
0xaa: {  	[dreg:$0x4] =	wrdreg $0xC0  }
0xab: {  	_ =	task [dreg:s6], $0x5FFFF  }
0xac: {  	[dreg:$0x1] =	wrdreg $0xFFFFFFFF  }
0xad: {  	[dreg:$0x0] =	wrdreg $0x60  }
0xae: {  	[dreg:$0x2] =	wrdreg s24  }
0xaf: {  	[dreg:$0x3] =	wrdreg $0x150000  }
0xb0: {  	[dreg:$0x4] =	wrdreg $0x9  }
0xb1: {  	_ =	task.clear_ibuf [dreg:s6], $0x5FFFF;
	_ =	strace $0x90000049  }
0xb2: {  	s29 =	simm.s32 $0x9;
	_ =	strace $0x8000004B  }
0xb3: {  	_ =	swait.ge [sflag:s29], $0x1  }
0xb4: {  	[sflag:s29] =	ssyncadd.s32 $0xFFFFFFFF  }
0xb5: {  	_ =	strace $0x9000004B  }
0xb6: {  	_ =	sfence  }
0xb7: {  	s30 =	sld [smem:$0x0];
	_ =	sdelay $0x2  }
0xb8: {  	s31 =	sshll.u32 s1, $0xD;
	s1 =	sshrl.u32 s1, $0x2  }
0xb9: {  	s3 =	sand.u32 $0x4000, s31;
	s1 =	sadd.s32 s1, s30  }
0xba: {  	s0 =	sor.u32 s3, s0;
	s1 =	sshll.u32 s1, $0x11  }
0xbb: {  	s0 =	sor.u32 s1, s0  }
0xbc: {  	s0 =	sadd.s32 $0x8F2B, s0  }
0xbd: {  	[sflag:s0] =	ssyncadd.remote.s32 $0x1  }
0xbe: {  	_ =	sfence.sel $0xFFFF  }
0xbf: {  	[dreg:$0x0] =	wrdreg $0xFFFFFFFF;
	(pc) =	sbr.abs _section_cstart, $3  }
0xc0: {  	[dreg:$0x1] =	wrdreg $0xFFFFFFFF  }
0xc1: {  	_ =	task.clear_ibuf [dreg:s6], $0x2FFFF;
	_ =	strace $0x9FFFFFFF  }
0xc2: {  	(tm) =	ssettm $0x7FFFFFFF  }
0xc3: {  	_ =	shalt  }
tec
execute0_lowered:
.L_overlay_start_1:
0x0: {  	(tag) =	ssettag $0x1  }
0x1: {  	s0 =	rddreg [dreg:$0x0]  }
0x2: {  	s2 =	rddreg [dreg:$0x1]  }
0x3: {  	s1 =	srdreg.scid;
	s11 =	stileid.u32  }
0x4: {  	s3 =	simm.s32 $0x0;
	s15 =	simm.s32 $0x3;
	s18 =	simm.s32 $0x80  }
0x5: {  	s28 =	simm.s32 $0x9000;
	s30 =	simm.s32 $0xA000;
	s31 =	simm.s32 $0xF000  }
0x6: {  	s16 =	simm.s32 $0x14000;
	s29 =	simm.s32 $0x1;
	s1 =	sand.u32 $0x1, s1  }
0x7: {  	s4 =	sshll.u32 s11, $0x1;
	[smem:$0x7FF] =	sst s3;
	s6 =	smul.u32 $0xA000, s11  }
0x8: {  	s12 =	sadd.s32 $0x25200, s0;
	s8 =	smul.u32 $0x9C00, s11;
	s23 =	sadd.s32 $0x4E000, s2  }
0x9: {  	p1 =	seq.s32 s11, $0xF;
	p2 =	sne.s32 s11, $0xF;
	s5 =	smul.u32 $0xA0000, s1  }
0xa: {  	s4 =	sor.u32 s1, s4;
	_ =	strace $0x8000004A;
	s20 =	ssub.s32 $0x2, s1  }
0xb: {  	[dreg:$0x3] =	wrdreg s12;
	p0 =	sne.s32 s1, $0x0;
	s26 =	sshrl.u32 s23, $0x3  }
0xc: {  	s1 =	simm.s32 $0x10000;
	s23 =	simm.s32 $0x11000;
	s7 =	smul.u32 $0x2800, s4  }
0xd: {  	s4 =	sadd.s32 $0x16200, s0;
	s9 =	sshrl.u32 s20, $0x1;
	s10 =	sshrl.u32 s8, $0x1  }
0xe: {  	s8 =	sshrl.u32 s8, $0x4;
	s25 =	sshrl.u32 s6, $0x1;
	[dreg:$0xa] =	wrdreg s26  }
0xf: {  	s26 =	simm.s32 $0xE000;
	s5 =	sadd.s32 s6, s5;
	s21 =	sadd.s32 s10, s2  }
0x10: {  	s22 =	sadd.s32 s12, s8;
	s8 =	sadd.s32 s4, s8;
	s12 =	sshll.u32 s11, $0x6  }
0x11: {  	s6 =	simm.s32 $0xC000;
	s7 =	sshrl.u32 s7, $0x3;
	[dreg:$0x4] =	wrdreg s22  }
0x12: {  	s5 =	sshrl.u32 s5, $0x4;
	[dreg:$0x5] =	wrdreg s8;
	s13 =	sor.u32 $0x1C03, s12  }
0x13: {  	s14 =	sshrl.u32 s21, $0x3;
	s22 =	simm.s32 $0x7000;
	s7 =	sadd.s32 s7, s0  }
0x14: {  	s21 =	simm.s32 $0xD000;
	s8 =	simm.s32 $0x2;
	s24 =	sadd.s32 $0x2200, s7  }
0x15: {  	s0 =	sadd.s32 s5, s0;
	s7 =	sadd.s32 $0xC200, s7;
	[dreg:$0x6] =	wrdreg s24  }
0x16: {  	s5 =	ssub.s32 s20, s9;
	s0 =	sadd.s32 $0x2F000, s0;
	[dreg:$0x7] =	wrdreg s7  }
0x17: {  	s5 =	smax.u32 s5, $0x1;
	[dreg:$0x8] =	wrdreg s0;
	s0 =	sadd.s32 s25, s2  }
0x18: {  	[dreg:$0x9] =	wrdreg s5;
	s24 =	simm.s32 $0x8000;
	s5 =	simm.s32 $0x12000  }
0x19: {  	s7 =	simm.s32 $0x13000;
	s25 =	sshrl.u32 s0, $0x3;
	s0 =	simm.s32 $0xB000  }
.LBB2_1:
.Ltmp0:
0x1a: {  	(pc) =	sbr.rel @p0 .LBB2_3-.Ltmp0, $1  }
0x1b: {  	_ =	sdelay $0x3  }
0x1c: {  	s9 =	rddreg [dreg:$0x5]  }
0x1d: {  	[spmem:s14], [sflag:s13] =	dma.local [hbm:s9], $0x9C0  }
.Ltmp1:
0x1e: {  	_ = 	snop;
	(pc) =	sbr.rel @p1 .LBB2_4-.Ltmp1, $4  }
.Ltmp2:
0x1f: {  	_ = 	snop;
	(pc) =	sbr.rel @!p1 .LBB2_5-.Ltmp2, $4  }
0x20: {  	_ =	swait.ge [sflag:s15], $0x9C0  }
0x21: {  	[sflag:s15] =	ssyncset.done $0x0  }
0x22: {  	s10 =	smov.u32 s4;
	s9 =	smov.u32 s13;
	[sflag:s15] =	ssyncadd.s32 $0xFFFFF640  }
0x23: {  	_ = 	snop  }
.LBB2_3:
.Ltmp3:
0x24: {  	s9 =	sor.u32 $0x1C03, s12;
	s10 =	rddreg [dreg:$0x4];
	(pc) =	sbr.rel @p2 .LBB2_5-.Ltmp3, $4  }
0x25: {  	[spmem:s14], [sflag:s9] =	dma.local [hbm:s10], $0x9C0  }
0x26: {  	_ =	swait.ge [sflag:s15], $0x9C0  }
0x27: {  	[sflag:s15] =	ssyncset.done $0x0  }
0x28: {  	s10 =	rddreg [dreg:$0x3];
	[sflag:s15] =	ssyncadd.s32 $0xFFFFF640  }
.LBB2_4:
0x29: {  	s10 =	sadd.s32 $0x9C00, s10;
	s11 =	rddreg [dreg:$0xa]  }
0x2a: {  	[spmem:s11], [sflag:s9] =	dma.local [hbm:s10], $0x40  }
0x2b: {  	_ =	swait.ge [sflag:s15], $0x40  }
0x2c: {  	[sflag:s15] =	ssyncset.done $0x0  }
0x2d: {  	[sflag:s15] =	ssyncadd.s32 $0xFFFFFFC0  }
.LBB2_5:
0x2e: {  	s9 =	simm.s32 $0x0;
	s10 =	rddreg [dreg:$0x6]  }
0x2f: {  	[tilespmem:s9], [sflag:$0x3] =	stream.linear.gather [hbm4b:s10+s9], $0x2800, $0x38;
	[tilespmem:$0x1A000] =	vst v63  }
0x30: {  	_ =	swait.ge [sflag:s15], $0x2800  }
0x31: {  	[sflag:s15] =	ssyncset.done $0x0  }
0x32: {  	s11 =	simm.s32 $0x2800;
	s17 =	rddreg [dreg:$0x7];
	[sflag:s15] =	ssyncadd.s32 $0xFFFFD800  }
0x33: {  	[tilespmem:s11], [sflag:$0x3] =	stream.linear.gather [hbm4b:s17+s9], $0x2800, $0x38;
	[tilespmem:$0x1A000] =	vst v63  }
0x34: {  	_ =	swait.ge [sflag:s15], $0x2800  }
0x35: {  	[sflag:s15] =	ssyncset.done $0x0  }
0x36: {  	[sflag:s15] =	ssyncadd.s32 $0xFFFFD800  }
0x37: {  	s10 =	simm.s32 $0x5000;
	[bflag:$0x0] =	sbarrier.arrive $0xFFFF  }
0x38: {  	[tilespmem:s10], [sflag:$0x1] =	stream.indirect.gather [hbm4b:s4+s18], $0x20, s9, s18, $0xb8;
	[tilespmem:$0x1A000] =	vst v63  }
0x39: {  	s9 =	simm.s32 $0x6000  }
0x3a: {  	[tilespmem:s9], [sflag:$0x1] =	stream.indirect.gather [hbm4b:s4+s18], $0x20, s18, s18, $0xb8;
	[tilespmem:$0x1A000] =	vst v63  }
0x3b: {  	s17 =	simm.s32 $0x100  }
0x3c: {  	[tilespmem:s22], [sflag:$0x1] =	stream.indirect.gather [hbm4b:s4+s18], $0x20, s17, s18, $0xb8;
	[tilespmem:$0x1A000] =	vst v63  }
0x3d: {  	s19 =	simm.s32 $0x180  }
0x3e: {  	[tilespmem:s24], [sflag:$0x1] =	stream.indirect.gather [hbm4b:s4+s18], $0x20, s19, s18, $0xb8;
	[tilespmem:$0x1A000] =	vst v63  }
0x3f: {  	s20 =	simm.s32 $0x200  }
0x40: {  	[tilespmem:s28], [sflag:$0x1] =	stream.indirect.gather [hbm4b:s4+s18], $0x20, s20, s18, $0xb8;
	[tilespmem:$0x1A000] =	vst v63  }
0x41: {  	s19 =	simm.s32 $0x280  }
0x42: {  	[tilespmem:s30], [sflag:$0x1] =	stream.indirect.gather [hbm4b:s4+s18], $0x20, s19, s18, $0xb8;
	[tilespmem:$0x1A000] =	vst v63  }
0x43: {  	s20 =	simm.s32 $0x300  }
0x44: {  	[tilespmem:s0], [sflag:$0x1] =	stream.indirect.gather [hbm4b:s4+s18], $0x20, s20, s18, $0xb8;
	[tilespmem:$0x1A000] =	vst v63  }
0x45: {  	s19 =	simm.s32 $0x380  }
0x46: {  	[tilespmem:s6], [sflag:$0x1] =	stream.indirect.gather [hbm4b:s4+s18], $0x20, s19, s18, $0xb8;
	[tilespmem:$0x1A000] =	vst v63  }
0x47: {  	s20 =	simm.s32 $0x400  }
0x48: {  	[tilespmem:s21], [sflag:$0x1] =	stream.indirect.gather [hbm4b:s4+s18], $0x20, s20, s18, $0xb8;
	[tilespmem:$0x1A000] =	vst v63  }
0x49: {  	s19 =	simm.s32 $0x480  }
0x4a: {  	[tilespmem:s26], [sflag:$0x1] =	stream.indirect.gather [hbm4b:s4+s18], $0x20, s19, s18, $0xb8;
	[tilespmem:$0x1A000] =	vst v63  }
0x4b: {  	s20 =	simm.s32 $0x500  }
0x4c: {  	[tilespmem:s31], [sflag:$0x1] =	stream.indirect.gather [hbm4b:s4+s18], $0x20, s20, s18, $0xb8;
	[tilespmem:$0x1A000] =	vst v63  }
0x4d: {  	s19 =	simm.s32 $0x580  }
0x4e: {  	[tilespmem:s1], [sflag:$0x1] =	stream.indirect.gather [hbm4b:s4+s18], $0x20, s19, s18, $0xb8;
	[tilespmem:$0x1A000] =	vst v63  }
0x4f: {  	s20 =	simm.s32 $0x600  }
0x50: {  	[tilespmem:s23], [sflag:$0x1] =	stream.indirect.gather [hbm4b:s4+s18], $0x20, s20, s18, $0xb8;
	[tilespmem:$0x1A000] =	vst v63  }
0x51: {  	s19 =	simm.s32 $0x680  }
0x52: {  	[tilespmem:s5], [sflag:$0x1] =	stream.indirect.gather [hbm4b:s4+s18], $0x20, s19, s18, $0xb8;
	[tilespmem:$0x1A000] =	vst v63  }
0x53: {  	s20 =	simm.s32 $0x700  }
0x54: {  	[tilespmem:s7], [sflag:$0x1] =	stream.indirect.gather [hbm4b:s4+s18], $0x20, s20, s18, $0xb8;
	[tilespmem:$0x1A000] =	vst v63  }
0x55: {  	s19 =	simm.s32 $0x780  }
0x56: {  	[tilespmem:s16], [sflag:$0x1] =	stream.indirect.gather [hbm4b:s4+s18], $0x20, s19, s18, $0xb8;
	[tilespmem:$0x1A000] =	vst v63  }
0x57: {  	_ =	swait.ge [sflag:s29], $0x1000  }
0x58: {  	[sflag:s29] =	ssyncset.done $0x0  }
0x59: {  	[sflag:s29] =	ssyncadd.s32 $0xFFFFF000  }
0x5a: {  	_ =	swait.ge [sflag:s29], $0x1000  }
0x5b: {  	[sflag:s29] =	ssyncset.done $0x0  }
0x5c: {  	[sflag:s29] =	ssyncadd.s32 $0xFFFFF000  }
0x5d: {  	_ =	swait.ge [sflag:s29], $0x1000  }
0x5e: {  	[sflag:s29] =	ssyncset.done $0x0  }
0x5f: {  	[sflag:s29] =	ssyncadd.s32 $0xFFFFF000  }
0x60: {  	_ =	swait.ge [sflag:s29], $0x1000  }
0x61: {  	[sflag:s29] =	ssyncset.done $0x0  }
0x62: {  	[sflag:s29] =	ssyncadd.s32 $0xFFFFF000  }
0x63: {  	_ =	swait.ge [sflag:s29], $0x1000  }
0x64: {  	[sflag:s29] =	ssyncset.done $0x0  }
0x65: {  	[sflag:s29] =	ssyncadd.s32 $0xFFFFF000  }
0x66: {  	_ =	swait.ge [sflag:s29], $0x1000  }
0x67: {  	[sflag:s29] =	ssyncset.done $0x0  }
0x68: {  	[sflag:s29] =	ssyncadd.s32 $0xFFFFF000  }
0x69: {  	_ =	swait.ge [sflag:s29], $0x1000  }
0x6a: {  	[sflag:s29] =	ssyncset.done $0x0  }
0x6b: {  	[sflag:s29] =	ssyncadd.s32 $0xFFFFF000  }
0x6c: {  	_ =	swait.ge [sflag:s29], $0x1000  }
0x6d: {  	[sflag:s29] =	ssyncset.done $0x0  }
0x6e: {  	[sflag:s29] =	ssyncadd.s32 $0xFFFFF000  }
0x6f: {  	[spmem:s2] =	stream.indirect.scatter.add.bf16 [tilespmem:s10], [sflag:$0x2], $0x20, s11, s18, $0xb8;
	[tilespmem:$0x1A000] =	vst v63  }
0x70: {  	s20 =	simm.s32 $0x2880  }
0x71: {  	[spmem:s2] =	stream.indirect.scatter.add.bf16 [tilespmem:s9], [sflag:$0x2], $0x20, s20, s18, $0xb8;
	[tilespmem:$0x1A000] =	vst v63  }
0x72: {  	s11 =	simm.s32 $0x2900  }
0x73: {  	[spmem:s2] =	stream.indirect.scatter.add.bf16 [tilespmem:s22], [sflag:$0x2], $0x20, s11, s18, $0xb8;
	[tilespmem:$0x1A000] =	vst v63  }
0x74: {  	s17 =	simm.s32 $0x2980  }
0x75: {  	[spmem:s2] =	stream.indirect.scatter.add.bf16 [tilespmem:s24], [sflag:$0x2], $0x20, s17, s18, $0xb8;
	[tilespmem:$0x1A000] =	vst v63  }
0x76: {  	s19 =	simm.s32 $0x2A00  }
0x77: {  	[spmem:s2] =	stream.indirect.scatter.add.bf16 [tilespmem:s28], [sflag:$0x2], $0x20, s19, s18, $0xb8;
	[tilespmem:$0x1A000] =	vst v63  }
0x78: {  	s20 =	simm.s32 $0x2A80  }
0x79: {  	[spmem:s2] =	stream.indirect.scatter.add.bf16 [tilespmem:s30], [sflag:$0x2], $0x20, s20, s18, $0xb8;
	[tilespmem:$0x1A000] =	vst v63  }
0x7a: {  	s10 =	simm.s32 $0x2B00  }
0x7b: {  	[spmem:s2] =	stream.indirect.scatter.add.bf16 [tilespmem:s0], [sflag:$0x2], $0x20, s10, s18, $0xb8;
	[tilespmem:$0x1A000] =	vst v63  }
0x7c: {  	s11 =	simm.s32 $0x2B80  }
0x7d: {  	[spmem:s2] =	stream.indirect.scatter.add.bf16 [tilespmem:s6], [sflag:$0x2], $0x20, s11, s18, $0xb8;
	[tilespmem:$0x1A000] =	vst v63  }
0x7e: {  	_ =	swait.ge [sflag:s8], $0x1000  }
0x7f: {  	[sflag:s8] =	ssyncset.done $0x0  }
0x80: {  	[sflag:s8] =	ssyncadd.s32 $0xFFFFF000  }
0x81: {  	_ =	swait.ge [sflag:s8], $0x1000  }
0x82: {  	[sflag:s8] =	ssyncset.done $0x0  }
0x83: {  	[sflag:s8] =	ssyncadd.s32 $0xFFFFF000  }
0x84: {  	_ =	swait.ge [sflag:s8], $0x1000  }
0x85: {  	[sflag:s8] =	ssyncset.done $0x0  }
0x86: {  	[sflag:s8] =	ssyncadd.s32 $0xFFFFF000  }
0x87: {  	_ =	swait.ge [sflag:s8], $0x1000  }
0x88: {  	[sflag:s8] =	ssyncset.done $0x0  }
0x89: {  	[sflag:s8] =	ssyncadd.s32 $0xFFFFF000  }
0x8a: {  	_ =	swait.ge [sflag:s8], $0x1000  }
0x8b: {  	[sflag:s8] =	ssyncset.done $0x0  }
0x8c: {  	[sflag:s8] =	ssyncadd.s32 $0xFFFFF000  }
0x8d: {  	_ =	swait.ge [sflag:s8], $0x1000  }
0x8e: {  	[sflag:s8] =	ssyncset.done $0x0  }
0x8f: {  	[sflag:s8] =	ssyncadd.s32 $0xFFFFF000  }
0x90: {  	_ =	swait.ge [sflag:s8], $0x1000  }
0x91: {  	[sflag:s8] =	ssyncset.done $0x0  }
0x92: {  	[sflag:s8] =	ssyncadd.s32 $0xFFFFF000  }
0x93: {  	s17 =	simm.s32 $0x10000;
	_ =	swait.ge [sflag:s8], $0x1000  }
0x94: {  	s9 =	sand.u32 $0x8000, s17;
	[sflag:s8] =	ssyncset.done $0x0  }
0x95: {  	s19 =	sor.u32 $0x5000, s9;
	s20 =	simm.s32 $0x800;
	[sflag:s8] =	ssyncadd.s32 $0xFFFFF000  }
0x96: {  	[tilespmem:s19], [sflag:$0x1] =	stream.indirect.gather [hbm4b:s4+s18], $0x20, s20, s18, $0xb8;
	[tilespmem:$0x1A000] =	vst v63  }
0x97: {  	s17 =	simm.s32 $0x880;
	s11 =	sor.u32 $0x6000, s9  }
0x98: {  	[tilespmem:s11], [sflag:$0x1] =	stream.indirect.gather [hbm4b:s4+s18], $0x20, s17, s18, $0xb8;
	[tilespmem:$0x1A000] =	vst v63  }
0x99: {  	s19 =	sor.u32 $0x7000, s9;
	s20 =	simm.s32 $0x900  }
0x9a: {  	[tilespmem:s19], [sflag:$0x1] =	stream.indirect.gather [hbm4b:s4+s18], $0x20, s20, s18, $0xb8;
	[tilespmem:$0x1A000] =	vst v63  }
0x9b: {  	s11 =	sadd.s32 $0x8000, s9;
	s17 =	simm.s32 $0x980  }
0x9c: {  	[tilespmem:s11], [sflag:$0x1] =	stream.indirect.gather [hbm4b:s4+s18], $0x20, s17, s18, $0xb8;
	[tilespmem:$0x1A000] =	vst v63  }
0x9d: {  	s19 =	sadd.s32 $0x9000, s9;
	s20 =	simm.s32 $0xA00  }
0x9e: {  	[tilespmem:s19], [sflag:$0x1] =	stream.indirect.gather [hbm4b:s4+s18], $0x20, s20, s18, $0xb8;
	[tilespmem:$0x1A000] =	vst v63  }
0x9f: {  	s11 =	sadd.s32 $0xA000, s9;
	s17 =	simm.s32 $0xA80  }
0xa0: {  	[tilespmem:s11], [sflag:$0x1] =	stream.indirect.gather [hbm4b:s4+s18], $0x20, s17, s18, $0xb8;
	[tilespmem:$0x1A000] =	vst v63  }
0xa1: {  	s19 =	sadd.s32 $0xB000, s9;
	s20 =	simm.s32 $0xB00  }
0xa2: {  	[tilespmem:s19], [sflag:$0x1] =	stream.indirect.gather [hbm4b:s4+s18], $0x20, s20, s18, $0xb8;
	[tilespmem:$0x1A000] =	vst v63  }
0xa3: {  	s9 =	sadd.s32 $0xC000, s9;
	s17 =	simm.s32 $0xB80  }
0xa4: {  	[tilespmem:s9], [sflag:$0x1] =	stream.indirect.gather [hbm4b:s4+s18], $0x20, s17, s18, $0xb8;
	[tilespmem:$0x1A000] =	vst v63  }
0xa5: {  	_ =	swait.ge [sflag:s29], $0x1000  }
0xa6: {  	[sflag:s29] =	ssyncset.done $0x0  }
0xa7: {  	[sflag:s29] =	ssyncadd.s32 $0xFFFFF000  }
0xa8: {  	_ =	swait.ge [sflag:s29], $0x1000  }
0xa9: {  	[sflag:s29] =	ssyncset.done $0x0  }
0xaa: {  	[sflag:s29] =	ssyncadd.s32 $0xFFFFF000  }
0xab: {  	_ =	swait.ge [sflag:s29], $0x1000  }
0xac: {  	[sflag:s29] =	ssyncset.done $0x0  }
0xad: {  	[sflag:s29] =	ssyncadd.s32 $0xFFFFF000  }
0xae: {  	_ =	swait.ge [sflag:s29], $0x1000  }
0xaf: {  	[sflag:s29] =	ssyncset.done $0x0  }
0xb0: {  	[sflag:s29] =	ssyncadd.s32 $0xFFFFF000  }
0xb1: {  	_ =	swait.ge [sflag:s29], $0x1000  }
0xb2: {  	[sflag:s29] =	ssyncset.done $0x0  }
0xb3: {  	[sflag:s29] =	ssyncadd.s32 $0xFFFFF000  }
0xb4: {  	_ =	swait.ge [sflag:s29], $0x1000  }
0xb5: {  	[sflag:s29] =	ssyncset.done $0x0  }
0xb6: {  	[sflag:s29] =	ssyncadd.s32 $0xFFFFF000  }
0xb7: {  	_ =	swait.ge [sflag:s29], $0x1000  }
0xb8: {  	[sflag:s29] =	ssyncset.done $0x0  }
0xb9: {  	s19 =	simm.s32 $0x10000;
	[sflag:s29] =	ssyncadd.s32 $0xFFFFF000  }
0xba: {  	s9 =	sand.u32 $0x10000, s19;
	_ =	swait.ge [sflag:s29], $0x1000  }
0xbb: {  	s10 =	sshrl.u32 s9, $0x1;
	[sflag:s29] =	ssyncset.done $0x0  }
0xbc: {  	s20 =	simm.s32 $0x2C00;
	s9 =	sor.u32 $0x5000, s10;
	[sflag:s29] =	ssyncadd.s32 $0xFFFFF000  }
0xbd: {  	[spmem:s2] =	stream.indirect.scatter.add.bf16 [tilespmem:s9], [sflag:$0x2], $0x20, s20, s18, $0xb8;
	[tilespmem:$0x1A000] =	vst v63  }
0xbe: {  	s17 =	simm.s32 $0x2C80;
	s11 =	sor.u32 $0x6000, s10  }
0xbf: {  	[spmem:s2] =	stream.indirect.scatter.add.bf16 [tilespmem:s11], [sflag:$0x2], $0x20, s17, s18, $0xb8;
	[tilespmem:$0x1A000] =	vst v63  }
0xc0: {  	s19 =	sor.u32 $0x7000, s10;
	s20 =	simm.s32 $0x2D00  }
0xc1: {  	[spmem:s2] =	stream.indirect.scatter.add.bf16 [tilespmem:s19], [sflag:$0x2], $0x20, s20, s18, $0xb8;
	[tilespmem:$0x1A000] =	vst v63  }
0xc2: {  	s9 =	simm.s32 $0x1000;
	s11 =	sadd.s32 $0x8000, s10;
	s17 =	simm.s32 $0x2D80  }
0xc3: {  	[spmem:s2] =	stream.indirect.scatter.add.bf16 [tilespmem:s11], [sflag:$0x2], $0x20, s17, s18, $0xb8;
	[tilespmem:$0x1A000] =	vst v63  }
0xc4: {  	s19 =	sadd.s32 $0x9000, s10;
	s20 =	simm.s32 $0x2E00;
	s11 =	sadd.s32 $0xA000, s10  }
0xc5: {  	[spmem:s2] =	stream.indirect.scatter.add.bf16 [tilespmem:s19], [sflag:$0x2], $0x20, s20, s18, $0xb8;
	[tilespmem:$0x1A000] =	vst v63  }
0xc6: {  	s17 =	simm.s32 $0x2E80;
	s19 =	sadd.s32 $0xB000, s10;
	s20 =	simm.s32 $0x2F00  }
0xc7: {  	[spmem:s2] =	stream.indirect.scatter.add.bf16 [tilespmem:s11], [sflag:$0x2], $0x20, s17, s18, $0xb8;
	[tilespmem:$0x1A000] =	vst v63  }
0xc8: {  	s11 =	sadd.s32 $0xC000, s10;
	s17 =	simm.s32 $0x2F80;
	s10 =	simm.s32 $0x30000  }
0xc9: {  	[spmem:s2] =	stream.indirect.scatter.add.bf16 [tilespmem:s19], [sflag:$0x2], $0x20, s20, s18, $0xb8;
	[tilespmem:$0x1A000] =	vst v63  }
.LBB2_6:
0xca: {  	[spmem:s2] =	stream.indirect.scatter.add.bf16 [tilespmem:s11], [sflag:$0x2], $0x20, s17, s18, $0xb8;
	[tilespmem:$0x1A000] =	vst v63  }
0xcb: {  	s11 =	smov.u32 s9  }
0xcc: {  	p3 =	sne.s32 s9, $0x7000;
	s9 =	sadd.s32 $0x1000, s9;
	_ =	swait.ge [sflag:s8], $0x1000  }
0xcd: {  	[sflag:s8] =	ssyncset.done $0x0  }
0xce: {  	[sflag:s8] =	ssyncadd.s32 $0xFFFFF000  }
0xcf: {  	_ =	swait.ge [sflag:s8], $0x1000  }
0xd0: {  	[sflag:s8] =	ssyncset.done $0x0  }
0xd1: {  	[sflag:s8] =	ssyncadd.s32 $0xFFFFF000  }
0xd2: {  	_ =	swait.ge [sflag:s8], $0x1000  }
0xd3: {  	[sflag:s8] =	ssyncset.done $0x0  }
0xd4: {  	[sflag:s8] =	ssyncadd.s32 $0xFFFFF000  }
0xd5: {  	_ =	swait.ge [sflag:s8], $0x1000  }
0xd6: {  	[sflag:s8] =	ssyncset.done $0x0  }
0xd7: {  	[sflag:s8] =	ssyncadd.s32 $0xFFFFF000  }
0xd8: {  	_ =	swait.ge [sflag:s8], $0x1000  }
0xd9: {  	[sflag:s8] =	ssyncset.done $0x0  }
0xda: {  	[sflag:s8] =	ssyncadd.s32 $0xFFFFF000  }
0xdb: {  	_ =	swait.ge [sflag:s8], $0x1000  }
0xdc: {  	[sflag:s8] =	ssyncset.done $0x0  }
0xdd: {  	[sflag:s8] =	ssyncadd.s32 $0xFFFFF000  }
0xde: {  	_ =	swait.ge [sflag:s8], $0x1000  }
0xdf: {  	[sflag:s8] =	ssyncset.done $0x0  }
0xe0: {  	[sflag:s8] =	ssyncadd.s32 $0xFFFFF000  }
0xe1: {  	s17 =	sshrl.u32 s10, $0x1;
	_ =	swait.ge [sflag:s8], $0x1000  }
0xe2: {  	s19 =	sand.u32 $0x8000, s17;
	s17 =	sshra.s32 s11, $0x2;
	[sflag:s8] =	ssyncset.done $0x0  }
0xe3: {  	s11 =	sor.u32 $0x5000, s19;
	s20 =	sadd.s32 $0x800, s17;
	[sflag:s8] =	ssyncadd.s32 $0xFFFFF000  }
0xe4: {  	[tilespmem:s11], [sflag:$0x1] =	stream.indirect.gather [hbm4b:s4+s18], $0x20, s20, s18, $0xb8;
	[tilespmem:$0x1A000] =	vst v63  }
0xe5: {  	s11 =	sor.u32 $0x6000, s19;
	s20 =	sadd.s32 $0x880, s17  }
0xe6: {  	[tilespmem:s11], [sflag:$0x1] =	stream.indirect.gather [hbm4b:s4+s18], $0x20, s20, s18, $0xb8;
	[tilespmem:$0x1A000] =	vst v63  }
0xe7: {  	s11 =	sor.u32 $0x7000, s19;
	s20 =	sadd.s32 $0x900, s17  }
0xe8: {  	[tilespmem:s11], [sflag:$0x1] =	stream.indirect.gather [hbm4b:s4+s18], $0x20, s20, s18, $0xb8;
	[tilespmem:$0x1A000] =	vst v63  }
0xe9: {  	s11 =	sadd.s32 $0x8000, s19;
	s20 =	sadd.s32 $0x980, s17  }
0xea: {  	[tilespmem:s11], [sflag:$0x1] =	stream.indirect.gather [hbm4b:s4+s18], $0x20, s20, s18, $0xb8;
	[tilespmem:$0x1A000] =	vst v63  }
0xeb: {  	s11 =	sadd.s32 $0x9000, s19;
	s20 =	sadd.s32 $0xA00, s17  }
0xec: {  	[tilespmem:s11], [sflag:$0x1] =	stream.indirect.gather [hbm4b:s4+s18], $0x20, s20, s18, $0xb8;
	[tilespmem:$0x1A000] =	vst v63  }
0xed: {  	s11 =	sadd.s32 $0xA000, s19;
	s20 =	sadd.s32 $0xA80, s17  }
0xee: {  	[tilespmem:s11], [sflag:$0x1] =	stream.indirect.gather [hbm4b:s4+s18], $0x20, s20, s18, $0xb8;
	[tilespmem:$0x1A000] =	vst v63  }
0xef: {  	s11 =	sadd.s32 $0xB000, s19;
	s20 =	sadd.s32 $0xB00, s17  }
0xf0: {  	[tilespmem:s11], [sflag:$0x1] =	stream.indirect.gather [hbm4b:s4+s18], $0x20, s20, s18, $0xb8;
	[tilespmem:$0x1A000] =	vst v63  }
0xf1: {  	s11 =	sadd.s32 $0xC000, s19;
	s19 =	sadd.s32 $0xB80, s17  }
0xf2: {  	[tilespmem:s11], [sflag:$0x1] =	stream.indirect.gather [hbm4b:s4+s18], $0x20, s19, s18, $0xb8;
	[tilespmem:$0x1A000] =	vst v63  }
0xf3: {  	_ =	swait.ge [sflag:s29], $0x1000  }
0xf4: {  	[sflag:s29] =	ssyncset.done $0x0  }
0xf5: {  	[sflag:s29] =	ssyncadd.s32 $0xFFFFF000  }
0xf6: {  	_ =	swait.ge [sflag:s29], $0x1000  }
0xf7: {  	[sflag:s29] =	ssyncset.done $0x0  }
0xf8: {  	[sflag:s29] =	ssyncadd.s32 $0xFFFFF000  }
0xf9: {  	_ =	swait.ge [sflag:s29], $0x1000  }
0xfa: {  	[sflag:s29] =	ssyncset.done $0x0  }
0xfb: {  	[sflag:s29] =	ssyncadd.s32 $0xFFFFF000  }
0xfc: {  	_ =	swait.ge [sflag:s29], $0x1000  }
0xfd: {  	[sflag:s29] =	ssyncset.done $0x0  }
0xfe: {  	[sflag:s29] =	ssyncadd.s32 $0xFFFFF000  }
0xff: {  	_ =	swait.ge [sflag:s29], $0x1000  }
0x100: {  	[sflag:s29] =	ssyncset.done $0x0  }
0x101: {  	[sflag:s29] =	ssyncadd.s32 $0xFFFFF000  }
0x102: {  	_ =	swait.ge [sflag:s29], $0x1000  }
0x103: {  	[sflag:s29] =	ssyncset.done $0x0  }
0x104: {  	[sflag:s29] =	ssyncadd.s32 $0xFFFFF000  }
0x105: {  	_ =	swait.ge [sflag:s29], $0x1000  }
0x106: {  	[sflag:s29] =	ssyncset.done $0x0  }
0x107: {  	s11 =	sadd.s32 $0xFFFF0000, s10;
	[sflag:s29] =	ssyncadd.s32 $0xFFFFF000  }
0x108: {  	s11 =	sand.u32 $0x10000, s11;
	_ =	swait.ge [sflag:s29], $0x1000  }
0x109: {  	s11 =	sshrl.u32 s11, $0x1;
	[sflag:s29] =	ssyncset.done $0x0  }
0x10a: {  	s20 =	sadd.s32 $0x2C00, s17;
	s19 =	sor.u32 $0x5000, s11;
	[sflag:s29] =	ssyncadd.s32 $0xFFFFF000  }
0x10b: {  	[spmem:s2] =	stream.indirect.scatter.add.bf16 [tilespmem:s19], [sflag:$0x2], $0x20, s20, s18, $0xb8;
	[tilespmem:$0x1A000] =	vst v63  }
0x10c: {  	s19 =	sor.u32 $0x6000, s11;
	s20 =	sadd.s32 $0x2C80, s17  }
0x10d: {  	[spmem:s2] =	stream.indirect.scatter.add.bf16 [tilespmem:s19], [sflag:$0x2], $0x20, s20, s18, $0xb8;
	[tilespmem:$0x1A000] =	vst v63  }
0x10e: {  	s19 =	sor.u32 $0x7000, s11;
	s20 =	sadd.s32 $0x2D00, s17  }
0x10f: {  	[spmem:s2] =	stream.indirect.scatter.add.bf16 [tilespmem:s19], [sflag:$0x2], $0x20, s20, s18, $0xb8;
	[tilespmem:$0x1A000] =	vst v63  }
0x110: {  	s19 =	sadd.s32 $0x8000, s11;
	s20 =	sadd.s32 $0x2D80, s17  }
0x111: {  	[spmem:s2] =	stream.indirect.scatter.add.bf16 [tilespmem:s19], [sflag:$0x2], $0x20, s20, s18, $0xb8;
	[tilespmem:$0x1A000] =	vst v63  }
0x112: {  	s19 =	sadd.s32 $0x9000, s11;
	s20 =	sadd.s32 $0x2E00, s17  }
0x113: {  	[spmem:s2] =	stream.indirect.scatter.add.bf16 [tilespmem:s19], [sflag:$0x2], $0x20, s20, s18, $0xb8;
	[tilespmem:$0x1A000] =	vst v63  }
.Ltmp4:
0x114: {  	s19 =	sadd.s32 $0xA000, s11;
	s20 =	sadd.s32 $0x2E80, s17;
	(pc) =	sbr.rel @p3 .LBB2_6-.Ltmp4, $4  }
0x115: {  	[spmem:s2] =	stream.indirect.scatter.add.bf16 [tilespmem:s19], [sflag:$0x2], $0x20, s20, s18, $0xb8;
	[tilespmem:$0x1A000] =	vst v63  }
0x116: {  	s19 =	sadd.s32 $0xB000, s11;
	s20 =	sadd.s32 $0x2F00, s17  }
0x117: {  	[spmem:s2] =	stream.indirect.scatter.add.bf16 [tilespmem:s19], [sflag:$0x2], $0x20, s20, s18, $0xb8;
	[tilespmem:$0x1A000] =	vst v63  }
0x118: {  	s10 =	sadd.s32 $0x10000, s10;
	s11 =	sadd.s32 $0xC000, s11;
	s17 =	sadd.s32 $0x2F80, s17  }
0x119: {  	[spmem:s2] =	stream.indirect.scatter.add.bf16 [tilespmem:s11], [sflag:$0x2], $0x20, s17, s18, $0xb8;
	[tilespmem:$0x1A000] =	vst v63  }
0x11a: {  	_ =	swait.ge [sflag:s29], $0x1000  }
0x11b: {  	[sflag:s29] =	ssyncset.done $0x0  }
0x11c: {  	[sflag:s29] =	ssyncadd.s32 $0xFFFFF000  }
0x11d: {  	_ =	swait.ge [sflag:s29], $0x1000  }
0x11e: {  	[sflag:s29] =	ssyncset.done $0x0  }
0x11f: {  	[sflag:s29] =	ssyncadd.s32 $0xFFFFF000  }
0x120: {  	_ =	swait.ge [sflag:s29], $0x1000  }
0x121: {  	[sflag:s29] =	ssyncset.done $0x0  }
0x122: {  	[sflag:s29] =	ssyncadd.s32 $0xFFFFF000  }
0x123: {  	_ =	swait.ge [sflag:s29], $0x1000  }
0x124: {  	[sflag:s29] =	ssyncset.done $0x0  }
0x125: {  	[sflag:s29] =	ssyncadd.s32 $0xFFFFF000  }
0x126: {  	_ =	swait.ge [sflag:s29], $0x1000  }
0x127: {  	[sflag:s29] =	ssyncset.done $0x0  }
0x128: {  	[sflag:s29] =	ssyncadd.s32 $0xFFFFF000  }
0x129: {  	_ =	swait.ge [sflag:s29], $0x1000  }
0x12a: {  	[sflag:s29] =	ssyncset.done $0x0  }
0x12b: {  	[sflag:s29] =	ssyncadd.s32 $0xFFFFF000  }
0x12c: {  	_ =	swait.ge [sflag:s29], $0x1000  }
0x12d: {  	[sflag:s29] =	ssyncset.done $0x0  }
0x12e: {  	[sflag:s29] =	ssyncadd.s32 $0xFFFFF000  }
0x12f: {  	_ =	swait.ge [sflag:s29], $0x1000  }
0x130: {  	[sflag:s29] =	ssyncset.done $0x0  }
0x131: {  	[sflag:s29] =	ssyncadd.s32 $0xFFFFF000  }
0x132: {  	_ =	swait.ge [sflag:s8], $0x1000  }
0x133: {  	[sflag:s8] =	ssyncset.done $0x0  }
0x134: {  	[sflag:s8] =	ssyncadd.s32 $0xFFFFF000  }
0x135: {  	_ =	swait.ge [sflag:s8], $0x1000  }
0x136: {  	[sflag:s8] =	ssyncset.done $0x0  }
0x137: {  	[sflag:s8] =	ssyncadd.s32 $0xFFFFF000  }
0x138: {  	_ =	swait.ge [sflag:s8], $0x1000  }
0x139: {  	[sflag:s8] =	ssyncset.done $0x0  }
0x13a: {  	[sflag:s8] =	ssyncadd.s32 $0xFFFFF000  }
0x13b: {  	_ =	swait.ge [sflag:s8], $0x1000  }
0x13c: {  	[sflag:s8] =	ssyncset.done $0x0  }
0x13d: {  	[sflag:s8] =	ssyncadd.s32 $0xFFFFF000  }
0x13e: {  	_ =	swait.ge [sflag:s8], $0x1000  }
0x13f: {  	[sflag:s8] =	ssyncset.done $0x0  }
0x140: {  	[sflag:s8] =	ssyncadd.s32 $0xFFFFF000  }
0x141: {  	_ =	swait.ge [sflag:s8], $0x1000  }
0x142: {  	[sflag:s8] =	ssyncset.done $0x0  }
0x143: {  	[sflag:s8] =	ssyncadd.s32 $0xFFFFF000  }
0x144: {  	_ =	swait.ge [sflag:s8], $0x1000  }
0x145: {  	[sflag:s8] =	ssyncset.done $0x0  }
0x146: {  	[sflag:s8] =	ssyncadd.s32 $0xFFFFF000  }
0x147: {  	_ =	swait.ge [sflag:s8], $0x1000  }
0x148: {  	[sflag:s8] =	ssyncset.done $0x0  }
0x149: {  	s9 =	simm.s32 $0x4C00;
	[sflag:s8] =	ssyncadd.s32 $0xFFFFF000  }
0x14a: {  	[spmem:s2] =	stream.indirect.scatter.add.bf16 [tilespmem:s21], [sflag:$0x2], $0x20, s9, s18, $0xb8;
	[tilespmem:$0x1A000] =	vst v63  }
0x14b: {  	s11 =	simm.s32 $0x4C80  }
0x14c: {  	[spmem:s2] =	stream.indirect.scatter.add.bf16 [tilespmem:s26], [sflag:$0x2], $0x20, s11, s18, $0xb8;
	[tilespmem:$0x1A000] =	vst v63  }
0x14d: {  	s17 =	simm.s32 $0x4D00  }
0x14e: {  	[spmem:s2] =	stream.indirect.scatter.add.bf16 [tilespmem:s31], [sflag:$0x2], $0x20, s17, s18, $0xb8;
	[tilespmem:$0x1A000] =	vst v63  }
0x14f: {  	s19 =	simm.s32 $0x4D80  }
0x150: {  	[spmem:s2] =	stream.indirect.scatter.add.bf16 [tilespmem:s1], [sflag:$0x2], $0x20, s19, s18, $0xb8;
	[tilespmem:$0x1A000] =	vst v63  }
0x151: {  	s20 =	simm.s32 $0x4E00  }
0x152: {  	[spmem:s2] =	stream.indirect.scatter.add.bf16 [tilespmem:s23], [sflag:$0x2], $0x20, s20, s18, $0xb8;
	[tilespmem:$0x1A000] =	vst v63  }
0x153: {  	s10 =	simm.s32 $0x4E80  }
0x154: {  	[spmem:s2] =	stream.indirect.scatter.add.bf16 [tilespmem:s5], [sflag:$0x2], $0x20, s10, s18, $0xb8;
	[tilespmem:$0x1A000] =	vst v63  }
0x155: {  	s11 =	simm.s32 $0x4F00  }
0x156: {  	[spmem:s2] =	stream.indirect.scatter.add.bf16 [tilespmem:s7], [sflag:$0x2], $0x20, s11, s18, $0xb8;
	[tilespmem:$0x1A000] =	vst v63  }
0x157: {  	s17 =	simm.s32 $0x4F80  }
0x158: {  	[spmem:s2] =	stream.indirect.scatter.add.bf16 [tilespmem:s16], [sflag:$0x2], $0x20, s17, s18, $0xb8;
	[tilespmem:$0x1A000] =	vst v63  }
0x159: {  	_ =	swait.ge [sflag:s8], $0x1000  }
0x15a: {  	[sflag:s8] =	ssyncset.done $0x0  }
0x15b: {  	[sflag:s8] =	ssyncadd.s32 $0xFFFFF000  }
0x15c: {  	_ =	swait.ge [sflag:s8], $0x1000  }
0x15d: {  	[sflag:s8] =	ssyncset.done $0x0  }
0x15e: {  	[sflag:s8] =	ssyncadd.s32 $0xFFFFF000  }
0x15f: {  	_ =	swait.ge [sflag:s8], $0x1000  }
0x160: {  	[sflag:s8] =	ssyncset.done $0x0  }
0x161: {  	[sflag:s8] =	ssyncadd.s32 $0xFFFFF000  }
0x162: {  	_ =	swait.ge [sflag:s8], $0x1000  }
0x163: {  	[sflag:s8] =	ssyncset.done $0x0  }
0x164: {  	[sflag:s8] =	ssyncadd.s32 $0xFFFFF000  }
0x165: {  	_ =	swait.ge [sflag:s8], $0x1000  }
0x166: {  	[sflag:s8] =	ssyncset.done $0x0  }
0x167: {  	[sflag:s8] =	ssyncadd.s32 $0xFFFFF000  }
0x168: {  	_ =	swait.ge [sflag:s8], $0x1000  }
0x169: {  	[sflag:s8] =	ssyncset.done $0x0  }
0x16a: {  	[sflag:s8] =	ssyncadd.s32 $0xFFFFF000  }
0x16b: {  	_ =	swait.ge [sflag:s8], $0x1000  }
0x16c: {  	[sflag:s8] =	ssyncset.done $0x0  }
0x16d: {  	[sflag:s8] =	ssyncadd.s32 $0xFFFFF000  }
0x16e: {  	_ =	swait.ge [sflag:s8], $0x1000  }
0x16f: {  	[sflag:s8] =	ssyncset.done $0x0  }
0x170: {  	[sflag:s8] =	ssyncadd.s32 $0xFFFFF000  }
0x171: {  	[bflag:$0x0] =	sbarrier.arrive $0xFFFF  }
0x172: {  	s19 =	sor.u32 $0x1C03, s12;
	s10 =	rddreg [dreg:$0x8]  }
0x173: {  	[hbm:s10], [sflag:s19] =	dma.local [spmem:s25], $0xA00  }
0x174: {  	_ =	swait.ge [sflag:s15], $0xA00  }
0x175: {  	s3 =	sadd.s32 $0x1, s3;
	s20 =	rddreg [dreg:$0x9]  }
0x176: {  	p3 =	sne.s32 s3, s20  }
.Ltmp5:
0x177: {  	_ = 	snop;
	(pc) =	sbr.rel @p3 .LBB2_1-.Ltmp5, $3  }
0x178: {  	_ =	sdelay $0x1  }
0x179: {  	[sflag:s15] =	ssyncset.done $0x0  }
0x17a: {  	[sflag:s15] =	ssyncadd.s32 $0xFFFFF600  }
0x17b: {  	_ =	sfence.sel $0x180000  }
0x17c: {  	[bflag:$0x0] =	sbarrier.arrive $0xFFFF  }
0x17d: {  	_ =	strace $0x9000004A  }
0x17e: {  	s0 =	stileid.u32;
	[bflag:$0x2] =	sbarrier.arrive $0xFFFF  }
0x17f: {  	p0 =	sne.s32 s0, $0x0;
	s0 =	rddreg [dreg:$0x2]  }
0x180: {  	s0 =	sadd.s32 @!p0 $0x100000, s0  }
0x181: {  	[sflag:s0] =	ssyncadd.tile.s32 @!p0 $0x1;
	_ =	shalt  }
.Lfunc_end2:
_tile_overlayer_lowered:
.L_overlay_start_2:
0x182: {  	(tag) =	ssettag $0x2  }
0x183: {  	s0 =	rddreg [dreg:$0x0];
	s2 =	stileid.u32  }
0x184: {  	s1 =	rddreg [dreg:$0x1];
	p0 =	sne.s32 s2, $0x0  }
0x185: {  	s3 =	rddreg [dreg:$0x2];
	[bflag:$0x3] =	sbarrier.arrive $0xFFFF;
	s2 =	simm.s32 @!p0 $0x1C03  }
0x186: {  	[timem:s3], [sflag:s2] =	dma.local @!p0 [hbm:s0], s1  }
0x187: {  	s0 =	simm.s32 @!p0 $0x3  }
0x188: {  	_ =	swait.ge @!p0 [sflag:s0], s1  }
0x189: {  	s1 =	ssub.s32 @!p0 $0x0, s1;
	[sflag:s0] =	ssyncset.done @!p0 $0x0  }
0x18a: {  	[sflag:s0] =	ssyncadd.s32 @!p0 s1  }
0x18b: {  	[bflag:$0x3] =	sbarrier.arrive $0xFFFF  }
0x18c: {  	_ =	shalt  }

// kernel: kernel.16.cloned.1.call-start
scs
__scs_entry_jumppad:
0x0: {  	(pc) =	sbr.rel $0x88, $3  }
0x1: {  	(tag) =	ssettag $0x0;
	lr =	simm.s32 $0x1  }
0x2: {  	[smem:$0x3F9B] =	sst lr;
	_ =	strace $0xD0000000  }
0x3: {  	_ = 	snop  }
0x4: {  	_ = 	snop  }
0x5: {  	_ = 	snop  }
0x6: {  	_ = 	snop  }
0x7: {  	_ = 	snop  }
__scs_overlays_trampoline_lowered:
0x8: {  	[smem:$0x3FAA] =	sst s0  }
0x9: {  	[smem:$0x3FAB] =	sst s1  }
0xa: {  	[smem:$0x3FAC] =	sst s2  }
0xb: {  	[smem:$0x3FAD] =	sst s3  }
0xc: {  	[smem:$0x3FAE] =	sst s4  }
0xd: {  	[smem:$0x3FAF] =	sst s5  }
0xe: {  	[smem:$0x3FB0] =	sst s6  }
0xf: {  	[smem:$0x3FB1] =	sst s7  }
0x10: {  	[smem:$0x3FB2] =	sst s8  }
0x11: {  	[smem:$0x3FB3] =	sst s9;
	s0 =	simm.s32 @!p0 $0x0  }
0x12: {  	s1 =	sld [smem:$0x3F99];
	s0 =	simm.s32 @p0 $0x1  }
0x13: {  	[smem:$0x3FB4] =	sst s0;
	s0 =	simm.s32 @!p1 $0x0  }
0x14: {  	s2 =	sld [smem:$0x3F98];
	s0 =	simm.s32 @p1 $0x1  }
0x15: {  	[smem:$0x3FB5] =	sst s0;
	s0 =	simm.s32 @!p2 $0x0  }
0x16: {  	s3 =	sld [smem:$0x3FDB];
	s0 =	simm.s32 @p2 $0x1  }
0x17: {  	s4 =	simm.s32 $0x1BF5;
	[smem:$0x3FB7] =	sst s0  }
0x18: {  	s0 =	sld [smem:$0x3F9A];
	_ =	swait.ge [sflag:s4], $0x0  }
0x19: {  	s7 =	sld [smem:$0x3F9B]  }
0x1a: {  	s8 =	sadd.s32 $0xFFFFE003, lr  }
0x1b: {  	s9 =	sadd.s32 $0xFFFFFEF7, lr;
	s5 =	simm.s32 $0xFFFFFFFF;
	p2 =	slt.u32 s8, $0xFFFFF086  }
0x1c: {  	p1 =	slt.u32 s9, $0xF7A;
	s5 =	simm.s32 @!p2 $0x0  }
0x1d: {  	s5 =	simm.s32 @p1 $0x1;
	p0 =	seq.s32 s7, s2  }
0x1e: {  	s7 =	smul.u32 @!p0 $0xF7A, s2;
	p2 =	seq.s32 @!p0 s5, $0x0  }
0x1f: {  	s9 =	smul.u32 $0xF7A, s1;
	s8 =	simm.s32 @!p0 $0x1BF5;
	p2 =	por !p2, p0  }
0x20: {  	[sflag:s8] =	ssyncset.s32 @!p0 $0xFFFFF086;
	s6 =	sadd.s32 @!p0 s3, s7;
	s7 =	simm.s32 @!p0 $0x108  }
0x21: {  	s3 =	sadd.s32 s3, s9;
	s6 =	sadd.s32 @!p0 $0x88, s6;
	s7 =	simm.s32 @p2 $0x1082  }
0x22: {  	[simem:s7], [sflag:s8] =	dma.local @!p0 [hbm:s6], $0xF7A  }
0x23: {  	s9 =	sor.u32 $0xD0000000, s2;
	s6 =	simm.s32 $0x108;
	_ =	swait.ge @!p0 [sflag:s8], $0x0  }
0x24: {  	s3 =	sadd.s32 $0x88, s3;
	s6 =	simm.s32 @!p1 $0x1082;
	[sflag:s4] =	ssyncset.s32 $0xFFFFF086  }
0x25: {  	[simem:s6], [sflag:s4] =	dma.local [hbm:s3], $0xF7A  }
0x26: {  	[smem:$0x3F9B] =	sst s1;
	(tag) =	ssettag s2;
	_ =	strace s9  }
0x27: {  	s1 =	sld [smem:$0x3FAB]  }
0x28: {  	s2 =	sld [smem:$0x3FAC]  }
0x29: {  	s4 =	sld [smem:$0x3FAE]  }
0x2a: {  	p0 =	seq.s32 s5, $0x0;
	s5 =	sld [smem:$0x3FAF]  }
0x2b: {  	s6 =	sld [smem:$0x3FB0]  }
0x2c: {  	s7 =	sld [smem:$0x3FB1]  }
0x2d: {  	s3 =	simm.s32 $0x108;
	s8 =	sld [smem:$0x3FB2]  }
0x2e: {  	s3 =	simm.s32 @!p0 $0x1082;
	s9 =	sld [smem:$0x3FB3]  }
0x2f: {  	lr =	sadd.s32 s0, s3;
	s0 =	sld [smem:$0x3FAA]  }
0x30: {  	s3 =	sld [smem:$0x3FAD]  }
0x31: {  	[smem:$0x3FB6] =	sst s10  }
0x32: {  	s10 =	sld [smem:$0x3FB4];
	_ =	sdelay $0x3  }
0x33: {  	p0 =	seq.s32 s10, $0x1;
	s10 =	sld [smem:$0x3FB6];
	_ =	sdelay $0x3  }
0x34: {  	[smem:$0x3FB6] =	sst s10  }
0x35: {  	s10 =	sld [smem:$0x3FB5];
	_ =	sdelay $0x3  }
0x36: {  	p1 =	seq.s32 s10, $0x1;
	s10 =	sld [smem:$0x3FB6];
	_ =	sdelay $0x3  }
0x37: {  	[smem:$0x3FB6] =	sst s10  }
0x38: {  	s10 =	sld [smem:$0x3FB7]  }
0x39: {  	_ = 	snop;
	(pc) =	sbr.ind lr, $3  }
0x3a: {  	_ = 	snop  }
0x3b: {  	_ = 	snop  }
0x3c: {  	p2 =	seq.s32 s10, $0x1;
	s10 =	sld [smem:$0x3FB6]  }
0x3d: {  	_ =	shalt  }
0x3e: {  	_ =	shalt  }
0x3f: {  	_ =	shalt  }
0x40: {  	_ =	shalt  }
0x41: {  	_ =	shalt  }
0x42: {  	_ =	shalt  }
0x43: {  	_ =	shalt  }
0x44: {  	_ =	shalt  }
0x45: {  	_ =	shalt  }
0x46: {  	_ =	shalt  }
0x47: {  	_ =	shalt  }
0x48: {  	_ =	shalt  }
0x49: {  	_ =	shalt  }
0x4a: {  	_ =	shalt  }
0x4b: {  	_ =	shalt  }
0x4c: {  	_ =	shalt  }
0x4d: {  	_ =	shalt  }
0x4e: {  	_ =	shalt  }
0x4f: {  	_ =	shalt  }
0x50: {  	_ =	shalt  }
0x51: {  	_ =	shalt  }
0x52: {  	_ =	shalt  }
0x53: {  	_ =	shalt  }
0x54: {  	_ =	shalt  }
0x55: {  	_ =	shalt  }
0x56: {  	_ =	shalt  }
0x57: {  	_ =	shalt  }
0x58: {  	_ =	shalt  }
0x59: {  	_ =	shalt  }
0x5a: {  	_ =	shalt  }
0x5b: {  	_ =	shalt  }
0x5c: {  	_ =	shalt  }
0x5d: {  	_ =	shalt  }
0x5e: {  	_ =	shalt  }
0x5f: {  	_ =	shalt  }
0x60: {  	_ =	shalt  }
0x61: {  	_ =	shalt  }
0x62: {  	_ =	shalt  }
0x63: {  	_ =	shalt  }
0x64: {  	_ =	shalt  }
0x65: {  	_ =	shalt  }
0x66: {  	_ =	shalt  }
0x67: {  	_ =	shalt  }
0x68: {  	_ =	shalt  }
0x69: {  	_ =	shalt  }
0x6a: {  	_ =	shalt  }
0x6b: {  	_ =	shalt  }
0x6c: {  	_ =	shalt  }
0x6d: {  	_ =	shalt  }
0x6e: {  	_ =	shalt  }
0x6f: {  	_ =	shalt  }
0x70: {  	_ =	shalt  }
0x71: {  	_ =	shalt  }
0x72: {  	_ =	shalt  }
0x73: {  	_ =	shalt  }
0x74: {  	_ =	shalt  }
0x75: {  	_ =	shalt  }
0x76: {  	_ =	shalt  }
0x77: {  	_ =	shalt  }
0x78: {  	_ =	shalt  }
0x79: {  	_ =	shalt  }
0x7a: {  	_ =	shalt  }
0x7b: {  	_ =	shalt  }
0x7c: {  	_ =	shalt  }
0x7d: {  	_ =	shalt  }
0x7e: {  	_ =	shalt  }
0x7f: {  	_ =	shalt  }
0x80: {  	_ =	shalt  }
0x81: {  	_ =	shalt  }
0x82: {  	_ =	shalt  }
0x83: {  	_ =	shalt  }
0x84: {  	_ =	shalt  }
0x85: {  	_ =	shalt  }
0x86: {  	_ =	shalt  }
0x87: {  	_ =	shalt  }
.Lfunc_end0:
.L_simem_size_0:
called_computation.2_lowered:
.L_overlay_start_0:
0x88: {  	s2 =	sld [smem:$0x3FD9]  }
0x89: {  	s3 =	sld [smem:$0x3FFE];
	_ =	sdelay $0x1  }
0x8a: {  	s1 =	srdreg.scid  }
0x8b: {  	s0 =	sand.u32 $0x1, s1  }
0x8c: {  	s14 =	sshll.u32 s0, $0xA;
	s2 =	sadd.s32 s3, s2  }
0x8d: {  	s2 =	sadd.s32 s2, s14  }
0x8e: {  	[smem:$0x3FC2] =	sst s2  }
0x8f: {  	_ = 	snop  }
0x90: {  	s2 =	sld [smem:$0x3FD0];
	_ =	sdelay $0x2  }
0x91: {  	s15 =	simm.s32 $0xA;
	s4 =	simm.s32 $0x10  }
0x92: {  	[smem:s4], [sflag:s15] =	dma.local [hbm:s2], $0x1  }
0x93: {  	_ =	swait.eq [sflag:s15], $0x1  }
0x94: {  	[sflag:s15] =	ssyncset.done $0x0  }
0x95: {  	[sflag:s15] =	ssyncadd.s32 $0xFFFFFFFF  }
0x96: {  	s16 =	sld [smem:$0x10];
	(tm) =	ssettm $0x1  }
0x97: {  	s17 =	sld [smem:$0x3FFB];
	_ =	sdelay $0x3  }
0x98: {  	_ =	strace s17  }
0x99: {  	s3 =	sld [smem:$0x3FFC];
	_ =	sdelay $0x3  }
0x9a: {  	_ =	strace s3  }
0x9b: {  	s3 =	sld [smem:$0x3FFD];
	_ =	sdelay $0x3  }
0x9c: {  	_ =	strace s3  }
0x9d: {  	_ =	strace $0x8FFFFFFF  }
0x9e: {  	s18 =	sld [smem:$0x3FDB];
	_ =	sdelay $0x1  }
0x9f: {  	s19 =	simm.s32 $_scs_section_size  }
0xa0: {  	s5 =	simm.s32 $_size__tile_overlayer_lowered;
	s6 =	simm.s32 $_tile_overlayer_lowered  }
0xa1: {  	s22 =	simm.s32 $0x1BFF;
	s21 =	sshll.u32 s6, $0x1;
	s3 =	sadd.s32 s19, s18  }
0xa2: {  	s7 =	simm.s32 $0x0;
	s20 =	sshll.u32 s5, $0x1;
	s5 =	sadd.s32 s21, s3  }
0xa3: {  	[timem:s7], [sflag:s22] =	dma.local [hbm:s5], s20  }
0xa4: {  	_ =	swait.ge [sflag:s22], s20  }
0xa5: {  	s4 =	ssub.s32 $0x0, s20;
	[sflag:s22] =	ssyncset.done $0x0  }
0xa6: {  	[sflag:s22] =	ssyncadd.s32 s4;
	_ =	sdelay $0x1  }
0xa7: {  	s23 =	simm.s32 $0x1B8B  }
0xa8: {  	_ =	swait.ge [sflag:s23], $0x1  }
0xa9: {  	[sflag:s23] =	ssyncset.done $0x0  }
0xaa: {  	s25 =	simm.s32 $0x1B8E;
	s24 =	sld [smem:$0x3FFE];
	[sflag:s23] =	ssyncadd.s32 $0xFFFFFFFF  }
0xab: {  	s26 =	simm.s32 $execute0_lowered;
	[smem:$0x3FD2] =	sst s25  }
0xac: {  	s5 =	sshll.u32 s26, $0x1;
	_ =	strace $0x8000004C;
	[dreg:$0x1] =	wrdreg $0xFFFFFFFF  }
0xad: {  	s28 =	simm.s32 $_size_execute0_lowered;
	s3 =	sadd.s32 s3, s5;
	[dreg:$0x0] =	wrdreg $0x0  }
0xae: {  	s5 =	sshll.u32 s28, $0x1;
	[dreg:$0x2] =	wrdreg s3  }
0xaf: {  	[dreg:$0x3] =	wrdreg s5  }
0xb0: {  	[dreg:$0x4] =	wrdreg $0xC0  }
0xb1: {  	_ =	task [dreg:s7], $0x5FFFF  }
0xb2: {  	[dreg:$0x1] =	wrdreg $0xFFFFFFFF  }
0xb3: {  	[dreg:$0x0] =	wrdreg $0x60  }
0xb4: {  	[dreg:$0x2] =	wrdreg s16  }
0xb5: {  	[dreg:$0x3] =	wrdreg s24  }
0xb6: {  	[dreg:$0x4] =	wrdreg $0x90000  }
0xb7: {  	[dreg:$0x5] =	wrdreg $0x9  }
0xb8: {  	_ =	task.clear_ibuf [dreg:s7], $0x6FFFF;
	_ =	strace $0x9000004C  }
0xb9: {  	s29 =	simm.s32 $0x9;
	_ =	strace $0x8000004E  }
0xba: {  	_ =	swait.ge [sflag:s29], $0x1  }
0xbb: {  	[sflag:s29] =	ssyncadd.s32 $0xFFFFFFFF  }
0xbc: {  	_ =	strace $0x9000004E  }
0xbd: {  	_ =	sfence  }
0xbe: {  	s30 =	sld [smem:$0x0];
	_ =	sdelay $0x2  }
0xbf: {  	s31 =	sshll.u32 s1, $0xD;
	s1 =	sshrl.u32 s1, $0x2  }
0xc0: {  	s3 =	sand.u32 $0x4000, s31;
	s1 =	sadd.s32 s1, s30  }
0xc1: {  	s0 =	sor.u32 s3, s0;
	s1 =	sshll.u32 s1, $0x11  }
0xc2: {  	s0 =	sor.u32 s1, s0  }
0xc3: {  	s0 =	sadd.s32 $0x8F2B, s0  }
0xc4: {  	[sflag:s0] =	ssyncadd.remote.s32 $0x1  }
0xc5: {  	_ =	sfence.sel $0xFFFF  }
0xc6: {  	[dreg:$0x0] =	wrdreg $0xFFFFFFFF;
	(pc) =	sbr.abs _section_cstart, $3  }
0xc7: {  	[dreg:$0x1] =	wrdreg $0xFFFFFFFF  }
0xc8: {  	_ =	task.clear_ibuf [dreg:s7], $0x2FFFF;
	_ =	strace $0x9FFFFFFF  }
0xc9: {  	(tm) =	ssettm $0x7FFFFFFF  }
tec
execute0_lowered:
.L_overlay_start_1:
0x0: {  	(tag) =	ssettag $0x1  }
0x1: {  	s2 =	rddreg [dreg:$0x0]  }
0x2: {  	s0 =	rddreg [dreg:$0x1]  }
0x3: {  	s1 =	srdreg.scid;
	s3 =	rddreg [dreg:$0x2]  }
0x4: {  	s11 =	stileid.u32;
	s4 =	simm.s32 $0x0;
	s15 =	simm.s32 $0x3  }
0x5: {  	s18 =	simm.s32 $0x80;
	s28 =	simm.s32 $0x6000;
	s30 =	simm.s32 $0x6400  }
0x6: {  	s31 =	simm.s32 $0x7800;
	s29 =	simm.s32 $0x8400;
	s16 =	simm.s32 $0x8800  }
0x7: {  	s1 =	sand.u32 $0x1, s1;
	s5 =	sshll.u32 s11, $0x1;
	s7 =	smul.u32 $0x2800, s11  }
0x8: {  	[smem:$0x7FF] =	sst s4;
	s12 =	sadd.s32 $0x20000, s0;
	s8 =	smul.u32 $0x2700, s11  }
0x9: {  	s22 =	sadd.s32 $0x13800, s3;
	p1 =	seq.s32 s11, $0xF;
	p2 =	sne.s32 s11, $0xF  }
0xa: {  	s6 =	smul.u32 $0x28000, s1;
	s5 =	sor.u32 s1, s5;
	_ =	strace $0x8000004D  }
0xb: {  	s19 =	ssub.s32 $0x2, s1;
	[dreg:$0x4] =	wrdreg s12;
	p0 =	sne.s32 s1, $0x0  }
0xc: {  	s26 =	sshrl.u32 s22, $0x3;
	s22 =	simm.s32 $0x5800;
	s1 =	simm.s32 $0x7C00  }
0xd: {  	s5 =	smul.u32 $0x2800, s5;
	s9 =	sshrl.u32 s19, $0x1;
	s10 =	sshrl.u32 s8, $0x1  }
0xe: {  	s8 =	sshrl.u32 s8, $0x4;
	s24 =	sshrl.u32 s7, $0x1;
	[dreg:$0xb] =	wrdreg s26  }
0xf: {  	s26 =	simm.s32 $0x7400;
	s6 =	sadd.s32 s7, s6;
	s20 =	sadd.s32 s10, s3  }
0x10: {  	s21 =	sadd.s32 s12, s8;
	s8 =	sadd.s32 s2, s8;
	s12 =	sshll.u32 s11, $0x6  }
0x11: {  	s7 =	simm.s32 $0x2;
	s5 =	sshrl.u32 s5, $0x3;
	[dreg:$0x5] =	wrdreg s21  }
0x12: {  	s6 =	sshrl.u32 s6, $0x4;
	[dreg:$0x6] =	wrdreg s8;
	s13 =	sor.u32 $0x1C03, s12  }
0x13: {  	s14 =	sshrl.u32 s20, $0x3;
	s20 =	simm.s32 $0x5400;
	s5 =	sadd.s32 s5, s0  }
0x14: {  	s21 =	simm.s32 $0x7000;
	s0 =	sadd.s32 s6, s0;
	s23 =	sadd.s32 $0x2200, s5  }
0x15: {  	s6 =	ssub.s32 s19, s9;
	s5 =	sadd.s32 $0xC200, s5;
	[dreg:$0x7] =	wrdreg s23  }
0x16: {  	s0 =	sadd.s32 $0x16200, s0;
	s25 =	smax.u32 s6, $0x1;
	[dreg:$0x8] =	wrdreg s5  }
0x17: {  	s6 =	simm.s32 $0x6C00;
	[dreg:$0x9] =	wrdreg s0;
	s0 =	sadd.s32 s24, s3  }
0x18: {  	[dreg:$0xa] =	wrdreg s25;
	s24 =	simm.s32 $0x5C00;
	s23 =	simm.s32 $0x8C00  }
0x19: {  	s5 =	simm.s32 $0x1;
	s25 =	sshrl.u32 s0, $0x3;
	s0 =	simm.s32 $0x6800  }
.LBB2_1:
.Ltmp0:
0x1a: {  	(pc) =	sbr.rel @p0 .LBB2_3-.Ltmp0, $1  }
0x1b: {  	_ =	sdelay $0x3  }
0x1c: {  	s8 =	rddreg [dreg:$0x6]  }
0x1d: {  	[spmem:s14], [sflag:s13] =	dma.local [hbm:s8], $0x270  }
.Ltmp1:
0x1e: {  	_ = 	snop;
	(pc) =	sbr.rel @p1 .LBB2_4-.Ltmp1, $4  }
.Ltmp2:
0x1f: {  	_ = 	snop;
	(pc) =	sbr.rel @!p1 .LBB2_5-.Ltmp2, $4  }
0x20: {  	_ =	swait.ge [sflag:s15], $0x270  }
0x21: {  	[sflag:s15] =	ssyncset.done $0x0  }
0x22: {  	s9 =	smov.u32 s2;
	s8 =	smov.u32 s13;
	[sflag:s15] =	ssyncadd.s32 $0xFFFFFD90  }
0x23: {  	_ = 	snop  }
.LBB2_3:
.Ltmp3:
0x24: {  	s8 =	sor.u32 $0x1C03, s12;
	s9 =	rddreg [dreg:$0x5];
	(pc) =	sbr.rel @p2 .LBB2_5-.Ltmp3, $4  }
0x25: {  	[spmem:s14], [sflag:s8] =	dma.local [hbm:s9], $0x270  }
0x26: {  	_ =	swait.ge [sflag:s15], $0x270  }
0x27: {  	[sflag:s15] =	ssyncset.done $0x0  }
0x28: {  	s9 =	rddreg [dreg:$0x4];
	[sflag:s15] =	ssyncadd.s32 $0xFFFFFD90  }
.LBB2_4:
0x29: {  	s9 =	sadd.s32 $0x2700, s9;
	s10 =	rddreg [dreg:$0xb]  }
0x2a: {  	[spmem:s10], [sflag:s8] =	dma.local [hbm:s9], $0x10  }
0x2b: {  	_ =	swait.ge [sflag:s15], $0x10  }
0x2c: {  	[sflag:s15] =	ssyncset.done $0x0  }
0x2d: {  	[sflag:s15] =	ssyncadd.s32 $0xFFFFFFF0  }
.LBB2_5:
0x2e: {  	s8 =	simm.s32 $0x0;
	s9 =	rddreg [dreg:$0x7]  }
0x2f: {  	[tilespmem:s8], [sflag:$0x3] =	stream.linear.gather [hbm4b:s9+s8], $0x2800, $0x38;
	[tilespmem:$0xA400] =	vst v63  }
0x30: {  	_ =	swait.ge [sflag:s15], $0x2800  }
0x31: {  	[sflag:s15] =	ssyncset.done $0x0  }
0x32: {  	s10 =	simm.s32 $0x2800;
	s11 =	rddreg [dreg:$0x8];
	[sflag:s15] =	ssyncadd.s32 $0xFFFFD800  }
0x33: {  	[tilespmem:s10], [sflag:$0x3] =	stream.linear.gather [hbm4b:s11+s8], $0x2800, $0x38;
	[tilespmem:$0xA400] =	vst v63  }
0x34: {  	_ =	swait.ge [sflag:s15], $0x2800  }
0x35: {  	[sflag:s15] =	ssyncset.done $0x0  }
0x36: {  	[sflag:s15] =	ssyncadd.s32 $0xFFFFD800  }
0x37: {  	s9 =	simm.s32 $0x5000;
	[bflag:$0x0] =	sbarrier.arrive $0xFFFF  }
0x38: {  	[tilespmem:s9], [sflag:$0x1] =	stream.indirect.gather [hbm4b:s2+s18], $0x8, s8, s18, $0xb8;
	[tilespmem:$0xA400] =	vst v63  }
0x39: {  	_ = 	snop  }
0x3a: {  	[tilespmem:s20], [sflag:$0x1] =	stream.indirect.gather [hbm4b:s2+s18], $0x8, s18, s18, $0xb8;
	[tilespmem:$0xA400] =	vst v63  }
0x3b: {  	s17 =	simm.s32 $0x100  }
0x3c: {  	[tilespmem:s22], [sflag:$0x1] =	stream.indirect.gather [hbm4b:s2+s18], $0x8, s17, s18, $0xb8;
	[tilespmem:$0xA400] =	vst v63  }
0x3d: {  	s19 =	simm.s32 $0x180  }
0x3e: {  	[tilespmem:s24], [sflag:$0x1] =	stream.indirect.gather [hbm4b:s2+s18], $0x8, s19, s18, $0xb8;
	[tilespmem:$0xA400] =	vst v63  }
0x3f: {  	s11 =	simm.s32 $0x200  }
0x40: {  	[tilespmem:s28], [sflag:$0x1] =	stream.indirect.gather [hbm4b:s2+s18], $0x8, s11, s18, $0xb8;
	[tilespmem:$0xA400] =	vst v63  }
0x41: {  	s17 =	simm.s32 $0x280  }
0x42: {  	[tilespmem:s30], [sflag:$0x1] =	stream.indirect.gather [hbm4b:s2+s18], $0x8, s17, s18, $0xb8;
	[tilespmem:$0xA400] =	vst v63  }
0x43: {  	s19 =	simm.s32 $0x300  }
0x44: {  	[tilespmem:s0], [sflag:$0x1] =	stream.indirect.gather [hbm4b:s2+s18], $0x8, s19, s18, $0xb8;
	[tilespmem:$0xA400] =	vst v63  }
0x45: {  	s11 =	simm.s32 $0x380  }
0x46: {  	[tilespmem:s6], [sflag:$0x1] =	stream.indirect.gather [hbm4b:s2+s18], $0x8, s11, s18, $0xb8;
	[tilespmem:$0xA400] =	vst v63  }
0x47: {  	s17 =	simm.s32 $0x400  }
0x48: {  	[tilespmem:s21], [sflag:$0x1] =	stream.indirect.gather [hbm4b:s2+s18], $0x8, s17, s18, $0xb8;
	[tilespmem:$0xA400] =	vst v63  }
0x49: {  	s19 =	simm.s32 $0x480  }
0x4a: {  	[tilespmem:s26], [sflag:$0x1] =	stream.indirect.gather [hbm4b:s2+s18], $0x8, s19, s18, $0xb8;
	[tilespmem:$0xA400] =	vst v63  }
0x4b: {  	s11 =	simm.s32 $0x500  }
0x4c: {  	[tilespmem:s31], [sflag:$0x1] =	stream.indirect.gather [hbm4b:s2+s18], $0x8, s11, s18, $0xb8;
	[tilespmem:$0xA400] =	vst v63  }
0x4d: {  	s17 =	simm.s32 $0x580  }
0x4e: {  	[tilespmem:s1], [sflag:$0x1] =	stream.indirect.gather [hbm4b:s2+s18], $0x8, s17, s18, $0xb8;
	[tilespmem:$0xA400] =	vst v63  }
0x4f: {  	s19 =	simm.s32 $0x8000;
	s11 =	simm.s32 $0x600  }
0x50: {  	[tilespmem:s19], [sflag:$0x1] =	stream.indirect.gather [hbm4b:s2+s18], $0x8, s11, s18, $0xb8;
	[tilespmem:$0xA400] =	vst v63  }
0x51: {  	s11 =	simm.s32 $0x680  }
0x52: {  	[tilespmem:s29], [sflag:$0x1] =	stream.indirect.gather [hbm4b:s2+s18], $0x8, s11, s18, $0xb8;
	[tilespmem:$0xA400] =	vst v63  }
0x53: {  	s17 =	simm.s32 $0x700  }
0x54: {  	[tilespmem:s16], [sflag:$0x1] =	stream.indirect.gather [hbm4b:s2+s18], $0x8, s17, s18, $0xb8;
	[tilespmem:$0xA400] =	vst v63  }
0x55: {  	s19 =	simm.s32 $0x780  }
0x56: {  	[tilespmem:s23], [sflag:$0x1] =	stream.indirect.gather [hbm4b:s2+s18], $0x8, s19, s18, $0xb8;
	[tilespmem:$0xA400] =	vst v63  }
0x57: {  	_ =	swait.ge [sflag:s5], $0x400  }
0x58: {  	[sflag:s5] =	ssyncset.done $0x0  }
0x59: {  	[sflag:s5] =	ssyncadd.s32 $0xFFFFFC00  }
0x5a: {  	_ =	swait.ge [sflag:s5], $0x400  }
0x5b: {  	[sflag:s5] =	ssyncset.done $0x0  }
0x5c: {  	[sflag:s5] =	ssyncadd.s32 $0xFFFFFC00  }
0x5d: {  	_ =	swait.ge [sflag:s5], $0x400  }
0x5e: {  	[sflag:s5] =	ssyncset.done $0x0  }
0x5f: {  	[sflag:s5] =	ssyncadd.s32 $0xFFFFFC00  }
0x60: {  	_ =	swait.ge [sflag:s5], $0x400  }
0x61: {  	[sflag:s5] =	ssyncset.done $0x0  }
0x62: {  	[sflag:s5] =	ssyncadd.s32 $0xFFFFFC00  }
0x63: {  	_ =	swait.ge [sflag:s5], $0x400  }
0x64: {  	[sflag:s5] =	ssyncset.done $0x0  }
0x65: {  	[sflag:s5] =	ssyncadd.s32 $0xFFFFFC00  }
0x66: {  	_ =	swait.ge [sflag:s5], $0x400  }
0x67: {  	[sflag:s5] =	ssyncset.done $0x0  }
0x68: {  	[sflag:s5] =	ssyncadd.s32 $0xFFFFFC00  }
0x69: {  	_ =	swait.ge [sflag:s5], $0x400  }
0x6a: {  	[sflag:s5] =	ssyncset.done $0x0  }
0x6b: {  	[sflag:s5] =	ssyncadd.s32 $0xFFFFFC00  }
0x6c: {  	_ =	swait.ge [sflag:s5], $0x400  }
0x6d: {  	[sflag:s5] =	ssyncset.done $0x0  }
0x6e: {  	[sflag:s5] =	ssyncadd.s32 $0xFFFFFC00  }
0x6f: {  	[spmem:s3] =	stream.indirect.scatter.add.bf16 [tilespmem:s9], [sflag:$0x2], $0x8, s10, s18, $0xb8;
	[tilespmem:$0xA400] =	vst v63  }
0x70: {  	s9 =	simm.s32 $0x2880  }
0x71: {  	[spmem:s3] =	stream.indirect.scatter.add.bf16 [tilespmem:s20], [sflag:$0x2], $0x8, s9, s18, $0xb8;
	[tilespmem:$0xA400] =	vst v63  }
0x72: {  	s10 =	simm.s32 $0x2900  }
0x73: {  	[spmem:s3] =	stream.indirect.scatter.add.bf16 [tilespmem:s22], [sflag:$0x2], $0x8, s10, s18, $0xb8;
	[tilespmem:$0xA400] =	vst v63  }
0x74: {  	s11 =	simm.s32 $0x2980  }
0x75: {  	[spmem:s3] =	stream.indirect.scatter.add.bf16 [tilespmem:s24], [sflag:$0x2], $0x8, s11, s18, $0xb8;
	[tilespmem:$0xA400] =	vst v63  }
0x76: {  	s17 =	simm.s32 $0x2A00  }
0x77: {  	[spmem:s3] =	stream.indirect.scatter.add.bf16 [tilespmem:s28], [sflag:$0x2], $0x8, s17, s18, $0xb8;
	[tilespmem:$0xA400] =	vst v63  }
0x78: {  	s19 =	simm.s32 $0x2A80  }
0x79: {  	[spmem:s3] =	stream.indirect.scatter.add.bf16 [tilespmem:s30], [sflag:$0x2], $0x8, s19, s18, $0xb8;
	[tilespmem:$0xA400] =	vst v63  }
0x7a: {  	s9 =	simm.s32 $0x2B00  }
0x7b: {  	[spmem:s3] =	stream.indirect.scatter.add.bf16 [tilespmem:s0], [sflag:$0x2], $0x8, s9, s18, $0xb8;
	[tilespmem:$0xA400] =	vst v63  }
0x7c: {  	s10 =	simm.s32 $0x2B80  }
0x7d: {  	[spmem:s3] =	stream.indirect.scatter.add.bf16 [tilespmem:s6], [sflag:$0x2], $0x8, s10, s18, $0xb8;
	[tilespmem:$0xA400] =	vst v63  }
0x7e: {  	_ =	swait.ge [sflag:s7], $0x400  }
0x7f: {  	[sflag:s7] =	ssyncset.done $0x0  }
0x80: {  	[sflag:s7] =	ssyncadd.s32 $0xFFFFFC00  }
0x81: {  	_ =	swait.ge [sflag:s7], $0x400  }
0x82: {  	[sflag:s7] =	ssyncset.done $0x0  }
0x83: {  	[sflag:s7] =	ssyncadd.s32 $0xFFFFFC00  }
0x84: {  	_ =	swait.ge [sflag:s7], $0x400  }
0x85: {  	[sflag:s7] =	ssyncset.done $0x0  }
0x86: {  	[sflag:s7] =	ssyncadd.s32 $0xFFFFFC00  }
0x87: {  	_ =	swait.ge [sflag:s7], $0x400  }
0x88: {  	[sflag:s7] =	ssyncset.done $0x0  }
0x89: {  	[sflag:s7] =	ssyncadd.s32 $0xFFFFFC00  }
0x8a: {  	_ =	swait.ge [sflag:s7], $0x400  }
0x8b: {  	[sflag:s7] =	ssyncset.done $0x0  }
0x8c: {  	[sflag:s7] =	ssyncadd.s32 $0xFFFFFC00  }
0x8d: {  	_ =	swait.ge [sflag:s7], $0x400  }
0x8e: {  	[sflag:s7] =	ssyncset.done $0x0  }
0x8f: {  	[sflag:s7] =	ssyncadd.s32 $0xFFFFFC00  }
0x90: {  	_ =	swait.ge [sflag:s7], $0x400  }
0x91: {  	[sflag:s7] =	ssyncset.done $0x0  }
0x92: {  	[sflag:s7] =	ssyncadd.s32 $0xFFFFFC00  }
0x93: {  	s11 =	simm.s32 $0x4000;
	_ =	swait.ge [sflag:s7], $0x400  }
0x94: {  	s8 =	sand.u32 $0x2000, s11;
	[sflag:s7] =	ssyncset.done $0x0  }
0x95: {  	s17 =	sor.u32 $0x5000, s8;
	s19 =	simm.s32 $0x800;
	[sflag:s7] =	ssyncadd.s32 $0xFFFFFC00  }
0x96: {  	[tilespmem:s17], [sflag:$0x1] =	stream.indirect.gather [hbm4b:s2+s18], $0x8, s19, s18, $0xb8;
	[tilespmem:$0xA400] =	vst v63  }
0x97: {  	s11 =	simm.s32 $0x880;
	s10 =	sor.u32 $0x5400, s8  }
0x98: {  	[tilespmem:s10], [sflag:$0x1] =	stream.indirect.gather [hbm4b:s2+s18], $0x8, s11, s18, $0xb8;
	[tilespmem:$0xA400] =	vst v63  }
0x99: {  	s17 =	sor.u32 $0x5800, s8;
	s19 =	simm.s32 $0x900  }
0x9a: {  	[tilespmem:s17], [sflag:$0x1] =	stream.indirect.gather [hbm4b:s2+s18], $0x8, s19, s18, $0xb8;
	[tilespmem:$0xA400] =	vst v63  }
0x9b: {  	s10 =	sor.u32 $0x5C00, s8;
	s11 =	simm.s32 $0x980  }
0x9c: {  	[tilespmem:s10], [sflag:$0x1] =	stream.indirect.gather [hbm4b:s2+s18], $0x8, s11, s18, $0xb8;
	[tilespmem:$0xA400] =	vst v63  }
0x9d: {  	s17 =	sadd.s32 $0x6000, s8;
	s19 =	simm.s32 $0xA00  }
0x9e: {  	[tilespmem:s17], [sflag:$0x1] =	stream.indirect.gather [hbm4b:s2+s18], $0x8, s19, s18, $0xb8;
	[tilespmem:$0xA400] =	vst v63  }
0x9f: {  	s10 =	sadd.s32 $0x6400, s8;
	s11 =	simm.s32 $0xA80  }
0xa0: {  	[tilespmem:s10], [sflag:$0x1] =	stream.indirect.gather [hbm4b:s2+s18], $0x8, s11, s18, $0xb8;
	[tilespmem:$0xA400] =	vst v63  }
0xa1: {  	s17 =	sadd.s32 $0x6800, s8;
	s19 =	simm.s32 $0xB00  }
0xa2: {  	[tilespmem:s17], [sflag:$0x1] =	stream.indirect.gather [hbm4b:s2+s18], $0x8, s19, s18, $0xb8;
	[tilespmem:$0xA400] =	vst v63  }
0xa3: {  	s8 =	sadd.s32 $0x6C00, s8;
	s11 =	simm.s32 $0xB80  }
0xa4: {  	[tilespmem:s8], [sflag:$0x1] =	stream.indirect.gather [hbm4b:s2+s18], $0x8, s11, s18, $0xb8;
	[tilespmem:$0xA400] =	vst v63  }
0xa5: {  	_ =	swait.ge [sflag:s5], $0x400  }
0xa6: {  	[sflag:s5] =	ssyncset.done $0x0  }
0xa7: {  	[sflag:s5] =	ssyncadd.s32 $0xFFFFFC00  }
0xa8: {  	_ =	swait.ge [sflag:s5], $0x400  }
0xa9: {  	[sflag:s5] =	ssyncset.done $0x0  }
0xaa: {  	[sflag:s5] =	ssyncadd.s32 $0xFFFFFC00  }
0xab: {  	_ =	swait.ge [sflag:s5], $0x400  }
0xac: {  	[sflag:s5] =	ssyncset.done $0x0  }
0xad: {  	[sflag:s5] =	ssyncadd.s32 $0xFFFFFC00  }
0xae: {  	_ =	swait.ge [sflag:s5], $0x400  }
0xaf: {  	[sflag:s5] =	ssyncset.done $0x0  }
0xb0: {  	[sflag:s5] =	ssyncadd.s32 $0xFFFFFC00  }
0xb1: {  	_ =	swait.ge [sflag:s5], $0x400  }
0xb2: {  	[sflag:s5] =	ssyncset.done $0x0  }
0xb3: {  	[sflag:s5] =	ssyncadd.s32 $0xFFFFFC00  }
0xb4: {  	_ =	swait.ge [sflag:s5], $0x400  }
0xb5: {  	[sflag:s5] =	ssyncset.done $0x0  }
0xb6: {  	[sflag:s5] =	ssyncadd.s32 $0xFFFFFC00  }
0xb7: {  	_ =	swait.ge [sflag:s5], $0x400  }
0xb8: {  	[sflag:s5] =	ssyncset.done $0x0  }
0xb9: {  	s17 =	simm.s32 $0x4000;
	[sflag:s5] =	ssyncadd.s32 $0xFFFFFC00  }
0xba: {  	s8 =	sand.u32 $0x4000, s17;
	_ =	swait.ge [sflag:s5], $0x400  }
0xbb: {  	s9 =	sshrl.u32 s8, $0x1;
	[sflag:s5] =	ssyncset.done $0x0  }
0xbc: {  	s19 =	simm.s32 $0x2C00;
	s8 =	sor.u32 $0x5000, s9;
	[sflag:s5] =	ssyncadd.s32 $0xFFFFFC00  }
0xbd: {  	[spmem:s3] =	stream.indirect.scatter.add.bf16 [tilespmem:s8], [sflag:$0x2], $0x8, s19, s18, $0xb8;
	[tilespmem:$0xA400] =	vst v63  }
0xbe: {  	s11 =	simm.s32 $0x2C80;
	s10 =	sor.u32 $0x5400, s9  }
0xbf: {  	[spmem:s3] =	stream.indirect.scatter.add.bf16 [tilespmem:s10], [sflag:$0x2], $0x8, s11, s18, $0xb8;
	[tilespmem:$0xA400] =	vst v63  }
0xc0: {  	s17 =	sor.u32 $0x5800, s9;
	s19 =	simm.s32 $0x2D00  }
0xc1: {  	[spmem:s3] =	stream.indirect.scatter.add.bf16 [tilespmem:s17], [sflag:$0x2], $0x8, s19, s18, $0xb8;
	[tilespmem:$0xA400] =	vst v63  }
0xc2: {  	s10 =	sor.u32 $0x5C00, s9;
	s11 =	simm.s32 $0x2D80  }
0xc3: {  	[spmem:s3] =	stream.indirect.scatter.add.bf16 [tilespmem:s10], [sflag:$0x2], $0x8, s11, s18, $0xb8;
	[tilespmem:$0xA400] =	vst v63  }
0xc4: {  	s17 =	sadd.s32 $0x6000, s9;
	s19 =	simm.s32 $0x2E00  }
0xc5: {  	[spmem:s3] =	stream.indirect.scatter.add.bf16 [tilespmem:s17], [sflag:$0x2], $0x8, s19, s18, $0xb8;
	[tilespmem:$0xA400] =	vst v63  }
0xc6: {  	s10 =	sadd.s32 $0x6400, s9;
	s11 =	simm.s32 $0x2E80  }
0xc7: {  	[spmem:s3] =	stream.indirect.scatter.add.bf16 [tilespmem:s10], [sflag:$0x2], $0x8, s11, s18, $0xb8;
	[tilespmem:$0xA400] =	vst v63  }
0xc8: {  	s8 =	simm.s32 $0x1000;
	s17 =	sadd.s32 $0x6800, s9;
	s19 =	simm.s32 $0x2F00  }
0xc9: {  	[spmem:s3] =	stream.indirect.scatter.add.bf16 [tilespmem:s17], [sflag:$0x2], $0x8, s19, s18, $0xb8;
	[tilespmem:$0xA400] =	vst v63  }
0xca: {  	s10 =	simm.s32 $0x2F80;
	s17 =	sadd.s32 $0x6C00, s9;
	s9 =	simm.s32 $0xC000  }
.LBB2_6:
0xcb: {  	[spmem:s3] =	stream.indirect.scatter.add.bf16 [tilespmem:s17], [sflag:$0x2], $0x8, s10, s18, $0xb8;
	[tilespmem:$0xA400] =	vst v63  }
0xcc: {  	s10 =	smov.u32 s8  }
0xcd: {  	p3 =	sne.s32 s8, $0x7000;
	s8 =	sadd.s32 $0x1000, s8;
	_ =	swait.ge [sflag:s7], $0x400  }
0xce: {  	[sflag:s7] =	ssyncset.done $0x0  }
0xcf: {  	[sflag:s7] =	ssyncadd.s32 $0xFFFFFC00  }
0xd0: {  	_ =	swait.ge [sflag:s7], $0x400  }
0xd1: {  	[sflag:s7] =	ssyncset.done $0x0  }
0xd2: {  	[sflag:s7] =	ssyncadd.s32 $0xFFFFFC00  }
0xd3: {  	_ =	swait.ge [sflag:s7], $0x400  }
0xd4: {  	[sflag:s7] =	ssyncset.done $0x0  }
0xd5: {  	[sflag:s7] =	ssyncadd.s32 $0xFFFFFC00  }
0xd6: {  	_ =	swait.ge [sflag:s7], $0x400  }
0xd7: {  	[sflag:s7] =	ssyncset.done $0x0  }
0xd8: {  	[sflag:s7] =	ssyncadd.s32 $0xFFFFFC00  }
0xd9: {  	_ =	swait.ge [sflag:s7], $0x400  }
0xda: {  	[sflag:s7] =	ssyncset.done $0x0  }
0xdb: {  	[sflag:s7] =	ssyncadd.s32 $0xFFFFFC00  }
0xdc: {  	_ =	swait.ge [sflag:s7], $0x400  }
0xdd: {  	[sflag:s7] =	ssyncset.done $0x0  }
0xde: {  	[sflag:s7] =	ssyncadd.s32 $0xFFFFFC00  }
0xdf: {  	_ =	swait.ge [sflag:s7], $0x400  }
0xe0: {  	[sflag:s7] =	ssyncset.done $0x0  }
0xe1: {  	[sflag:s7] =	ssyncadd.s32 $0xFFFFFC00  }
0xe2: {  	s17 =	sshrl.u32 s9, $0x1;
	_ =	swait.ge [sflag:s7], $0x400  }
0xe3: {  	s17 =	sand.u32 $0x2000, s17;
	s10 =	sshra.s32 s10, $0x2;
	[sflag:s7] =	ssyncset.done $0x0  }
0xe4: {  	s11 =	sor.u32 $0x5000, s17;
	s19 =	sadd.s32 $0x800, s10;
	[sflag:s7] =	ssyncadd.s32 $0xFFFFFC00  }
0xe5: {  	[tilespmem:s11], [sflag:$0x1] =	stream.indirect.gather [hbm4b:s2+s18], $0x8, s19, s18, $0xb8;
	[tilespmem:$0xA400] =	vst v63  }
0xe6: {  	s11 =	sor.u32 $0x5400, s17;
	s19 =	sadd.s32 $0x880, s10  }
0xe7: {  	[tilespmem:s11], [sflag:$0x1] =	stream.indirect.gather [hbm4b:s2+s18], $0x8, s19, s18, $0xb8;
	[tilespmem:$0xA400] =	vst v63  }
0xe8: {  	s11 =	sor.u32 $0x5800, s17;
	s19 =	sadd.s32 $0x900, s10  }
0xe9: {  	[tilespmem:s11], [sflag:$0x1] =	stream.indirect.gather [hbm4b:s2+s18], $0x8, s19, s18, $0xb8;
	[tilespmem:$0xA400] =	vst v63  }
0xea: {  	s11 =	sor.u32 $0x5C00, s17;
	s19 =	sadd.s32 $0x980, s10  }
0xeb: {  	[tilespmem:s11], [sflag:$0x1] =	stream.indirect.gather [hbm4b:s2+s18], $0x8, s19, s18, $0xb8;
	[tilespmem:$0xA400] =	vst v63  }
0xec: {  	s11 =	sadd.s32 $0x6000, s17;
	s19 =	sadd.s32 $0xA00, s10  }
0xed: {  	[tilespmem:s11], [sflag:$0x1] =	stream.indirect.gather [hbm4b:s2+s18], $0x8, s19, s18, $0xb8;
	[tilespmem:$0xA400] =	vst v63  }
0xee: {  	s11 =	sadd.s32 $0x6400, s17;
	s19 =	sadd.s32 $0xA80, s10  }
0xef: {  	[tilespmem:s11], [sflag:$0x1] =	stream.indirect.gather [hbm4b:s2+s18], $0x8, s19, s18, $0xb8;
	[tilespmem:$0xA400] =	vst v63  }
0xf0: {  	s11 =	sadd.s32 $0x6800, s17;
	s19 =	sadd.s32 $0xB00, s10  }
0xf1: {  	[tilespmem:s11], [sflag:$0x1] =	stream.indirect.gather [hbm4b:s2+s18], $0x8, s19, s18, $0xb8;
	[tilespmem:$0xA400] =	vst v63  }
0xf2: {  	s11 =	sadd.s32 $0x6C00, s17;
	s17 =	sadd.s32 $0xB80, s10  }
0xf3: {  	[tilespmem:s11], [sflag:$0x1] =	stream.indirect.gather [hbm4b:s2+s18], $0x8, s17, s18, $0xb8;
	[tilespmem:$0xA400] =	vst v63  }
0xf4: {  	_ =	swait.ge [sflag:s5], $0x400  }
0xf5: {  	[sflag:s5] =	ssyncset.done $0x0  }
0xf6: {  	[sflag:s5] =	ssyncadd.s32 $0xFFFFFC00  }
0xf7: {  	_ =	swait.ge [sflag:s5], $0x400  }
0xf8: {  	[sflag:s5] =	ssyncset.done $0x0  }
0xf9: {  	[sflag:s5] =	ssyncadd.s32 $0xFFFFFC00  }
0xfa: {  	_ =	swait.ge [sflag:s5], $0x400  }
0xfb: {  	[sflag:s5] =	ssyncset.done $0x0  }
0xfc: {  	[sflag:s5] =	ssyncadd.s32 $0xFFFFFC00  }
0xfd: {  	_ =	swait.ge [sflag:s5], $0x400  }
0xfe: {  	[sflag:s5] =	ssyncset.done $0x0  }
0xff: {  	[sflag:s5] =	ssyncadd.s32 $0xFFFFFC00  }
0x100: {  	_ =	swait.ge [sflag:s5], $0x400  }
0x101: {  	[sflag:s5] =	ssyncset.done $0x0  }
0x102: {  	[sflag:s5] =	ssyncadd.s32 $0xFFFFFC00  }
0x103: {  	_ =	swait.ge [sflag:s5], $0x400  }
0x104: {  	[sflag:s5] =	ssyncset.done $0x0  }
0x105: {  	[sflag:s5] =	ssyncadd.s32 $0xFFFFFC00  }
0x106: {  	_ =	swait.ge [sflag:s5], $0x400  }
0x107: {  	[sflag:s5] =	ssyncset.done $0x0  }
0x108: {  	s11 =	sadd.s32 $0xFFFFC000, s9;
	[sflag:s5] =	ssyncadd.s32 $0xFFFFFC00  }
0x109: {  	s11 =	sand.u32 $0x4000, s11;
	_ =	swait.ge [sflag:s5], $0x400  }
0x10a: {  	s11 =	sshrl.u32 s11, $0x1;
	[sflag:s5] =	ssyncset.done $0x0  }
0x10b: {  	s19 =	sadd.s32 $0x2C00, s10;
	s17 =	sor.u32 $0x5000, s11;
	[sflag:s5] =	ssyncadd.s32 $0xFFFFFC00  }
0x10c: {  	[spmem:s3] =	stream.indirect.scatter.add.bf16 [tilespmem:s17], [sflag:$0x2], $0x8, s19, s18, $0xb8;
	[tilespmem:$0xA400] =	vst v63  }
0x10d: {  	s17 =	sor.u32 $0x5400, s11;
	s19 =	sadd.s32 $0x2C80, s10  }
0x10e: {  	[spmem:s3] =	stream.indirect.scatter.add.bf16 [tilespmem:s17], [sflag:$0x2], $0x8, s19, s18, $0xb8;
	[tilespmem:$0xA400] =	vst v63  }
0x10f: {  	s17 =	sor.u32 $0x5800, s11;
	s19 =	sadd.s32 $0x2D00, s10  }
0x110: {  	[spmem:s3] =	stream.indirect.scatter.add.bf16 [tilespmem:s17], [sflag:$0x2], $0x8, s19, s18, $0xb8;
	[tilespmem:$0xA400] =	vst v63  }
0x111: {  	s17 =	sor.u32 $0x5C00, s11;
	s19 =	sadd.s32 $0x2D80, s10  }
0x112: {  	[spmem:s3] =	stream.indirect.scatter.add.bf16 [tilespmem:s17], [sflag:$0x2], $0x8, s19, s18, $0xb8;
	[tilespmem:$0xA400] =	vst v63  }
0x113: {  	s17 =	sadd.s32 $0x6000, s11;
	s19 =	sadd.s32 $0x2E00, s10  }
0x114: {  	[spmem:s3] =	stream.indirect.scatter.add.bf16 [tilespmem:s17], [sflag:$0x2], $0x8, s19, s18, $0xb8;
	[tilespmem:$0xA400] =	vst v63  }
.Ltmp4:
0x115: {  	s17 =	sadd.s32 $0x6400, s11;
	s19 =	sadd.s32 $0x2E80, s10;
	(pc) =	sbr.rel @p3 .LBB2_6-.Ltmp4, $4  }
0x116: {  	[spmem:s3] =	stream.indirect.scatter.add.bf16 [tilespmem:s17], [sflag:$0x2], $0x8, s19, s18, $0xb8;
	[tilespmem:$0xA400] =	vst v63  }
0x117: {  	s17 =	sadd.s32 $0x6800, s11;
	s19 =	sadd.s32 $0x2F00, s10  }
0x118: {  	[spmem:s3] =	stream.indirect.scatter.add.bf16 [tilespmem:s17], [sflag:$0x2], $0x8, s19, s18, $0xb8;
	[tilespmem:$0xA400] =	vst v63  }
0x119: {  	s9 =	sadd.s32 $0x4000, s9;
	s10 =	sadd.s32 $0x2F80, s10;
	s17 =	sadd.s32 $0x6C00, s11  }
0x11a: {  	[spmem:s3] =	stream.indirect.scatter.add.bf16 [tilespmem:s17], [sflag:$0x2], $0x8, s10, s18, $0xb8;
	[tilespmem:$0xA400] =	vst v63  }
0x11b: {  	_ =	swait.ge [sflag:s5], $0x400  }
0x11c: {  	[sflag:s5] =	ssyncset.done $0x0  }
0x11d: {  	[sflag:s5] =	ssyncadd.s32 $0xFFFFFC00  }
0x11e: {  	_ =	swait.ge [sflag:s5], $0x400  }
0x11f: {  	[sflag:s5] =	ssyncset.done $0x0  }
0x120: {  	[sflag:s5] =	ssyncadd.s32 $0xFFFFFC00  }
0x121: {  	_ =	swait.ge [sflag:s5], $0x400  }
0x122: {  	[sflag:s5] =	ssyncset.done $0x0  }
0x123: {  	[sflag:s5] =	ssyncadd.s32 $0xFFFFFC00  }
0x124: {  	_ =	swait.ge [sflag:s5], $0x400  }
0x125: {  	[sflag:s5] =	ssyncset.done $0x0  }
0x126: {  	[sflag:s5] =	ssyncadd.s32 $0xFFFFFC00  }
0x127: {  	_ =	swait.ge [sflag:s5], $0x400  }
0x128: {  	[sflag:s5] =	ssyncset.done $0x0  }
0x129: {  	[sflag:s5] =	ssyncadd.s32 $0xFFFFFC00  }
0x12a: {  	_ =	swait.ge [sflag:s5], $0x400  }
0x12b: {  	[sflag:s5] =	ssyncset.done $0x0  }
0x12c: {  	[sflag:s5] =	ssyncadd.s32 $0xFFFFFC00  }
0x12d: {  	_ =	swait.ge [sflag:s5], $0x400  }
0x12e: {  	[sflag:s5] =	ssyncset.done $0x0  }
0x12f: {  	[sflag:s5] =	ssyncadd.s32 $0xFFFFFC00  }
0x130: {  	_ =	swait.ge [sflag:s5], $0x400  }
0x131: {  	[sflag:s5] =	ssyncset.done $0x0  }
0x132: {  	[sflag:s5] =	ssyncadd.s32 $0xFFFFFC00  }
0x133: {  	_ =	swait.ge [sflag:s7], $0x400  }
0x134: {  	[sflag:s7] =	ssyncset.done $0x0  }
0x135: {  	[sflag:s7] =	ssyncadd.s32 $0xFFFFFC00  }
0x136: {  	_ =	swait.ge [sflag:s7], $0x400  }
0x137: {  	[sflag:s7] =	ssyncset.done $0x0  }
0x138: {  	[sflag:s7] =	ssyncadd.s32 $0xFFFFFC00  }
0x139: {  	_ =	swait.ge [sflag:s7], $0x400  }
0x13a: {  	[sflag:s7] =	ssyncset.done $0x0  }
0x13b: {  	[sflag:s7] =	ssyncadd.s32 $0xFFFFFC00  }
0x13c: {  	_ =	swait.ge [sflag:s7], $0x400  }
0x13d: {  	[sflag:s7] =	ssyncset.done $0x0  }
0x13e: {  	[sflag:s7] =	ssyncadd.s32 $0xFFFFFC00  }
0x13f: {  	_ =	swait.ge [sflag:s7], $0x400  }
0x140: {  	[sflag:s7] =	ssyncset.done $0x0  }
0x141: {  	[sflag:s7] =	ssyncadd.s32 $0xFFFFFC00  }
0x142: {  	_ =	swait.ge [sflag:s7], $0x400  }
0x143: {  	[sflag:s7] =	ssyncset.done $0x0  }
0x144: {  	[sflag:s7] =	ssyncadd.s32 $0xFFFFFC00  }
0x145: {  	_ =	swait.ge [sflag:s7], $0x400  }
0x146: {  	[sflag:s7] =	ssyncset.done $0x0  }
0x147: {  	[sflag:s7] =	ssyncadd.s32 $0xFFFFFC00  }
0x148: {  	_ =	swait.ge [sflag:s7], $0x400  }
0x149: {  	[sflag:s7] =	ssyncset.done $0x0  }
0x14a: {  	s8 =	simm.s32 $0x4C00;
	[sflag:s7] =	ssyncadd.s32 $0xFFFFFC00  }
0x14b: {  	[spmem:s3] =	stream.indirect.scatter.add.bf16 [tilespmem:s21], [sflag:$0x2], $0x8, s8, s18, $0xb8;
	[tilespmem:$0xA400] =	vst v63  }
0x14c: {  	s9 =	simm.s32 $0x4C80  }
0x14d: {  	[spmem:s3] =	stream.indirect.scatter.add.bf16 [tilespmem:s26], [sflag:$0x2], $0x8, s9, s18, $0xb8;
	[tilespmem:$0xA400] =	vst v63  }
0x14e: {  	s10 =	simm.s32 $0x4D00  }
0x14f: {  	[spmem:s3] =	stream.indirect.scatter.add.bf16 [tilespmem:s31], [sflag:$0x2], $0x8, s10, s18, $0xb8;
	[tilespmem:$0xA400] =	vst v63  }
0x150: {  	s11 =	simm.s32 $0x4D80  }
0x151: {  	[spmem:s3] =	stream.indirect.scatter.add.bf16 [tilespmem:s1], [sflag:$0x2], $0x8, s11, s18, $0xb8;
	[tilespmem:$0xA400] =	vst v63  }
0x152: {  	s17 =	simm.s32 $0x4E00;
	s9 =	simm.s32 $0x8000  }
0x153: {  	[spmem:s3] =	stream.indirect.scatter.add.bf16 [tilespmem:s9], [sflag:$0x2], $0x8, s17, s18, $0xb8;
	[tilespmem:$0xA400] =	vst v63  }
0x154: {  	s19 =	simm.s32 $0x4E80  }
0x155: {  	[spmem:s3] =	stream.indirect.scatter.add.bf16 [tilespmem:s29], [sflag:$0x2], $0x8, s19, s18, $0xb8;
	[tilespmem:$0xA400] =	vst v63  }
0x156: {  	s9 =	simm.s32 $0x4F00  }
0x157: {  	[spmem:s3] =	stream.indirect.scatter.add.bf16 [tilespmem:s16], [sflag:$0x2], $0x8, s9, s18, $0xb8;
	[tilespmem:$0xA400] =	vst v63  }
0x158: {  	s10 =	simm.s32 $0x4F80  }
0x159: {  	[spmem:s3] =	stream.indirect.scatter.add.bf16 [tilespmem:s23], [sflag:$0x2], $0x8, s10, s18, $0xb8;
	[tilespmem:$0xA400] =	vst v63  }
0x15a: {  	_ =	swait.ge [sflag:s7], $0x400  }
0x15b: {  	[sflag:s7] =	ssyncset.done $0x0  }
0x15c: {  	[sflag:s7] =	ssyncadd.s32 $0xFFFFFC00  }
0x15d: {  	_ =	swait.ge [sflag:s7], $0x400  }
0x15e: {  	[sflag:s7] =	ssyncset.done $0x0  }
0x15f: {  	[sflag:s7] =	ssyncadd.s32 $0xFFFFFC00  }
0x160: {  	_ =	swait.ge [sflag:s7], $0x400  }
0x161: {  	[sflag:s7] =	ssyncset.done $0x0  }
0x162: {  	[sflag:s7] =	ssyncadd.s32 $0xFFFFFC00  }
0x163: {  	_ =	swait.ge [sflag:s7], $0x400  }
0x164: {  	[sflag:s7] =	ssyncset.done $0x0  }
0x165: {  	[sflag:s7] =	ssyncadd.s32 $0xFFFFFC00  }
0x166: {  	_ =	swait.ge [sflag:s7], $0x400  }
0x167: {  	[sflag:s7] =	ssyncset.done $0x0  }
0x168: {  	[sflag:s7] =	ssyncadd.s32 $0xFFFFFC00  }
0x169: {  	_ =	swait.ge [sflag:s7], $0x400  }
0x16a: {  	[sflag:s7] =	ssyncset.done $0x0  }
0x16b: {  	[sflag:s7] =	ssyncadd.s32 $0xFFFFFC00  }
0x16c: {  	_ =	swait.ge [sflag:s7], $0x400  }
0x16d: {  	[sflag:s7] =	ssyncset.done $0x0  }
0x16e: {  	[sflag:s7] =	ssyncadd.s32 $0xFFFFFC00  }
0x16f: {  	_ =	swait.ge [sflag:s7], $0x400  }
0x170: {  	[sflag:s7] =	ssyncset.done $0x0  }
0x171: {  	[sflag:s7] =	ssyncadd.s32 $0xFFFFFC00  }
0x172: {  	[bflag:$0x0] =	sbarrier.arrive $0xFFFF  }
0x173: {  	s11 =	sor.u32 $0x1C03, s12;
	s17 =	rddreg [dreg:$0x9]  }
0x174: {  	[hbm:s17], [sflag:s11] =	dma.local [spmem:s25], $0x280  }
0x175: {  	_ =	swait.ge [sflag:s15], $0x280  }
0x176: {  	s4 =	sadd.s32 $0x1, s4;
	s19 =	rddreg [dreg:$0xa]  }
0x177: {  	p3 =	sne.s32 s4, s19  }
.Ltmp5:
0x178: {  	_ = 	snop;
	(pc) =	sbr.rel @p3 .LBB2_1-.Ltmp5, $3  }
0x179: {  	_ =	sdelay $0x1  }
0x17a: {  	[sflag:s15] =	ssyncset.done $0x0  }
0x17b: {  	[sflag:s15] =	ssyncadd.s32 $0xFFFFFD80  }
0x17c: {  	_ =	sfence.sel $0x180000  }
0x17d: {  	[bflag:$0x0] =	sbarrier.arrive $0xFFFF  }
0x17e: {  	_ =	strace $0x9000004D  }
0x17f: {  	s0 =	stileid.u32;
	[bflag:$0x2] =	sbarrier.arrive $0xFFFF  }
0x180: {  	p0 =	sne.s32 s0, $0x0;
	s0 =	rddreg [dreg:$0x3]  }
0x181: {  	s0 =	sadd.s32 @!p0 $0x100000, s0  }
0x182: {  	[sflag:s0] =	ssyncadd.tile.s32 @!p0 $0x1;
	_ =	shalt  }
.Lfunc_end2:
_tile_overlayer_lowered:
.L_overlay_start_2:
0x183: {  	(tag) =	ssettag $0x2  }
0x184: {  	s0 =	rddreg [dreg:$0x0];
	s2 =	stileid.u32  }
0x185: {  	s1 =	rddreg [dreg:$0x1];
	p0 =	sne.s32 s2, $0x0  }
0x186: {  	s3 =	rddreg [dreg:$0x2];
	[bflag:$0x3] =	sbarrier.arrive $0xFFFF;
	s2 =	simm.s32 @!p0 $0x1C03  }
0x187: {  	[timem:s3], [sflag:s2] =	dma.local @!p0 [hbm:s0], s1  }
0x188: {  	s0 =	simm.s32 @!p0 $0x3  }
0x189: {  	_ =	swait.ge @!p0 [sflag:s0], s1  }
0x18a: {  	s1 =	ssub.s32 @!p0 $0x0, s1;
	[sflag:s0] =	ssyncset.done @!p0 $0x0  }
0x18b: {  	[sflag:s0] =	ssyncadd.s32 @!p0 s1  }
0x18c: {  	[bflag:$0x3] =	sbarrier.arrive $0xFFFF  }
0x18d: {  	_ =	shalt  }

</sc_bundles>
